<compile_context>
chip_gen: v7x
topology: tpu7x:2x2x1
jax: 0.10.2.dev20260603
libtpu: 0.0.44.dev20260713+nightly
codegen_flags: <defaults>
</compile_context>

<pallas_src>
import functools

import jax
import jax.numpy as jnp
from jax import lax
from jax.experimental import pallas as pl
from jax.experimental.pallas import tpu as pltpu
from jax.experimental.pallas import tpu_sc as plsc

_NC = 2
_NS = 16
_NT = _NC * _NS
_CHUNK = 128
_STRIPE = 128


def _sc_mesh():
    return plsc.VectorSubcoreMesh(core_axis_name="c", subcore_axis_name="s")


@functools.cache
def _make_deg_kernel(ch, npad):

    @functools.partial(
        pl.kernel,
        mesh=_sc_mesh(),
        compiler_params=pltpu.CompilerParams(needs_layout_passes=False, use_tc_tiling_on_sc=False),
        out_type=jax.ShapeDtypeStruct((_NT, npad), jnp.float32),
        scratch_types=[
            pltpu.VMEM((ch, _CHUNK), jnp.int32),
            pltpu.VMEM((npad,), jnp.float32),
        ],
    )
    def deg_k(dst_hbm, out_hbm, idx_v, deg_v):
        cid = lax.axis_index("c")
        sid = lax.axis_index("s")
        wid = cid * _NS + sid
        z16 = jnp.zeros((16,), jnp.float32)
        ones16 = jnp.ones((16,), jnp.float32)

        def zero_body(i, carry):
            deg_v[pl.ds(i * 16, 16)] = z16
            return carry

        lax.fori_loop(0, npad // 16, zero_body, 0)
        pltpu.sync_copy(dst_hbm.at[wid], idx_v)

        def acc_body(r, carry):
            for c in range(_CHUNK // 16):
                idx = idx_v[r, pl.ds(c * 16, 16)]
                plsc.addupdate_scatter(deg_v, [idx], ones16)
            return carry

        lax.fori_loop(0, ch, acc_body, 0)
        pltpu.sync_copy(deg_v, out_hbm.at[wid])

    return deg_k


@functools.cache
def _make_conv_kernel(ch, npad, w):
    rows_per_tile = npad // _NS
    nstripe = rows_per_tile // _STRIPE

    @functools.partial(
        pl.kernel,
        mesh=_sc_mesh(),
        compiler_params=pltpu.CompilerParams(needs_layout_passes=False, use_tc_tiling_on_sc=False),
        out_type=jax.ShapeDtypeStruct((npad, 128), jnp.float32),
        scratch_types=[
            pltpu.VMEM((ch, _CHUNK), jnp.int32),
            pltpu.VMEM((ch, _CHUNK), jnp.int32),
            pltpu.VMEM((8, _CHUNK, w), jnp.float32),
            pltpu.VMEM_SHARED((npad, w), jnp.float32),
            pltpu.SemaphoreType.DMA,
            pltpu.SemaphoreType.DMA,
            pltpu.SemaphoreType.DMA,
            pltpu.SemaphoreType.DMA,
            pltpu.SemaphoreType.DMA,
            pltpu.SemaphoreType.DMA,
            pltpu.SemaphoreType.DMA,
            pltpu.SemaphoreType.DMA,
        ],
    )
    def conv_k(g_hbm, src_hbm, dst_hbm, out_hbm, src_v, dst_v, rows_v, acc_sh,
               sem0, sem1, sem2, sem3, sem4, sem5, sem6, sem7):
        cid = lax.axis_index("c")
        sid = lax.axis_index("s")
        wid = cid * _NS + sid
        sems = (sem0, sem1, sem2, sem3, sem4, sem5, sem6, sem7)
        z16 = jnp.zeros((16,), jnp.float32)

        def zero_body(r, carry):
            for c in range(w // 16):
                rows_v[0, r, pl.ds(c * 16, 16)] = z16
            return carry

        lax.fori_loop(0, _CHUNK, zero_body, 0)
        base = sid * rows_per_tile
        for k in range(nstripe):
            pltpu.sync_copy(
                rows_v.at[0], acc_sh.at[pl.ds(base + k * _STRIPE, _STRIPE)]
            )
        pltpu.sync_copy(src_hbm.at[wid], src_v)
        pltpu.sync_copy(dst_hbm.at[wid], dst_v)
        plsc.subcore_barrier()

        def start_gather(j, b):
            pltpu.async_copy(g_hbm.at[src_v.at[j]], rows_v.at[b], sems[b])

        def finish(j, b):
            pltpu.make_async_copy(
                g_hbm.at[src_v.at[j]], rows_v.at[b], sems[b]
            ).wait()
            pltpu.sync_copy(rows_v.at[b], acc_sh.at[dst_v.at[j]], add=True)

        depth = 8
        pro = min(depth - 1, ch)
        for j in range(pro):
            start_gather(j, j % depth)
        nq = (ch - pro) // depth

        def quad_body(q, carry):
            j0 = depth * q
            for k in range(depth):
                start_gather(j0 + pro + k, (pro + k) % depth)
                finish(j0 + k, k)
            return carry

        lax.fori_loop(0, nq, quad_body, 0)
        s = pro + depth * nq
        for j in range(depth * nq, ch):
            finish(j, j % depth)
            if s < ch:
                start_gather(s, s % depth)
                s += 1
        plsc.subcore_barrier()
        for k in range(nstripe):
            s = pl.ds(base + k * _STRIPE, _STRIPE)
            pltpu.sync_copy(acc_sh.at[s], rows_v.at[0])
            pltpu.sync_copy(rows_v.at[0], out_hbm.at[s, pl.ds(cid * w, w)])

    return conv_k


def _leaky(v):
    return jnp.where(v > 0, v, 0.01 * v)


def _pre_body(x_ref, w_ref, degt_ref, g_ref, dinv_ref):
    deg = jnp.sum(degt_ref[...], axis=1, keepdims=True) + 1.0
    dinv = lax.rsqrt(deg)
    h = jnp.dot(x_ref[...], w_ref[...], preferred_element_type=jnp.float32)
    g_ref[...] = h * dinv
    dinv_ref[...] = dinv


def _tc_pre(xp, w1, degt):
    npad, d = xp.shape
    dout = w1.shape[1]
    r = 1280
    rp = r * dout // 128
    return pl.pallas_call(
        _pre_body,
        grid=(npad // r,),
        in_specs=[
            pl.BlockSpec((r, d), lambda i: (i, 0)),
            pl.BlockSpec((d, dout), lambda i: (0, 0)),
            pl.BlockSpec((r, _NT), lambda i: (i, 0)),
        ],
        out_specs=[
            pl.BlockSpec((r, dout), lambda i: (i, 0)),
            pl.BlockSpec((r, 1), lambda i: (i, 0)),
        ],
        out_shape=[
            jax.ShapeDtypeStruct((npad, dout), jnp.float32),
            jax.ShapeDtypeStruct((npad, 1), jnp.float32),
        ],
    )(xp, w1, degt)


def _mid_body(din, acc_ref, g1_ref, dinv_ref, b1_ref, w2_ref, out_ref):
    a = acc_ref[:, :din] + acc_ref[:, din:2 * din]
    s = (a + g1_ref[...]) * dinv_ref[...] + b1_ref[...]
    h = _leaky(s)
    out_ref[...] = (
        jnp.dot(h, w2_ref[...], preferred_element_type=jnp.float32) * dinv_ref[...]
    )


def _tc_mid(acc, g1, dinv, b1, w2, npad):
    din = b1.shape[1]
    dout = w2.shape[1]
    r = 1280
    return pl.pallas_call(
        functools.partial(_mid_body, din),
        grid=(npad // r,),
        in_specs=[
            pl.BlockSpec((r, 128), lambda i: (i, 0)),
            pl.BlockSpec((r, din), lambda i: (i, 0)),
            pl.BlockSpec((r, 1), lambda i: (i, 0)),
            pl.BlockSpec((1, din), lambda i: (0, 0)),
            pl.BlockSpec((din, dout), lambda i: (0, 0)),
        ],
        out_specs=pl.BlockSpec((r, dout), lambda i: (i, 0)),
        out_shape=jax.ShapeDtypeStruct((npad, dout), jnp.float32),
    )(acc, g1, dinv, b1, w2)


def _fin_body(din, acc_ref, g2_ref, dinv_ref, b2_ref, encw_ref, encb_ref,
              dw1_ref, db1_ref, dw2_ref, db2_ref, lat_ref, rec_ref):
    a = acc_ref[:, :din] + acc_ref[:, din:2 * din]
    h = _leaky((a + g2_ref[...]) * dinv_ref[...] + b2_ref[...])
    z = jnp.dot(h, encw_ref[...], preferred_element_type=jnp.float32) + encb_ref[...]
    z = z - jnp.max(z, axis=1, keepdims=True)
    e = jnp.exp(z)
    latent = e / jnp.sum(e, axis=1, keepdims=True)
    lat_ref[...] = latent
    d = jnp.maximum(
        jnp.dot(latent, dw1_ref[...], preferred_element_type=jnp.float32)
        + db1_ref[...],
        0.0,
    )
    rec_ref[...] = (
        jnp.dot(d, dw2_ref[...], preferred_element_type=jnp.float32) + db2_ref[...]
    )


def _tc_fin(n, acc, g2, dinv, b2, encw, encb, dw1, db1, dw2, db2):
    din = b2.shape[1]
    dl = encw.shape[1]
    dmid = dw1.shape[1]
    dout = dw2.shape[1]
    r = 2000
    full = lambda shape: pl.BlockSpec(shape, lambda i: tuple(0 for _ in shape))
    return pl.pallas_call(
        functools.partial(_fin_body, din),
        grid=(n // r,),
        in_specs=[
            pl.BlockSpec((r, 128), lambda i: (i, 0)),
            pl.BlockSpec((r, din), lambda i: (i, 0)),
            pl.BlockSpec((r, 1), lambda i: (i, 0)),
            full((1, din)),
            full((din, dl)),
            full((1, dl)),
            full((dl, dmid)),
            full((1, dmid)),
            full((dmid, dout)),
            full((1, dout)),
        ],
        out_specs=[
            pl.BlockSpec((r, dl), lambda i: (i, 0)),
            pl.BlockSpec((r, dout), lambda i: (i, 0)),
        ],
        out_shape=[
            jax.ShapeDtypeStruct((n, dl), jnp.float32),
            jax.ShapeDtypeStruct((n, dout), jnp.float32),
        ],
    )(acc, g2, dinv, b2, encw, encb, dw1, db1, dw2, db2)


def kernel(x, edge_index, W1, b1, W2, b2, enc_W, enc_b, dec_W1, dec_b1,
           dec_W2, dec_b2):
    n, _ = x.shape
    e = edge_index.shape[1]
    npad = -(-(n + 1) // (_NS * _STRIPE)) * (_NS * _STRIPE)
    ch = -(-e // (_NT * _CHUNK))
    ep = _NT * _CHUNK * ch

    ei = edge_index.astype(jnp.int32)
    padv = n + jnp.arange(ep - e, dtype=jnp.int32) % (npad - n)
    srcp = jnp.concatenate([ei[0], padv]).reshape(_NT, ch, _CHUNK)
    dstp = jnp.concatenate([ei[1], padv]).reshape(_NT, ch, _CHUNK)
    xp = jnp.pad(x, ((0, npad - n), (0, 0)))

    degp = _make_deg_kernel(ch, npad)(dstp)
    g1 , dinv = _tc_pre(xp, W1, degp.T)
    acc1 = _make_conv_kernel(ch, npad, W1.shape[1])(g1, srcp, dstp)
    g2 = _tc_mid(acc1, g1, dinv, b1.reshape(1, -1), W2, npad)
    acc2 = _make_conv_kernel(ch, npad, W2.shape[1])(g2, srcp, dstp)
    latent, recon = _tc_fin(
        n, acc2, g2, dinv, b2.reshape(1, -1), enc_W,
        enc_b.reshape(1, -1), dec_W1, dec_b1.reshape(1, -1), dec_W2,
        dec_b2.reshape(1, -1),
    )
    return latent, recon

# --- scband reference (transcript-rebuilt; emitter-appended) ---
"""Pipeline reference for scband-graph-auto-encoder-91053306675878 (READ-ONLY COPY).

The authoritative reference and input builder live on the scoring server;
editing this copy changes nothing except your own understanding.
"""

import jax, jax.numpy as jnp
import numpy as np


def gcn_conv(x, edge_index, W, b):
    N = x.shape[0]
    loop = jnp.arange(N, dtype=edge_index.dtype)
    src = jnp.concatenate([edge_index[0], loop])
    dst = jnp.concatenate([edge_index[1], loop])
    deg = jnp.zeros((N,), dtype=x.dtype).at[dst].add(1.0)
    dinv = jnp.where(deg > 0, deg ** -0.5, 0.0)
    norm = dinv[src] * dinv[dst]
    h = x @ W
    msg = h[src] * norm[:, None]
    out = jax.ops.segment_sum(msg, dst, num_segments=N)
    return out + b


def setup_inputs(seed: int = 0) -> dict:
    key = jax.random.key(seed)
    ks = jax.random.split(key, 12)
    N, E, D, L = 10000, 320000, 128, 16
    x = jax.random.normal(ks[0], (N, D), dtype=jnp.float32)
    edge_index = jax.random.randint(ks[1], (2, E), 0, N, dtype=jnp.int64)
    def lin(k, fi, fo):
        bound = 1.0 / np.sqrt(fi)
        k1, k2 = jax.random.split(k)
        W = jax.random.uniform(k1, (fi, fo), jnp.float32, -bound, bound)
        b = jax.random.uniform(k2, (fo,), jnp.float32, -bound, bound)
        return W, b
    W1, b1 = lin(ks[2], D, D // 2)
    W2, b2 = lin(ks[3], D // 2, D // 4)
    enc_W, enc_b = lin(ks[4], D // 4, L)
    dec_W1, dec_b1 = lin(ks[5], L, D // 2)
    dec_W2, dec_b2 = lin(ks[6], D // 2, D)
    return {"x": x, "edge_index": edge_index, "W1": W1, "b1": b1, "W2": W2, "b2": b2,
            "enc_W": enc_W, "enc_b": enc_b, "dec_W1": dec_W1, "dec_b1": dec_b1,
            "dec_W2": dec_W2, "dec_b2": dec_b2}


def reference(x, edge_index, W1, b1, W2, b2, enc_W, enc_b, dec_W1, dec_b1, dec_W2, dec_b2):
    h = jax.nn.leaky_relu(gcn_conv(x, edge_index, W1, b1), negative_slope=0.01)
    h = jax.nn.leaky_relu(gcn_conv(h, edge_index, W2, b2), negative_slope=0.01)
    latent = jax.nn.softmax(h @ enc_W + enc_b, axis=1)
    d = jax.nn.relu(latent @ dec_W1 + dec_b1)
    recon = d @ dec_W2 + dec_b2
    return (latent, recon)

if __name__ == "__main__":
    import jax
    _d = setup_inputs()
    print(jax.jit(kernel)(*tuple(_d.values())))

</pallas_src>

<mosaic_0001>
#map = affine_map<(d0, d1) -> (0, 0)>
#map1 = affine_map<(d0, d1) -> (0, 0, 0)>
module attributes {stable_mosaic.version = 14 : i64} {
  func.func @conv_k(%arg0: i32, %arg1: i32, %arg2: memref<10240x32xf32, #tpu.memory_space<hbm>>, %arg3: memref<32x79x128xi32, #tpu.memory_space<hbm>>, %arg4: memref<32x79x128xi32, #tpu.memory_space<hbm>>, %arg5: memref<10240x128xf32, #tpu.memory_space<hbm>>, %arg6: memref<79x128xi32, #tpu.memory_space<vmem>>, %arg7: memref<79x128xi32, #tpu.memory_space<vmem>>, %arg8: memref<8x128x32xf32, #tpu.memory_space<vmem>>, %arg9: memref<10240x32xf32, #tpu.memory_space<vmem_shared>>, %arg10: memref<!tpu.dma_semaphore, #tpu.memory_space<semaphore_mem>>, %arg11: memref<!tpu.dma_semaphore, #tpu.memory_space<semaphore_mem>>, %arg12: memref<!tpu.dma_semaphore, #tpu.memory_space<semaphore_mem>>, %arg13: memref<!tpu.dma_semaphore, #tpu.memory_space<semaphore_mem>>, %arg14: memref<!tpu.dma_semaphore, #tpu.memory_space<semaphore_mem>>, %arg15: memref<!tpu.dma_semaphore, #tpu.memory_space<semaphore_mem>>, %arg16: memref<!tpu.dma_semaphore, #tpu.memory_space<semaphore_mem>>, %arg17: memref<!tpu.dma_semaphore, #tpu.memory_space<semaphore_mem>>) attributes {dimension_semantics = [#tpu.dimension_semantics<core_parallel>, #tpu.dimension_semantics<subcore_parallel>], iteration_bounds = array<i64: 2, 16>, scalar_prefetch = 0 : i64, scratch_operands = 12 : i64, tpu.core_type = #tpu.core_type<sc_vector_subcore>, window_params = [{transform_indices = #map}, {transform_indices = #map1}, {transform_indices = #map1}, {transform_indices = #map}]} {
    %mul3A = arith.constant 16 : i32
    %mul3A_0 = arith.muli %arg0, %mul3A : i32
    %add3A = arith.addi %mul3A_0, %arg1 : i32
    %broadcast_in_dim3A = arith.constant 0.000000e+00 : f32
    %broadcast_in_dim3A_1 = vector.broadcast %broadcast_in_dim3A : f32 to vector<16xf32>
    %scan3A = arith.constant 0 : i32
    %scan3A_2 = arith.constant 0 : i32
    %scan3A_3 = arith.constant 128 : i32
    %scan3A_4 = arith.addi %scan3A_2, %scan3A_3 : i32
    %scan3A_5 = arith.constant 1 : i32
    scf.for %scan3A_240 = %scan3A_2 to %scan3A_4 step %scan3A_5  : i32 {
      %swap3A = arith.constant 0 : i32
      %swap3A_241 = arith.index_cast %swap3A : i32 to index
      %swap3A_242 = arith.index_cast %scan3A_240 : i32 to index
      %swap3A_243 = arith.constant 0 : index
      %swap3A_244 = tpu.vector_load %arg8[%swap3A_241, %swap3A_242, %swap3A_243] {strides = array<i32>} : memref<8x128x32xf32, #tpu.memory_space<vmem>>, vector<16xf32>,
      tpu.vector_store %arg8[%swap3A_241, %swap3A_242, %swap3A_243], %broadcast_in_dim3A_1 {strides = array<i32>} : memref<8x128x32xf32, #tpu.memory_space<vmem>>, vector<16xf32>,
      %swap3A_245 = arith.constant 0 : i32
      %swap3A_246 = arith.index_cast %swap3A_245 : i32 to index
      %swap3A_247 = arith.index_cast %scan3A_240 : i32 to index
      %swap3A_248 = arith.constant 16 : index
      %swap3A_249 = tpu.vector_load %arg8[%swap3A_246, %swap3A_247, %swap3A_248] {strides = array<i32>} : memref<8x128x32xf32, #tpu.memory_space<vmem>>, vector<16xf32>,
      tpu.vector_store %arg8[%swap3A_246, %swap3A_247, %swap3A_248], %broadcast_in_dim3A_1 {strides = array<i32>} : memref<8x128x32xf32, #tpu.memory_space<vmem>>, vector<16xf32>,
    }
    %scan3A_6 = arith.constant 128 : i32
    %mul3A_7 = arith.constant 640 : i32
    %mul3A_8 = arith.muli %arg1, %mul3A_7 : i32
    %add3A_9 = arith.constant 0 : i32
    %add3A_10 = arith.addi %mul3A_8, %add3A_9 : i32
    %run_scoped3A = arith.constant 0 : i32
    "tpu.region"() ({
      %run_scoped3A_240 = tpu.sem_alloc : memref<!tpu.dma_semaphore, #tpu.memory_space<semaphore_mem>>
      %dma_start3A_241 = arith.constant 0 : i32
      %dma_start3A_242 = arith.constant 0 : i32
      %dma_start3A_243 = tpu.memref_slice %arg8[%run_scoped3A, %dma_start3A_241, %dma_start3A_242] : memref<8x128x32xf32, #tpu.memory_space<vmem>> -> memref<1x128x32xf32, #tpu.memory_space<vmem>>
      %dma_start3A_244 = tpu.memref_squeeze %dma_start3A_243 : memref<1x128x32xf32, #tpu.memory_space<vmem>> -> memref<128x32xf32, #tpu.memory_space<vmem>>
      %dma_start3A_245 = arith.constant 0 : i32
      %dma_start3A_246 = tpu.memref_slice %arg9[%add3A_10, %dma_start3A_245] : memref<10240x32xf32, #tpu.memory_space<vmem_shared>> -> memref<128x32xf32, #tpu.memory_space<vmem_shared>>
      %dma_start3A_247 = arith.constant 0 : i32
      %dma_start3A_248 = tpu.memref_slice %arg9[%add3A_10, %dma_start3A_247] : memref<10240x32xf32, #tpu.memory_space<vmem_shared>> -> memref<128x32xf32, #tpu.memory_space<vmem_shared>>
      %dma_start3A_249 = arith.constant 0 : i32
      %dma_start3A_250 = arith.constant 0 : i32
      %dma_start3A_251 = tpu.memref_slice %arg8[%run_scoped3A, %dma_start3A_249, %dma_start3A_250] : memref<8x128x32xf32, #tpu.memory_space<vmem>> -> memref<1x128x32xf32, #tpu.memory_space<vmem>>
      %dma_start3A_252 = tpu.memref_squeeze %dma_start3A_251 : memref<1x128x32xf32, #tpu.memory_space<vmem>> -> memref<128x32xf32, #tpu.memory_space<vmem>>
      tpu.enqueue_dma source(%dma_start3A_252 : memref<128x32xf32, #tpu.memory_space<vmem>>) target(%dma_start3A_248 : memref<128x32xf32, #tpu.memory_space<vmem_shared>>) target_semaphore(%run_scoped3A_240 : memref<!tpu.dma_semaphore, #tpu.memory_space<semaphore_mem>>)
      %dma_wait3A_253 = arith.constant 0 : i32
      %dma_wait3A_254 = arith.constant 0 : i32
      %dma_wait3A_255 = tpu.memref_slice %arg8[%run_scoped3A, %dma_wait3A_253, %dma_wait3A_254] : memref<8x128x32xf32, #tpu.memory_space<vmem>> -> memref<1x128x32xf32, #tpu.memory_space<vmem>>
      %dma_wait3A_256 = tpu.memref_squeeze %dma_wait3A_255 : memref<1x128x32xf32, #tpu.memory_space<vmem>> -> memref<128x32xf32, #tpu.memory_space<vmem>>
      %dma_wait3A_257 = arith.constant 0 : i32
      %dma_wait3A_258 = tpu.memref_slice %arg9[%add3A_10, %dma_wait3A_257] : memref<10240x32xf32, #tpu.memory_space<vmem_shared>> -> memref<128x32xf32, #tpu.memory_space<vmem_shared>>
      %dma_wait3A_259 = arith.constant 0 : i32
      %dma_wait3A_260 = tpu.memref_slice %arg9[%add3A_10, %dma_wait3A_259] : memref<10240x32xf32, #tpu.memory_space<vmem_shared>> -> memref<128x32xf32, #tpu.memory_space<vmem_shared>>
      %dma_wait3A_261 = arith.constant 0 : i32
      %dma_wait3A_262 = arith.constant 0 : i32
      %dma_wait3A_263 = tpu.memref_slice %arg8[%run_scoped3A, %dma_wait3A_261, %dma_wait3A_262] : memref<8x128x32xf32, #tpu.memory_space<vmem>> -> memref<1x128x32xf32, #tpu.memory_space<vmem>>
      %dma_wait3A_264 = tpu.memref_squeeze %dma_wait3A_263 : memref<1x128x32xf32, #tpu.memory_space<vmem>> -> memref<128x32xf32, #tpu.memory_space<vmem>>
      tpu.wait_dma2 semaphore(%run_scoped3A_240 : memref<!tpu.dma_semaphore, #tpu.memory_space<semaphore_mem>>) src(%dma_wait3A_264 : memref<128x32xf32, #tpu.memory_space<vmem>>) dst(%dma_wait3A_260 : memref<128x32xf32, #tpu.memory_space<vmem_shared>>)
      tpu.yield
    }) : () -> ()
    %add3A_11 = arith.constant 128 : i32
    %add3A_12 = arith.addi %mul3A_8, %add3A_11 : i32
    %run_scoped3A_13 = arith.constant 0 : i32
    "tpu.region"() ({
      %run_scoped3A_240 = tpu.sem_alloc : memref<!tpu.dma_semaphore, #tpu.memory_space<semaphore_mem>>
      %dma_start3A_241 = arith.constant 0 : i32
      %dma_start3A_242 = arith.constant 0 : i32
      %dma_start3A_243 = tpu.memref_slice %arg8[%run_scoped3A_13, %dma_start3A_241, %dma_start3A_242] : memref<8x128x32xf32, #tpu.memory_space<vmem>> -> memref<1x128x32xf32, #tpu.memory_space<vmem>>
      %dma_start3A_244 = tpu.memref_squeeze %dma_start3A_243 : memref<1x128x32xf32, #tpu.memory_space<vmem>> -> memref<128x32xf32, #tpu.memory_space<vmem>>
      %dma_start3A_245 = arith.constant 0 : i32
      %dma_start3A_246 = tpu.memref_slice %arg9[%add3A_12, %dma_start3A_245] : memref<10240x32xf32, #tpu.memory_space<vmem_shared>> -> memref<128x32xf32, #tpu.memory_space<vmem_shared>>
      %dma_start3A_247 = arith.constant 0 : i32
      %dma_start3A_248 = tpu.memref_slice %arg9[%add3A_12, %dma_start3A_247] : memref<10240x32xf32, #tpu.memory_space<vmem_shared>> -> memref<128x32xf32, #tpu.memory_space<vmem_shared>>
      %dma_start3A_249 = arith.constant 0 : i32
      %dma_start3A_250 = arith.constant 0 : i32
      %dma_start3A_251 = tpu.memref_slice %arg8[%run_scoped3A_13, %dma_start3A_249, %dma_start3A_250] : memref<8x128x32xf32, #tpu.memory_space<vmem>> -> memref<1x128x32xf32, #tpu.memory_space<vmem>>
      %dma_start3A_252 = tpu.memref_squeeze %dma_start3A_251 : memref<1x128x32xf32, #tpu.memory_space<vmem>> -> memref<128x32xf32, #tpu.memory_space<vmem>>
      tpu.enqueue_dma source(%dma_start3A_252 : memref<128x32xf32, #tpu.memory_space<vmem>>) target(%dma_start3A_248 : memref<128x32xf32, #tpu.memory_space<vmem_shared>>) target_semaphore(%run_scoped3A_240 : memref<!tpu.dma_semaphore, #tpu.memory_space<semaphore_mem>>)
      %dma_wait3A_253 = arith.constant 0 : i32
      %dma_wait3A_254 = arith.constant 0 : i32
      %dma_wait3A_255 = tpu.memref_slice %arg8[%run_scoped3A_13, %dma_wait3A_253, %dma_wait3A_254] : memref<8x128x32xf32, #tpu.memory_space<vmem>> -> memref<1x128x32xf32, #tpu.memory_space<vmem>>
      %dma_wait3A_256 = tpu.memref_squeeze %dma_wait3A_255 : memref<1x128x32xf32, #tpu.memory_space<vmem>> -> memref<128x32xf32, #tpu.memory_space<vmem>>
      %dma_wait3A_257 = arith.constant 0 : i32
      %dma_wait3A_258 = tpu.memref_slice %arg9[%add3A_12, %dma_wait3A_257] : memref<10240x32xf32, #tpu.memory_space<vmem_shared>> -> memref<128x32xf32, #tpu.memory_space<vmem_shared>>
      %dma_wait3A_259 = arith.constant 0 : i32
      %dma_wait3A_260 = tpu.memref_slice %arg9[%add3A_12, %dma_wait3A_259] : memref<10240x32xf32, #tpu.memory_space<vmem_shared>> -> memref<128x32xf32, #tpu.memory_space<vmem_shared>>
      %dma_wait3A_261 = arith.constant 0 : i32
      %dma_wait3A_262 = arith.constant 0 : i32
      %dma_wait3A_263 = tpu.memref_slice %arg8[%run_scoped3A_13, %dma_wait3A_261, %dma_wait3A_262] : memref<8x128x32xf32, #tpu.memory_space<vmem>> -> memref<1x128x32xf32, #tpu.memory_space<vmem>>
      %dma_wait3A_264 = tpu.memref_squeeze %dma_wait3A_263 : memref<1x128x32xf32, #tpu.memory_space<vmem>> -> memref<128x32xf32, #tpu.memory_space<vmem>>
      tpu.wait_dma2 semaphore(%run_scoped3A_240 : memref<!tpu.dma_semaphore, #tpu.memory_space<semaphore_mem>>) src(%dma_wait3A_264 : memref<128x32xf32, #tpu.memory_space<vmem>>) dst(%dma_wait3A_260 : memref<128x32xf32, #tpu.memory_space<vmem_shared>>)
      tpu.yield
    }) : () -> ()
    %add3A_14 = arith.constant 256 : i32
    %add3A_15 = arith.addi %mul3A_8, %add3A_14 : i32
    %run_scoped3A_16 = arith.constant 0 : i32
    "tpu.region"() ({
      %run_scoped3A_240 = tpu.sem_alloc : memref<!tpu.dma_semaphore, #tpu.memory_space<semaphore_mem>>
      %dma_start3A_241 = arith.constant 0 : i32
      %dma_start3A_242 = arith.constant 0 : i32
      %dma_start3A_243 = tpu.memref_slice %arg8[%run_scoped3A_16, %dma_start3A_241, %dma_start3A_242] : memref<8x128x32xf32, #tpu.memory_space<vmem>> -> memref<1x128x32xf32, #tpu.memory_space<vmem>>
      %dma_start3A_244 = tpu.memref_squeeze %dma_start3A_243 : memref<1x128x32xf32, #tpu.memory_space<vmem>> -> memref<128x32xf32, #tpu.memory_space<vmem>>
      %dma_start3A_245 = arith.constant 0 : i32
      %dma_start3A_246 = tpu.memref_slice %arg9[%add3A_15, %dma_start3A_245] : memref<10240x32xf32, #tpu.memory_space<vmem_shared>> -> memref<128x32xf32, #tpu.memory_space<vmem_shared>>
      %dma_start3A_247 = arith.constant 0 : i32
      %dma_start3A_248 = tpu.memref_slice %arg9[%add3A_15, %dma_start3A_247] : memref<10240x32xf32, #tpu.memory_space<vmem_shared>> -> memref<128x32xf32, #tpu.memory_space<vmem_shared>>
      %dma_start3A_249 = arith.constant 0 : i32
      %dma_start3A_250 = arith.constant 0 : i32
      %dma_start3A_251 = tpu.memref_slice %arg8[%run_scoped3A_16, %dma_start3A_249, %dma_start3A_250] : memref<8x128x32xf32, #tpu.memory_space<vmem>> -> memref<1x128x32xf32, #tpu.memory_space<vmem>>
      %dma_start3A_252 = tpu.memref_squeeze %dma_start3A_251 : memref<1x128x32xf32, #tpu.memory_space<vmem>> -> memref<128x32xf32, #tpu.memory_space<vmem>>
      tpu.enqueue_dma source(%dma_start3A_252 : memref<128x32xf32, #tpu.memory_space<vmem>>) target(%dma_start3A_248 : memref<128x32xf32, #tpu.memory_space<vmem_shared>>) target_semaphore(%run_scoped3A_240 : memref<!tpu.dma_semaphore, #tpu.memory_space<semaphore_mem>>)
      %dma_wait3A_253 = arith.constant 0 : i32
      %dma_wait3A_254 = arith.constant 0 : i32
      %dma_wait3A_255 = tpu.memref_slice %arg8[%run_scoped3A_16, %dma_wait3A_253, %dma_wait3A_254] : memref<8x128x32xf32, #tpu.memory_space<vmem>> -> memref<1x128x32xf32, #tpu.memory_space<vmem>>
      %dma_wait3A_256 = tpu.memref_squeeze %dma_wait3A_255 : memref<1x128x32xf32, #tpu.memory_space<vmem>> -> memref<128x32xf32, #tpu.memory_space<vmem>>
      %dma_wait3A_257 = arith.constant 0 : i32
      %dma_wait3A_258 = tpu.memref_slice %arg9[%add3A_15, %dma_wait3A_257] : memref<10240x32xf32, #tpu.memory_space<vmem_shared>> -> memref<128x32xf32, #tpu.memory_space<vmem_shared>>
      %dma_wait3A_259 = arith.constant 0 : i32
      %dma_wait3A_260 = tpu.memref_slice %arg9[%add3A_15, %dma_wait3A_259] : memref<10240x32xf32, #tpu.memory_space<vmem_shared>> -> memref<128x32xf32, #tpu.memory_space<vmem_shared>>
      %dma_wait3A_261 = arith.constant 0 : i32
      %dma_wait3A_262 = arith.constant 0 : i32
      %dma_wait3A_263 = tpu.memref_slice %arg8[%run_scoped3A_16, %dma_wait3A_261, %dma_wait3A_262] : memref<8x128x32xf32, #tpu.memory_space<vmem>> -> memref<1x128x32xf32, #tpu.memory_space<vmem>>
      %dma_wait3A_264 = tpu.memref_squeeze %dma_wait3A_263 : memref<1x128x32xf32, #tpu.memory_space<vmem>> -> memref<128x32xf32, #tpu.memory_space<vmem>>
      tpu.wait_dma2 semaphore(%run_scoped3A_240 : memref<!tpu.dma_semaphore, #tpu.memory_space<semaphore_mem>>) src(%dma_wait3A_264 : memref<128x32xf32, #tpu.memory_space<vmem>>) dst(%dma_wait3A_260 : memref<128x32xf32, #tpu.memory_space<vmem_shared>>)
      tpu.yield
    }) : () -> ()
    %add3A_17 = arith.constant 384 : i32
    %add3A_18 = arith.addi %mul3A_8, %add3A_17 : i32
    %run_scoped3A_19 = arith.constant 0 : i32
    "tpu.region"() ({
      %run_scoped3A_240 = tpu.sem_alloc : memref<!tpu.dma_semaphore, #tpu.memory_space<semaphore_mem>>
      %dma_start3A_241 = arith.constant 0 : i32
      %dma_start3A_242 = arith.constant 0 : i32
      %dma_start3A_243 = tpu.memref_slice %arg8[%run_scoped3A_19, %dma_start3A_241, %dma_start3A_242] : memref<8x128x32xf32, #tpu.memory_space<vmem>> -> memref<1x128x32xf32, #tpu.memory_space<vmem>>
      %dma_start3A_244 = tpu.memref_squeeze %dma_start3A_243 : memref<1x128x32xf32, #tpu.memory_space<vmem>> -> memref<128x32xf32, #tpu.memory_space<vmem>>
      %dma_start3A_245 = arith.constant 0 : i32
      %dma_start3A_246 = tpu.memref_slice %arg9[%add3A_18, %dma_start3A_245] : memref<10240x32xf32, #tpu.memory_space<vmem_shared>> -> memref<128x32xf32, #tpu.memory_space<vmem_shared>>
      %dma_start3A_247 = arith.constant 0 : i32
      %dma_start3A_248 = tpu.memref_slice %arg9[%add3A_18, %dma_start3A_247] : memref<10240x32xf32, #tpu.memory_space<vmem_shared>> -> memref<128x32xf32, #tpu.memory_space<vmem_shared>>
      %dma_start3A_249 = arith.constant 0 : i32
      %dma_start3A_250 = arith.constant 0 : i32
      %dma_start3A_251 = tpu.memref_slice %arg8[%run_scoped3A_19, %dma_start3A_249, %dma_start3A_250] : memref<8x128x32xf32, #tpu.memory_space<vmem>> -> memref<1x128x32xf32, #tpu.memory_space<vmem>>
      %dma_start3A_252 = tpu.memref_squeeze %dma_start3A_251 : memref<1x128x32xf32, #tpu.memory_space<vmem>> -> memref<128x32xf32, #tpu.memory_space<vmem>>
      tpu.enqueue_dma source(%dma_start3A_252 : memref<128x32xf32, #tpu.memory_space<vmem>>) target(%dma_start3A_248 : memref<128x32xf32, #tpu.memory_space<vmem_shared>>) target_semaphore(%run_scoped3A_240 : memref<!tpu.dma_semaphore, #tpu.memory_space<semaphore_mem>>)
      %dma_wait3A_253 = arith.constant 0 : i32
      %dma_wait3A_254 = arith.constant 0 : i32
      %dma_wait3A_255 = tpu.memref_slice %arg8[%run_scoped3A_19, %dma_wait3A_253, %dma_wait3A_254] : memref<8x128x32xf32, #tpu.memory_space<vmem>> -> memref<1x128x32xf32, #tpu.memory_space<vmem>>
      %dma_wait3A_256 = tpu.memref_squeeze %dma_wait3A_255 : memref<1x128x32xf32, #tpu.memory_space<vmem>> -> memref<128x32xf32, #tpu.memory_space<vmem>>
      %dma_wait3A_257 = arith.constant 0 : i32
      %dma_wait3A_258 = tpu.memref_slice %arg9[%add3A_18, %dma_wait3A_257] : memref<10240x32xf32, #tpu.memory_space<vmem_shared>> -> memref<128x32xf32, #tpu.memory_space<vmem_shared>>
      %dma_wait3A_259 = arith.constant 0 : i32
      %dma_wait3A_260 = tpu.memref_slice %arg9[%add3A_18, %dma_wait3A_259] : memref<10240x32xf32, #tpu.memory_space<vmem_shared>> -> memref<128x32xf32, #tpu.memory_space<vmem_shared>>
      %dma_wait3A_261 = arith.constant 0 : i32
      %dma_wait3A_262 = arith.constant 0 : i32
      %dma_wait3A_263 = tpu.memref_slice %arg8[%run_scoped3A_19, %dma_wait3A_261, %dma_wait3A_262] : memref<8x128x32xf32, #tpu.memory_space<vmem>> -> memref<1x128x32xf32, #tpu.memory_space<vmem>>
      %dma_wait3A_264 = tpu.memref_squeeze %dma_wait3A_263 : memref<1x128x32xf32, #tpu.memory_space<vmem>> -> memref<128x32xf32, #tpu.memory_space<vmem>>
      tpu.wait_dma2 semaphore(%run_scoped3A_240 : memref<!tpu.dma_semaphore, #tpu.memory_space<semaphore_mem>>) src(%dma_wait3A_264 : memref<128x32xf32, #tpu.memory_space<vmem>>) dst(%dma_wait3A_260 : memref<128x32xf32, #tpu.memory_space<vmem_shared>>)
      tpu.yield
    }) : () -> ()
    %add3A_20 = arith.constant 512 : i32
    %add3A_21 = arith.addi %mul3A_8, %add3A_20 : i32
    %run_scoped3A_22 = arith.constant 0 : i32
    "tpu.region"() ({
      %run_scoped3A_240 = tpu.sem_alloc : memref<!tpu.dma_semaphore, #tpu.memory_space<semaphore_mem>>
      %dma_start3A_241 = arith.constant 0 : i32
      %dma_start3A_242 = arith.constant 0 : i32
      %dma_start3A_243 = tpu.memref_slice %arg8[%run_scoped3A_22, %dma_start3A_241, %dma_start3A_242] : memref<8x128x32xf32, #tpu.memory_space<vmem>> -> memref<1x128x32xf32, #tpu.memory_space<vmem>>
      %dma_start3A_244 = tpu.memref_squeeze %dma_start3A_243 : memref<1x128x32xf32, #tpu.memory_space<vmem>> -> memref<128x32xf32, #tpu.memory_space<vmem>>
      %dma_start3A_245 = arith.constant 0 : i32
      %dma_start3A_246 = tpu.memref_slice %arg9[%add3A_21, %dma_start3A_245] : memref<10240x32xf32, #tpu.memory_space<vmem_shared>> -> memref<128x32xf32, #tpu.memory_space<vmem_shared>>
      %dma_start3A_247 = arith.constant 0 : i32
      %dma_start3A_248 = tpu.memref_slice %arg9[%add3A_21, %dma_start3A_247] : memref<10240x32xf32, #tpu.memory_space<vmem_shared>> -> memref<128x32xf32, #tpu.memory_space<vmem_shared>>
      %dma_start3A_249 = arith.constant 0 : i32
      %dma_start3A_250 = arith.constant 0 : i32
      %dma_start3A_251 = tpu.memref_slice %arg8[%run_scoped3A_22, %dma_start3A_249, %dma_start3A_250] : memref<8x128x32xf32, #tpu.memory_space<vmem>> -> memref<1x128x32xf32, #tpu.memory_space<vmem>>
      %dma_start3A_252 = tpu.memref_squeeze %dma_start3A_251 : memref<1x128x32xf32, #tpu.memory_space<vmem>> -> memref<128x32xf32, #tpu.memory_space<vmem>>
      tpu.enqueue_dma source(%dma_start3A_252 : memref<128x32xf32, #tpu.memory_space<vmem>>) target(%dma_start3A_248 : memref<128x32xf32, #tpu.memory_space<vmem_shared>>) target_semaphore(%run_scoped3A_240 : memref<!tpu.dma_semaphore, #tpu.memory_space<semaphore_mem>>)
      %dma_wait3A_253 = arith.constant 0 : i32
      %dma_wait3A_254 = arith.constant 0 : i32
      %dma_wait3A_255 = tpu.memref_slice %arg8[%run_scoped3A_22, %dma_wait3A_253, %dma_wait3A_254] : memref<8x128x32xf32, #tpu.memory_space<vmem>> -> memref<1x128x32xf32, #tpu.memory_space<vmem>>
      %dma_wait3A_256 = tpu.memref_squeeze %dma_wait3A_255 : memref<1x128x32xf32, #tpu.memory_space<vmem>> -> memref<128x32xf32, #tpu.memory_space<vmem>>
      %dma_wait3A_257 = arith.constant 0 : i32
      %dma_wait3A_258 = tpu.memref_slice %arg9[%add3A_21, %dma_wait3A_257] : memref<10240x32xf32, #tpu.memory_space<vmem_shared>> -> memref<128x32xf32, #tpu.memory_space<vmem_shared>>
      %dma_wait3A_259 = arith.constant 0 : i32
      %dma_wait3A_260 = tpu.memref_slice %arg9[%add3A_21, %dma_wait3A_259] : memref<10240x32xf32, #tpu.memory_space<vmem_shared>> -> memref<128x32xf32, #tpu.memory_space<vmem_shared>>
      %dma_wait3A_261 = arith.constant 0 : i32
      %dma_wait3A_262 = arith.constant 0 : i32
      %dma_wait3A_263 = tpu.memref_slice %arg8[%run_scoped3A_22, %dma_wait3A_261, %dma_wait3A_262] : memref<8x128x32xf32, #tpu.memory_space<vmem>> -> memref<1x128x32xf32, #tpu.memory_space<vmem>>
      %dma_wait3A_264 = tpu.memref_squeeze %dma_wait3A_263 : memref<1x128x32xf32, #tpu.memory_space<vmem>> -> memref<128x32xf32, #tpu.memory_space<vmem>>
      tpu.wait_dma2 semaphore(%run_scoped3A_240 : memref<!tpu.dma_semaphore, #tpu.memory_space<semaphore_mem>>) src(%dma_wait3A_264 : memref<128x32xf32, #tpu.memory_space<vmem>>) dst(%dma_wait3A_260 : memref<128x32xf32, #tpu.memory_space<vmem_shared>>)
      tpu.yield
    }) : () -> ()
    "tpu.region"() ({
      %run_scoped3A_240 = tpu.sem_alloc : memref<!tpu.dma_semaphore, #tpu.memory_space<semaphore_mem>>
      %dma_start3A_241 = arith.constant 0 : i32
      %dma_start3A_242 = arith.constant 0 : i32
      %dma_start3A_243 = tpu.memref_slice %arg3[%add3A, %dma_start3A_241, %dma_start3A_242] : memref<32x79x128xi32, #tpu.memory_space<hbm>> -> memref<1x79x128xi32, #tpu.memory_space<hbm>>
      %dma_start3A_244 = tpu.memref_squeeze %dma_start3A_243 : memref<1x79x128xi32, #tpu.memory_space<hbm>> -> memref<79x128xi32, #tpu.memory_space<hbm>>
      %dma_start3A_245 = arith.constant 0 : i32
      %dma_start3A_246 = arith.constant 0 : i32
      %dma_start3A_247 = tpu.memref_slice %arg3[%add3A, %dma_start3A_245, %dma_start3A_246] : memref<32x79x128xi32, #tpu.memory_space<hbm>> -> memref<1x79x128xi32, #tpu.memory_space<hbm>>
      %dma_start3A_248 = tpu.memref_squeeze %dma_start3A_247 : memref<1x79x128xi32, #tpu.memory_space<hbm>> -> memref<79x128xi32, #tpu.memory_space<hbm>>
      tpu.enqueue_dma source(%dma_start3A_248 : memref<79x128xi32, #tpu.memory_space<hbm>>) target(%arg6 : memref<79x128xi32, #tpu.memory_space<vmem>>) target_semaphore(%run_scoped3A_240 : memref<!tpu.dma_semaphore, #tpu.memory_space<semaphore_mem>>)
      %dma_wait3A_249 = arith.constant 0 : i32
      %dma_wait3A_250 = arith.constant 0 : i32
      %dma_wait3A_251 = tpu.memref_slice %arg3[%add3A, %dma_wait3A_249, %dma_wait3A_250] : memref<32x79x128xi32, #tpu.memory_space<hbm>> -> memref<1x79x128xi32, #tpu.memory_space<hbm>>
      %dma_wait3A_252 = tpu.memref_squeeze %dma_wait3A_251 : memref<1x79x128xi32, #tpu.memory_space<hbm>> -> memref<79x128xi32, #tpu.memory_space<hbm>>
      %dma_wait3A_253 = arith.constant 0 : i32
      %dma_wait3A_254 = arith.constant 0 : i32
      %dma_wait3A_255 = tpu.memref_slice %arg3[%add3A, %dma_wait3A_253, %dma_wait3A_254] : memref<32x79x128xi32, #tpu.memory_space<hbm>> -> memref<1x79x128xi32, #tpu.memory_space<hbm>>
      %dma_wait3A_256 = tpu.memref_squeeze %dma_wait3A_255 : memref<1x79x128xi32, #tpu.memory_space<hbm>> -> memref<79x128xi32, #tpu.memory_space<hbm>>
      tpu.wait_dma2 semaphore(%run_scoped3A_240 : memref<!tpu.dma_semaphore, #tpu.memory_space<semaphore_mem>>) src(%dma_wait3A_256 : memref<79x128xi32, #tpu.memory_space<hbm>>) dst(%arg6 : memref<79x128xi32, #tpu.memory_space<vmem>>)
      tpu.yield
    }) : () -> ()
    "tpu.region"() ({
      %run_scoped3A_240 = tpu.sem_alloc : memref<!tpu.dma_semaphore, #tpu.memory_space<semaphore_mem>>
      %dma_start3A_241 = arith.constant 0 : i32
      %dma_start3A_242 = arith.constant 0 : i32
      %dma_start3A_243 = tpu.memref_slice %arg4[%add3A, %dma_start3A_241, %dma_start3A_242] : memref<32x79x128xi32, #tpu.memory_space<hbm>> -> memref<1x79x128xi32, #tpu.memory_space<hbm>>
      %dma_start3A_244 = tpu.memref_squeeze %dma_start3A_243 : memref<1x79x128xi32, #tpu.memory_space<hbm>> -> memref<79x128xi32, #tpu.memory_space<hbm>>
      %dma_start3A_245 = arith.constant 0 : i32
      %dma_start3A_246 = arith.constant 0 : i32
      %dma_start3A_247 = tpu.memref_slice %arg4[%add3A, %dma_start3A_245, %dma_start3A_246] : memref<32x79x128xi32, #tpu.memory_space<hbm>> -> memref<1x79x128xi32, #tpu.memory_space<hbm>>
      %dma_start3A_248 = tpu.memref_squeeze %dma_start3A_247 : memref<1x79x128xi32, #tpu.memory_space<hbm>> -> memref<79x128xi32, #tpu.memory_space<hbm>>
      tpu.enqueue_dma source(%dma_start3A_248 : memref<79x128xi32, #tpu.memory_space<hbm>>) target(%arg7 : memref<79x128xi32, #tpu.memory_space<vmem>>) target_semaphore(%run_scoped3A_240 : memref<!tpu.dma_semaphore, #tpu.memory_space<semaphore_mem>>)
      %dma_wait3A_249 = arith.constant 0 : i32
      %dma_wait3A_250 = arith.constant 0 : i32
      %dma_wait3A_251 = tpu.memref_slice %arg4[%add3A, %dma_wait3A_249, %dma_wait3A_250] : memref<32x79x128xi32, #tpu.memory_space<hbm>> -> memref<1x79x128xi32, #tpu.memory_space<hbm>>
      %dma_wait3A_252 = tpu.memref_squeeze %dma_wait3A_251 : memref<1x79x128xi32, #tpu.memory_space<hbm>> -> memref<79x128xi32, #tpu.memory_space<hbm>>
      %dma_wait3A_253 = arith.constant 0 : i32
      %dma_wait3A_254 = arith.constant 0 : i32
      %dma_wait3A_255 = tpu.memref_slice %arg4[%add3A, %dma_wait3A_253, %dma_wait3A_254] : memref<32x79x128xi32, #tpu.memory_space<hbm>> -> memref<1x79x128xi32, #tpu.memory_space<hbm>>
      %dma_wait3A_256 = tpu.memref_squeeze %dma_wait3A_255 : memref<1x79x128xi32, #tpu.memory_space<hbm>> -> memref<79x128xi32, #tpu.memory_space<hbm>>
      tpu.wait_dma2 semaphore(%run_scoped3A_240 : memref<!tpu.dma_semaphore, #tpu.memory_space<semaphore_mem>>) src(%dma_wait3A_256 : memref<79x128xi32, #tpu.memory_space<hbm>>) dst(%arg7 : memref<79x128xi32, #tpu.memory_space<vmem>>)
      tpu.yield
    }) : () -> ()
    %barrier3A = arith.constant 0 : index
    tpu.barrier barrier_id(%barrier3A)
    %dma_start3A = arith.constant 0 : i32
    %dma_start3A_23 = arith.constant 0 : i32
    %dma_start3A_24 = arith.constant 0 : i32
    %dma_start3A_25 = arith.constant 0 : i32
    %dma_start3A_26 = tpu.memref_slice %arg8[%dma_start3A_23, %dma_start3A_24, %dma_start3A_25] : memref<8x128x32xf32, #tpu.memory_space<vmem>> -> memref<1x128x32xf32, #tpu.memory_space<vmem>>
    %dma_start3A_27 = tpu.memref_squeeze %dma_start3A_26 : memref<1x128x32xf32, #tpu.memory_space<vmem>> -> memref<128x32xf32, #tpu.memory_space<vmem>>
    %dma_start3A_28 = arith.constant 0 : i32
    %dma_start3A_29 = tpu.memref_slice %arg6[%dma_start3A, %dma_start3A_28] : memref<79x128xi32, #tpu.memory_space<vmem>> -> memref<1x128xi32, #tpu.memory_space<vmem>>
    %dma_start3A_30 = tpu.memref_squeeze %dma_start3A_29 : memref<1x128xi32, #tpu.memory_space<vmem>> -> memref<128xi32, #tpu.memory_space<vmem>>
    %dma_start3A_31 = arith.constant 0 : i32
    %dma_start3A_32 = arith.constant 0 : i32
    %dma_start3A_33 = tpu.memref_slice %arg2[%dma_start3A_31, %dma_start3A_32] : memref<10240x32xf32, #tpu.memory_space<hbm>> -> memref<10240x32xf32, #tpu.memory_space<hbm>>
    tpu.enqueue_indirect_dma source(%dma_start3A_33 : memref<10240x32xf32, #tpu.memory_space<hbm>>) target(%dma_start3A_27 : memref<128x32xf32, #tpu.memory_space<vmem>>) offsets(%dma_start3A_30 : memref<128xi32, #tpu.memory_space<vmem>>) semaphore(%arg10 : memref<!tpu.dma_semaphore, #tpu.memory_space<semaphore_mem>>)
    %dma_start3A_34 = arith.constant 1 : i32
    %dma_start3A_35 = arith.constant 1 : i32
    %dma_start3A_36 = arith.constant 0 : i32
    %dma_start3A_37 = arith.constant 0 : i32
    %dma_start3A_38 = tpu.memref_slice %arg8[%dma_start3A_35, %dma_start3A_36, %dma_start3A_37] : memref<8x128x32xf32, #tpu.memory_space<vmem>> -> memref<1x128x32xf32, #tpu.memory_space<vmem>>
    %dma_start3A_39 = tpu.memref_squeeze %dma_start3A_38 : memref<1x128x32xf32, #tpu.memory_space<vmem>> -> memref<128x32xf32, #tpu.memory_space<vmem>>
    %dma_start3A_40 = arith.constant 0 : i32
    %dma_start3A_41 = tpu.memref_slice %arg6[%dma_start3A_34, %dma_start3A_40] : memref<79x128xi32, #tpu.memory_space<vmem>> -> memref<1x128xi32, #tpu.memory_space<vmem>>
    %dma_start3A_42 = tpu.memref_squeeze %dma_start3A_41 : memref<1x128xi32, #tpu.memory_space<vmem>> -> memref<128xi32, #tpu.memory_space<vmem>>
    %dma_start3A_43 = arith.constant 0 : i32
    %dma_start3A_44 = arith.constant 0 : i32
    %dma_start3A_45 = tpu.memref_slice %arg2[%dma_start3A_43, %dma_start3A_44] : memref<10240x32xf32, #tpu.memory_space<hbm>> -> memref<10240x32xf32, #tpu.memory_space<hbm>>
    tpu.enqueue_indirect_dma source(%dma_start3A_45 : memref<10240x32xf32, #tpu.memory_space<hbm>>) target(%dma_start3A_39 : memref<128x32xf32, #tpu.memory_space<vmem>>) offsets(%dma_start3A_42 : memref<128xi32, #tpu.memory_space<vmem>>) semaphore(%arg11 : memref<!tpu.dma_semaphore, #tpu.memory_space<semaphore_mem>>)
    %dma_start3A_46 = arith.constant 2 : i32
    %dma_start3A_47 = arith.constant 2 : i32
    %dma_start3A_48 = arith.constant 0 : i32
    %dma_start3A_49 = arith.constant 0 : i32
    %dma_start3A_50 = tpu.memref_slice %arg8[%dma_start3A_47, %dma_start3A_48, %dma_start3A_49] : memref<8x128x32xf32, #tpu.memory_space<vmem>> -> memref<1x128x32xf32, #tpu.memory_space<vmem>>
    %dma_start3A_51 = tpu.memref_squeeze %dma_start3A_50 : memref<1x128x32xf32, #tpu.memory_space<vmem>> -> memref<128x32xf32, #tpu.memory_space<vmem>>
    %dma_start3A_52 = arith.constant 0 : i32
    %dma_start3A_53 = tpu.memref_slice %arg6[%dma_start3A_46, %dma_start3A_52] : memref<79x128xi32, #tpu.memory_space<vmem>> -> memref<1x128xi32, #tpu.memory_space<vmem>>
    %dma_start3A_54 = tpu.memref_squeeze %dma_start3A_53 : memref<1x128xi32, #tpu.memory_space<vmem>> -> memref<128xi32, #tpu.memory_space<vmem>>
    %dma_start3A_55 = arith.constant 0 : i32
    %dma_start3A_56 = arith.constant 0 : i32
    %dma_start3A_57 = tpu.memref_slice %arg2[%dma_start3A_55, %dma_start3A_56] : memref<10240x32xf32, #tpu.memory_space<hbm>> -> memref<10240x32xf32, #tpu.memory_space<hbm>>
    tpu.enqueue_indirect_dma source(%dma_start3A_57 : memref<10240x32xf32, #tpu.memory_space<hbm>>) target(%dma_start3A_51 : memref<128x32xf32, #tpu.memory_space<vmem>>) offsets(%dma_start3A_54 : memref<128xi32, #tpu.memory_space<vmem>>) semaphore(%arg12 : memref<!tpu.dma_semaphore, #tpu.memory_space<semaphore_mem>>)
    %dma_start3A_58 = arith.constant 3 : i32
    %dma_start3A_59 = arith.constant 3 : i32
    %dma_start3A_60 = arith.constant 0 : i32
    %dma_start3A_61 = arith.constant 0 : i32
    %dma_start3A_62 = tpu.memref_slice %arg8[%dma_start3A_59, %dma_start3A_60, %dma_start3A_61] : memref<8x128x32xf32, #tpu.memory_space<vmem>> -> memref<1x128x32xf32, #tpu.memory_space<vmem>>
    %dma_start3A_63 = tpu.memref_squeeze %dma_start3A_62 : memref<1x128x32xf32, #tpu.memory_space<vmem>> -> memref<128x32xf32, #tpu.memory_space<vmem>>
    %dma_start3A_64 = arith.constant 0 : i32
    %dma_start3A_65 = tpu.memref_slice %arg6[%dma_start3A_58, %dma_start3A_64] : memref<79x128xi32, #tpu.memory_space<vmem>> -> memref<1x128xi32, #tpu.memory_space<vmem>>
    %dma_start3A_66 = tpu.memref_squeeze %dma_start3A_65 : memref<1x128xi32, #tpu.memory_space<vmem>> -> memref<128xi32, #tpu.memory_space<vmem>>
    %dma_start3A_67 = arith.constant 0 : i32
    %dma_start3A_68 = arith.constant 0 : i32
    %dma_start3A_69 = tpu.memref_slice %arg2[%dma_start3A_67, %dma_start3A_68] : memref<10240x32xf32, #tpu.memory_space<hbm>> -> memref<10240x32xf32, #tpu.memory_space<hbm>>
    tpu.enqueue_indirect_dma source(%dma_start3A_69 : memref<10240x32xf32, #tpu.memory_space<hbm>>) target(%dma_start3A_63 : memref<128x32xf32, #tpu.memory_space<vmem>>) offsets(%dma_start3A_66 : memref<128xi32, #tpu.memory_space<vmem>>) semaphore(%arg13 : memref<!tpu.dma_semaphore, #tpu.memory_space<semaphore_mem>>)
    %dma_start3A_70 = arith.constant 4 : i32
    %dma_start3A_71 = arith.constant 4 : i32
    %dma_start3A_72 = arith.constant 0 : i32
    %dma_start3A_73 = arith.constant 0 : i32
    %dma_start3A_74 = tpu.memref_slice %arg8[%dma_start3A_71, %dma_start3A_72, %dma_start3A_73] : memref<8x128x32xf32, #tpu.memory_space<vmem>> -> memref<1x128x32xf32, #tpu.memory_space<vmem>>
    %dma_start3A_75 = tpu.memref_squeeze %dma_start3A_74 : memref<1x128x32xf32, #tpu.memory_space<vmem>> -> memref<128x32xf32, #tpu.memory_space<vmem>>
    %dma_start3A_76 = arith.constant 0 : i32
    %dma_start3A_77 = tpu.memref_slice %arg6[%dma_start3A_70, %dma_start3A_76] : memref<79x128xi32, #tpu.memory_space<vmem>> -> memref<1x128xi32, #tpu.memory_space<vmem>>
    %dma_start3A_78 = tpu.memref_squeeze %dma_start3A_77 : memref<1x128xi32, #tpu.memory_space<vmem>> -> memref<128xi32, #tpu.memory_space<vmem>>
    %dma_start3A_79 = arith.constant 0 : i32
    %dma_start3A_80 = arith.constant 0 : i32
    %dma_start3A_81 = tpu.memref_slice %arg2[%dma_start3A_79, %dma_start3A_80] : memref<10240x32xf32, #tpu.memory_space<hbm>> -> memref<10240x32xf32, #tpu.memory_space<hbm>>
    tpu.enqueue_indirect_dma source(%dma_start3A_81 : memref<10240x32xf32, #tpu.memory_space<hbm>>) target(%dma_start3A_75 : memref<128x32xf32, #tpu.memory_space<vmem>>) offsets(%dma_start3A_78 : memref<128xi32, #tpu.memory_space<vmem>>) semaphore(%arg14 : memref<!tpu.dma_semaphore, #tpu.memory_space<semaphore_mem>>)
    %dma_start3A_82 = arith.constant 5 : i32
    %dma_start3A_83 = arith.constant 5 : i32
    %dma_start3A_84 = arith.constant 0 : i32
    %dma_start3A_85 = arith.constant 0 : i32
    %dma_start3A_86 = tpu.memref_slice %arg8[%dma_start3A_83, %dma_start3A_84, %dma_start3A_85] : memref<8x128x32xf32, #tpu.memory_space<vmem>> -> memref<1x128x32xf32, #tpu.memory_space<vmem>>
    %dma_start3A_87 = tpu.memref_squeeze %dma_start3A_86 : memref<1x128x32xf32, #tpu.memory_space<vmem>> -> memref<128x32xf32, #tpu.memory_space<vmem>>
    %dma_start3A_88 = arith.constant 0 : i32
    %dma_start3A_89 = tpu.memref_slice %arg6[%dma_start3A_82, %dma_start3A_88] : memref<79x128xi32, #tpu.memory_space<vmem>> -> memref<1x128xi32, #tpu.memory_space<vmem>>
    %dma_start3A_90 = tpu.memref_squeeze %dma_start3A_89 : memref<1x128xi32, #tpu.memory_space<vmem>> -> memref<128xi32, #tpu.memory_space<vmem>>
    %dma_start3A_91 = arith.constant 0 : i32
    %dma_start3A_92 = arith.constant 0 : i32
    %dma_start3A_93 = tpu.memref_slice %arg2[%dma_start3A_91, %dma_start3A_92] : memref<10240x32xf32, #tpu.memory_space<hbm>> -> memref<10240x32xf32, #tpu.memory_space<hbm>>
    tpu.enqueue_indirect_dma source(%dma_start3A_93 : memref<10240x32xf32, #tpu.memory_space<hbm>>) target(%dma_start3A_87 : memref<128x32xf32, #tpu.memory_space<vmem>>) offsets(%dma_start3A_90 : memref<128xi32, #tpu.memory_space<vmem>>) semaphore(%arg15 : memref<!tpu.dma_semaphore, #tpu.memory_space<semaphore_mem>>)
    %dma_start3A_94 = arith.constant 6 : i32
    %dma_start3A_95 = arith.constant 6 : i32
    %dma_start3A_96 = arith.constant 0 : i32
    %dma_start3A_97 = arith.constant 0 : i32
    %dma_start3A_98 = tpu.memref_slice %arg8[%dma_start3A_95, %dma_start3A_96, %dma_start3A_97] : memref<8x128x32xf32, #tpu.memory_space<vmem>> -> memref<1x128x32xf32, #tpu.memory_space<vmem>>
    %dma_start3A_99 = tpu.memref_squeeze %dma_start3A_98 : memref<1x128x32xf32, #tpu.memory_space<vmem>> -> memref<128x32xf32, #tpu.memory_space<vmem>>
    %dma_start3A_100 = arith.constant 0 : i32
    %dma_start3A_101 = tpu.memref_slice %arg6[%dma_start3A_94, %dma_start3A_100] : memref<79x128xi32, #tpu.memory_space<vmem>> -> memref<1x128xi32, #tpu.memory_space<vmem>>
    %dma_start3A_102 = tpu.memref_squeeze %dma_start3A_101 : memref<1x128xi32, #tpu.memory_space<vmem>> -> memref<128xi32, #tpu.memory_space<vmem>>
    %dma_start3A_103 = arith.constant 0 : i32
    %dma_start3A_104 = arith.constant 0 : i32
    %dma_start3A_105 = tpu.memref_slice %arg2[%dma_start3A_103, %dma_start3A_104] : memref<10240x32xf32, #tpu.memory_space<hbm>> -> memref<10240x32xf32, #tpu.memory_space<hbm>>
    tpu.enqueue_indirect_dma source(%dma_start3A_105 : memref<10240x32xf32, #tpu.memory_space<hbm>>) target(%dma_start3A_99 : memref<128x32xf32, #tpu.memory_space<vmem>>) offsets(%dma_start3A_102 : memref<128xi32, #tpu.memory_space<vmem>>) semaphore(%arg16 : memref<!tpu.dma_semaphore, #tpu.memory_space<semaphore_mem>>)
    %scan3A_106 = arith.constant 0 : i32
    %scan3A_107 = arith.constant 0 : i32
    %scan3A_108 = arith.constant 9 : i32
    %scan3A_109 = arith.addi %scan3A_107, %scan3A_108 : i32
    %scan3A_110 = arith.constant 1 : i32
    scf.for %scan3A_240 = %scan3A_107 to %scan3A_109 step %scan3A_110  : i32 {
      %mul3A_241 = arith.constant 8 : i32
      %mul3A_242 = arith.muli %mul3A_241, %scan3A_240 : i32
      %add3A_243 = arith.constant 7 : i32
      %add3A_244 = arith.addi %mul3A_242, %add3A_243 : i32
      %add3A_245 = arith.constant 0 : i32
      %add3A_246 = arith.addi %add3A_244, %add3A_245 : i32
      %dma_start3A_247 = arith.constant 7 : i32
      %dma_start3A_248 = arith.constant 0 : i32
      %dma_start3A_249 = arith.constant 0 : i32
      %dma_start3A_250 = tpu.memref_slice %arg8[%dma_start3A_247, %dma_start3A_248, %dma_start3A_249] : memref<8x128x32xf32, #tpu.memory_space<vmem>> -> memref<1x128x32xf32, #tpu.memory_space<vmem>>
      %dma_start3A_251 = tpu.memref_squeeze %dma_start3A_250 : memref<1x128x32xf32, #tpu.memory_space<vmem>> -> memref<128x32xf32, #tpu.memory_space<vmem>>
      %dma_start3A_252 = arith.constant 0 : i32
      %dma_start3A_253 = tpu.memref_slice %arg6[%add3A_246, %dma_start3A_252] : memref<79x128xi32, #tpu.memory_space<vmem>> -> memref<1x128xi32, #tpu.memory_space<vmem>>
      %dma_start3A_254 = tpu.memref_squeeze %dma_start3A_253 : memref<1x128xi32, #tpu.memory_space<vmem>> -> memref<128xi32, #tpu.memory_space<vmem>>
      %dma_start3A_255 = arith.constant 0 : i32
      %dma_start3A_256 = arith.constant 0 : i32
      %dma_start3A_257 = tpu.memref_slice %arg2[%dma_start3A_255, %dma_start3A_256] : memref<10240x32xf32, #tpu.memory_space<hbm>> -> memref<10240x32xf32, #tpu.memory_space<hbm>>
      tpu.enqueue_indirect_dma source(%dma_start3A_257 : memref<10240x32xf32, #tpu.memory_space<hbm>>) target(%dma_start3A_251 : memref<128x32xf32, #tpu.memory_space<vmem>>) offsets(%dma_start3A_254 : memref<128xi32, #tpu.memory_space<vmem>>) semaphore(%arg17 : memref<!tpu.dma_semaphore, #tpu.memory_space<semaphore_mem>>)
      %add3A_258 = arith.constant 0 : i32
      %add3A_259 = arith.addi %mul3A_242, %add3A_258 : i32
      %dma_wait3A_260 = arith.constant 0 : i32
      %dma_wait3A_261 = arith.constant 0 : i32
      %dma_wait3A_262 = arith.constant 0 : i32
      %dma_wait3A_263 = tpu.memref_slice %arg8[%dma_wait3A_260, %dma_wait3A_261, %dma_wait3A_262] : memref<8x128x32xf32, #tpu.memory_space<vmem>> -> memref<1x128x32xf32, #tpu.memory_space<vmem>>
      %dma_wait3A_264 = tpu.memref_squeeze %dma_wait3A_263 : memref<1x128x32xf32, #tpu.memory_space<vmem>> -> memref<128x32xf32, #tpu.memory_space<vmem>>
      %dma_wait3A_265 = arith.constant 0 : i32
      %dma_wait3A_266 = tpu.memref_slice %arg6[%add3A_259, %dma_wait3A_265] : memref<79x128xi32, #tpu.memory_space<vmem>> -> memref<1x128xi32, #tpu.memory_space<vmem>>
      %dma_wait3A_267 = tpu.memref_squeeze %dma_wait3A_266 : memref<1x128xi32, #tpu.memory_space<vmem>> -> memref<128xi32, #tpu.memory_space<vmem>>
      %dma_wait3A_268 = arith.constant 0 : i32
      %dma_wait3A_269 = arith.constant 0 : i32
      %dma_wait3A_270 = tpu.memref_slice %arg2[%dma_wait3A_268, %dma_wait3A_269] : memref<10240x32xf32, #tpu.memory_space<hbm>> -> memref<10240x32xf32, #tpu.memory_space<hbm>>
      tpu.wait_indirect_dma semaphore(%arg10 : memref<!tpu.dma_semaphore, #tpu.memory_space<semaphore_mem>>) src(%dma_wait3A_270 : memref<10240x32xf32, #tpu.memory_space<hbm>>) dst(%dma_wait3A_264 : memref<128x32xf32, #tpu.memory_space<vmem>>)
      %run_scoped3A_271 = arith.constant 0 : i32
      "tpu.region"() ({
        %run_scoped3A_475 = tpu.sem_alloc : memref<!tpu.dma_semaphore, #tpu.memory_space<semaphore_mem>>
        %dma_start3A_476 = arith.constant 0 : i32
        %dma_start3A_477 = arith.constant 0 : i32
        %dma_start3A_478 = tpu.memref_slice %arg8[%run_scoped3A_271, %dma_start3A_476, %dma_start3A_477] : memref<8x128x32xf32, #tpu.memory_space<vmem>> -> memref<1x128x32xf32, #tpu.memory_space<vmem>>
        %dma_start3A_479 = tpu.memref_squeeze %dma_start3A_478 : memref<1x128x32xf32, #tpu.memory_space<vmem>> -> memref<128x32xf32, #tpu.memory_space<vmem>>
        %dma_start3A_480 = arith.constant 0 : i32
        %dma_start3A_481 = tpu.memref_slice %arg7[%add3A_259, %dma_start3A_480] : memref<79x128xi32, #tpu.memory_space<vmem>> -> memref<1x128xi32, #tpu.memory_space<vmem>>
        %dma_start3A_482 = tpu.memref_squeeze %dma_start3A_481 : memref<1x128xi32, #tpu.memory_space<vmem>> -> memref<128xi32, #tpu.memory_space<vmem>>
        %dma_start3A_483 = arith.constant 0 : i32
        %dma_start3A_484 = arith.constant 0 : i32
        %dma_start3A_485 = tpu.memref_slice %arg9[%dma_start3A_483, %dma_start3A_484] : memref<10240x32xf32, #tpu.memory_space<vmem_shared>> -> memref<10240x32xf32, #tpu.memory_space<vmem_shared>>
        tpu.enqueue_indirect_dma source(%dma_start3A_479 : memref<128x32xf32, #tpu.memory_space<vmem>>) target(%dma_start3A_485 : memref<10240x32xf32, #tpu.memory_space<vmem_shared>>) offsets(%dma_start3A_482 : memref<128xi32, #tpu.memory_space<vmem>>) semaphore(%run_scoped3A_475 : memref<!tpu.dma_semaphore, #tpu.memory_space<semaphore_mem>>) {add = true}
        %dma_wait3A_486 = arith.constant 0 : i32
        %dma_wait3A_487 = arith.constant 0 : i32
        %dma_wait3A_488 = tpu.memref_slice %arg8[%run_scoped3A_271, %dma_wait3A_486, %dma_wait3A_487] : memref<8x128x32xf32, #tpu.memory_space<vmem>> -> memref<1x128x32xf32, #tpu.memory_space<vmem>>
        %dma_wait3A_489 = tpu.memref_squeeze %dma_wait3A_488 : memref<1x128x32xf32, #tpu.memory_space<vmem>> -> memref<128x32xf32, #tpu.memory_space<vmem>>
        %dma_wait3A_490 = arith.constant 0 : i32
        %dma_wait3A_491 = tpu.memref_slice %arg7[%add3A_259, %dma_wait3A_490] : memref<79x128xi32, #tpu.memory_space<vmem>> -> memref<1x128xi32, #tpu.memory_space<vmem>>
        %dma_wait3A_492 = tpu.memref_squeeze %dma_wait3A_491 : memref<1x128xi32, #tpu.memory_space<vmem>> -> memref<128xi32, #tpu.memory_space<vmem>>
        %dma_wait3A_493 = arith.constant 0 : i32
        %dma_wait3A_494 = arith.constant 0 : i32
        %dma_wait3A_495 = tpu.memref_slice %arg9[%dma_wait3A_493, %dma_wait3A_494] : memref<10240x32xf32, #tpu.memory_space<vmem_shared>> -> memref<10240x32xf32, #tpu.memory_space<vmem_shared>>
        tpu.wait_indirect_dma semaphore(%run_scoped3A_475 : memref<!tpu.dma_semaphore, #tpu.memory_space<semaphore_mem>>) src(%dma_wait3A_489 : memref<128x32xf32, #tpu.memory_space<vmem>>) dst(%dma_wait3A_495 : memref<10240x32xf32, #tpu.memory_space<vmem_shared>>)
        tpu.yield
      }) : () -> ()
      %add3A_272 = arith.constant 7 : i32
      %add3A_273 = arith.addi %mul3A_242, %add3A_272 : i32
      %add3A_274 = arith.constant 1 : i32
      %add3A_275 = arith.addi %add3A_273, %add3A_274 : i32
      %dma_start3A_276 = arith.constant 0 : i32
      %dma_start3A_277 = arith.constant 0 : i32
      %dma_start3A_278 = arith.constant 0 : i32
      %dma_start3A_279 = tpu.memref_slice %arg8[%dma_start3A_276, %dma_start3A_277, %dma_start3A_278] : memref<8x128x32xf32, #tpu.memory_space<vmem>> -> memref<1x128x32xf32, #tpu.memory_space<vmem>>
      %dma_start3A_280 = tpu.memref_squeeze %dma_start3A_279 : memref<1x128x32xf32, #tpu.memory_space<vmem>> -> memref<128x32xf32, #tpu.memory_space<vmem>>
      %dma_start3A_281 = arith.constant 0 : i32
      %dma_start3A_282 = tpu.memref_slice %arg6[%add3A_275, %dma_start3A_281] : memref<79x128xi32, #tpu.memory_space<vmem>> -> memref<1x128xi32, #tpu.memory_space<vmem>>
      %dma_start3A_283 = tpu.memref_squeeze %dma_start3A_282 : memref<1x128xi32, #tpu.memory_space<vmem>> -> memref<128xi32, #tpu.memory_space<vmem>>
      %dma_start3A_284 = arith.constant 0 : i32
      %dma_start3A_285 = arith.constant 0 : i32
      %dma_start3A_286 = tpu.memref_slice %arg2[%dma_start3A_284, %dma_start3A_285] : memref<10240x32xf32, #tpu.memory_space<hbm>> -> memref<10240x32xf32, #tpu.memory_space<hbm>>
      tpu.enqueue_indirect_dma source(%dma_start3A_286 : memref<10240x32xf32, #tpu.memory_space<hbm>>) target(%dma_start3A_280 : memref<128x32xf32, #tpu.memory_space<vmem>>) offsets(%dma_start3A_283 : memref<128xi32, #tpu.memory_space<vmem>>) semaphore(%arg10 : memref<!tpu.dma_semaphore, #tpu.memory_space<semaphore_mem>>)
      %add3A_287 = arith.constant 1 : i32
      %add3A_288 = arith.addi %mul3A_242, %add3A_287 : i32
      %dma_wait3A_289 = arith.constant 1 : i32
      %dma_wait3A_290 = arith.constant 0 : i32
      %dma_wait3A_291 = arith.constant 0 : i32
      %dma_wait3A_292 = tpu.memref_slice %arg8[%dma_wait3A_289, %dma_wait3A_290, %dma_wait3A_291] : memref<8x128x32xf32, #tpu.memory_space<vmem>> -> memref<1x128x32xf32, #tpu.memory_space<vmem>>
      %dma_wait3A_293 = tpu.memref_squeeze %dma_wait3A_292 : memref<1x128x32xf32, #tpu.memory_space<vmem>> -> memref<128x32xf32, #tpu.memory_space<vmem>>
      %dma_wait3A_294 = arith.constant 0 : i32
      %dma_wait3A_295 = tpu.memref_slice %arg6[%add3A_288, %dma_wait3A_294] : memref<79x128xi32, #tpu.memory_space<vmem>> -> memref<1x128xi32, #tpu.memory_space<vmem>>
      %dma_wait3A_296 = tpu.memref_squeeze %dma_wait3A_295 : memref<1x128xi32, #tpu.memory_space<vmem>> -> memref<128xi32, #tpu.memory_space<vmem>>
      %dma_wait3A_297 = arith.constant 0 : i32
      %dma_wait3A_298 = arith.constant 0 : i32
      %dma_wait3A_299 = tpu.memref_slice %arg2[%dma_wait3A_297, %dma_wait3A_298] : memref<10240x32xf32, #tpu.memory_space<hbm>> -> memref<10240x32xf32, #tpu.memory_space<hbm>>
      tpu.wait_indirect_dma semaphore(%arg11 : memref<!tpu.dma_semaphore, #tpu.memory_space<semaphore_mem>>) src(%dma_wait3A_299 : memref<10240x32xf32, #tpu.memory_space<hbm>>) dst(%dma_wait3A_293 : memref<128x32xf32, #tpu.memory_space<vmem>>)
      %run_scoped3A_300 = arith.constant 1 : i32
      "tpu.region"() ({
        %run_scoped3A_475 = tpu.sem_alloc : memref<!tpu.dma_semaphore, #tpu.memory_space<semaphore_mem>>
        %dma_start3A_476 = arith.constant 0 : i32
        %dma_start3A_477 = arith.constant 0 : i32
        %dma_start3A_478 = tpu.memref_slice %arg8[%run_scoped3A_300, %dma_start3A_476, %dma_start3A_477] : memref<8x128x32xf32, #tpu.memory_space<vmem>> -> memref<1x128x32xf32, #tpu.memory_space<vmem>>
        %dma_start3A_479 = tpu.memref_squeeze %dma_start3A_478 : memref<1x128x32xf32, #tpu.memory_space<vmem>> -> memref<128x32xf32, #tpu.memory_space<vmem>>
        %dma_start3A_480 = arith.constant 0 : i32
        %dma_start3A_481 = tpu.memref_slice %arg7[%add3A_288, %dma_start3A_480] : memref<79x128xi32, #tpu.memory_space<vmem>> -> memref<1x128xi32, #tpu.memory_space<vmem>>
        %dma_start3A_482 = tpu.memref_squeeze %dma_start3A_481 : memref<1x128xi32, #tpu.memory_space<vmem>> -> memref<128xi32, #tpu.memory_space<vmem>>
        %dma_start3A_483 = arith.constant 0 : i32
        %dma_start3A_484 = arith.constant 0 : i32
        %dma_start3A_485 = tpu.memref_slice %arg9[%dma_start3A_483, %dma_start3A_484] : memref<10240x32xf32, #tpu.memory_space<vmem_shared>> -> memref<10240x32xf32, #tpu.memory_space<vmem_shared>>
        tpu.enqueue_indirect_dma source(%dma_start3A_479 : memref<128x32xf32, #tpu.memory_space<vmem>>) target(%dma_start3A_485 : memref<10240x32xf32, #tpu.memory_space<vmem_shared>>) offsets(%dma_start3A_482 : memref<128xi32, #tpu.memory_space<vmem>>) semaphore(%run_scoped3A_475 : memref<!tpu.dma_semaphore, #tpu.memory_space<semaphore_mem>>) {add = true}
        %dma_wait3A_486 = arith.constant 0 : i32
        %dma_wait3A_487 = arith.constant 0 : i32
        %dma_wait3A_488 = tpu.memref_slice %arg8[%run_scoped3A_300, %dma_wait3A_486, %dma_wait3A_487] : memref<8x128x32xf32, #tpu.memory_space<vmem>> -> memref<1x128x32xf32, #tpu.memory_space<vmem>>
        %dma_wait3A_489 = tpu.memref_squeeze %dma_wait3A_488 : memref<1x128x32xf32, #tpu.memory_space<vmem>> -> memref<128x32xf32, #tpu.memory_space<vmem>>
        %dma_wait3A_490 = arith.constant 0 : i32
        %dma_wait3A_491 = tpu.memref_slice %arg7[%add3A_288, %dma_wait3A_490] : memref<79x128xi32, #tpu.memory_space<vmem>> -> memref<1x128xi32, #tpu.memory_space<vmem>>
        %dma_wait3A_492 = tpu.memref_squeeze %dma_wait3A_491 : memref<1x128xi32, #tpu.memory_space<vmem>> -> memref<128xi32, #tpu.memory_space<vmem>>
        %dma_wait3A_493 = arith.constant 0 : i32
        %dma_wait3A_494 = arith.constant 0 : i32
        %dma_wait3A_495 = tpu.memref_slice %arg9[%dma_wait3A_493, %dma_wait3A_494] : memref<10240x32xf32, #tpu.memory_space<vmem_shared>> -> memref<10240x32xf32, #tpu.memory_space<vmem_shared>>
        tpu.wait_indirect_dma semaphore(%run_scoped3A_475 : memref<!tpu.dma_semaphore, #tpu.memory_space<semaphore_mem>>) src(%dma_wait3A_489 : memref<128x32xf32, #tpu.memory_space<vmem>>) dst(%dma_wait3A_495 : memref<10240x32xf32, #tpu.memory_space<vmem_shared>>)
        tpu.yield
      }) : () -> ()
      %add3A_301 = arith.constant 7 : i32
      %add3A_302 = arith.addi %mul3A_242, %add3A_301 : i32
      %add3A_303 = arith.constant 2 : i32
      %add3A_304 = arith.addi %add3A_302, %add3A_303 : i32
      %dma_start3A_305 = arith.constant 1 : i32
      %dma_start3A_306 = arith.constant 0 : i32
      %dma_start3A_307 = arith.constant 0 : i32
      %dma_start3A_308 = tpu.memref_slice %arg8[%dma_start3A_305, %dma_start3A_306, %dma_start3A_307] : memref<8x128x32xf32, #tpu.memory_space<vmem>> -> memref<1x128x32xf32, #tpu.memory_space<vmem>>
      %dma_start3A_309 = tpu.memref_squeeze %dma_start3A_308 : memref<1x128x32xf32, #tpu.memory_space<vmem>> -> memref<128x32xf32, #tpu.memory_space<vmem>>
      %dma_start3A_310 = arith.constant 0 : i32
      %dma_start3A_311 = tpu.memref_slice %arg6[%add3A_304, %dma_start3A_310] : memref<79x128xi32, #tpu.memory_space<vmem>> -> memref<1x128xi32, #tpu.memory_space<vmem>>
      %dma_start3A_312 = tpu.memref_squeeze %dma_start3A_311 : memref<1x128xi32, #tpu.memory_space<vmem>> -> memref<128xi32, #tpu.memory_space<vmem>>
      %dma_start3A_313 = arith.constant 0 : i32
      %dma_start3A_314 = arith.constant 0 : i32
      %dma_start3A_315 = tpu.memref_slice %arg2[%dma_start3A_313, %dma_start3A_314] : memref<10240x32xf32, #tpu.memory_space<hbm>> -> memref<10240x32xf32, #tpu.memory_space<hbm>>
      tpu.enqueue_indirect_dma source(%dma_start3A_315 : memref<10240x32xf32, #tpu.memory_space<hbm>>) target(%dma_start3A_309 : memref<128x32xf32, #tpu.memory_space<vmem>>) offsets(%dma_start3A_312 : memref<128xi32, #tpu.memory_space<vmem>>) semaphore(%arg11 : memref<!tpu.dma_semaphore, #tpu.memory_space<semaphore_mem>>)
      %add3A_316 = arith.constant 2 : i32
      %add3A_317 = arith.addi %mul3A_242, %add3A_316 : i32
      %dma_wait3A_318 = arith.constant 2 : i32
      %dma_wait3A_319 = arith.constant 0 : i32
      %dma_wait3A_320 = arith.constant 0 : i32
      %dma_wait3A_321 = tpu.memref_slice %arg8[%dma_wait3A_318, %dma_wait3A_319, %dma_wait3A_320] : memref<8x128x32xf32, #tpu.memory_space<vmem>> -> memref<1x128x32xf32, #tpu.memory_space<vmem>>
      %dma_wait3A_322 = tpu.memref_squeeze %dma_wait3A_321 : memref<1x128x32xf32, #tpu.memory_space<vmem>> -> memref<128x32xf32, #tpu.memory_space<vmem>>
      %dma_wait3A_323 = arith.constant 0 : i32
      %dma_wait3A_324 = tpu.memref_slice %arg6[%add3A_317, %dma_wait3A_323] : memref<79x128xi32, #tpu.memory_space<vmem>> -> memref<1x128xi32, #tpu.memory_space<vmem>>
      %dma_wait3A_325 = tpu.memref_squeeze %dma_wait3A_324 : memref<1x128xi32, #tpu.memory_space<vmem>> -> memref<128xi32, #tpu.memory_space<vmem>>
      %dma_wait3A_326 = arith.constant 0 : i32
      %dma_wait3A_327 = arith.constant 0 : i32
      %dma_wait3A_328 = tpu.memref_slice %arg2[%dma_wait3A_326, %dma_wait3A_327] : memref<10240x32xf32, #tpu.memory_space<hbm>> -> memref<10240x32xf32, #tpu.memory_space<hbm>>
      tpu.wait_indirect_dma semaphore(%arg12 : memref<!tpu.dma_semaphore, #tpu.memory_space<semaphore_mem>>) src(%dma_wait3A_328 : memref<10240x32xf32, #tpu.memory_space<hbm>>) dst(%dma_wait3A_322 : memref<128x32xf32, #tpu.memory_space<vmem>>)
      %run_scoped3A_329 = arith.constant 2 : i32
      "tpu.region"() ({
        %run_scoped3A_475 = tpu.sem_alloc : memref<!tpu.dma_semaphore, #tpu.memory_space<semaphore_mem>>
        %dma_start3A_476 = arith.constant 0 : i32
        %dma_start3A_477 = arith.constant 0 : i32
        %dma_start3A_478 = tpu.memref_slice %arg8[%run_scoped3A_329, %dma_start3A_476, %dma_start3A_477] : memref<8x128x32xf32, #tpu.memory_space<vmem>> -> memref<1x128x32xf32, #tpu.memory_space<vmem>>
        %dma_start3A_479 = tpu.memref_squeeze %dma_start3A_478 : memref<1x128x32xf32, #tpu.memory_space<vmem>> -> memref<128x32xf32, #tpu.memory_space<vmem>>
        %dma_start3A_480 = arith.constant 0 : i32
        %dma_start3A_481 = tpu.memref_slice %arg7[%add3A_317, %dma_start3A_480] : memref<79x128xi32, #tpu.memory_space<vmem>> -> memref<1x128xi32, #tpu.memory_space<vmem>>
        %dma_start3A_482 = tpu.memref_squeeze %dma_start3A_481 : memref<1x128xi32, #tpu.memory_space<vmem>> -> memref<128xi32, #tpu.memory_space<vmem>>
        %dma_start3A_483 = arith.constant 0 : i32
        %dma_start3A_484 = arith.constant 0 : i32
        %dma_start3A_485 = tpu.memref_slice %arg9[%dma_start3A_483, %dma_start3A_484] : memref<10240x32xf32, #tpu.memory_space<vmem_shared>> -> memref<10240x32xf32, #tpu.memory_space<vmem_shared>>
        tpu.enqueue_indirect_dma source(%dma_start3A_479 : memref<128x32xf32, #tpu.memory_space<vmem>>) target(%dma_start3A_485 : memref<10240x32xf32, #tpu.memory_space<vmem_shared>>) offsets(%dma_start3A_482 : memref<128xi32, #tpu.memory_space<vmem>>) semaphore(%run_scoped3A_475 : memref<!tpu.dma_semaphore, #tpu.memory_space<semaphore_mem>>) {add = true}
        %dma_wait3A_486 = arith.constant 0 : i32
        %dma_wait3A_487 = arith.constant 0 : i32
        %dma_wait3A_488 = tpu.memref_slice %arg8[%run_scoped3A_329, %dma_wait3A_486, %dma_wait3A_487] : memref<8x128x32xf32, #tpu.memory_space<vmem>> -> memref<1x128x32xf32, #tpu.memory_space<vmem>>
        %dma_wait3A_489 = tpu.memref_squeeze %dma_wait3A_488 : memref<1x128x32xf32, #tpu.memory_space<vmem>> -> memref<128x32xf32, #tpu.memory_space<vmem>>
        %dma_wait3A_490 = arith.constant 0 : i32
        %dma_wait3A_491 = tpu.memref_slice %arg7[%add3A_317, %dma_wait3A_490] : memref<79x128xi32, #tpu.memory_space<vmem>> -> memref<1x128xi32, #tpu.memory_space<vmem>>
        %dma_wait3A_492 = tpu.memref_squeeze %dma_wait3A_491 : memref<1x128xi32, #tpu.memory_space<vmem>> -> memref<128xi32, #tpu.memory_space<vmem>>
        %dma_wait3A_493 = arith.constant 0 : i32
        %dma_wait3A_494 = arith.constant 0 : i32
        %dma_wait3A_495 = tpu.memref_slice %arg9[%dma_wait3A_493, %dma_wait3A_494] : memref<10240x32xf32, #tpu.memory_space<vmem_shared>> -> memref<10240x32xf32, #tpu.memory_space<vmem_shared>>
        tpu.wait_indirect_dma semaphore(%run_scoped3A_475 : memref<!tpu.dma_semaphore, #tpu.memory_space<semaphore_mem>>) src(%dma_wait3A_489 : memref<128x32xf32, #tpu.memory_space<vmem>>) dst(%dma_wait3A_495 : memref<10240x32xf32, #tpu.memory_space<vmem_shared>>)
        tpu.yield
      }) : () -> ()
      %add3A_330 = arith.constant 7 : i32
      %add3A_331 = arith.addi %mul3A_242, %add3A_330 : i32
      %add3A_332 = arith.constant 3 : i32
      %add3A_333 = arith.addi %add3A_331, %add3A_332 : i32
      %dma_start3A_334 = arith.constant 2 : i32
      %dma_start3A_335 = arith.constant 0 : i32
      %dma_start3A_336 = arith.constant 0 : i32
      %dma_start3A_337 = tpu.memref_slice %arg8[%dma_start3A_334, %dma_start3A_335, %dma_start3A_336] : memref<8x128x32xf32, #tpu.memory_space<vmem>> -> memref<1x128x32xf32, #tpu.memory_space<vmem>>
      %dma_start3A_338 = tpu.memref_squeeze %dma_start3A_337 : memref<1x128x32xf32, #tpu.memory_space<vmem>> -> memref<128x32xf32, #tpu.memory_space<vmem>>
      %dma_start3A_339 = arith.constant 0 : i32
      %dma_start3A_340 = tpu.memref_slice %arg6[%add3A_333, %dma_start3A_339] : memref<79x128xi32, #tpu.memory_space<vmem>> -> memref<1x128xi32, #tpu.memory_space<vmem>>
      %dma_start3A_341 = tpu.memref_squeeze %dma_start3A_340 : memref<1x128xi32, #tpu.memory_space<vmem>> -> memref<128xi32, #tpu.memory_space<vmem>>
      %dma_start3A_342 = arith.constant 0 : i32
      %dma_start3A_343 = arith.constant 0 : i32
      %dma_start3A_344 = tpu.memref_slice %arg2[%dma_start3A_342, %dma_start3A_343] : memref<10240x32xf32, #tpu.memory_space<hbm>> -> memref<10240x32xf32, #tpu.memory_space<hbm>>
      tpu.enqueue_indirect_dma source(%dma_start3A_344 : memref<10240x32xf32, #tpu.memory_space<hbm>>) target(%dma_start3A_338 : memref<128x32xf32, #tpu.memory_space<vmem>>) offsets(%dma_start3A_341 : memref<128xi32, #tpu.memory_space<vmem>>) semaphore(%arg12 : memref<!tpu.dma_semaphore, #tpu.memory_space<semaphore_mem>>)
      %add3A_345 = arith.constant 3 : i32
      %add3A_346 = arith.addi %mul3A_242, %add3A_345 : i32
      %dma_wait3A_347 = arith.constant 3 : i32
      %dma_wait3A_348 = arith.constant 0 : i32
      %dma_wait3A_349 = arith.constant 0 : i32
      %dma_wait3A_350 = tpu.memref_slice %arg8[%dma_wait3A_347, %dma_wait3A_348, %dma_wait3A_349] : memref<8x128x32xf32, #tpu.memory_space<vmem>> -> memref<1x128x32xf32, #tpu.memory_space<vmem>>
      %dma_wait3A_351 = tpu.memref_squeeze %dma_wait3A_350 : memref<1x128x32xf32, #tpu.memory_space<vmem>> -> memref<128x32xf32, #tpu.memory_space<vmem>>
      %dma_wait3A_352 = arith.constant 0 : i32
      %dma_wait3A_353 = tpu.memref_slice %arg6[%add3A_346, %dma_wait3A_352] : memref<79x128xi32, #tpu.memory_space<vmem>> -> memref<1x128xi32, #tpu.memory_space<vmem>>
      %dma_wait3A_354 = tpu.memref_squeeze %dma_wait3A_353 : memref<1x128xi32, #tpu.memory_space<vmem>> -> memref<128xi32, #tpu.memory_space<vmem>>
      %dma_wait3A_355 = arith.constant 0 : i32
      %dma_wait3A_356 = arith.constant 0 : i32
      %dma_wait3A_357 = tpu.memref_slice %arg2[%dma_wait3A_355, %dma_wait3A_356] : memref<10240x32xf32, #tpu.memory_space<hbm>> -> memref<10240x32xf32, #tpu.memory_space<hbm>>
      tpu.wait_indirect_dma semaphore(%arg13 : memref<!tpu.dma_semaphore, #tpu.memory_space<semaphore_mem>>) src(%dma_wait3A_357 : memref<10240x32xf32, #tpu.memory_space<hbm>>) dst(%dma_wait3A_351 : memref<128x32xf32, #tpu.memory_space<vmem>>)
      %run_scoped3A_358 = arith.constant 3 : i32
      "tpu.region"() ({
        %run_scoped3A_475 = tpu.sem_alloc : memref<!tpu.dma_semaphore, #tpu.memory_space<semaphore_mem>>
        %dma_start3A_476 = arith.constant 0 : i32
        %dma_start3A_477 = arith.constant 0 : i32
        %dma_start3A_478 = tpu.memref_slice %arg8[%run_scoped3A_358, %dma_start3A_476, %dma_start3A_477] : memref<8x128x32xf32, #tpu.memory_space<vmem>> -> memref<1x128x32xf32, #tpu.memory_space<vmem>>
        %dma_start3A_479 = tpu.memref_squeeze %dma_start3A_478 : memref<1x128x32xf32, #tpu.memory_space<vmem>> -> memref<128x32xf32, #tpu.memory_space<vmem>>
        %dma_start3A_480 = arith.constant 0 : i32
        %dma_start3A_481 = tpu.memref_slice %arg7[%add3A_346, %dma_start3A_480] : memref<79x128xi32, #tpu.memory_space<vmem>> -> memref<1x128xi32, #tpu.memory_space<vmem>>
        %dma_start3A_482 = tpu.memref_squeeze %dma_start3A_481 : memref<1x128xi32, #tpu.memory_space<vmem>> -> memref<128xi32, #tpu.memory_space<vmem>>
        %dma_start3A_483 = arith.constant 0 : i32
        %dma_start3A_484 = arith.constant 0 : i32
        %dma_start3A_485 = tpu.memref_slice %arg9[%dma_start3A_483, %dma_start3A_484] : memref<10240x32xf32, #tpu.memory_space<vmem_shared>> -> memref<10240x32xf32, #tpu.memory_space<vmem_shared>>
        tpu.enqueue_indirect_dma source(%dma_start3A_479 : memref<128x32xf32, #tpu.memory_space<vmem>>) target(%dma_start3A_485 : memref<10240x32xf32, #tpu.memory_space<vmem_shared>>) offsets(%dma_start3A_482 : memref<128xi32, #tpu.memory_space<vmem>>) semaphore(%run_scoped3A_475 : memref<!tpu.dma_semaphore, #tpu.memory_space<semaphore_mem>>) {add = true}
        %dma_wait3A_486 = arith.constant 0 : i32
        %dma_wait3A_487 = arith.constant 0 : i32
        %dma_wait3A_488 = tpu.memref_slice %arg8[%run_scoped3A_358, %dma_wait3A_486, %dma_wait3A_487] : memref<8x128x32xf32, #tpu.memory_space<vmem>> -> memref<1x128x32xf32, #tpu.memory_space<vmem>>
        %dma_wait3A_489 = tpu.memref_squeeze %dma_wait3A_488 : memref<1x128x32xf32, #tpu.memory_space<vmem>> -> memref<128x32xf32, #tpu.memory_space<vmem>>
        %dma_wait3A_490 = arith.constant 0 : i32
        %dma_wait3A_491 = tpu.memref_slice %arg7[%add3A_346, %dma_wait3A_490] : memref<79x128xi32, #tpu.memory_space<vmem>> -> memref<1x128xi32, #tpu.memory_space<vmem>>
        %dma_wait3A_492 = tpu.memref_squeeze %dma_wait3A_491 : memref<1x128xi32, #tpu.memory_space<vmem>> -> memref<128xi32, #tpu.memory_space<vmem>>
        %dma_wait3A_493 = arith.constant 0 : i32
        %dma_wait3A_494 = arith.constant 0 : i32
        %dma_wait3A_495 = tpu.memref_slice %arg9[%dma_wait3A_493, %dma_wait3A_494] : memref<10240x32xf32, #tpu.memory_space<vmem_shared>> -> memref<10240x32xf32, #tpu.memory_space<vmem_shared>>
        tpu.wait_indirect_dma semaphore(%run_scoped3A_475 : memref<!tpu.dma_semaphore, #tpu.memory_space<semaphore_mem>>) src(%dma_wait3A_489 : memref<128x32xf32, #tpu.memory_space<vmem>>) dst(%dma_wait3A_495 : memref<10240x32xf32, #tpu.memory_space<vmem_shared>>)
        tpu.yield
      }) : () -> ()
      %add3A_359 = arith.constant 7 : i32
      %add3A_360 = arith.addi %mul3A_242, %add3A_359 : i32
      %add3A_361 = arith.constant 4 : i32
      %add3A_362 = arith.addi %add3A_360, %add3A_361 : i32
      %dma_start3A_363 = arith.constant 3 : i32
      %dma_start3A_364 = arith.constant 0 : i32
      %dma_start3A_365 = arith.constant 0 : i32
      %dma_start3A_366 = tpu.memref_slice %arg8[%dma_start3A_363, %dma_start3A_364, %dma_start3A_365] : memref<8x128x32xf32, #tpu.memory_space<vmem>> -> memref<1x128x32xf32, #tpu.memory_space<vmem>>
      %dma_start3A_367 = tpu.memref_squeeze %dma_start3A_366 : memref<1x128x32xf32, #tpu.memory_space<vmem>> -> memref<128x32xf32, #tpu.memory_space<vmem>>
      %dma_start3A_368 = arith.constant 0 : i32
      %dma_start3A_369 = tpu.memref_slice %arg6[%add3A_362, %dma_start3A_368] : memref<79x128xi32, #tpu.memory_space<vmem>> -> memref<1x128xi32, #tpu.memory_space<vmem>>
      %dma_start3A_370 = tpu.memref_squeeze %dma_start3A_369 : memref<1x128xi32, #tpu.memory_space<vmem>> -> memref<128xi32, #tpu.memory_space<vmem>>
      %dma_start3A_371 = arith.constant 0 : i32
      %dma_start3A_372 = arith.constant 0 : i32
      %dma_start3A_373 = tpu.memref_slice %arg2[%dma_start3A_371, %dma_start3A_372] : memref<10240x32xf32, #tpu.memory_space<hbm>> -> memref<10240x32xf32, #tpu.memory_space<hbm>>
      tpu.enqueue_indirect_dma source(%dma_start3A_373 : memref<10240x32xf32, #tpu.memory_space<hbm>>) target(%dma_start3A_367 : memref<128x32xf32, #tpu.memory_space<vmem>>) offsets(%dma_start3A_370 : memref<128xi32, #tpu.memory_space<vmem>>) semaphore(%arg13 : memref<!tpu.dma_semaphore, #tpu.memory_space<semaphore_mem>>)
      %add3A_374 = arith.constant 4 : i32
      %add3A_375 = arith.addi %mul3A_242, %add3A_374 : i32
      %dma_wait3A_376 = arith.constant 4 : i32
      %dma_wait3A_377 = arith.constant 0 : i32
      %dma_wait3A_378 = arith.constant 0 : i32
      %dma_wait3A_379 = tpu.memref_slice %arg8[%dma_wait3A_376, %dma_wait3A_377, %dma_wait3A_378] : memref<8x128x32xf32, #tpu.memory_space<vmem>> -> memref<1x128x32xf32, #tpu.memory_space<vmem>>
      %dma_wait3A_380 = tpu.memref_squeeze %dma_wait3A_379 : memref<1x128x32xf32, #tpu.memory_space<vmem>> -> memref<128x32xf32, #tpu.memory_space<vmem>>
      %dma_wait3A_381 = arith.constant 0 : i32
      %dma_wait3A_382 = tpu.memref_slice %arg6[%add3A_375, %dma_wait3A_381] : memref<79x128xi32, #tpu.memory_space<vmem>> -> memref<1x128xi32, #tpu.memory_space<vmem>>
      %dma_wait3A_383 = tpu.memref_squeeze %dma_wait3A_382 : memref<1x128xi32, #tpu.memory_space<vmem>> -> memref<128xi32, #tpu.memory_space<vmem>>
      %dma_wait3A_384 = arith.constant 0 : i32
      %dma_wait3A_385 = arith.constant 0 : i32
      %dma_wait3A_386 = tpu.memref_slice %arg2[%dma_wait3A_384, %dma_wait3A_385] : memref<10240x32xf32, #tpu.memory_space<hbm>> -> memref<10240x32xf32, #tpu.memory_space<hbm>>
      tpu.wait_indirect_dma semaphore(%arg14 : memref<!tpu.dma_semaphore, #tpu.memory_space<semaphore_mem>>) src(%dma_wait3A_386 : memref<10240x32xf32, #tpu.memory_space<hbm>>) dst(%dma_wait3A_380 : memref<128x32xf32, #tpu.memory_space<vmem>>)
      %run_scoped3A_387 = arith.constant 4 : i32
      "tpu.region"() ({
        %run_scoped3A_475 = tpu.sem_alloc : memref<!tpu.dma_semaphore, #tpu.memory_space<semaphore_mem>>
        %dma_start3A_476 = arith.constant 0 : i32
        %dma_start3A_477 = arith.constant 0 : i32
        %dma_start3A_478 = tpu.memref_slice %arg8[%run_scoped3A_387, %dma_start3A_476, %dma_start3A_477] : memref<8x128x32xf32, #tpu.memory_space<vmem>> -> memref<1x128x32xf32, #tpu.memory_space<vmem>>
        %dma_start3A_479 = tpu.memref_squeeze %dma_start3A_478 : memref<1x128x32xf32, #tpu.memory_space<vmem>> -> memref<128x32xf32, #tpu.memory_space<vmem>>
        %dma_start3A_480 = arith.constant 0 : i32
        %dma_start3A_481 = tpu.memref_slice %arg7[%add3A_375, %dma_start3A_480] : memref<79x128xi32, #tpu.memory_space<vmem>> -> memref<1x128xi32, #tpu.memory_space<vmem>>
        %dma_start3A_482 = tpu.memref_squeeze %dma_start3A_481 : memref<1x128xi32, #tpu.memory_space<vmem>> -> memref<128xi32, #tpu.memory_space<vmem>>
        %dma_start3A_483 = arith.constant 0 : i32
        %dma_start3A_484 = arith.constant 0 : i32
        %dma_start3A_485 = tpu.memref_slice %arg9[%dma_start3A_483, %dma_start3A_484] : memref<10240x32xf32, #tpu.memory_space<vmem_shared>> -> memref<10240x32xf32, #tpu.memory_space<vmem_shared>>
        tpu.enqueue_indirect_dma source(%dma_start3A_479 : memref<128x32xf32, #tpu.memory_space<vmem>>) target(%dma_start3A_485 : memref<10240x32xf32, #tpu.memory_space<vmem_shared>>) offsets(%dma_start3A_482 : memref<128xi32, #tpu.memory_space<vmem>>) semaphore(%run_scoped3A_475 : memref<!tpu.dma_semaphore, #tpu.memory_space<semaphore_mem>>) {add = true}
        %dma_wait3A_486 = arith.constant 0 : i32
        %dma_wait3A_487 = arith.constant 0 : i32
        %dma_wait3A_488 = tpu.memref_slice %arg8[%run_scoped3A_387, %dma_wait3A_486, %dma_wait3A_487] : memref<8x128x32xf32, #tpu.memory_space<vmem>> -> memref<1x128x32xf32, #tpu.memory_space<vmem>>
        %dma_wait3A_489 = tpu.memref_squeeze %dma_wait3A_488 : memref<1x128x32xf32, #tpu.memory_space<vmem>> -> memref<128x32xf32, #tpu.memory_space<vmem>>
        %dma_wait3A_490 = arith.constant 0 : i32
        %dma_wait3A_491 = tpu.memref_slice %arg7[%add3A_375, %dma_wait3A_490] : memref<79x128xi32, #tpu.memory_space<vmem>> -> memref<1x128xi32, #tpu.memory_space<vmem>>
        %dma_wait3A_492 = tpu.memref_squeeze %dma_wait3A_491 : memref<1x128xi32, #tpu.memory_space<vmem>> -> memref<128xi32, #tpu.memory_space<vmem>>
        %dma_wait3A_493 = arith.constant 0 : i32
        %dma_wait3A_494 = arith.constant 0 : i32
        %dma_wait3A_495 = tpu.memref_slice %arg9[%dma_wait3A_493, %dma_wait3A_494] : memref<10240x32xf32, #tpu.memory_space<vmem_shared>> -> memref<10240x32xf32, #tpu.memory_space<vmem_shared>>
        tpu.wait_indirect_dma semaphore(%run_scoped3A_475 : memref<!tpu.dma_semaphore, #tpu.memory_space<semaphore_mem>>) src(%dma_wait3A_489 : memref<128x32xf32, #tpu.memory_space<vmem>>) dst(%dma_wait3A_495 : memref<10240x32xf32, #tpu.memory_space<vmem_shared>>)
        tpu.yield
      }) : () -> ()
      %add3A_388 = arith.constant 7 : i32
      %add3A_389 = arith.addi %mul3A_242, %add3A_388 : i32
      %add3A_390 = arith.constant 5 : i32
      %add3A_391 = arith.addi %add3A_389, %add3A_390 : i32
      %dma_start3A_392 = arith.constant 4 : i32
      %dma_start3A_393 = arith.constant 0 : i32
      %dma_start3A_394 = arith.constant 0 : i32
      %dma_start3A_395 = tpu.memref_slice %arg8[%dma_start3A_392, %dma_start3A_393, %dma_start3A_394] : memref<8x128x32xf32, #tpu.memory_space<vmem>> -> memref<1x128x32xf32, #tpu.memory_space<vmem>>
      %dma_start3A_396 = tpu.memref_squeeze %dma_start3A_395 : memref<1x128x32xf32, #tpu.memory_space<vmem>> -> memref<128x32xf32, #tpu.memory_space<vmem>>
      %dma_start3A_397 = arith.constant 0 : i32
      %dma_start3A_398 = tpu.memref_slice %arg6[%add3A_391, %dma_start3A_397] : memref<79x128xi32, #tpu.memory_space<vmem>> -> memref<1x128xi32, #tpu.memory_space<vmem>>
      %dma_start3A_399 = tpu.memref_squeeze %dma_start3A_398 : memref<1x128xi32, #tpu.memory_space<vmem>> -> memref<128xi32, #tpu.memory_space<vmem>>
      %dma_start3A_400 = arith.constant 0 : i32
      %dma_start3A_401 = arith.constant 0 : i32
      %dma_start3A_402 = tpu.memref_slice %arg2[%dma_start3A_400, %dma_start3A_401] : memref<10240x32xf32, #tpu.memory_space<hbm>> -> memref<10240x32xf32, #tpu.memory_space<hbm>>
      tpu.enqueue_indirect_dma source(%dma_start3A_402 : memref<10240x32xf32, #tpu.memory_space<hbm>>) target(%dma_start3A_396 : memref<128x32xf32, #tpu.memory_space<vmem>>) offsets(%dma_start3A_399 : memref<128xi32, #tpu.memory_space<vmem>>) semaphore(%arg14 : memref<!tpu.dma_semaphore, #tpu.memory_space<semaphore_mem>>)
      %add3A_403 = arith.constant 5 : i32
      %add3A_404 = arith.addi %mul3A_242, %add3A_403 : i32
      %dma_wait3A_405 = arith.constant 5 : i32
      %dma_wait3A_406 = arith.constant 0 : i32
      %dma_wait3A_407 = arith.constant 0 : i32
      %dma_wait3A_408 = tpu.memref_slice %arg8[%dma_wait3A_405, %dma_wait3A_406, %dma_wait3A_407] : memref<8x128x32xf32, #tpu.memory_space<vmem>> -> memref<1x128x32xf32, #tpu.memory_space<vmem>>
      %dma_wait3A_409 = tpu.memref_squeeze %dma_wait3A_408 : memref<1x128x32xf32, #tpu.memory_space<vmem>> -> memref<128x32xf32, #tpu.memory_space<vmem>>
      %dma_wait3A_410 = arith.constant 0 : i32
      %dma_wait3A_411 = tpu.memref_slice %arg6[%add3A_404, %dma_wait3A_410] : memref<79x128xi32, #tpu.memory_space<vmem>> -> memref<1x128xi32, #tpu.memory_space<vmem>>
      %dma_wait3A_412 = tpu.memref_squeeze %dma_wait3A_411 : memref<1x128xi32, #tpu.memory_space<vmem>> -> memref<128xi32, #tpu.memory_space<vmem>>
      %dma_wait3A_413 = arith.constant 0 : i32
      %dma_wait3A_414 = arith.constant 0 : i32
      %dma_wait3A_415 = tpu.memref_slice %arg2[%dma_wait3A_413, %dma_wait3A_414] : memref<10240x32xf32, #tpu.memory_space<hbm>> -> memref<10240x32xf32, #tpu.memory_space<hbm>>
      tpu.wait_indirect_dma semaphore(%arg15 : memref<!tpu.dma_semaphore, #tpu.memory_space<semaphore_mem>>) src(%dma_wait3A_415 : memref<10240x32xf32, #tpu.memory_space<hbm>>) dst(%dma_wait3A_409 : memref<128x32xf32, #tpu.memory_space<vmem>>)
      %run_scoped3A_416 = arith.constant 5 : i32
      "tpu.region"() ({
        %run_scoped3A_475 = tpu.sem_alloc : memref<!tpu.dma_semaphore, #tpu.memory_space<semaphore_mem>>
        %dma_start3A_476 = arith.constant 0 : i32
        %dma_start3A_477 = arith.constant 0 : i32
        %dma_start3A_478 = tpu.memref_slice %arg8[%run_scoped3A_416, %dma_start3A_476, %dma_start3A_477] : memref<8x128x32xf32, #tpu.memory_space<vmem>> -> memref<1x128x32xf32, #tpu.memory_space<vmem>>
        %dma_start3A_479 = tpu.memref_squeeze %dma_start3A_478 : memref<1x128x32xf32, #tpu.memory_space<vmem>> -> memref<128x32xf32, #tpu.memory_space<vmem>>
        %dma_start3A_480 = arith.constant 0 : i32
        %dma_start3A_481 = tpu.memref_slice %arg7[%add3A_404, %dma_start3A_480] : memref<79x128xi32, #tpu.memory_space<vmem>> -> memref<1x128xi32, #tpu.memory_space<vmem>>
        %dma_start3A_482 = tpu.memref_squeeze %dma_start3A_481 : memref<1x128xi32, #tpu.memory_space<vmem>> -> memref<128xi32, #tpu.memory_space<vmem>>
        %dma_start3A_483 = arith.constant 0 : i32
        %dma_start3A_484 = arith.constant 0 : i32
        %dma_start3A_485 = tpu.memref_slice %arg9[%dma_start3A_483, %dma_start3A_484] : memref<10240x32xf32, #tpu.memory_space<vmem_shared>> -> memref<10240x32xf32, #tpu.memory_space<vmem_shared>>
        tpu.enqueue_indirect_dma source(%dma_start3A_479 : memref<128x32xf32, #tpu.memory_space<vmem>>) target(%dma_start3A_485 : memref<10240x32xf32, #tpu.memory_space<vmem_shared>>) offsets(%dma_start3A_482 : memref<128xi32, #tpu.memory_space<vmem>>) semaphore(%run_scoped3A_475 : memref<!tpu.dma_semaphore, #tpu.memory_space<semaphore_mem>>) {add = true}
        %dma_wait3A_486 = arith.constant 0 : i32
        %dma_wait3A_487 = arith.constant 0 : i32
        %dma_wait3A_488 = tpu.memref_slice %arg8[%run_scoped3A_416, %dma_wait3A_486, %dma_wait3A_487] : memref<8x128x32xf32, #tpu.memory_space<vmem>> -> memref<1x128x32xf32, #tpu.memory_space<vmem>>
        %dma_wait3A_489 = tpu.memref_squeeze %dma_wait3A_488 : memref<1x128x32xf32, #tpu.memory_space<vmem>> -> memref<128x32xf32, #tpu.memory_space<vmem>>
        %dma_wait3A_490 = arith.constant 0 : i32
        %dma_wait3A_491 = tpu.memref_slice %arg7[%add3A_404, %dma_wait3A_490] : memref<79x128xi32, #tpu.memory_space<vmem>> -> memref<1x128xi32, #tpu.memory_space<vmem>>
        %dma_wait3A_492 = tpu.memref_squeeze %dma_wait3A_491 : memref<1x128xi32, #tpu.memory_space<vmem>> -> memref<128xi32, #tpu.memory_space<vmem>>
        %dma_wait3A_493 = arith.constant 0 : i32
        %dma_wait3A_494 = arith.constant 0 : i32
        %dma_wait3A_495 = tpu.memref_slice %arg9[%dma_wait3A_493, %dma_wait3A_494] : memref<10240x32xf32, #tpu.memory_space<vmem_shared>> -> memref<10240x32xf32, #tpu.memory_space<vmem_shared>>
        tpu.wait_indirect_dma semaphore(%run_scoped3A_475 : memref<!tpu.dma_semaphore, #tpu.memory_space<semaphore_mem>>) src(%dma_wait3A_489 : memref<128x32xf32, #tpu.memory_space<vmem>>) dst(%dma_wait3A_495 : memref<10240x32xf32, #tpu.memory_space<vmem_shared>>)
        tpu.yield
      }) : () -> ()
      %add3A_417 = arith.constant 7 : i32
      %add3A_418 = arith.addi %mul3A_242, %add3A_417 : i32
      %add3A_419 = arith.constant 6 : i32
      %add3A_420 = arith.addi %add3A_418, %add3A_419 : i32
      %dma_start3A_421 = arith.constant 5 : i32
      %dma_start3A_422 = arith.constant 0 : i32
      %dma_start3A_423 = arith.constant 0 : i32
      %dma_start3A_424 = tpu.memref_slice %arg8[%dma_start3A_421, %dma_start3A_422, %dma_start3A_423] : memref<8x128x32xf32, #tpu.memory_space<vmem>> -> memref<1x128x32xf32, #tpu.memory_space<vmem>>
      %dma_start3A_425 = tpu.memref_squeeze %dma_start3A_424 : memref<1x128x32xf32, #tpu.memory_space<vmem>> -> memref<128x32xf32, #tpu.memory_space<vmem>>
      %dma_start3A_426 = arith.constant 0 : i32
      %dma_start3A_427 = tpu.memref_slice %arg6[%add3A_420, %dma_start3A_426] : memref<79x128xi32, #tpu.memory_space<vmem>> -> memref<1x128xi32, #tpu.memory_space<vmem>>
      %dma_start3A_428 = tpu.memref_squeeze %dma_start3A_427 : memref<1x128xi32, #tpu.memory_space<vmem>> -> memref<128xi32, #tpu.memory_space<vmem>>
      %dma_start3A_429 = arith.constant 0 : i32
      %dma_start3A_430 = arith.constant 0 : i32
      %dma_start3A_431 = tpu.memref_slice %arg2[%dma_start3A_429, %dma_start3A_430] : memref<10240x32xf32, #tpu.memory_space<hbm>> -> memref<10240x32xf32, #tpu.memory_space<hbm>>
      tpu.enqueue_indirect_dma source(%dma_start3A_431 : memref<10240x32xf32, #tpu.memory_space<hbm>>) target(%dma_start3A_425 : memref<128x32xf32, #tpu.memory_space<vmem>>) offsets(%dma_start3A_428 : memref<128xi32, #tpu.memory_space<vmem>>) semaphore(%arg15 : memref<!tpu.dma_semaphore, #tpu.memory_space<semaphore_mem>>)
      %add3A_432 = arith.constant 6 : i32
      %add3A_433 = arith.addi %mul3A_242, %add3A_432 : i32
      %dma_wait3A_434 = arith.constant 6 : i32
      %dma_wait3A_435 = arith.constant 0 : i32
      %dma_wait3A_436 = arith.constant 0 : i32
      %dma_wait3A_437 = tpu.memref_slice %arg8[%dma_wait3A_434, %dma_wait3A_435, %dma_wait3A_436] : memref<8x128x32xf32, #tpu.memory_space<vmem>> -> memref<1x128x32xf32, #tpu.memory_space<vmem>>
      %dma_wait3A_438 = tpu.memref_squeeze %dma_wait3A_437 : memref<1x128x32xf32, #tpu.memory_space<vmem>> -> memref<128x32xf32, #tpu.memory_space<vmem>>
      %dma_wait3A_439 = arith.constant 0 : i32
      %dma_wait3A_440 = tpu.memref_slice %arg6[%add3A_433, %dma_wait3A_439] : memref<79x128xi32, #tpu.memory_space<vmem>> -> memref<1x128xi32, #tpu.memory_space<vmem>>
      %dma_wait3A_441 = tpu.memref_squeeze %dma_wait3A_440 : memref<1x128xi32, #tpu.memory_space<vmem>> -> memref<128xi32, #tpu.memory_space<vmem>>
      %dma_wait3A_442 = arith.constant 0 : i32
      %dma_wait3A_443 = arith.constant 0 : i32
      %dma_wait3A_444 = tpu.memref_slice %arg2[%dma_wait3A_442, %dma_wait3A_443] : memref<10240x32xf32, #tpu.memory_space<hbm>> -> memref<10240x32xf32, #tpu.memory_space<hbm>>
      tpu.wait_indirect_dma semaphore(%arg16 : memref<!tpu.dma_semaphore, #tpu.memory_space<semaphore_mem>>) src(%dma_wait3A_444 : memref<10240x32xf32, #tpu.memory_space<hbm>>) dst(%dma_wait3A_438 : memref<128x32xf32, #tpu.memory_space<vmem>>)
      %run_scoped3A_445 = arith.constant 6 : i32
      "tpu.region"() ({
        %run_scoped3A_475 = tpu.sem_alloc : memref<!tpu.dma_semaphore, #tpu.memory_space<semaphore_mem>>
        %dma_start3A_476 = arith.constant 0 : i32
        %dma_start3A_477 = arith.constant 0 : i32
        %dma_start3A_478 = tpu.memref_slice %arg8[%run_scoped3A_445, %dma_start3A_476, %dma_start3A_477] : memref<8x128x32xf32, #tpu.memory_space<vmem>> -> memref<1x128x32xf32, #tpu.memory_space<vmem>>
        %dma_start3A_479 = tpu.memref_squeeze %dma_start3A_478 : memref<1x128x32xf32, #tpu.memory_space<vmem>> -> memref<128x32xf32, #tpu.memory_space<vmem>>
        %dma_start3A_480 = arith.constant 0 : i32
        %dma_start3A_481 = tpu.memref_slice %arg7[%add3A_433, %dma_start3A_480] : memref<79x128xi32, #tpu.memory_space<vmem>> -> memref<1x128xi32, #tpu.memory_space<vmem>>
        %dma_start3A_482 = tpu.memref_squeeze %dma_start3A_481 : memref<1x128xi32, #tpu.memory_space<vmem>> -> memref<128xi32, #tpu.memory_space<vmem>>
        %dma_start3A_483 = arith.constant 0 : i32
        %dma_start3A_484 = arith.constant 0 : i32
        %dma_start3A_485 = tpu.memref_slice %arg9[%dma_start3A_483, %dma_start3A_484] : memref<10240x32xf32, #tpu.memory_space<vmem_shared>> -> memref<10240x32xf32, #tpu.memory_space<vmem_shared>>
        tpu.enqueue_indirect_dma source(%dma_start3A_479 : memref<128x32xf32, #tpu.memory_space<vmem>>) target(%dma_start3A_485 : memref<10240x32xf32, #tpu.memory_space<vmem_shared>>) offsets(%dma_start3A_482 : memref<128xi32, #tpu.memory_space<vmem>>) semaphore(%run_scoped3A_475 : memref<!tpu.dma_semaphore, #tpu.memory_space<semaphore_mem>>) {add = true}
        %dma_wait3A_486 = arith.constant 0 : i32
        %dma_wait3A_487 = arith.constant 0 : i32
        %dma_wait3A_488 = tpu.memref_slice %arg8[%run_scoped3A_445, %dma_wait3A_486, %dma_wait3A_487] : memref<8x128x32xf32, #tpu.memory_space<vmem>> -> memref<1x128x32xf32, #tpu.memory_space<vmem>>
        %dma_wait3A_489 = tpu.memref_squeeze %dma_wait3A_488 : memref<1x128x32xf32, #tpu.memory_space<vmem>> -> memref<128x32xf32, #tpu.memory_space<vmem>>
        %dma_wait3A_490 = arith.constant 0 : i32
        %dma_wait3A_491 = tpu.memref_slice %arg7[%add3A_433, %dma_wait3A_490] : memref<79x128xi32, #tpu.memory_space<vmem>> -> memref<1x128xi32, #tpu.memory_space<vmem>>
        %dma_wait3A_492 = tpu.memref_squeeze %dma_wait3A_491 : memref<1x128xi32, #tpu.memory_space<vmem>> -> memref<128xi32, #tpu.memory_space<vmem>>
        %dma_wait3A_493 = arith.constant 0 : i32
        %dma_wait3A_494 = arith.constant 0 : i32
        %dma_wait3A_495 = tpu.memref_slice %arg9[%dma_wait3A_493, %dma_wait3A_494] : memref<10240x32xf32, #tpu.memory_space<vmem_shared>> -> memref<10240x32xf32, #tpu.memory_space<vmem_shared>>
        tpu.wait_indirect_dma semaphore(%run_scoped3A_475 : memref<!tpu.dma_semaphore, #tpu.memory_space<semaphore_mem>>) src(%dma_wait3A_489 : memref<128x32xf32, #tpu.memory_space<vmem>>) dst(%dma_wait3A_495 : memref<10240x32xf32, #tpu.memory_space<vmem_shared>>)
        tpu.yield
      }) : () -> ()
      %add3A_446 = arith.constant 7 : i32
      %add3A_447 = arith.addi %mul3A_242, %add3A_446 : i32
      %add3A_448 = arith.constant 7 : i32
      %add3A_449 = arith.addi %add3A_447, %add3A_448 : i32
      %dma_start3A_450 = arith.constant 6 : i32
      %dma_start3A_451 = arith.constant 0 : i32
      %dma_start3A_452 = arith.constant 0 : i32
      %dma_start3A_453 = tpu.memref_slice %arg8[%dma_start3A_450, %dma_start3A_451, %dma_start3A_452] : memref<8x128x32xf32, #tpu.memory_space<vmem>> -> memref<1x128x32xf32, #tpu.memory_space<vmem>>
      %dma_start3A_454 = tpu.memref_squeeze %dma_start3A_453 : memref<1x128x32xf32, #tpu.memory_space<vmem>> -> memref<128x32xf32, #tpu.memory_space<vmem>>
      %dma_start3A_455 = arith.constant 0 : i32
      %dma_start3A_456 = tpu.memref_slice %arg6[%add3A_449, %dma_start3A_455] : memref<79x128xi32, #tpu.memory_space<vmem>> -> memref<1x128xi32, #tpu.memory_space<vmem>>
      %dma_start3A_457 = tpu.memref_squeeze %dma_start3A_456 : memref<1x128xi32, #tpu.memory_space<vmem>> -> memref<128xi32, #tpu.memory_space<vmem>>
      %dma_start3A_458 = arith.constant 0 : i32
      %dma_start3A_459 = arith.constant 0 : i32
      %dma_start3A_460 = tpu.memref_slice %arg2[%dma_start3A_458, %dma_start3A_459] : memref<10240x32xf32, #tpu.memory_space<hbm>> -> memref<10240x32xf32, #tpu.memory_space<hbm>>
      tpu.enqueue_indirect_dma source(%dma_start3A_460 : memref<10240x32xf32, #tpu.memory_space<hbm>>) target(%dma_start3A_454 : memref<128x32xf32, #tpu.memory_space<vmem>>) offsets(%dma_start3A_457 : memref<128xi32, #tpu.memory_space<vmem>>) semaphore(%arg16 : memref<!tpu.dma_semaphore, #tpu.memory_space<semaphore_mem>>)
      %add3A_461 = arith.constant 7 : i32
      %add3A_462 = arith.addi %mul3A_242, %add3A_461 : i32
      %dma_wait3A_463 = arith.constant 7 : i32
      %dma_wait3A_464 = arith.constant 0 : i32
      %dma_wait3A_465 = arith.constant 0 : i32
      %dma_wait3A_466 = tpu.memref_slice %arg8[%dma_wait3A_463, %dma_wait3A_464, %dma_wait3A_465] : memref<8x128x32xf32, #tpu.memory_space<vmem>> -> memref<1x128x32xf32, #tpu.memory_space<vmem>>
      %dma_wait3A_467 = tpu.memref_squeeze %dma_wait3A_466 : memref<1x128x32xf32, #tpu.memory_space<vmem>> -> memref<128x32xf32, #tpu.memory_space<vmem>>
      %dma_wait3A_468 = arith.constant 0 : i32
      %dma_wait3A_469 = tpu.memref_slice %arg6[%add3A_462, %dma_wait3A_468] : memref<79x128xi32, #tpu.memory_space<vmem>> -> memref<1x128xi32, #tpu.memory_space<vmem>>
      %dma_wait3A_470 = tpu.memref_squeeze %dma_wait3A_469 : memref<1x128xi32, #tpu.memory_space<vmem>> -> memref<128xi32, #tpu.memory_space<vmem>>
      %dma_wait3A_471 = arith.constant 0 : i32
      %dma_wait3A_472 = arith.constant 0 : i32
      %dma_wait3A_473 = tpu.memref_slice %arg2[%dma_wait3A_471, %dma_wait3A_472] : memref<10240x32xf32, #tpu.memory_space<hbm>> -> memref<10240x32xf32, #tpu.memory_space<hbm>>
      tpu.wait_indirect_dma semaphore(%arg17 : memref<!tpu.dma_semaphore, #tpu.memory_space<semaphore_mem>>) src(%dma_wait3A_473 : memref<10240x32xf32, #tpu.memory_space<hbm>>) dst(%dma_wait3A_467 : memref<128x32xf32, #tpu.memory_space<vmem>>)
      %run_scoped3A_474 = arith.constant 7 : i32
      "tpu.region"() ({
        %run_scoped3A_475 = tpu.sem_alloc : memref<!tpu.dma_semaphore, #tpu.memory_space<semaphore_mem>>
        %dma_start3A_476 = arith.constant 0 : i32
        %dma_start3A_477 = arith.constant 0 : i32
        %dma_start3A_478 = tpu.memref_slice %arg8[%run_scoped3A_474, %dma_start3A_476, %dma_start3A_477] : memref<8x128x32xf32, #tpu.memory_space<vmem>> -> memref<1x128x32xf32, #tpu.memory_space<vmem>>
        %dma_start3A_479 = tpu.memref_squeeze %dma_start3A_478 : memref<1x128x32xf32, #tpu.memory_space<vmem>> -> memref<128x32xf32, #tpu.memory_space<vmem>>
        %dma_start3A_480 = arith.constant 0 : i32
        %dma_start3A_481 = tpu.memref_slice %arg7[%add3A_462, %dma_start3A_480] : memref<79x128xi32, #tpu.memory_space<vmem>> -> memref<1x128xi32, #tpu.memory_space<vmem>>
        %dma_start3A_482 = tpu.memref_squeeze %dma_start3A_481 : memref<1x128xi32, #tpu.memory_space<vmem>> -> memref<128xi32, #tpu.memory_space<vmem>>
        %dma_start3A_483 = arith.constant 0 : i32
        %dma_start3A_484 = arith.constant 0 : i32
        %dma_start3A_485 = tpu.memref_slice %arg9[%dma_start3A_483, %dma_start3A_484] : memref<10240x32xf32, #tpu.memory_space<vmem_shared>> -> memref<10240x32xf32, #tpu.memory_space<vmem_shared>>
        tpu.enqueue_indirect_dma source(%dma_start3A_479 : memref<128x32xf32, #tpu.memory_space<vmem>>) target(%dma_start3A_485 : memref<10240x32xf32, #tpu.memory_space<vmem_shared>>) offsets(%dma_start3A_482 : memref<128xi32, #tpu.memory_space<vmem>>) semaphore(%run_scoped3A_475 : memref<!tpu.dma_semaphore, #tpu.memory_space<semaphore_mem>>) {add = true}
        %dma_wait3A_486 = arith.constant 0 : i32
        %dma_wait3A_487 = arith.constant 0 : i32
        %dma_wait3A_488 = tpu.memref_slice %arg8[%run_scoped3A_474, %dma_wait3A_486, %dma_wait3A_487] : memref<8x128x32xf32, #tpu.memory_space<vmem>> -> memref<1x128x32xf32, #tpu.memory_space<vmem>>
        %dma_wait3A_489 = tpu.memref_squeeze %dma_wait3A_488 : memref<1x128x32xf32, #tpu.memory_space<vmem>> -> memref<128x32xf32, #tpu.memory_space<vmem>>
        %dma_wait3A_490 = arith.constant 0 : i32
        %dma_wait3A_491 = tpu.memref_slice %arg7[%add3A_462, %dma_wait3A_490] : memref<79x128xi32, #tpu.memory_space<vmem>> -> memref<1x128xi32, #tpu.memory_space<vmem>>
        %dma_wait3A_492 = tpu.memref_squeeze %dma_wait3A_491 : memref<1x128xi32, #tpu.memory_space<vmem>> -> memref<128xi32, #tpu.memory_space<vmem>>
        %dma_wait3A_493 = arith.constant 0 : i32
        %dma_wait3A_494 = arith.constant 0 : i32
        %dma_wait3A_495 = tpu.memref_slice %arg9[%dma_wait3A_493, %dma_wait3A_494] : memref<10240x32xf32, #tpu.memory_space<vmem_shared>> -> memref<10240x32xf32, #tpu.memory_space<vmem_shared>>
        tpu.wait_indirect_dma semaphore(%run_scoped3A_475 : memref<!tpu.dma_semaphore, #tpu.memory_space<semaphore_mem>>) src(%dma_wait3A_489 : memref<128x32xf32, #tpu.memory_space<vmem>>) dst(%dma_wait3A_495 : memref<10240x32xf32, #tpu.memory_space<vmem_shared>>)
        tpu.yield
      }) : () -> ()
    }
    %scan3A_111 = arith.constant 9 : i32
    %dma_wait3A = arith.constant 72 : i32
    %dma_wait3A_112 = arith.constant 0 : i32
    %dma_wait3A_113 = arith.constant 0 : i32
    %dma_wait3A_114 = arith.constant 0 : i32
    %dma_wait3A_115 = tpu.memref_slice %arg8[%dma_wait3A_112, %dma_wait3A_113, %dma_wait3A_114] : memref<8x128x32xf32, #tpu.memory_space<vmem>> -> memref<1x128x32xf32, #tpu.memory_space<vmem>>
    %dma_wait3A_116 = tpu.memref_squeeze %dma_wait3A_115 : memref<1x128x32xf32, #tpu.memory_space<vmem>> -> memref<128x32xf32, #tpu.memory_space<vmem>>
    %dma_wait3A_117 = arith.constant 0 : i32
    %dma_wait3A_118 = tpu.memref_slice %arg6[%dma_wait3A, %dma_wait3A_117] : memref<79x128xi32, #tpu.memory_space<vmem>> -> memref<1x128xi32, #tpu.memory_space<vmem>>
    %dma_wait3A_119 = tpu.memref_squeeze %dma_wait3A_118 : memref<1x128xi32, #tpu.memory_space<vmem>> -> memref<128xi32, #tpu.memory_space<vmem>>
    %dma_wait3A_120 = arith.constant 0 : i32
    %dma_wait3A_121 = arith.constant 0 : i32
    %dma_wait3A_122 = tpu.memref_slice %arg2[%dma_wait3A_120, %dma_wait3A_121] : memref<10240x32xf32, #tpu.memory_space<hbm>> -> memref<10240x32xf32, #tpu.memory_space<hbm>>
    tpu.wait_indirect_dma semaphore(%arg10 : memref<!tpu.dma_semaphore, #tpu.memory_space<semaphore_mem>>) src(%dma_wait3A_122 : memref<10240x32xf32, #tpu.memory_space<hbm>>) dst(%dma_wait3A_116 : memref<128x32xf32, #tpu.memory_space<vmem>>)
    %run_scoped3A_123 = arith.constant 0 : i32
    %run_scoped3A_124 = arith.constant 72 : i32
    "tpu.region"() ({
      %run_scoped3A_240 = tpu.sem_alloc : memref<!tpu.dma_semaphore, #tpu.memory_space<semaphore_mem>>
      %dma_start3A_241 = arith.constant 0 : i32
      %dma_start3A_242 = arith.constant 0 : i32
      %dma_start3A_243 = tpu.memref_slice %arg8[%run_scoped3A_123, %dma_start3A_241, %dma_start3A_242] : memref<8x128x32xf32, #tpu.memory_space<vmem>> -> memref<1x128x32xf32, #tpu.memory_space<vmem>>
      %dma_start3A_244 = tpu.memref_squeeze %dma_start3A_243 : memref<1x128x32xf32, #tpu.memory_space<vmem>> -> memref<128x32xf32, #tpu.memory_space<vmem>>
      %dma_start3A_245 = arith.constant 0 : i32
      %dma_start3A_246 = tpu.memref_slice %arg7[%run_scoped3A_124, %dma_start3A_245] : memref<79x128xi32, #tpu.memory_space<vmem>> -> memref<1x128xi32, #tpu.memory_space<vmem>>
      %dma_start3A_247 = tpu.memref_squeeze %dma_start3A_246 : memref<1x128xi32, #tpu.memory_space<vmem>> -> memref<128xi32, #tpu.memory_space<vmem>>
      %dma_start3A_248 = arith.constant 0 : i32
      %dma_start3A_249 = arith.constant 0 : i32
      %dma_start3A_250 = tpu.memref_slice %arg9[%dma_start3A_248, %dma_start3A_249] : memref<10240x32xf32, #tpu.memory_space<vmem_shared>> -> memref<10240x32xf32, #tpu.memory_space<vmem_shared>>
      tpu.enqueue_indirect_dma source(%dma_start3A_244 : memref<128x32xf32, #tpu.memory_space<vmem>>) target(%dma_start3A_250 : memref<10240x32xf32, #tpu.memory_space<vmem_shared>>) offsets(%dma_start3A_247 : memref<128xi32, #tpu.memory_space<vmem>>) semaphore(%run_scoped3A_240 : memref<!tpu.dma_semaphore, #tpu.memory_space<semaphore_mem>>) {add = true}
      %dma_wait3A_251 = arith.constant 0 : i32
      %dma_wait3A_252 = arith.constant 0 : i32
      %dma_wait3A_253 = tpu.memref_slice %arg8[%run_scoped3A_123, %dma_wait3A_251, %dma_wait3A_252] : memref<8x128x32xf32, #tpu.memory_space<vmem>> -> memref<1x128x32xf32, #tpu.memory_space<vmem>>
      %dma_wait3A_254 = tpu.memref_squeeze %dma_wait3A_253 : memref<1x128x32xf32, #tpu.memory_space<vmem>> -> memref<128x32xf32, #tpu.memory_space<vmem>>
      %dma_wait3A_255 = arith.constant 0 : i32
      %dma_wait3A_256 = tpu.memref_slice %arg7[%run_scoped3A_124, %dma_wait3A_255] : memref<79x128xi32, #tpu.memory_space<vmem>> -> memref<1x128xi32, #tpu.memory_space<vmem>>
      %dma_wait3A_257 = tpu.memref_squeeze %dma_wait3A_256 : memref<1x128xi32, #tpu.memory_space<vmem>> -> memref<128xi32, #tpu.memory_space<vmem>>
      %dma_wait3A_258 = arith.constant 0 : i32
      %dma_wait3A_259 = arith.constant 0 : i32
      %dma_wait3A_260 = tpu.memref_slice %arg9[%dma_wait3A_258, %dma_wait3A_259] : memref<10240x32xf32, #tpu.memory_space<vmem_shared>> -> memref<10240x32xf32, #tpu.memory_space<vmem_shared>>
      tpu.wait_indirect_dma semaphore(%run_scoped3A_240 : memref<!tpu.dma_semaphore, #tpu.memory_space<semaphore_mem>>) src(%dma_wait3A_254 : memref<128x32xf32, #tpu.memory_space<vmem>>) dst(%dma_wait3A_260 : memref<10240x32xf32, #tpu.memory_space<vmem_shared>>)
      tpu.yield
    }) : () -> ()
    %dma_wait3A_125 = arith.constant 73 : i32
    %dma_wait3A_126 = arith.constant 1 : i32
    %dma_wait3A_127 = arith.constant 0 : i32
    %dma_wait3A_128 = arith.constant 0 : i32
    %dma_wait3A_129 = tpu.memref_slice %arg8[%dma_wait3A_126, %dma_wait3A_127, %dma_wait3A_128] : memref<8x128x32xf32, #tpu.memory_space<vmem>> -> memref<1x128x32xf32, #tpu.memory_space<vmem>>
    %dma_wait3A_130 = tpu.memref_squeeze %dma_wait3A_129 : memref<1x128x32xf32, #tpu.memory_space<vmem>> -> memref<128x32xf32, #tpu.memory_space<vmem>>
    %dma_wait3A_131 = arith.constant 0 : i32
    %dma_wait3A_132 = tpu.memref_slice %arg6[%dma_wait3A_125, %dma_wait3A_131] : memref<79x128xi32, #tpu.memory_space<vmem>> -> memref<1x128xi32, #tpu.memory_space<vmem>>
    %dma_wait3A_133 = tpu.memref_squeeze %dma_wait3A_132 : memref<1x128xi32, #tpu.memory_space<vmem>> -> memref<128xi32, #tpu.memory_space<vmem>>
    %dma_wait3A_134 = arith.constant 0 : i32
    %dma_wait3A_135 = arith.constant 0 : i32
    %dma_wait3A_136 = tpu.memref_slice %arg2[%dma_wait3A_134, %dma_wait3A_135] : memref<10240x32xf32, #tpu.memory_space<hbm>> -> memref<10240x32xf32, #tpu.memory_space<hbm>>
    tpu.wait_indirect_dma semaphore(%arg11 : memref<!tpu.dma_semaphore, #tpu.memory_space<semaphore_mem>>) src(%dma_wait3A_136 : memref<10240x32xf32, #tpu.memory_space<hbm>>) dst(%dma_wait3A_130 : memref<128x32xf32, #tpu.memory_space<vmem>>)
    %run_scoped3A_137 = arith.constant 1 : i32
    %run_scoped3A_138 = arith.constant 73 : i32
    "tpu.region"() ({
      %run_scoped3A_240 = tpu.sem_alloc : memref<!tpu.dma_semaphore, #tpu.memory_space<semaphore_mem>>
      %dma_start3A_241 = arith.constant 0 : i32
      %dma_start3A_242 = arith.constant 0 : i32
      %dma_start3A_243 = tpu.memref_slice %arg8[%run_scoped3A_137, %dma_start3A_241, %dma_start3A_242] : memref<8x128x32xf32, #tpu.memory_space<vmem>> -> memref<1x128x32xf32, #tpu.memory_space<vmem>>
      %dma_start3A_244 = tpu.memref_squeeze %dma_start3A_243 : memref<1x128x32xf32, #tpu.memory_space<vmem>> -> memref<128x32xf32, #tpu.memory_space<vmem>>
      %dma_start3A_245 = arith.constant 0 : i32
      %dma_start3A_246 = tpu.memref_slice %arg7[%run_scoped3A_138, %dma_start3A_245] : memref<79x128xi32, #tpu.memory_space<vmem>> -> memref<1x128xi32, #tpu.memory_space<vmem>>
      %dma_start3A_247 = tpu.memref_squeeze %dma_start3A_246 : memref<1x128xi32, #tpu.memory_space<vmem>> -> memref<128xi32, #tpu.memory_space<vmem>>
      %dma_start3A_248 = arith.constant 0 : i32
      %dma_start3A_249 = arith.constant 0 : i32
      %dma_start3A_250 = tpu.memref_slice %arg9[%dma_start3A_248, %dma_start3A_249] : memref<10240x32xf32, #tpu.memory_space<vmem_shared>> -> memref<10240x32xf32, #tpu.memory_space<vmem_shared>>
      tpu.enqueue_indirect_dma source(%dma_start3A_244 : memref<128x32xf32, #tpu.memory_space<vmem>>) target(%dma_start3A_250 : memref<10240x32xf32, #tpu.memory_space<vmem_shared>>) offsets(%dma_start3A_247 : memref<128xi32, #tpu.memory_space<vmem>>) semaphore(%run_scoped3A_240 : memref<!tpu.dma_semaphore, #tpu.memory_space<semaphore_mem>>) {add = true}
      %dma_wait3A_251 = arith.constant 0 : i32
      %dma_wait3A_252 = arith.constant 0 : i32
      %dma_wait3A_253 = tpu.memref_slice %arg8[%run_scoped3A_137, %dma_wait3A_251, %dma_wait3A_252] : memref<8x128x32xf32, #tpu.memory_space<vmem>> -> memref<1x128x32xf32, #tpu.memory_space<vmem>>
      %dma_wait3A_254 = tpu.memref_squeeze %dma_wait3A_253 : memref<1x128x32xf32, #tpu.memory_space<vmem>> -> memref<128x32xf32, #tpu.memory_space<vmem>>
      %dma_wait3A_255 = arith.constant 0 : i32
      %dma_wait3A_256 = tpu.memref_slice %arg7[%run_scoped3A_138, %dma_wait3A_255] : memref<79x128xi32, #tpu.memory_space<vmem>> -> memref<1x128xi32, #tpu.memory_space<vmem>>
      %dma_wait3A_257 = tpu.memref_squeeze %dma_wait3A_256 : memref<1x128xi32, #tpu.memory_space<vmem>> -> memref<128xi32, #tpu.memory_space<vmem>>
      %dma_wait3A_258 = arith.constant 0 : i32
      %dma_wait3A_259 = arith.constant 0 : i32
      %dma_wait3A_260 = tpu.memref_slice %arg9[%dma_wait3A_258, %dma_wait3A_259] : memref<10240x32xf32, #tpu.memory_space<vmem_shared>> -> memref<10240x32xf32, #tpu.memory_space<vmem_shared>>
      tpu.wait_indirect_dma semaphore(%run_scoped3A_240 : memref<!tpu.dma_semaphore, #tpu.memory_space<semaphore_mem>>) src(%dma_wait3A_254 : memref<128x32xf32, #tpu.memory_space<vmem>>) dst(%dma_wait3A_260 : memref<10240x32xf32, #tpu.memory_space<vmem_shared>>)
      tpu.yield
    }) : () -> ()
    %dma_wait3A_139 = arith.constant 74 : i32
    %dma_wait3A_140 = arith.constant 2 : i32
    %dma_wait3A_141 = arith.constant 0 : i32
    %dma_wait3A_142 = arith.constant 0 : i32
    %dma_wait3A_143 = tpu.memref_slice %arg8[%dma_wait3A_140, %dma_wait3A_141, %dma_wait3A_142] : memref<8x128x32xf32, #tpu.memory_space<vmem>> -> memref<1x128x32xf32, #tpu.memory_space<vmem>>
    %dma_wait3A_144 = tpu.memref_squeeze %dma_wait3A_143 : memref<1x128x32xf32, #tpu.memory_space<vmem>> -> memref<128x32xf32, #tpu.memory_space<vmem>>
    %dma_wait3A_145 = arith.constant 0 : i32
    %dma_wait3A_146 = tpu.memref_slice %arg6[%dma_wait3A_139, %dma_wait3A_145] : memref<79x128xi32, #tpu.memory_space<vmem>> -> memref<1x128xi32, #tpu.memory_space<vmem>>
    %dma_wait3A_147 = tpu.memref_squeeze %dma_wait3A_146 : memref<1x128xi32, #tpu.memory_space<vmem>> -> memref<128xi32, #tpu.memory_space<vmem>>
    %dma_wait3A_148 = arith.constant 0 : i32
    %dma_wait3A_149 = arith.constant 0 : i32
    %dma_wait3A_150 = tpu.memref_slice %arg2[%dma_wait3A_148, %dma_wait3A_149] : memref<10240x32xf32, #tpu.memory_space<hbm>> -> memref<10240x32xf32, #tpu.memory_space<hbm>>
    tpu.wait_indirect_dma semaphore(%arg12 : memref<!tpu.dma_semaphore, #tpu.memory_space<semaphore_mem>>) src(%dma_wait3A_150 : memref<10240x32xf32, #tpu.memory_space<hbm>>) dst(%dma_wait3A_144 : memref<128x32xf32, #tpu.memory_space<vmem>>)
    %run_scoped3A_151 = arith.constant 2 : i32
    %run_scoped3A_152 = arith.constant 74 : i32
    "tpu.region"() ({
      %run_scoped3A_240 = tpu.sem_alloc : memref<!tpu.dma_semaphore, #tpu.memory_space<semaphore_mem>>
      %dma_start3A_241 = arith.constant 0 : i32
      %dma_start3A_242 = arith.constant 0 : i32
      %dma_start3A_243 = tpu.memref_slice %arg8[%run_scoped3A_151, %dma_start3A_241, %dma_start3A_242] : memref<8x128x32xf32, #tpu.memory_space<vmem>> -> memref<1x128x32xf32, #tpu.memory_space<vmem>>
      %dma_start3A_244 = tpu.memref_squeeze %dma_start3A_243 : memref<1x128x32xf32, #tpu.memory_space<vmem>> -> memref<128x32xf32, #tpu.memory_space<vmem>>
      %dma_start3A_245 = arith.constant 0 : i32
      %dma_start3A_246 = tpu.memref_slice %arg7[%run_scoped3A_152, %dma_start3A_245] : memref<79x128xi32, #tpu.memory_space<vmem>> -> memref<1x128xi32, #tpu.memory_space<vmem>>
      %dma_start3A_247 = tpu.memref_squeeze %dma_start3A_246 : memref<1x128xi32, #tpu.memory_space<vmem>> -> memref<128xi32, #tpu.memory_space<vmem>>
      %dma_start3A_248 = arith.constant 0 : i32
      %dma_start3A_249 = arith.constant 0 : i32
      %dma_start3A_250 = tpu.memref_slice %arg9[%dma_start3A_248, %dma_start3A_249] : memref<10240x32xf32, #tpu.memory_space<vmem_shared>> -> memref<10240x32xf32, #tpu.memory_space<vmem_shared>>
      tpu.enqueue_indirect_dma source(%dma_start3A_244 : memref<128x32xf32, #tpu.memory_space<vmem>>) target(%dma_start3A_250 : memref<10240x32xf32, #tpu.memory_space<vmem_shared>>) offsets(%dma_start3A_247 : memref<128xi32, #tpu.memory_space<vmem>>) semaphore(%run_scoped3A_240 : memref<!tpu.dma_semaphore, #tpu.memory_space<semaphore_mem>>) {add = true}
      %dma_wait3A_251 = arith.constant 0 : i32
      %dma_wait3A_252 = arith.constant 0 : i32
      %dma_wait3A_253 = tpu.memref_slice %arg8[%run_scoped3A_151, %dma_wait3A_251, %dma_wait3A_252] : memref<8x128x32xf32, #tpu.memory_space<vmem>> -> memref<1x128x32xf32, #tpu.memory_space<vmem>>
      %dma_wait3A_254 = tpu.memref_squeeze %dma_wait3A_253 : memref<1x128x32xf32, #tpu.memory_space<vmem>> -> memref<128x32xf32, #tpu.memory_space<vmem>>
      %dma_wait3A_255 = arith.constant 0 : i32
      %dma_wait3A_256 = tpu.memref_slice %arg7[%run_scoped3A_152, %dma_wait3A_255] : memref<79x128xi32, #tpu.memory_space<vmem>> -> memref<1x128xi32, #tpu.memory_space<vmem>>
      %dma_wait3A_257 = tpu.memref_squeeze %dma_wait3A_256 : memref<1x128xi32, #tpu.memory_space<vmem>> -> memref<128xi32, #tpu.memory_space<vmem>>
      %dma_wait3A_258 = arith.constant 0 : i32
      %dma_wait3A_259 = arith.constant 0 : i32
      %dma_wait3A_260 = tpu.memref_slice %arg9[%dma_wait3A_258, %dma_wait3A_259] : memref<10240x32xf32, #tpu.memory_space<vmem_shared>> -> memref<10240x32xf32, #tpu.memory_space<vmem_shared>>
      tpu.wait_indirect_dma semaphore(%run_scoped3A_240 : memref<!tpu.dma_semaphore, #tpu.memory_space<semaphore_mem>>) src(%dma_wait3A_254 : memref<128x32xf32, #tpu.memory_space<vmem>>) dst(%dma_wait3A_260 : memref<10240x32xf32, #tpu.memory_space<vmem_shared>>)
      tpu.yield
    }) : () -> ()
    %dma_wait3A_153 = arith.constant 75 : i32
    %dma_wait3A_154 = arith.constant 3 : i32
    %dma_wait3A_155 = arith.constant 0 : i32
    %dma_wait3A_156 = arith.constant 0 : i32
    %dma_wait3A_157 = tpu.memref_slice %arg8[%dma_wait3A_154, %dma_wait3A_155, %dma_wait3A_156] : memref<8x128x32xf32, #tpu.memory_space<vmem>> -> memref<1x128x32xf32, #tpu.memory_space<vmem>>
    %dma_wait3A_158 = tpu.memref_squeeze %dma_wait3A_157 : memref<1x128x32xf32, #tpu.memory_space<vmem>> -> memref<128x32xf32, #tpu.memory_space<vmem>>
    %dma_wait3A_159 = arith.constant 0 : i32
    %dma_wait3A_160 = tpu.memref_slice %arg6[%dma_wait3A_153, %dma_wait3A_159] : memref<79x128xi32, #tpu.memory_space<vmem>> -> memref<1x128xi32, #tpu.memory_space<vmem>>
    %dma_wait3A_161 = tpu.memref_squeeze %dma_wait3A_160 : memref<1x128xi32, #tpu.memory_space<vmem>> -> memref<128xi32, #tpu.memory_space<vmem>>
    %dma_wait3A_162 = arith.constant 0 : i32
    %dma_wait3A_163 = arith.constant 0 : i32
    %dma_wait3A_164 = tpu.memref_slice %arg2[%dma_wait3A_162, %dma_wait3A_163] : memref<10240x32xf32, #tpu.memory_space<hbm>> -> memref<10240x32xf32, #tpu.memory_space<hbm>>
    tpu.wait_indirect_dma semaphore(%arg13 : memref<!tpu.dma_semaphore, #tpu.memory_space<semaphore_mem>>) src(%dma_wait3A_164 : memref<10240x32xf32, #tpu.memory_space<hbm>>) dst(%dma_wait3A_158 : memref<128x32xf32, #tpu.memory_space<vmem>>)
    %run_scoped3A_165 = arith.constant 3 : i32
    %run_scoped3A_166 = arith.constant 75 : i32
    "tpu.region"() ({
      %run_scoped3A_240 = tpu.sem_alloc : memref<!tpu.dma_semaphore, #tpu.memory_space<semaphore_mem>>
      %dma_start3A_241 = arith.constant 0 : i32
      %dma_start3A_242 = arith.constant 0 : i32
      %dma_start3A_243 = tpu.memref_slice %arg8[%run_scoped3A_165, %dma_start3A_241, %dma_start3A_242] : memref<8x128x32xf32, #tpu.memory_space<vmem>> -> memref<1x128x32xf32, #tpu.memory_space<vmem>>
      %dma_start3A_244 = tpu.memref_squeeze %dma_start3A_243 : memref<1x128x32xf32, #tpu.memory_space<vmem>> -> memref<128x32xf32, #tpu.memory_space<vmem>>
      %dma_start3A_245 = arith.constant 0 : i32
      %dma_start3A_246 = tpu.memref_slice %arg7[%run_scoped3A_166, %dma_start3A_245] : memref<79x128xi32, #tpu.memory_space<vmem>> -> memref<1x128xi32, #tpu.memory_space<vmem>>
      %dma_start3A_247 = tpu.memref_squeeze %dma_start3A_246 : memref<1x128xi32, #tpu.memory_space<vmem>> -> memref<128xi32, #tpu.memory_space<vmem>>
      %dma_start3A_248 = arith.constant 0 : i32
      %dma_start3A_249 = arith.constant 0 : i32
      %dma_start3A_250 = tpu.memref_slice %arg9[%dma_start3A_248, %dma_start3A_249] : memref<10240x32xf32, #tpu.memory_space<vmem_shared>> -> memref<10240x32xf32, #tpu.memory_space<vmem_shared>>
      tpu.enqueue_indirect_dma source(%dma_start3A_244 : memref<128x32xf32, #tpu.memory_space<vmem>>) target(%dma_start3A_250 : memref<10240x32xf32, #tpu.memory_space<vmem_shared>>) offsets(%dma_start3A_247 : memref<128xi32, #tpu.memory_space<vmem>>) semaphore(%run_scoped3A_240 : memref<!tpu.dma_semaphore, #tpu.memory_space<semaphore_mem>>) {add = true}
      %dma_wait3A_251 = arith.constant 0 : i32
      %dma_wait3A_252 = arith.constant 0 : i32
      %dma_wait3A_253 = tpu.memref_slice %arg8[%run_scoped3A_165, %dma_wait3A_251, %dma_wait3A_252] : memref<8x128x32xf32, #tpu.memory_space<vmem>> -> memref<1x128x32xf32, #tpu.memory_space<vmem>>
      %dma_wait3A_254 = tpu.memref_squeeze %dma_wait3A_253 : memref<1x128x32xf32, #tpu.memory_space<vmem>> -> memref<128x32xf32, #tpu.memory_space<vmem>>
      %dma_wait3A_255 = arith.constant 0 : i32
      %dma_wait3A_256 = tpu.memref_slice %arg7[%run_scoped3A_166, %dma_wait3A_255] : memref<79x128xi32, #tpu.memory_space<vmem>> -> memref<1x128xi32, #tpu.memory_space<vmem>>
      %dma_wait3A_257 = tpu.memref_squeeze %dma_wait3A_256 : memref<1x128xi32, #tpu.memory_space<vmem>> -> memref<128xi32, #tpu.memory_space<vmem>>
      %dma_wait3A_258 = arith.constant 0 : i32
      %dma_wait3A_259 = arith.constant 0 : i32
      %dma_wait3A_260 = tpu.memref_slice %arg9[%dma_wait3A_258, %dma_wait3A_259] : memref<10240x32xf32, #tpu.memory_space<vmem_shared>> -> memref<10240x32xf32, #tpu.memory_space<vmem_shared>>
      tpu.wait_indirect_dma semaphore(%run_scoped3A_240 : memref<!tpu.dma_semaphore, #tpu.memory_space<semaphore_mem>>) src(%dma_wait3A_254 : memref<128x32xf32, #tpu.memory_space<vmem>>) dst(%dma_wait3A_260 : memref<10240x32xf32, #tpu.memory_space<vmem_shared>>)
      tpu.yield
    }) : () -> ()
    %dma_wait3A_167 = arith.constant 76 : i32
    %dma_wait3A_168 = arith.constant 4 : i32
    %dma_wait3A_169 = arith.constant 0 : i32
    %dma_wait3A_170 = arith.constant 0 : i32
    %dma_wait3A_171 = tpu.memref_slice %arg8[%dma_wait3A_168, %dma_wait3A_169, %dma_wait3A_170] : memref<8x128x32xf32, #tpu.memory_space<vmem>> -> memref<1x128x32xf32, #tpu.memory_space<vmem>>
    %dma_wait3A_172 = tpu.memref_squeeze %dma_wait3A_171 : memref<1x128x32xf32, #tpu.memory_space<vmem>> -> memref<128x32xf32, #tpu.memory_space<vmem>>
    %dma_wait3A_173 = arith.constant 0 : i32
    %dma_wait3A_174 = tpu.memref_slice %arg6[%dma_wait3A_167, %dma_wait3A_173] : memref<79x128xi32, #tpu.memory_space<vmem>> -> memref<1x128xi32, #tpu.memory_space<vmem>>
    %dma_wait3A_175 = tpu.memref_squeeze %dma_wait3A_174 : memref<1x128xi32, #tpu.memory_space<vmem>> -> memref<128xi32, #tpu.memory_space<vmem>>
    %dma_wait3A_176 = arith.constant 0 : i32
    %dma_wait3A_177 = arith.constant 0 : i32
    %dma_wait3A_178 = tpu.memref_slice %arg2[%dma_wait3A_176, %dma_wait3A_177] : memref<10240x32xf32, #tpu.memory_space<hbm>> -> memref<10240x32xf32, #tpu.memory_space<hbm>>
    tpu.wait_indirect_dma semaphore(%arg14 : memref<!tpu.dma_semaphore, #tpu.memory_space<semaphore_mem>>) src(%dma_wait3A_178 : memref<10240x32xf32, #tpu.memory_space<hbm>>) dst(%dma_wait3A_172 : memref<128x32xf32, #tpu.memory_space<vmem>>)
    %run_scoped3A_179 = arith.constant 4 : i32
    %run_scoped3A_180 = arith.constant 76 : i32
    "tpu.region"() ({
      %run_scoped3A_240 = tpu.sem_alloc : memref<!tpu.dma_semaphore, #tpu.memory_space<semaphore_mem>>
      %dma_start3A_241 = arith.constant 0 : i32
      %dma_start3A_242 = arith.constant 0 : i32
      %dma_start3A_243 = tpu.memref_slice %arg8[%run_scoped3A_179, %dma_start3A_241, %dma_start3A_242] : memref<8x128x32xf32, #tpu.memory_space<vmem>> -> memref<1x128x32xf32, #tpu.memory_space<vmem>>
      %dma_start3A_244 = tpu.memref_squeeze %dma_start3A_243 : memref<1x128x32xf32, #tpu.memory_space<vmem>> -> memref<128x32xf32, #tpu.memory_space<vmem>>
      %dma_start3A_245 = arith.constant 0 : i32
      %dma_start3A_246 = tpu.memref_slice %arg7[%run_scoped3A_180, %dma_start3A_245] : memref<79x128xi32, #tpu.memory_space<vmem>> -> memref<1x128xi32, #tpu.memory_space<vmem>>
      %dma_start3A_247 = tpu.memref_squeeze %dma_start3A_246 : memref<1x128xi32, #tpu.memory_space<vmem>> -> memref<128xi32, #tpu.memory_space<vmem>>
      %dma_start3A_248 = arith.constant 0 : i32
      %dma_start3A_249 = arith.constant 0 : i32
      %dma_start3A_250 = tpu.memref_slice %arg9[%dma_start3A_248, %dma_start3A_249] : memref<10240x32xf32, #tpu.memory_space<vmem_shared>> -> memref<10240x32xf32, #tpu.memory_space<vmem_shared>>
      tpu.enqueue_indirect_dma source(%dma_start3A_244 : memref<128x32xf32, #tpu.memory_space<vmem>>) target(%dma_start3A_250 : memref<10240x32xf32, #tpu.memory_space<vmem_shared>>) offsets(%dma_start3A_247 : memref<128xi32, #tpu.memory_space<vmem>>) semaphore(%run_scoped3A_240 : memref<!tpu.dma_semaphore, #tpu.memory_space<semaphore_mem>>) {add = true}
      %dma_wait3A_251 = arith.constant 0 : i32
      %dma_wait3A_252 = arith.constant 0 : i32
      %dma_wait3A_253 = tpu.memref_slice %arg8[%run_scoped3A_179, %dma_wait3A_251, %dma_wait3A_252] : memref<8x128x32xf32, #tpu.memory_space<vmem>> -> memref<1x128x32xf32, #tpu.memory_space<vmem>>
      %dma_wait3A_254 = tpu.memref_squeeze %dma_wait3A_253 : memref<1x128x32xf32, #tpu.memory_space<vmem>> -> memref<128x32xf32, #tpu.memory_space<vmem>>
      %dma_wait3A_255 = arith.constant 0 : i32
      %dma_wait3A_256 = tpu.memref_slice %arg7[%run_scoped3A_180, %dma_wait3A_255] : memref<79x128xi32, #tpu.memory_space<vmem>> -> memref<1x128xi32, #tpu.memory_space<vmem>>
      %dma_wait3A_257 = tpu.memref_squeeze %dma_wait3A_256 : memref<1x128xi32, #tpu.memory_space<vmem>> -> memref<128xi32, #tpu.memory_space<vmem>>
      %dma_wait3A_258 = arith.constant 0 : i32
      %dma_wait3A_259 = arith.constant 0 : i32
      %dma_wait3A_260 = tpu.memref_slice %arg9[%dma_wait3A_258, %dma_wait3A_259] : memref<10240x32xf32, #tpu.memory_space<vmem_shared>> -> memref<10240x32xf32, #tpu.memory_space<vmem_shared>>
      tpu.wait_indirect_dma semaphore(%run_scoped3A_240 : memref<!tpu.dma_semaphore, #tpu.memory_space<semaphore_mem>>) src(%dma_wait3A_254 : memref<128x32xf32, #tpu.memory_space<vmem>>) dst(%dma_wait3A_260 : memref<10240x32xf32, #tpu.memory_space<vmem_shared>>)
      tpu.yield
    }) : () -> ()
    %dma_wait3A_181 = arith.constant 77 : i32
    %dma_wait3A_182 = arith.constant 5 : i32
    %dma_wait3A_183 = arith.constant 0 : i32
    %dma_wait3A_184 = arith.constant 0 : i32
    %dma_wait3A_185 = tpu.memref_slice %arg8[%dma_wait3A_182, %dma_wait3A_183, %dma_wait3A_184] : memref<8x128x32xf32, #tpu.memory_space<vmem>> -> memref<1x128x32xf32, #tpu.memory_space<vmem>>
    %dma_wait3A_186 = tpu.memref_squeeze %dma_wait3A_185 : memref<1x128x32xf32, #tpu.memory_space<vmem>> -> memref<128x32xf32, #tpu.memory_space<vmem>>
    %dma_wait3A_187 = arith.constant 0 : i32
    %dma_wait3A_188 = tpu.memref_slice %arg6[%dma_wait3A_181, %dma_wait3A_187] : memref<79x128xi32, #tpu.memory_space<vmem>> -> memref<1x128xi32, #tpu.memory_space<vmem>>
    %dma_wait3A_189 = tpu.memref_squeeze %dma_wait3A_188 : memref<1x128xi32, #tpu.memory_space<vmem>> -> memref<128xi32, #tpu.memory_space<vmem>>
    %dma_wait3A_190 = arith.constant 0 : i32
    %dma_wait3A_191 = arith.constant 0 : i32
    %dma_wait3A_192 = tpu.memref_slice %arg2[%dma_wait3A_190, %dma_wait3A_191] : memref<10240x32xf32, #tpu.memory_space<hbm>> -> memref<10240x32xf32, #tpu.memory_space<hbm>>
    tpu.wait_indirect_dma semaphore(%arg15 : memref<!tpu.dma_semaphore, #tpu.memory_space<semaphore_mem>>) src(%dma_wait3A_192 : memref<10240x32xf32, #tpu.memory_space<hbm>>) dst(%dma_wait3A_186 : memref<128x32xf32, #tpu.memory_space<vmem>>)
    %run_scoped3A_193 = arith.constant 5 : i32
    %run_scoped3A_194 = arith.constant 77 : i32
    "tpu.region"() ({
      %run_scoped3A_240 = tpu.sem_alloc : memref<!tpu.dma_semaphore, #tpu.memory_space<semaphore_mem>>
      %dma_start3A_241 = arith.constant 0 : i32
      %dma_start3A_242 = arith.constant 0 : i32
      %dma_start3A_243 = tpu.memref_slice %arg8[%run_scoped3A_193, %dma_start3A_241, %dma_start3A_242] : memref<8x128x32xf32, #tpu.memory_space<vmem>> -> memref<1x128x32xf32, #tpu.memory_space<vmem>>
      %dma_start3A_244 = tpu.memref_squeeze %dma_start3A_243 : memref<1x128x32xf32, #tpu.memory_space<vmem>> -> memref<128x32xf32, #tpu.memory_space<vmem>>
      %dma_start3A_245 = arith.constant 0 : i32
      %dma_start3A_246 = tpu.memref_slice %arg7[%run_scoped3A_194, %dma_start3A_245] : memref<79x128xi32, #tpu.memory_space<vmem>> -> memref<1x128xi32, #tpu.memory_space<vmem>>
      %dma_start3A_247 = tpu.memref_squeeze %dma_start3A_246 : memref<1x128xi32, #tpu.memory_space<vmem>> -> memref<128xi32, #tpu.memory_space<vmem>>
      %dma_start3A_248 = arith.constant 0 : i32
      %dma_start3A_249 = arith.constant 0 : i32
      %dma_start3A_250 = tpu.memref_slice %arg9[%dma_start3A_248, %dma_start3A_249] : memref<10240x32xf32, #tpu.memory_space<vmem_shared>> -> memref<10240x32xf32, #tpu.memory_space<vmem_shared>>
      tpu.enqueue_indirect_dma source(%dma_start3A_244 : memref<128x32xf32, #tpu.memory_space<vmem>>) target(%dma_start3A_250 : memref<10240x32xf32, #tpu.memory_space<vmem_shared>>) offsets(%dma_start3A_247 : memref<128xi32, #tpu.memory_space<vmem>>) semaphore(%run_scoped3A_240 : memref<!tpu.dma_semaphore, #tpu.memory_space<semaphore_mem>>) {add = true}
      %dma_wait3A_251 = arith.constant 0 : i32
      %dma_wait3A_252 = arith.constant 0 : i32
      %dma_wait3A_253 = tpu.memref_slice %arg8[%run_scoped3A_193, %dma_wait3A_251, %dma_wait3A_252] : memref<8x128x32xf32, #tpu.memory_space<vmem>> -> memref<1x128x32xf32, #tpu.memory_space<vmem>>
      %dma_wait3A_254 = tpu.memref_squeeze %dma_wait3A_253 : memref<1x128x32xf32, #tpu.memory_space<vmem>> -> memref<128x32xf32, #tpu.memory_space<vmem>>
      %dma_wait3A_255 = arith.constant 0 : i32
      %dma_wait3A_256 = tpu.memref_slice %arg7[%run_scoped3A_194, %dma_wait3A_255] : memref<79x128xi32, #tpu.memory_space<vmem>> -> memref<1x128xi32, #tpu.memory_space<vmem>>
      %dma_wait3A_257 = tpu.memref_squeeze %dma_wait3A_256 : memref<1x128xi32, #tpu.memory_space<vmem>> -> memref<128xi32, #tpu.memory_space<vmem>>
      %dma_wait3A_258 = arith.constant 0 : i32
      %dma_wait3A_259 = arith.constant 0 : i32
      %dma_wait3A_260 = tpu.memref_slice %arg9[%dma_wait3A_258, %dma_wait3A_259] : memref<10240x32xf32, #tpu.memory_space<vmem_shared>> -> memref<10240x32xf32, #tpu.memory_space<vmem_shared>>
      tpu.wait_indirect_dma semaphore(%run_scoped3A_240 : memref<!tpu.dma_semaphore, #tpu.memory_space<semaphore_mem>>) src(%dma_wait3A_254 : memref<128x32xf32, #tpu.memory_space<vmem>>) dst(%dma_wait3A_260 : memref<10240x32xf32, #tpu.memory_space<vmem_shared>>)
      tpu.yield
    }) : () -> ()
    %dma_wait3A_195 = arith.constant 78 : i32
    %dma_wait3A_196 = arith.constant 6 : i32
    %dma_wait3A_197 = arith.constant 0 : i32
    %dma_wait3A_198 = arith.constant 0 : i32
    %dma_wait3A_199 = tpu.memref_slice %arg8[%dma_wait3A_196, %dma_wait3A_197, %dma_wait3A_198] : memref<8x128x32xf32, #tpu.memory_space<vmem>> -> memref<1x128x32xf32, #tpu.memory_space<vmem>>
    %dma_wait3A_200 = tpu.memref_squeeze %dma_wait3A_199 : memref<1x128x32xf32, #tpu.memory_space<vmem>> -> memref<128x32xf32, #tpu.memory_space<vmem>>
    %dma_wait3A_201 = arith.constant 0 : i32
    %dma_wait3A_202 = tpu.memref_slice %arg6[%dma_wait3A_195, %dma_wait3A_201] : memref<79x128xi32, #tpu.memory_space<vmem>> -> memref<1x128xi32, #tpu.memory_space<vmem>>
    %dma_wait3A_203 = tpu.memref_squeeze %dma_wait3A_202 : memref<1x128xi32, #tpu.memory_space<vmem>> -> memref<128xi32, #tpu.memory_space<vmem>>
    %dma_wait3A_204 = arith.constant 0 : i32
    %dma_wait3A_205 = arith.constant 0 : i32
    %dma_wait3A_206 = tpu.memref_slice %arg2[%dma_wait3A_204, %dma_wait3A_205] : memref<10240x32xf32, #tpu.memory_space<hbm>> -> memref<10240x32xf32, #tpu.memory_space<hbm>>
    tpu.wait_indirect_dma semaphore(%arg16 : memref<!tpu.dma_semaphore, #tpu.memory_space<semaphore_mem>>) src(%dma_wait3A_206 : memref<10240x32xf32, #tpu.memory_space<hbm>>) dst(%dma_wait3A_200 : memref<128x32xf32, #tpu.memory_space<vmem>>)
    %run_scoped3A_207 = arith.constant 6 : i32
    %run_scoped3A_208 = arith.constant 78 : i32
    "tpu.region"() ({
      %run_scoped3A_240 = tpu.sem_alloc : memref<!tpu.dma_semaphore, #tpu.memory_space<semaphore_mem>>
      %dma_start3A_241 = arith.constant 0 : i32
      %dma_start3A_242 = arith.constant 0 : i32
      %dma_start3A_243 = tpu.memref_slice %arg8[%run_scoped3A_207, %dma_start3A_241, %dma_start3A_242] : memref<8x128x32xf32, #tpu.memory_space<vmem>> -> memref<1x128x32xf32, #tpu.memory_space<vmem>>
      %dma_start3A_244 = tpu.memref_squeeze %dma_start3A_243 : memref<1x128x32xf32, #tpu.memory_space<vmem>> -> memref<128x32xf32, #tpu.memory_space<vmem>>
      %dma_start3A_245 = arith.constant 0 : i32
      %dma_start3A_246 = tpu.memref_slice %arg7[%run_scoped3A_208, %dma_start3A_245] : memref<79x128xi32, #tpu.memory_space<vmem>> -> memref<1x128xi32, #tpu.memory_space<vmem>>
      %dma_start3A_247 = tpu.memref_squeeze %dma_start3A_246 : memref<1x128xi32, #tpu.memory_space<vmem>> -> memref<128xi32, #tpu.memory_space<vmem>>
      %dma_start3A_248 = arith.constant 0 : i32
      %dma_start3A_249 = arith.constant 0 : i32
      %dma_start3A_250 = tpu.memref_slice %arg9[%dma_start3A_248, %dma_start3A_249] : memref<10240x32xf32, #tpu.memory_space<vmem_shared>> -> memref<10240x32xf32, #tpu.memory_space<vmem_shared>>
      tpu.enqueue_indirect_dma source(%dma_start3A_244 : memref<128x32xf32, #tpu.memory_space<vmem>>) target(%dma_start3A_250 : memref<10240x32xf32, #tpu.memory_space<vmem_shared>>) offsets(%dma_start3A_247 : memref<128xi32, #tpu.memory_space<vmem>>) semaphore(%run_scoped3A_240 : memref<!tpu.dma_semaphore, #tpu.memory_space<semaphore_mem>>) {add = true}
      %dma_wait3A_251 = arith.constant 0 : i32
      %dma_wait3A_252 = arith.constant 0 : i32
      %dma_wait3A_253 = tpu.memref_slice %arg8[%run_scoped3A_207, %dma_wait3A_251, %dma_wait3A_252] : memref<8x128x32xf32, #tpu.memory_space<vmem>> -> memref<1x128x32xf32, #tpu.memory_space<vmem>>
      %dma_wait3A_254 = tpu.memref_squeeze %dma_wait3A_253 : memref<1x128x32xf32, #tpu.memory_space<vmem>> -> memref<128x32xf32, #tpu.memory_space<vmem>>
      %dma_wait3A_255 = arith.constant 0 : i32
      %dma_wait3A_256 = tpu.memref_slice %arg7[%run_scoped3A_208, %dma_wait3A_255] : memref<79x128xi32, #tpu.memory_space<vmem>> -> memref<1x128xi32, #tpu.memory_space<vmem>>
      %dma_wait3A_257 = tpu.memref_squeeze %dma_wait3A_256 : memref<1x128xi32, #tpu.memory_space<vmem>> -> memref<128xi32, #tpu.memory_space<vmem>>
      %dma_wait3A_258 = arith.constant 0 : i32
      %dma_wait3A_259 = arith.constant 0 : i32
      %dma_wait3A_260 = tpu.memref_slice %arg9[%dma_wait3A_258, %dma_wait3A_259] : memref<10240x32xf32, #tpu.memory_space<vmem_shared>> -> memref<10240x32xf32, #tpu.memory_space<vmem_shared>>
      tpu.wait_indirect_dma semaphore(%run_scoped3A_240 : memref<!tpu.dma_semaphore, #tpu.memory_space<semaphore_mem>>) src(%dma_wait3A_254 : memref<128x32xf32, #tpu.memory_space<vmem>>) dst(%dma_wait3A_260 : memref<10240x32xf32, #tpu.memory_space<vmem_shared>>)
      tpu.yield
    }) : () -> ()
    %barrier3A_209 = arith.constant 0 : index
    tpu.barrier barrier_id(%barrier3A_209)
    %add3A_210 = arith.constant 0 : i32
    %add3A_211 = arith.addi %mul3A_8, %add3A_210 : i32
    %run_scoped3A_212 = arith.constant 0 : i32
    "tpu.region"() ({
      %run_scoped3A_240 = tpu.sem_alloc : memref<!tpu.dma_semaphore, #tpu.memory_space<semaphore_mem>>
      %dma_start3A_241 = arith.constant 0 : i32
      %dma_start3A_242 = arith.constant 0 : i32
      %dma_start3A_243 = tpu.memref_slice %arg8[%run_scoped3A_212, %dma_start3A_241, %dma_start3A_242] : memref<8x128x32xf32, #tpu.memory_space<vmem>> -> memref<1x128x32xf32, #tpu.memory_space<vmem>>
      %dma_start3A_244 = tpu.memref_squeeze %dma_start3A_243 : memref<1x128x32xf32, #tpu.memory_space<vmem>> -> memref<128x32xf32, #tpu.memory_space<vmem>>
      %dma_start3A_245 = arith.constant 0 : i32
      %dma_start3A_246 = tpu.memref_slice %arg9[%add3A_211, %dma_start3A_245] : memref<10240x32xf32, #tpu.memory_space<vmem_shared>> -> memref<128x32xf32, #tpu.memory_space<vmem_shared>>
      %dma_start3A_247 = arith.constant 0 : i32
      %dma_start3A_248 = arith.constant 0 : i32
      %dma_start3A_249 = tpu.memref_slice %arg8[%run_scoped3A_212, %dma_start3A_247, %dma_start3A_248] : memref<8x128x32xf32, #tpu.memory_space<vmem>> -> memref<1x128x32xf32, #tpu.memory_space<vmem>>
      %dma_start3A_250 = tpu.memref_squeeze %dma_start3A_249 : memref<1x128x32xf32, #tpu.memory_space<vmem>> -> memref<128x32xf32, #tpu.memory_space<vmem>>
      %dma_start3A_251 = arith.constant 0 : i32
      %dma_start3A_252 = tpu.memref_slice %arg9[%add3A_211, %dma_start3A_251] : memref<10240x32xf32, #tpu.memory_space<vmem_shared>> -> memref<128x32xf32, #tpu.memory_space<vmem_shared>>
      tpu.enqueue_dma source(%dma_start3A_252 : memref<128x32xf32, #tpu.memory_space<vmem_shared>>) target(%dma_start3A_250 : memref<128x32xf32, #tpu.memory_space<vmem>>) target_semaphore(%run_scoped3A_240 : memref<!tpu.dma_semaphore, #tpu.memory_space<semaphore_mem>>)
      %dma_wait3A_253 = arith.constant 0 : i32
      %dma_wait3A_254 = arith.constant 0 : i32
      %dma_wait3A_255 = tpu.memref_slice %arg8[%run_scoped3A_212, %dma_wait3A_253, %dma_wait3A_254] : memref<8x128x32xf32, #tpu.memory_space<vmem>> -> memref<1x128x32xf32, #tpu.memory_space<vmem>>
      %dma_wait3A_256 = tpu.memref_squeeze %dma_wait3A_255 : memref<1x128x32xf32, #tpu.memory_space<vmem>> -> memref<128x32xf32, #tpu.memory_space<vmem>>
      %dma_wait3A_257 = arith.constant 0 : i32
      %dma_wait3A_258 = tpu.memref_slice %arg9[%add3A_211, %dma_wait3A_257] : memref<10240x32xf32, #tpu.memory_space<vmem_shared>> -> memref<128x32xf32, #tpu.memory_space<vmem_shared>>
      %dma_wait3A_259 = arith.constant 0 : i32
      %dma_wait3A_260 = arith.constant 0 : i32
      %dma_wait3A_261 = tpu.memref_slice %arg8[%run_scoped3A_212, %dma_wait3A_259, %dma_wait3A_260] : memref<8x128x32xf32, #tpu.memory_space<vmem>> -> memref<1x128x32xf32, #tpu.memory_space<vmem>>
      %dma_wait3A_262 = tpu.memref_squeeze %dma_wait3A_261 : memref<1x128x32xf32, #tpu.memory_space<vmem>> -> memref<128x32xf32, #tpu.memory_space<vmem>>
      %dma_wait3A_263 = arith.constant 0 : i32
      %dma_wait3A_264 = tpu.memref_slice %arg9[%add3A_211, %dma_wait3A_263] : memref<10240x32xf32, #tpu.memory_space<vmem_shared>> -> memref<128x32xf32, #tpu.memory_space<vmem_shared>>
      tpu.wait_dma2 semaphore(%run_scoped3A_240 : memref<!tpu.dma_semaphore, #tpu.memory_space<semaphore_mem>>) src(%dma_wait3A_264 : memref<128x32xf32, #tpu.memory_space<vmem_shared>>) dst(%dma_wait3A_262 : memref<128x32xf32, #tpu.memory_space<vmem>>)
      tpu.yield
    }) : () -> ()
    %mul3A_213 = arith.constant 32 : i32
    %mul3A_214 = arith.muli %arg0, %mul3A_213 : i32
    %run_scoped3A_215 = arith.constant 0 : i32
    "tpu.region"() ({
      %run_scoped3A_240 = tpu.sem_alloc : memref<!tpu.dma_semaphore, #tpu.memory_space<semaphore_mem>>
      %dma_start3A_241 = arith.constant 0 : i32
      %dma_start3A_242 = arith.constant 0 : i32
      %dma_start3A_243 = tpu.memref_slice %arg8[%run_scoped3A_215, %dma_start3A_241, %dma_start3A_242] : memref<8x128x32xf32, #tpu.memory_space<vmem>> -> memref<1x128x32xf32, #tpu.memory_space<vmem>>
      %dma_start3A_244 = tpu.memref_squeeze %dma_start3A_243 : memref<1x128x32xf32, #tpu.memory_space<vmem>> -> memref<128x32xf32, #tpu.memory_space<vmem>>
      %dma_start3A_245 = tpu.memref_slice %arg5[%add3A_211, %mul3A_214] : memref<10240x128xf32, #tpu.memory_space<hbm>> -> memref<128x32xf32, #tpu.memory_space<hbm>>
      %dma_start3A_246 = tpu.memref_slice %arg5[%add3A_211, %mul3A_214] : memref<10240x128xf32, #tpu.memory_space<hbm>> -> memref<128x32xf32, #tpu.memory_space<hbm>>
      %dma_start3A_247 = arith.constant 0 : i32
      %dma_start3A_248 = arith.constant 0 : i32
      %dma_start3A_249 = tpu.memref_slice %arg8[%run_scoped3A_215, %dma_start3A_247, %dma_start3A_248] : memref<8x128x32xf32, #tpu.memory_space<vmem>> -> memref<1x128x32xf32, #tpu.memory_space<vmem>>
      %dma_start3A_250 = tpu.memref_squeeze %dma_start3A_249 : memref<1x128x32xf32, #tpu.memory_space<vmem>> -> memref<128x32xf32, #tpu.memory_space<vmem>>
      tpu.enqueue_dma source(%dma_start3A_250 : memref<128x32xf32, #tpu.memory_space<vmem>>) target(%dma_start3A_246 : memref<128x32xf32, #tpu.memory_space<hbm>>) target_semaphore(%run_scoped3A_240 : memref<!tpu.dma_semaphore, #tpu.memory_space<semaphore_mem>>)
      %dma_wait3A_251 = arith.constant 0 : i32
      %dma_wait3A_252 = arith.constant 0 : i32
      %dma_wait3A_253 = tpu.memref_slice %arg8[%run_scoped3A_215, %dma_wait3A_251, %dma_wait3A_252] : memref<8x128x32xf32, #tpu.memory_space<vmem>> -> memref<1x128x32xf32, #tpu.memory_space<vmem>>
      %dma_wait3A_254 = tpu.memref_squeeze %dma_wait3A_253 : memref<1x128x32xf32, #tpu.memory_space<vmem>> -> memref<128x32xf32, #tpu.memory_space<vmem>>
      %dma_wait3A_255 = tpu.memref_slice %arg5[%add3A_211, %mul3A_214] : memref<10240x128xf32, #tpu.memory_space<hbm>> -> memref<128x32xf32, #tpu.memory_space<hbm>>
      %dma_wait3A_256 = tpu.memref_slice %arg5[%add3A_211, %mul3A_214] : memref<10240x128xf32, #tpu.memory_space<hbm>> -> memref<128x32xf32, #tpu.memory_space<hbm>>
      %dma_wait3A_257 = arith.constant 0 : i32
      %dma_wait3A_258 = arith.constant 0 : i32
      %dma_wait3A_259 = tpu.memref_slice %arg8[%run_scoped3A_215, %dma_wait3A_257, %dma_wait3A_258] : memref<8x128x32xf32, #tpu.memory_space<vmem>> -> memref<1x128x32xf32, #tpu.memory_space<vmem>>
      %dma_wait3A_260 = tpu.memref_squeeze %dma_wait3A_259 : memref<1x128x32xf32, #tpu.memory_space<vmem>> -> memref<128x32xf32, #tpu.memory_space<vmem>>
      tpu.wait_dma2 semaphore(%run_scoped3A_240 : memref<!tpu.dma_semaphore, #tpu.memory_space<semaphore_mem>>) src(%dma_wait3A_260 : memref<128x32xf32, #tpu.memory_space<vmem>>) dst(%dma_wait3A_256 : memref<128x32xf32, #tpu.memory_space<hbm>>)
      tpu.yield
    }) : () -> ()
    %add3A_216 = arith.constant 128 : i32
    %add3A_217 = arith.addi %mul3A_8, %add3A_216 : i32
    %run_scoped3A_218 = arith.constant 0 : i32
    "tpu.region"() ({
      %run_scoped3A_240 = tpu.sem_alloc : memref<!tpu.dma_semaphore, #tpu.memory_space<semaphore_mem>>
      %dma_start3A_241 = arith.constant 0 : i32
      %dma_start3A_242 = arith.constant 0 : i32
      %dma_start3A_243 = tpu.memref_slice %arg8[%run_scoped3A_218, %dma_start3A_241, %dma_start3A_242] : memref<8x128x32xf32, #tpu.memory_space<vmem>> -> memref<1x128x32xf32, #tpu.memory_space<vmem>>
      %dma_start3A_244 = tpu.memref_squeeze %dma_start3A_243 : memref<1x128x32xf32, #tpu.memory_space<vmem>> -> memref<128x32xf32, #tpu.memory_space<vmem>>
      %dma_start3A_245 = arith.constant 0 : i32
      %dma_start3A_246 = tpu.memref_slice %arg9[%add3A_217, %dma_start3A_245] : memref<10240x32xf32, #tpu.memory_space<vmem_shared>> -> memref<128x32xf32, #tpu.memory_space<vmem_shared>>
      %dma_start3A_247 = arith.constant 0 : i32
      %dma_start3A_248 = arith.constant 0 : i32
      %dma_start3A_249 = tpu.memref_slice %arg8[%run_scoped3A_218, %dma_start3A_247, %dma_start3A_248] : memref<8x128x32xf32, #tpu.memory_space<vmem>> -> memref<1x128x32xf32, #tpu.memory_space<vmem>>
      %dma_start3A_250 = tpu.memref_squeeze %dma_start3A_249 : memref<1x128x32xf32, #tpu.memory_space<vmem>> -> memref<128x32xf32, #tpu.memory_space<vmem>>
      %dma_start3A_251 = arith.constant 0 : i32
      %dma_start3A_252 = tpu.memref_slice %arg9[%add3A_217, %dma_start3A_251] : memref<10240x32xf32, #tpu.memory_space<vmem_shared>> -> memref<128x32xf32, #tpu.memory_space<vmem_shared>>
      tpu.enqueue_dma source(%dma_start3A_252 : memref<128x32xf32, #tpu.memory_space<vmem_shared>>) target(%dma_start3A_250 : memref<128x32xf32, #tpu.memory_space<vmem>>) target_semaphore(%run_scoped3A_240 : memref<!tpu.dma_semaphore, #tpu.memory_space<semaphore_mem>>)
      %dma_wait3A_253 = arith.constant 0 : i32
      %dma_wait3A_254 = arith.constant 0 : i32
      %dma_wait3A_255 = tpu.memref_slice %arg8[%run_scoped3A_218, %dma_wait3A_253, %dma_wait3A_254] : memref<8x128x32xf32, #tpu.memory_space<vmem>> -> memref<1x128x32xf32, #tpu.memory_space<vmem>>
      %dma_wait3A_256 = tpu.memref_squeeze %dma_wait3A_255 : memref<1x128x32xf32, #tpu.memory_space<vmem>> -> memref<128x32xf32, #tpu.memory_space<vmem>>
      %dma_wait3A_257 = arith.constant 0 : i32
      %dma_wait3A_258 = tpu.memref_slice %arg9[%add3A_217, %dma_wait3A_257] : memref<10240x32xf32, #tpu.memory_space<vmem_shared>> -> memref<128x32xf32, #tpu.memory_space<vmem_shared>>
      %dma_wait3A_259 = arith.constant 0 : i32
      %dma_wait3A_260 = arith.constant 0 : i32
      %dma_wait3A_261 = tpu.memref_slice %arg8[%run_scoped3A_218, %dma_wait3A_259, %dma_wait3A_260] : memref<8x128x32xf32, #tpu.memory_space<vmem>> -> memref<1x128x32xf32, #tpu.memory_space<vmem>>
      %dma_wait3A_262 = tpu.memref_squeeze %dma_wait3A_261 : memref<1x128x32xf32, #tpu.memory_space<vmem>> -> memref<128x32xf32, #tpu.memory_space<vmem>>
      %dma_wait3A_263 = arith.constant 0 : i32
      %dma_wait3A_264 = tpu.memref_slice %arg9[%add3A_217, %dma_wait3A_263] : memref<10240x32xf32, #tpu.memory_space<vmem_shared>> -> memref<128x32xf32, #tpu.memory_space<vmem_shared>>
      tpu.wait_dma2 semaphore(%run_scoped3A_240 : memref<!tpu.dma_semaphore, #tpu.memory_space<semaphore_mem>>) src(%dma_wait3A_264 : memref<128x32xf32, #tpu.memory_space<vmem_shared>>) dst(%dma_wait3A_262 : memref<128x32xf32, #tpu.memory_space<vmem>>)
      tpu.yield
    }) : () -> ()
    %mul3A_219 = arith.constant 32 : i32
    %mul3A_220 = arith.muli %arg0, %mul3A_219 : i32
    %run_scoped3A_221 = arith.constant 0 : i32
    "tpu.region"() ({
      %run_scoped3A_240 = tpu.sem_alloc : memref<!tpu.dma_semaphore, #tpu.memory_space<semaphore_mem>>
      %dma_start3A_241 = arith.constant 0 : i32
      %dma_start3A_242 = arith.constant 0 : i32
      %dma_start3A_243 = tpu.memref_slice %arg8[%run_scoped3A_221, %dma_start3A_241, %dma_start3A_242] : memref<8x128x32xf32, #tpu.memory_space<vmem>> -> memref<1x128x32xf32, #tpu.memory_space<vmem>>
      %dma_start3A_244 = tpu.memref_squeeze %dma_start3A_243 : memref<1x128x32xf32, #tpu.memory_space<vmem>> -> memref<128x32xf32, #tpu.memory_space<vmem>>
      %dma_start3A_245 = tpu.memref_slice %arg5[%add3A_217, %mul3A_220] : memref<10240x128xf32, #tpu.memory_space<hbm>> -> memref<128x32xf32, #tpu.memory_space<hbm>>
      %dma_start3A_246 = tpu.memref_slice %arg5[%add3A_217, %mul3A_220] : memref<10240x128xf32, #tpu.memory_space<hbm>> -> memref<128x32xf32, #tpu.memory_space<hbm>>
      %dma_start3A_247 = arith.constant 0 : i32
      %dma_start3A_248 = arith.constant 0 : i32
      %dma_start3A_249 = tpu.memref_slice %arg8[%run_scoped3A_221, %dma_start3A_247, %dma_start3A_248] : memref<8x128x32xf32, #tpu.memory_space<vmem>> -> memref<1x128x32xf32, #tpu.memory_space<vmem>>
      %dma_start3A_250 = tpu.memref_squeeze %dma_start3A_249 : memref<1x128x32xf32, #tpu.memory_space<vmem>> -> memref<128x32xf32, #tpu.memory_space<vmem>>
      tpu.enqueue_dma source(%dma_start3A_250 : memref<128x32xf32, #tpu.memory_space<vmem>>) target(%dma_start3A_246 : memref<128x32xf32, #tpu.memory_space<hbm>>) target_semaphore(%run_scoped3A_240 : memref<!tpu.dma_semaphore, #tpu.memory_space<semaphore_mem>>)
      %dma_wait3A_251 = arith.constant 0 : i32
      %dma_wait3A_252 = arith.constant 0 : i32
      %dma_wait3A_253 = tpu.memref_slice %arg8[%run_scoped3A_221, %dma_wait3A_251, %dma_wait3A_252] : memref<8x128x32xf32, #tpu.memory_space<vmem>> -> memref<1x128x32xf32, #tpu.memory_space<vmem>>
      %dma_wait3A_254 = tpu.memref_squeeze %dma_wait3A_253 : memref<1x128x32xf32, #tpu.memory_space<vmem>> -> memref<128x32xf32, #tpu.memory_space<vmem>>
      %dma_wait3A_255 = tpu.memref_slice %arg5[%add3A_217, %mul3A_220] : memref<10240x128xf32, #tpu.memory_space<hbm>> -> memref<128x32xf32, #tpu.memory_space<hbm>>
      %dma_wait3A_256 = tpu.memref_slice %arg5[%add3A_217, %mul3A_220] : memref<10240x128xf32, #tpu.memory_space<hbm>> -> memref<128x32xf32, #tpu.memory_space<hbm>>
      %dma_wait3A_257 = arith.constant 0 : i32
      %dma_wait3A_258 = arith.constant 0 : i32
      %dma_wait3A_259 = tpu.memref_slice %arg8[%run_scoped3A_221, %dma_wait3A_257, %dma_wait3A_258] : memref<8x128x32xf32, #tpu.memory_space<vmem>> -> memref<1x128x32xf32, #tpu.memory_space<vmem>>
      %dma_wait3A_260 = tpu.memref_squeeze %dma_wait3A_259 : memref<1x128x32xf32, #tpu.memory_space<vmem>> -> memref<128x32xf32, #tpu.memory_space<vmem>>
      tpu.wait_dma2 semaphore(%run_scoped3A_240 : memref<!tpu.dma_semaphore, #tpu.memory_space<semaphore_mem>>) src(%dma_wait3A_260 : memref<128x32xf32, #tpu.memory_space<vmem>>) dst(%dma_wait3A_256 : memref<128x32xf32, #tpu.memory_space<hbm>>)
      tpu.yield
    }) : () -> ()
    %add3A_222 = arith.constant 256 : i32
    %add3A_223 = arith.addi %mul3A_8, %add3A_222 : i32
    %run_scoped3A_224 = arith.constant 0 : i32
    "tpu.region"() ({
      %run_scoped3A_240 = tpu.sem_alloc : memref<!tpu.dma_semaphore, #tpu.memory_space<semaphore_mem>>
      %dma_start3A_241 = arith.constant 0 : i32
      %dma_start3A_242 = arith.constant 0 : i32
      %dma_start3A_243 = tpu.memref_slice %arg8[%run_scoped3A_224, %dma_start3A_241, %dma_start3A_242] : memref<8x128x32xf32, #tpu.memory_space<vmem>> -> memref<1x128x32xf32, #tpu.memory_space<vmem>>
      %dma_start3A_244 = tpu.memref_squeeze %dma_start3A_243 : memref<1x128x32xf32, #tpu.memory_space<vmem>> -> memref<128x32xf32, #tpu.memory_space<vmem>>
      %dma_start3A_245 = arith.constant 0 : i32
      %dma_start3A_246 = tpu.memref_slice %arg9[%add3A_223, %dma_start3A_245] : memref<10240x32xf32, #tpu.memory_space<vmem_shared>> -> memref<128x32xf32, #tpu.memory_space<vmem_shared>>
      %dma_start3A_247 = arith.constant 0 : i32
      %dma_start3A_248 = arith.constant 0 : i32
      %dma_start3A_249 = tpu.memref_slice %arg8[%run_scoped3A_224, %dma_start3A_247, %dma_start3A_248] : memref<8x128x32xf32, #tpu.memory_space<vmem>> -> memref<1x128x32xf32, #tpu.memory_space<vmem>>
      %dma_start3A_250 = tpu.memref_squeeze %dma_start3A_249 : memref<1x128x32xf32, #tpu.memory_space<vmem>> -> memref<128x32xf32, #tpu.memory_space<vmem>>
      %dma_start3A_251 = arith.constant 0 : i32
      %dma_start3A_252 = tpu.memref_slice %arg9[%add3A_223, %dma_start3A_251] : memref<10240x32xf32, #tpu.memory_space<vmem_shared>> -> memref<128x32xf32, #tpu.memory_space<vmem_shared>>
      tpu.enqueue_dma source(%dma_start3A_252 : memref<128x32xf32, #tpu.memory_space<vmem_shared>>) target(%dma_start3A_250 : memref<128x32xf32, #tpu.memory_space<vmem>>) target_semaphore(%run_scoped3A_240 : memref<!tpu.dma_semaphore, #tpu.memory_space<semaphore_mem>>)
      %dma_wait3A_253 = arith.constant 0 : i32
      %dma_wait3A_254 = arith.constant 0 : i32
      %dma_wait3A_255 = tpu.memref_slice %arg8[%run_scoped3A_224, %dma_wait3A_253, %dma_wait3A_254] : memref<8x128x32xf32, #tpu.memory_space<vmem>> -> memref<1x128x32xf32, #tpu.memory_space<vmem>>
      %dma_wait3A_256 = tpu.memref_squeeze %dma_wait3A_255 : memref<1x128x32xf32, #tpu.memory_space<vmem>> -> memref<128x32xf32, #tpu.memory_space<vmem>>
      %dma_wait3A_257 = arith.constant 0 : i32
      %dma_wait3A_258 = tpu.memref_slice %arg9[%add3A_223, %dma_wait3A_257] : memref<10240x32xf32, #tpu.memory_space<vmem_shared>> -> memref<128x32xf32, #tpu.memory_space<vmem_shared>>
      %dma_wait3A_259 = arith.constant 0 : i32
      %dma_wait3A_260 = arith.constant 0 : i32
      %dma_wait3A_261 = tpu.memref_slice %arg8[%run_scoped3A_224, %dma_wait3A_259, %dma_wait3A_260] : memref<8x128x32xf32, #tpu.memory_space<vmem>> -> memref<1x128x32xf32, #tpu.memory_space<vmem>>
      %dma_wait3A_262 = tpu.memref_squeeze %dma_wait3A_261 : memref<1x128x32xf32, #tpu.memory_space<vmem>> -> memref<128x32xf32, #tpu.memory_space<vmem>>
      %dma_wait3A_263 = arith.constant 0 : i32
      %dma_wait3A_264 = tpu.memref_slice %arg9[%add3A_223, %dma_wait3A_263] : memref<10240x32xf32, #tpu.memory_space<vmem_shared>> -> memref<128x32xf32, #tpu.memory_space<vmem_shared>>
      tpu.wait_dma2 semaphore(%run_scoped3A_240 : memref<!tpu.dma_semaphore, #tpu.memory_space<semaphore_mem>>) src(%dma_wait3A_264 : memref<128x32xf32, #tpu.memory_space<vmem_shared>>) dst(%dma_wait3A_262 : memref<128x32xf32, #tpu.memory_space<vmem>>)
      tpu.yield
    }) : () -> ()
    %mul3A_225 = arith.constant 32 : i32
    %mul3A_226 = arith.muli %arg0, %mul3A_225 : i32
    %run_scoped3A_227 = arith.constant 0 : i32
    "tpu.region"() ({
      %run_scoped3A_240 = tpu.sem_alloc : memref<!tpu.dma_semaphore, #tpu.memory_space<semaphore_mem>>
      %dma_start3A_241 = arith.constant 0 : i32
      %dma_start3A_242 = arith.constant 0 : i32
      %dma_start3A_243 = tpu.memref_slice %arg8[%run_scoped3A_227, %dma_start3A_241, %dma_start3A_242] : memref<8x128x32xf32, #tpu.memory_space<vmem>> -> memref<1x128x32xf32, #tpu.memory_space<vmem>>
      %dma_start3A_244 = tpu.memref_squeeze %dma_start3A_243 : memref<1x128x32xf32, #tpu.memory_space<vmem>> -> memref<128x32xf32, #tpu.memory_space<vmem>>
      %dma_start3A_245 = tpu.memref_slice %arg5[%add3A_223, %mul3A_226] : memref<10240x128xf32, #tpu.memory_space<hbm>> -> memref<128x32xf32, #tpu.memory_space<hbm>>
      %dma_start3A_246 = tpu.memref_slice %arg5[%add3A_223, %mul3A_226] : memref<10240x128xf32, #tpu.memory_space<hbm>> -> memref<128x32xf32, #tpu.memory_space<hbm>>
      %dma_start3A_247 = arith.constant 0 : i32
      %dma_start3A_248 = arith.constant 0 : i32
      %dma_start3A_249 = tpu.memref_slice %arg8[%run_scoped3A_227, %dma_start3A_247, %dma_start3A_248] : memref<8x128x32xf32, #tpu.memory_space<vmem>> -> memref<1x128x32xf32, #tpu.memory_space<vmem>>
      %dma_start3A_250 = tpu.memref_squeeze %dma_start3A_249 : memref<1x128x32xf32, #tpu.memory_space<vmem>> -> memref<128x32xf32, #tpu.memory_space<vmem>>
      tpu.enqueue_dma source(%dma_start3A_250 : memref<128x32xf32, #tpu.memory_space<vmem>>) target(%dma_start3A_246 : memref<128x32xf32, #tpu.memory_space<hbm>>) target_semaphore(%run_scoped3A_240 : memref<!tpu.dma_semaphore, #tpu.memory_space<semaphore_mem>>)
      %dma_wait3A_251 = arith.constant 0 : i32
      %dma_wait3A_252 = arith.constant 0 : i32
      %dma_wait3A_253 = tpu.memref_slice %arg8[%run_scoped3A_227, %dma_wait3A_251, %dma_wait3A_252] : memref<8x128x32xf32, #tpu.memory_space<vmem>> -> memref<1x128x32xf32, #tpu.memory_space<vmem>>
      %dma_wait3A_254 = tpu.memref_squeeze %dma_wait3A_253 : memref<1x128x32xf32, #tpu.memory_space<vmem>> -> memref<128x32xf32, #tpu.memory_space<vmem>>
      %dma_wait3A_255 = tpu.memref_slice %arg5[%add3A_223, %mul3A_226] : memref<10240x128xf32, #tpu.memory_space<hbm>> -> memref<128x32xf32, #tpu.memory_space<hbm>>
      %dma_wait3A_256 = tpu.memref_slice %arg5[%add3A_223, %mul3A_226] : memref<10240x128xf32, #tpu.memory_space<hbm>> -> memref<128x32xf32, #tpu.memory_space<hbm>>
      %dma_wait3A_257 = arith.constant 0 : i32
      %dma_wait3A_258 = arith.constant 0 : i32
      %dma_wait3A_259 = tpu.memref_slice %arg8[%run_scoped3A_227, %dma_wait3A_257, %dma_wait3A_258] : memref<8x128x32xf32, #tpu.memory_space<vmem>> -> memref<1x128x32xf32, #tpu.memory_space<vmem>>
      %dma_wait3A_260 = tpu.memref_squeeze %dma_wait3A_259 : memref<1x128x32xf32, #tpu.memory_space<vmem>> -> memref<128x32xf32, #tpu.memory_space<vmem>>
      tpu.wait_dma2 semaphore(%run_scoped3A_240 : memref<!tpu.dma_semaphore, #tpu.memory_space<semaphore_mem>>) src(%dma_wait3A_260 : memref<128x32xf32, #tpu.memory_space<vmem>>) dst(%dma_wait3A_256 : memref<128x32xf32, #tpu.memory_space<hbm>>)
      tpu.yield
    }) : () -> ()
    %add3A_228 = arith.constant 384 : i32
    %add3A_229 = arith.addi %mul3A_8, %add3A_228 : i32
    %run_scoped3A_230 = arith.constant 0 : i32
    "tpu.region"() ({
      %run_scoped3A_240 = tpu.sem_alloc : memref<!tpu.dma_semaphore, #tpu.memory_space<semaphore_mem>>
      %dma_start3A_241 = arith.constant 0 : i32
      %dma_start3A_242 = arith.constant 0 : i32
      %dma_start3A_243 = tpu.memref_slice %arg8[%run_scoped3A_230, %dma_start3A_241, %dma_start3A_242] : memref<8x128x32xf32, #tpu.memory_space<vmem>> -> memref<1x128x32xf32, #tpu.memory_space<vmem>>
      %dma_start3A_244 = tpu.memref_squeeze %dma_start3A_243 : memref<1x128x32xf32, #tpu.memory_space<vmem>> -> memref<128x32xf32, #tpu.memory_space<vmem>>
      %dma_start3A_245 = arith.constant 0 : i32
      %dma_start3A_246 = tpu.memref_slice %arg9[%add3A_229, %dma_start3A_245] : memref<10240x32xf32, #tpu.memory_space<vmem_shared>> -> memref<128x32xf32, #tpu.memory_space<vmem_shared>>
      %dma_start3A_247 = arith.constant 0 : i32
      %dma_start3A_248 = arith.constant 0 : i32
      %dma_start3A_249 = tpu.memref_slice %arg8[%run_scoped3A_230, %dma_start3A_247, %dma_start3A_248] : memref<8x128x32xf32, #tpu.memory_space<vmem>> -> memref<1x128x32xf32, #tpu.memory_space<vmem>>
      %dma_start3A_250 = tpu.memref_squeeze %dma_start3A_249 : memref<1x128x32xf32, #tpu.memory_space<vmem>> -> memref<128x32xf32, #tpu.memory_space<vmem>>
      %dma_start3A_251 = arith.constant 0 : i32
      %dma_start3A_252 = tpu.memref_slice %arg9[%add3A_229, %dma_start3A_251] : memref<10240x32xf32, #tpu.memory_space<vmem_shared>> -> memref<128x32xf32, #tpu.memory_space<vmem_shared>>
      tpu.enqueue_dma source(%dma_start3A_252 : memref<128x32xf32, #tpu.memory_space<vmem_shared>>) target(%dma_start3A_250 : memref<128x32xf32, #tpu.memory_space<vmem>>) target_semaphore(%run_scoped3A_240 : memref<!tpu.dma_semaphore, #tpu.memory_space<semaphore_mem>>)
      %dma_wait3A_253 = arith.constant 0 : i32
      %dma_wait3A_254 = arith.constant 0 : i32
      %dma_wait3A_255 = tpu.memref_slice %arg8[%run_scoped3A_230, %dma_wait3A_253, %dma_wait3A_254] : memref<8x128x32xf32, #tpu.memory_space<vmem>> -> memref<1x128x32xf32, #tpu.memory_space<vmem>>
      %dma_wait3A_256 = tpu.memref_squeeze %dma_wait3A_255 : memref<1x128x32xf32, #tpu.memory_space<vmem>> -> memref<128x32xf32, #tpu.memory_space<vmem>>
      %dma_wait3A_257 = arith.constant 0 : i32
      %dma_wait3A_258 = tpu.memref_slice %arg9[%add3A_229, %dma_wait3A_257] : memref<10240x32xf32, #tpu.memory_space<vmem_shared>> -> memref<128x32xf32, #tpu.memory_space<vmem_shared>>
      %dma_wait3A_259 = arith.constant 0 : i32
      %dma_wait3A_260 = arith.constant 0 : i32
      %dma_wait3A_261 = tpu.memref_slice %arg8[%run_scoped3A_230, %dma_wait3A_259, %dma_wait3A_260] : memref<8x128x32xf32, #tpu.memory_space<vmem>> -> memref<1x128x32xf32, #tpu.memory_space<vmem>>
      %dma_wait3A_262 = tpu.memref_squeeze %dma_wait3A_261 : memref<1x128x32xf32, #tpu.memory_space<vmem>> -> memref<128x32xf32, #tpu.memory_space<vmem>>
      %dma_wait3A_263 = arith.constant 0 : i32
      %dma_wait3A_264 = tpu.memref_slice %arg9[%add3A_229, %dma_wait3A_263] : memref<10240x32xf32, #tpu.memory_space<vmem_shared>> -> memref<128x32xf32, #tpu.memory_space<vmem_shared>>
      tpu.wait_dma2 semaphore(%run_scoped3A_240 : memref<!tpu.dma_semaphore, #tpu.memory_space<semaphore_mem>>) src(%dma_wait3A_264 : memref<128x32xf32, #tpu.memory_space<vmem_shared>>) dst(%dma_wait3A_262 : memref<128x32xf32, #tpu.memory_space<vmem>>)
      tpu.yield
    }) : () -> ()
    %mul3A_231 = arith.constant 32 : i32
    %mul3A_232 = arith.muli %arg0, %mul3A_231 : i32
    %run_scoped3A_233 = arith.constant 0 : i32
    "tpu.region"() ({
      %run_scoped3A_240 = tpu.sem_alloc : memref<!tpu.dma_semaphore, #tpu.memory_space<semaphore_mem>>
      %dma_start3A_241 = arith.constant 0 : i32
      %dma_start3A_242 = arith.constant 0 : i32
      %dma_start3A_243 = tpu.memref_slice %arg8[%run_scoped3A_233, %dma_start3A_241, %dma_start3A_242] : memref<8x128x32xf32, #tpu.memory_space<vmem>> -> memref<1x128x32xf32, #tpu.memory_space<vmem>>
      %dma_start3A_244 = tpu.memref_squeeze %dma_start3A_243 : memref<1x128x32xf32, #tpu.memory_space<vmem>> -> memref<128x32xf32, #tpu.memory_space<vmem>>
      %dma_start3A_245 = tpu.memref_slice %arg5[%add3A_229, %mul3A_232] : memref<10240x128xf32, #tpu.memory_space<hbm>> -> memref<128x32xf32, #tpu.memory_space<hbm>>
      %dma_start3A_246 = tpu.memref_slice %arg5[%add3A_229, %mul3A_232] : memref<10240x128xf32, #tpu.memory_space<hbm>> -> memref<128x32xf32, #tpu.memory_space<hbm>>
      %dma_start3A_247 = arith.constant 0 : i32
      %dma_start3A_248 = arith.constant 0 : i32
      %dma_start3A_249 = tpu.memref_slice %arg8[%run_scoped3A_233, %dma_start3A_247, %dma_start3A_248] : memref<8x128x32xf32, #tpu.memory_space<vmem>> -> memref<1x128x32xf32, #tpu.memory_space<vmem>>
      %dma_start3A_250 = tpu.memref_squeeze %dma_start3A_249 : memref<1x128x32xf32, #tpu.memory_space<vmem>> -> memref<128x32xf32, #tpu.memory_space<vmem>>
      tpu.enqueue_dma source(%dma_start3A_250 : memref<128x32xf32, #tpu.memory_space<vmem>>) target(%dma_start3A_246 : memref<128x32xf32, #tpu.memory_space<hbm>>) target_semaphore(%run_scoped3A_240 : memref<!tpu.dma_semaphore, #tpu.memory_space<semaphore_mem>>)
      %dma_wait3A_251 = arith.constant 0 : i32
      %dma_wait3A_252 = arith.constant 0 : i32
      %dma_wait3A_253 = tpu.memref_slice %arg8[%run_scoped3A_233, %dma_wait3A_251, %dma_wait3A_252] : memref<8x128x32xf32, #tpu.memory_space<vmem>> -> memref<1x128x32xf32, #tpu.memory_space<vmem>>
      %dma_wait3A_254 = tpu.memref_squeeze %dma_wait3A_253 : memref<1x128x32xf32, #tpu.memory_space<vmem>> -> memref<128x32xf32, #tpu.memory_space<vmem>>
      %dma_wait3A_255 = tpu.memref_slice %arg5[%add3A_229, %mul3A_232] : memref<10240x128xf32, #tpu.memory_space<hbm>> -> memref<128x32xf32, #tpu.memory_space<hbm>>
      %dma_wait3A_256 = tpu.memref_slice %arg5[%add3A_229, %mul3A_232] : memref<10240x128xf32, #tpu.memory_space<hbm>> -> memref<128x32xf32, #tpu.memory_space<hbm>>
      %dma_wait3A_257 = arith.constant 0 : i32
      %dma_wait3A_258 = arith.constant 0 : i32
      %dma_wait3A_259 = tpu.memref_slice %arg8[%run_scoped3A_233, %dma_wait3A_257, %dma_wait3A_258] : memref<8x128x32xf32, #tpu.memory_space<vmem>> -> memref<1x128x32xf32, #tpu.memory_space<vmem>>
      %dma_wait3A_260 = tpu.memref_squeeze %dma_wait3A_259 : memref<1x128x32xf32, #tpu.memory_space<vmem>> -> memref<128x32xf32, #tpu.memory_space<vmem>>
      tpu.wait_dma2 semaphore(%run_scoped3A_240 : memref<!tpu.dma_semaphore, #tpu.memory_space<semaphore_mem>>) src(%dma_wait3A_260 : memref<128x32xf32, #tpu.memory_space<vmem>>) dst(%dma_wait3A_256 : memref<128x32xf32, #tpu.memory_space<hbm>>)
      tpu.yield
    }) : () -> ()
    %add3A_234 = arith.constant 512 : i32
    %add3A_235 = arith.addi %mul3A_8, %add3A_234 : i32
    %run_scoped3A_236 = arith.constant 0 : i32
    "tpu.region"() ({
      %run_scoped3A_240 = tpu.sem_alloc : memref<!tpu.dma_semaphore, #tpu.memory_space<semaphore_mem>>
      %dma_start3A_241 = arith.constant 0 : i32
      %dma_start3A_242 = arith.constant 0 : i32
      %dma_start3A_243 = tpu.memref_slice %arg8[%run_scoped3A_236, %dma_start3A_241, %dma_start3A_242] : memref<8x128x32xf32, #tpu.memory_space<vmem>> -> memref<1x128x32xf32, #tpu.memory_space<vmem>>
      %dma_start3A_244 = tpu.memref_squeeze %dma_start3A_243 : memref<1x128x32xf32, #tpu.memory_space<vmem>> -> memref<128x32xf32, #tpu.memory_space<vmem>>
      %dma_start3A_245 = arith.constant 0 : i32
      %dma_start3A_246 = tpu.memref_slice %arg9[%add3A_235, %dma_start3A_245] : memref<10240x32xf32, #tpu.memory_space<vmem_shared>> -> memref<128x32xf32, #tpu.memory_space<vmem_shared>>
      %dma_start3A_247 = arith.constant 0 : i32
      %dma_start3A_248 = arith.constant 0 : i32
      %dma_start3A_249 = tpu.memref_slice %arg8[%run_scoped3A_236, %dma_start3A_247, %dma_start3A_248] : memref<8x128x32xf32, #tpu.memory_space<vmem>> -> memref<1x128x32xf32, #tpu.memory_space<vmem>>
      %dma_start3A_250 = tpu.memref_squeeze %dma_start3A_249 : memref<1x128x32xf32, #tpu.memory_space<vmem>> -> memref<128x32xf32, #tpu.memory_space<vmem>>
      %dma_start3A_251 = arith.constant 0 : i32
      %dma_start3A_252 = tpu.memref_slice %arg9[%add3A_235, %dma_start3A_251] : memref<10240x32xf32, #tpu.memory_space<vmem_shared>> -> memref<128x32xf32, #tpu.memory_space<vmem_shared>>
      tpu.enqueue_dma source(%dma_start3A_252 : memref<128x32xf32, #tpu.memory_space<vmem_shared>>) target(%dma_start3A_250 : memref<128x32xf32, #tpu.memory_space<vmem>>) target_semaphore(%run_scoped3A_240 : memref<!tpu.dma_semaphore, #tpu.memory_space<semaphore_mem>>)
      %dma_wait3A_253 = arith.constant 0 : i32
      %dma_wait3A_254 = arith.constant 0 : i32
      %dma_wait3A_255 = tpu.memref_slice %arg8[%run_scoped3A_236, %dma_wait3A_253, %dma_wait3A_254] : memref<8x128x32xf32, #tpu.memory_space<vmem>> -> memref<1x128x32xf32, #tpu.memory_space<vmem>>
      %dma_wait3A_256 = tpu.memref_squeeze %dma_wait3A_255 : memref<1x128x32xf32, #tpu.memory_space<vmem>> -> memref<128x32xf32, #tpu.memory_space<vmem>>
      %dma_wait3A_257 = arith.constant 0 : i32
      %dma_wait3A_258 = tpu.memref_slice %arg9[%add3A_235, %dma_wait3A_257] : memref<10240x32xf32, #tpu.memory_space<vmem_shared>> -> memref<128x32xf32, #tpu.memory_space<vmem_shared>>
      %dma_wait3A_259 = arith.constant 0 : i32
      %dma_wait3A_260 = arith.constant 0 : i32
      %dma_wait3A_261 = tpu.memref_slice %arg8[%run_scoped3A_236, %dma_wait3A_259, %dma_wait3A_260] : memref<8x128x32xf32, #tpu.memory_space<vmem>> -> memref<1x128x32xf32, #tpu.memory_space<vmem>>
      %dma_wait3A_262 = tpu.memref_squeeze %dma_wait3A_261 : memref<1x128x32xf32, #tpu.memory_space<vmem>> -> memref<128x32xf32, #tpu.memory_space<vmem>>
      %dma_wait3A_263 = arith.constant 0 : i32
      %dma_wait3A_264 = tpu.memref_slice %arg9[%add3A_235, %dma_wait3A_263] : memref<10240x32xf32, #tpu.memory_space<vmem_shared>> -> memref<128x32xf32, #tpu.memory_space<vmem_shared>>
      tpu.wait_dma2 semaphore(%run_scoped3A_240 : memref<!tpu.dma_semaphore, #tpu.memory_space<semaphore_mem>>) src(%dma_wait3A_264 : memref<128x32xf32, #tpu.memory_space<vmem_shared>>) dst(%dma_wait3A_262 : memref<128x32xf32, #tpu.memory_space<vmem>>)
      tpu.yield
    }) : () -> ()
    %mul3A_237 = arith.constant 32 : i32
    %mul3A_238 = arith.muli %arg0, %mul3A_237 : i32
    %run_scoped3A_239 = arith.constant 0 : i32
    "tpu.region"() ({
      %run_scoped3A_240 = tpu.sem_alloc : memref<!tpu.dma_semaphore, #tpu.memory_space<semaphore_mem>>
      %dma_start3A_241 = arith.constant 0 : i32
      %dma_start3A_242 = arith.constant 0 : i32
      %dma_start3A_243 = tpu.memref_slice %arg8[%run_scoped3A_239, %dma_start3A_241, %dma_start3A_242] : memref<8x128x32xf32, #tpu.memory_space<vmem>> -> memref<1x128x32xf32, #tpu.memory_space<vmem>>
      %dma_start3A_244 = tpu.memref_squeeze %dma_start3A_243 : memref<1x128x32xf32, #tpu.memory_space<vmem>> -> memref<128x32xf32, #tpu.memory_space<vmem>>
      %dma_start3A_245 = tpu.memref_slice %arg5[%add3A_235, %mul3A_238] : memref<10240x128xf32, #tpu.memory_space<hbm>> -> memref<128x32xf32, #tpu.memory_space<hbm>>
      %dma_start3A_246 = tpu.memref_slice %arg5[%add3A_235, %mul3A_238] : memref<10240x128xf32, #tpu.memory_space<hbm>> -> memref<128x32xf32, #tpu.memory_space<hbm>>
      %dma_start3A_247 = arith.constant 0 : i32
      %dma_start3A_248 = arith.constant 0 : i32
      %dma_start3A_249 = tpu.memref_slice %arg8[%run_scoped3A_239, %dma_start3A_247, %dma_start3A_248] : memref<8x128x32xf32, #tpu.memory_space<vmem>> -> memref<1x128x32xf32, #tpu.memory_space<vmem>>
      %dma_start3A_250 = tpu.memref_squeeze %dma_start3A_249 : memref<1x128x32xf32, #tpu.memory_space<vmem>> -> memref<128x32xf32, #tpu.memory_space<vmem>>
      tpu.enqueue_dma source(%dma_start3A_250 : memref<128x32xf32, #tpu.memory_space<vmem>>) target(%dma_start3A_246 : memref<128x32xf32, #tpu.memory_space<hbm>>) target_semaphore(%run_scoped3A_240 : memref<!tpu.dma_semaphore, #tpu.memory_space<semaphore_mem>>)
      %dma_wait3A_251 = arith.constant 0 : i32
      %dma_wait3A_252 = arith.constant 0 : i32
      %dma_wait3A_253 = tpu.memref_slice %arg8[%run_scoped3A_239, %dma_wait3A_251, %dma_wait3A_252] : memref<8x128x32xf32, #tpu.memory_space<vmem>> -> memref<1x128x32xf32, #tpu.memory_space<vmem>>
      %dma_wait3A_254 = tpu.memref_squeeze %dma_wait3A_253 : memref<1x128x32xf32, #tpu.memory_space<vmem>> -> memref<128x32xf32, #tpu.memory_space<vmem>>
      %dma_wait3A_255 = tpu.memref_slice %arg5[%add3A_235, %mul3A_238] : memref<10240x128xf32, #tpu.memory_space<hbm>> -> memref<128x32xf32, #tpu.memory_space<hbm>>
      %dma_wait3A_256 = tpu.memref_slice %arg5[%add3A_235, %mul3A_238] : memref<10240x128xf32, #tpu.memory_space<hbm>> -> memref<128x32xf32, #tpu.memory_space<hbm>>
      %dma_wait3A_257 = arith.constant 0 : i32
      %dma_wait3A_258 = arith.constant 0 : i32
      %dma_wait3A_259 = tpu.memref_slice %arg8[%run_scoped3A_239, %dma_wait3A_257, %dma_wait3A_258] : memref<8x128x32xf32, #tpu.memory_space<vmem>> -> memref<1x128x32xf32, #tpu.memory_space<vmem>>
      %dma_wait3A_260 = tpu.memref_squeeze %dma_wait3A_259 : memref<1x128x32xf32, #tpu.memory_space<vmem>> -> memref<128x32xf32, #tpu.memory_space<vmem>>
      tpu.wait_dma2 semaphore(%run_scoped3A_240 : memref<!tpu.dma_semaphore, #tpu.memory_space<semaphore_mem>>) src(%dma_wait3A_260 : memref<128x32xf32, #tpu.memory_space<vmem>>) dst(%dma_wait3A_256 : memref<128x32xf32, #tpu.memory_space<hbm>>)
      tpu.yield
    }) : () -> ()
    return
  }
}

#map = affine_map<(d0, d1) -> (0, 0)>
#map1 = affine_map<(d0, d1) -> (0, 0, 0)>
module attributes {stable_mosaic.version = 14 : i64} {
  func.func @conv_k(%arg0: i32, %arg1: i32, %arg2: memref<10240x64xf32, #tpu.memory_space<hbm>>, %arg3: memref<32x79x128xi32, #tpu.memory_space<hbm>>, %arg4: memref<32x79x128xi32, #tpu.memory_space<hbm>>, %arg5: memref<10240x128xf32, #tpu.memory_space<hbm>>, %arg6: memref<79x128xi32, #tpu.memory_space<vmem>>, %arg7: memref<79x128xi32, #tpu.memory_space<vmem>>, %arg8: memref<8x128x64xf32, #tpu.memory_space<vmem>>, %arg9: memref<10240x64xf32, #tpu.memory_space<vmem_shared>>, %arg10: memref<!tpu.dma_semaphore, #tpu.memory_space<semaphore_mem>>, %arg11: memref<!tpu.dma_semaphore, #tpu.memory_space<semaphore_mem>>, %arg12: memref<!tpu.dma_semaphore, #tpu.memory_space<semaphore_mem>>, %arg13: memref<!tpu.dma_semaphore, #tpu.memory_space<semaphore_mem>>, %arg14: memref<!tpu.dma_semaphore, #tpu.memory_space<semaphore_mem>>, %arg15: memref<!tpu.dma_semaphore, #tpu.memory_space<semaphore_mem>>, %arg16: memref<!tpu.dma_semaphore, #tpu.memory_space<semaphore_mem>>, %arg17: memref<!tpu.dma_semaphore, #tpu.memory_space<semaphore_mem>>) attributes {dimension_semantics = [#tpu.dimension_semantics<core_parallel>, #tpu.dimension_semantics<subcore_parallel>], iteration_bounds = array<i64: 2, 16>, scalar_prefetch = 0 : i64, scratch_operands = 12 : i64, tpu.core_type = #tpu.core_type<sc_vector_subcore>, window_params = [{transform_indices = #map}, {transform_indices = #map1}, {transform_indices = #map1}, {transform_indices = #map}]} {
    %mul3A = arith.constant 16 : i32
    %mul3A_0 = arith.muli %arg0, %mul3A : i32
    %add3A = arith.addi %mul3A_0, %arg1 : i32
    %broadcast_in_dim3A = arith.constant 0.000000e+00 : f32
    %broadcast_in_dim3A_1 = vector.broadcast %broadcast_in_dim3A : f32 to vector<16xf32>
    %scan3A = arith.constant 0 : i32
    %scan3A_2 = arith.constant 0 : i32
    %scan3A_3 = arith.constant 128 : i32
    %scan3A_4 = arith.addi %scan3A_2, %scan3A_3 : i32
    %scan3A_5 = arith.constant 1 : i32
    scf.for %scan3A_240 = %scan3A_2 to %scan3A_4 step %scan3A_5  : i32 {
      %swap3A = arith.constant 0 : i32
      %swap3A_241 = arith.index_cast %swap3A : i32 to index
      %swap3A_242 = arith.index_cast %scan3A_240 : i32 to index
      %swap3A_243 = arith.constant 0 : index
      %swap3A_244 = tpu.vector_load %arg8[%swap3A_241, %swap3A_242, %swap3A_243] {strides = array<i32>} : memref<8x128x64xf32, #tpu.memory_space<vmem>>, vector<16xf32>,
      tpu.vector_store %arg8[%swap3A_241, %swap3A_242, %swap3A_243], %broadcast_in_dim3A_1 {strides = array<i32>} : memref<8x128x64xf32, #tpu.memory_space<vmem>>, vector<16xf32>,
      %swap3A_245 = arith.constant 0 : i32
      %swap3A_246 = arith.index_cast %swap3A_245 : i32 to index
      %swap3A_247 = arith.index_cast %scan3A_240 : i32 to index
      %swap3A_248 = arith.constant 16 : index
      %swap3A_249 = tpu.vector_load %arg8[%swap3A_246, %swap3A_247, %swap3A_248] {strides = array<i32>} : memref<8x128x64xf32, #tpu.memory_space<vmem>>, vector<16xf32>,
      tpu.vector_store %arg8[%swap3A_246, %swap3A_247, %swap3A_248], %broadcast_in_dim3A_1 {strides = array<i32>} : memref<8x128x64xf32, #tpu.memory_space<vmem>>, vector<16xf32>,
      %swap3A_250 = arith.constant 0 : i32
      %swap3A_251 = arith.index_cast %swap3A_250 : i32 to index
      %swap3A_252 = arith.index_cast %scan3A_240 : i32 to index
      %swap3A_253 = arith.constant 32 : index
      %swap3A_254 = tpu.vector_load %arg8[%swap3A_251, %swap3A_252, %swap3A_253] {strides = array<i32>} : memref<8x128x64xf32, #tpu.memory_space<vmem>>, vector<16xf32>,
      tpu.vector_store %arg8[%swap3A_251, %swap3A_252, %swap3A_253], %broadcast_in_dim3A_1 {strides = array<i32>} : memref<8x128x64xf32, #tpu.memory_space<vmem>>, vector<16xf32>,
      %swap3A_255 = arith.constant 0 : i32
      %swap3A_256 = arith.index_cast %swap3A_255 : i32 to index
      %swap3A_257 = arith.index_cast %scan3A_240 : i32 to index
      %swap3A_258 = arith.constant 48 : index
      %swap3A_259 = tpu.vector_load %arg8[%swap3A_256, %swap3A_257, %swap3A_258] {strides = array<i32>} : memref<8x128x64xf32, #tpu.memory_space<vmem>>, vector<16xf32>,
      tpu.vector_store %arg8[%swap3A_256, %swap3A_257, %swap3A_258], %broadcast_in_dim3A_1 {strides = array<i32>} : memref<8x128x64xf32, #tpu.memory_space<vmem>>, vector<16xf32>,
    }
    %scan3A_6 = arith.constant 128 : i32
    %mul3A_7 = arith.constant 640 : i32
    %mul3A_8 = arith.muli %arg1, %mul3A_7 : i32
    %add3A_9 = arith.constant 0 : i32
    %add3A_10 = arith.addi %mul3A_8, %add3A_9 : i32
    %run_scoped3A = arith.constant 0 : i32
    "tpu.region"() ({
      %run_scoped3A_240 = tpu.sem_alloc : memref<!tpu.dma_semaphore, #tpu.memory_space<semaphore_mem>>
      %dma_start3A_241 = arith.constant 0 : i32
      %dma_start3A_242 = arith.constant 0 : i32
      %dma_start3A_243 = tpu.memref_slice %arg8[%run_scoped3A, %dma_start3A_241, %dma_start3A_242] : memref<8x128x64xf32, #tpu.memory_space<vmem>> -> memref<1x128x64xf32, #tpu.memory_space<vmem>>
      %dma_start3A_244 = tpu.memref_squeeze %dma_start3A_243 : memref<1x128x64xf32, #tpu.memory_space<vmem>> -> memref<128x64xf32, #tpu.memory_space<vmem>>
      %dma_start3A_245 = arith.constant 0 : i32
      %dma_start3A_246 = tpu.memref_slice %arg9[%add3A_10, %dma_start3A_245] : memref<10240x64xf32, #tpu.memory_space<vmem_shared>> -> memref<128x64xf32, #tpu.memory_space<vmem_shared>>
      %dma_start3A_247 = arith.constant 0 : i32
      %dma_start3A_248 = tpu.memref_slice %arg9[%add3A_10, %dma_start3A_247] : memref<10240x64xf32, #tpu.memory_space<vmem_shared>> -> memref<128x64xf32, #tpu.memory_space<vmem_shared>>
      %dma_start3A_249 = arith.constant 0 : i32
      %dma_start3A_250 = arith.constant 0 : i32
      %dma_start3A_251 = tpu.memref_slice %arg8[%run_scoped3A, %dma_start3A_249, %dma_start3A_250] : memref<8x128x64xf32, #tpu.memory_space<vmem>> -> memref<1x128x64xf32, #tpu.memory_space<vmem>>
      %dma_start3A_252 = tpu.memref_squeeze %dma_start3A_251 : memref<1x128x64xf32, #tpu.memory_space<vmem>> -> memref<128x64xf32, #tpu.memory_space<vmem>>
      tpu.enqueue_dma source(%dma_start3A_252 : memref<128x64xf32, #tpu.memory_space<vmem>>) target(%dma_start3A_248 : memref<128x64xf32, #tpu.memory_space<vmem_shared>>) target_semaphore(%run_scoped3A_240 : memref<!tpu.dma_semaphore, #tpu.memory_space<semaphore_mem>>)
      %dma_wait3A_253 = arith.constant 0 : i32
      %dma_wait3A_254 = arith.constant 0 : i32
      %dma_wait3A_255 = tpu.memref_slice %arg8[%run_scoped3A, %dma_wait3A_253, %dma_wait3A_254] : memref<8x128x64xf32, #tpu.memory_space<vmem>> -> memref<1x128x64xf32, #tpu.memory_space<vmem>>
      %dma_wait3A_256 = tpu.memref_squeeze %dma_wait3A_255 : memref<1x128x64xf32, #tpu.memory_space<vmem>> -> memref<128x64xf32, #tpu.memory_space<vmem>>
      %dma_wait3A_257 = arith.constant 0 : i32
      %dma_wait3A_258 = tpu.memref_slice %arg9[%add3A_10, %dma_wait3A_257] : memref<10240x64xf32, #tpu.memory_space<vmem_shared>> -> memref<128x64xf32, #tpu.memory_space<vmem_shared>>
      %dma_wait3A_259 = arith.constant 0 : i32
      %dma_wait3A_260 = tpu.memref_slice %arg9[%add3A_10, %dma_wait3A_259] : memref<10240x64xf32, #tpu.memory_space<vmem_shared>> -> memref<128x64xf32, #tpu.memory_space<vmem_shared>>
      %dma_wait3A_261 = arith.constant 0 : i32
      %dma_wait3A_262 = arith.constant 0 : i32
      %dma_wait3A_263 = tpu.memref_slice %arg8[%run_scoped3A, %dma_wait3A_261, %dma_wait3A_262] : memref<8x128x64xf32, #tpu.memory_space<vmem>> -> memref<1x128x64xf32, #tpu.memory_space<vmem>>
      %dma_wait3A_264 = tpu.memref_squeeze %dma_wait3A_263 : memref<1x128x64xf32, #tpu.memory_space<vmem>> -> memref<128x64xf32, #tpu.memory_space<vmem>>
      tpu.wait_dma2 semaphore(%run_scoped3A_240 : memref<!tpu.dma_semaphore, #tpu.memory_space<semaphore_mem>>) src(%dma_wait3A_264 : memref<128x64xf32, #tpu.memory_space<vmem>>) dst(%dma_wait3A_260 : memref<128x64xf32, #tpu.memory_space<vmem_shared>>)
      tpu.yield
    }) : () -> ()
    %add3A_11 = arith.constant 128 : i32
    %add3A_12 = arith.addi %mul3A_8, %add3A_11 : i32
    %run_scoped3A_13 = arith.constant 0 : i32
    "tpu.region"() ({
      %run_scoped3A_240 = tpu.sem_alloc : memref<!tpu.dma_semaphore, #tpu.memory_space<semaphore_mem>>
      %dma_start3A_241 = arith.constant 0 : i32
      %dma_start3A_242 = arith.constant 0 : i32
      %dma_start3A_243 = tpu.memref_slice %arg8[%run_scoped3A_13, %dma_start3A_241, %dma_start3A_242] : memref<8x128x64xf32, #tpu.memory_space<vmem>> -> memref<1x128x64xf32, #tpu.memory_space<vmem>>
      %dma_start3A_244 = tpu.memref_squeeze %dma_start3A_243 : memref<1x128x64xf32, #tpu.memory_space<vmem>> -> memref<128x64xf32, #tpu.memory_space<vmem>>
      %dma_start3A_245 = arith.constant 0 : i32
      %dma_start3A_246 = tpu.memref_slice %arg9[%add3A_12, %dma_start3A_245] : memref<10240x64xf32, #tpu.memory_space<vmem_shared>> -> memref<128x64xf32, #tpu.memory_space<vmem_shared>>
      %dma_start3A_247 = arith.constant 0 : i32
      %dma_start3A_248 = tpu.memref_slice %arg9[%add3A_12, %dma_start3A_247] : memref<10240x64xf32, #tpu.memory_space<vmem_shared>> -> memref<128x64xf32, #tpu.memory_space<vmem_shared>>
      %dma_start3A_249 = arith.constant 0 : i32
      %dma_start3A_250 = arith.constant 0 : i32
      %dma_start3A_251 = tpu.memref_slice %arg8[%run_scoped3A_13, %dma_start3A_249, %dma_start3A_250] : memref<8x128x64xf32, #tpu.memory_space<vmem>> -> memref<1x128x64xf32, #tpu.memory_space<vmem>>
      %dma_start3A_252 = tpu.memref_squeeze %dma_start3A_251 : memref<1x128x64xf32, #tpu.memory_space<vmem>> -> memref<128x64xf32, #tpu.memory_space<vmem>>
      tpu.enqueue_dma source(%dma_start3A_252 : memref<128x64xf32, #tpu.memory_space<vmem>>) target(%dma_start3A_248 : memref<128x64xf32, #tpu.memory_space<vmem_shared>>) target_semaphore(%run_scoped3A_240 : memref<!tpu.dma_semaphore, #tpu.memory_space<semaphore_mem>>)
      %dma_wait3A_253 = arith.constant 0 : i32
      %dma_wait3A_254 = arith.constant 0 : i32
      %dma_wait3A_255 = tpu.memref_slice %arg8[%run_scoped3A_13, %dma_wait3A_253, %dma_wait3A_254] : memref<8x128x64xf32, #tpu.memory_space<vmem>> -> memref<1x128x64xf32, #tpu.memory_space<vmem>>
      %dma_wait3A_256 = tpu.memref_squeeze %dma_wait3A_255 : memref<1x128x64xf32, #tpu.memory_space<vmem>> -> memref<128x64xf32, #tpu.memory_space<vmem>>
      %dma_wait3A_257 = arith.constant 0 : i32
      %dma_wait3A_258 = tpu.memref_slice %arg9[%add3A_12, %dma_wait3A_257] : memref<10240x64xf32, #tpu.memory_space<vmem_shared>> -> memref<128x64xf32, #tpu.memory_space<vmem_shared>>
      %dma_wait3A_259 = arith.constant 0 : i32
      %dma_wait3A_260 = tpu.memref_slice %arg9[%add3A_12, %dma_wait3A_259] : memref<10240x64xf32, #tpu.memory_space<vmem_shared>> -> memref<128x64xf32, #tpu.memory_space<vmem_shared>>
      %dma_wait3A_261 = arith.constant 0 : i32
      %dma_wait3A_262 = arith.constant 0 : i32
      %dma_wait3A_263 = tpu.memref_slice %arg8[%run_scoped3A_13, %dma_wait3A_261, %dma_wait3A_262] : memref<8x128x64xf32, #tpu.memory_space<vmem>> -> memref<1x128x64xf32, #tpu.memory_space<vmem>>
      %dma_wait3A_264 = tpu.memref_squeeze %dma_wait3A_263 : memref<1x128x64xf32, #tpu.memory_space<vmem>> -> memref<128x64xf32, #tpu.memory_space<vmem>>
      tpu.wait_dma2 semaphore(%run_scoped3A_240 : memref<!tpu.dma_semaphore, #tpu.memory_space<semaphore_mem>>) src(%dma_wait3A_264 : memref<128x64xf32, #tpu.memory_space<vmem>>) dst(%dma_wait3A_260 : memref<128x64xf32, #tpu.memory_space<vmem_shared>>)
      tpu.yield
    }) : () -> ()
    %add3A_14 = arith.constant 256 : i32
    %add3A_15 = arith.addi %mul3A_8, %add3A_14 : i32
    %run_scoped3A_16 = arith.constant 0 : i32
    "tpu.region"() ({
      %run_scoped3A_240 = tpu.sem_alloc : memref<!tpu.dma_semaphore, #tpu.memory_space<semaphore_mem>>
      %dma_start3A_241 = arith.constant 0 : i32
      %dma_start3A_242 = arith.constant 0 : i32
      %dma_start3A_243 = tpu.memref_slice %arg8[%run_scoped3A_16, %dma_start3A_241, %dma_start3A_242] : memref<8x128x64xf32, #tpu.memory_space<vmem>> -> memref<1x128x64xf32, #tpu.memory_space<vmem>>
      %dma_start3A_244 = tpu.memref_squeeze %dma_start3A_243 : memref<1x128x64xf32, #tpu.memory_space<vmem>> -> memref<128x64xf32, #tpu.memory_space<vmem>>
      %dma_start3A_245 = arith.constant 0 : i32
      %dma_start3A_246 = tpu.memref_slice %arg9[%add3A_15, %dma_start3A_245] : memref<10240x64xf32, #tpu.memory_space<vmem_shared>> -> memref<128x64xf32, #tpu.memory_space<vmem_shared>>
      %dma_start3A_247 = arith.constant 0 : i32
      %dma_start3A_248 = tpu.memref_slice %arg9[%add3A_15, %dma_start3A_247] : memref<10240x64xf32, #tpu.memory_space<vmem_shared>> -> memref<128x64xf32, #tpu.memory_space<vmem_shared>>
      %dma_start3A_249 = arith.constant 0 : i32
      %dma_start3A_250 = arith.constant 0 : i32
      %dma_start3A_251 = tpu.memref_slice %arg8[%run_scoped3A_16, %dma_start3A_249, %dma_start3A_250] : memref<8x128x64xf32, #tpu.memory_space<vmem>> -> memref<1x128x64xf32, #tpu.memory_space<vmem>>
      %dma_start3A_252 = tpu.memref_squeeze %dma_start3A_251 : memref<1x128x64xf32, #tpu.memory_space<vmem>> -> memref<128x64xf32, #tpu.memory_space<vmem>>
      tpu.enqueue_dma source(%dma_start3A_252 : memref<128x64xf32, #tpu.memory_space<vmem>>) target(%dma_start3A_248 : memref<128x64xf32, #tpu.memory_space<vmem_shared>>) target_semaphore(%run_scoped3A_240 : memref<!tpu.dma_semaphore, #tpu.memory_space<semaphore_mem>>)
      %dma_wait3A_253 = arith.constant 0 : i32
      %dma_wait3A_254 = arith.constant 0 : i32
      %dma_wait3A_255 = tpu.memref_slice %arg8[%run_scoped3A_16, %dma_wait3A_253, %dma_wait3A_254] : memref<8x128x64xf32, #tpu.memory_space<vmem>> -> memref<1x128x64xf32, #tpu.memory_space<vmem>>
      %dma_wait3A_256 = tpu.memref_squeeze %dma_wait3A_255 : memref<1x128x64xf32, #tpu.memory_space<vmem>> -> memref<128x64xf32, #tpu.memory_space<vmem>>
      %dma_wait3A_257 = arith.constant 0 : i32
      %dma_wait3A_258 = tpu.memref_slice %arg9[%add3A_15, %dma_wait3A_257] : memref<10240x64xf32, #tpu.memory_space<vmem_shared>> -> memref<128x64xf32, #tpu.memory_space<vmem_shared>>
      %dma_wait3A_259 = arith.constant 0 : i32
      %dma_wait3A_260 = tpu.memref_slice %arg9[%add3A_15, %dma_wait3A_259] : memref<10240x64xf32, #tpu.memory_space<vmem_shared>> -> memref<128x64xf32, #tpu.memory_space<vmem_shared>>
      %dma_wait3A_261 = arith.constant 0 : i32
      %dma_wait3A_262 = arith.constant 0 : i32
      %dma_wait3A_263 = tpu.memref_slice %arg8[%run_scoped3A_16, %dma_wait3A_261, %dma_wait3A_262] : memref<8x128x64xf32, #tpu.memory_space<vmem>> -> memref<1x128x64xf32, #tpu.memory_space<vmem>>
      %dma_wait3A_264 = tpu.memref_squeeze %dma_wait3A_263 : memref<1x128x64xf32, #tpu.memory_space<vmem>> -> memref<128x64xf32, #tpu.memory_space<vmem>>
      tpu.wait_dma2 semaphore(%run_scoped3A_240 : memref<!tpu.dma_semaphore, #tpu.memory_space<semaphore_mem>>) src(%dma_wait3A_264 : memref<128x64xf32, #tpu.memory_space<vmem>>) dst(%dma_wait3A_260 : memref<128x64xf32, #tpu.memory_space<vmem_shared>>)
      tpu.yield
    }) : () -> ()
    %add3A_17 = arith.constant 384 : i32
    %add3A_18 = arith.addi %mul3A_8, %add3A_17 : i32
    %run_scoped3A_19 = arith.constant 0 : i32
    "tpu.region"() ({
      %run_scoped3A_240 = tpu.sem_alloc : memref<!tpu.dma_semaphore, #tpu.memory_space<semaphore_mem>>
      %dma_start3A_241 = arith.constant 0 : i32
      %dma_start3A_242 = arith.constant 0 : i32
      %dma_start3A_243 = tpu.memref_slice %arg8[%run_scoped3A_19, %dma_start3A_241, %dma_start3A_242] : memref<8x128x64xf32, #tpu.memory_space<vmem>> -> memref<1x128x64xf32, #tpu.memory_space<vmem>>
      %dma_start3A_244 = tpu.memref_squeeze %dma_start3A_243 : memref<1x128x64xf32, #tpu.memory_space<vmem>> -> memref<128x64xf32, #tpu.memory_space<vmem>>
      %dma_start3A_245 = arith.constant 0 : i32
      %dma_start3A_246 = tpu.memref_slice %arg9[%add3A_18, %dma_start3A_245] : memref<10240x64xf32, #tpu.memory_space<vmem_shared>> -> memref<128x64xf32, #tpu.memory_space<vmem_shared>>
      %dma_start3A_247 = arith.constant 0 : i32
      %dma_start3A_248 = tpu.memref_slice %arg9[%add3A_18, %dma_start3A_247] : memref<10240x64xf32, #tpu.memory_space<vmem_shared>> -> memref<128x64xf32, #tpu.memory_space<vmem_shared>>
      %dma_start3A_249 = arith.constant 0 : i32
      %dma_start3A_250 = arith.constant 0 : i32
      %dma_start3A_251 = tpu.memref_slice %arg8[%run_scoped3A_19, %dma_start3A_249, %dma_start3A_250] : memref<8x128x64xf32, #tpu.memory_space<vmem>> -> memref<1x128x64xf32, #tpu.memory_space<vmem>>
      %dma_start3A_252 = tpu.memref_squeeze %dma_start3A_251 : memref<1x128x64xf32, #tpu.memory_space<vmem>> -> memref<128x64xf32, #tpu.memory_space<vmem>>
      tpu.enqueue_dma source(%dma_start3A_252 : memref<128x64xf32, #tpu.memory_space<vmem>>) target(%dma_start3A_248 : memref<128x64xf32, #tpu.memory_space<vmem_shared>>) target_semaphore(%run_scoped3A_240 : memref<!tpu.dma_semaphore, #tpu.memory_space<semaphore_mem>>)
      %dma_wait3A_253 = arith.constant 0 : i32
      %dma_wait3A_254 = arith.constant 0 : i32
      %dma_wait3A_255 = tpu.memref_slice %arg8[%run_scoped3A_19, %dma_wait3A_253, %dma_wait3A_254] : memref<8x128x64xf32, #tpu.memory_space<vmem>> -> memref<1x128x64xf32, #tpu.memory_space<vmem>>
      %dma_wait3A_256 = tpu.memref_squeeze %dma_wait3A_255 : memref<1x128x64xf32, #tpu.memory_space<vmem>> -> memref<128x64xf32, #tpu.memory_space<vmem>>
      %dma_wait3A_257 = arith.constant 0 : i32
      %dma_wait3A_258 = tpu.memref_slice %arg9[%add3A_18, %dma_wait3A_257] : memref<10240x64xf32, #tpu.memory_space<vmem_shared>> -> memref<128x64xf32, #tpu.memory_space<vmem_shared>>
      %dma_wait3A_259 = arith.constant 0 : i32
      %dma_wait3A_260 = tpu.memref_slice %arg9[%add3A_18, %dma_wait3A_259] : memref<10240x64xf32, #tpu.memory_space<vmem_shared>> -> memref<128x64xf32, #tpu.memory_space<vmem_shared>>
      %dma_wait3A_261 = arith.constant 0 : i32
      %dma_wait3A_262 = arith.constant 0 : i32
      %dma_wait3A_263 = tpu.memref_slice %arg8[%run_scoped3A_19, %dma_wait3A_261, %dma_wait3A_262] : memref<8x128x64xf32, #tpu.memory_space<vmem>> -> memref<1x128x64xf32, #tpu.memory_space<vmem>>
      %dma_wait3A_264 = tpu.memref_squeeze %dma_wait3A_263 : memref<1x128x64xf32, #tpu.memory_space<vmem>> -> memref<128x64xf32, #tpu.memory_space<vmem>>
      tpu.wait_dma2 semaphore(%run_scoped3A_240 : memref<!tpu.dma_semaphore, #tpu.memory_space<semaphore_mem>>) src(%dma_wait3A_264 : memref<128x64xf32, #tpu.memory_space<vmem>>) dst(%dma_wait3A_260 : memref<128x64xf32, #tpu.memory_space<vmem_shared>>)
      tpu.yield
    }) : () -> ()
    %add3A_20 = arith.constant 512 : i32
    %add3A_21 = arith.addi %mul3A_8, %add3A_20 : i32
    %run_scoped3A_22 = arith.constant 0 : i32
    "tpu.region"() ({
      %run_scoped3A_240 = tpu.sem_alloc : memref<!tpu.dma_semaphore, #tpu.memory_space<semaphore_mem>>
      %dma_start3A_241 = arith.constant 0 : i32
      %dma_start3A_242 = arith.constant 0 : i32
      %dma_start3A_243 = tpu.memref_slice %arg8[%run_scoped3A_22, %dma_start3A_241, %dma_start3A_242] : memref<8x128x64xf32, #tpu.memory_space<vmem>> -> memref<1x128x64xf32, #tpu.memory_space<vmem>>
      %dma_start3A_244 = tpu.memref_squeeze %dma_start3A_243 : memref<1x128x64xf32, #tpu.memory_space<vmem>> -> memref<128x64xf32, #tpu.memory_space<vmem>>
      %dma_start3A_245 = arith.constant 0 : i32
      %dma_start3A_246 = tpu.memref_slice %arg9[%add3A_21, %dma_start3A_245] : memref<10240x64xf32, #tpu.memory_space<vmem_shared>> -> memref<128x64xf32, #tpu.memory_space<vmem_shared>>
      %dma_start3A_247 = arith.constant 0 : i32
      %dma_start3A_248 = tpu.memref_slice %arg9[%add3A_21, %dma_start3A_247] : memref<10240x64xf32, #tpu.memory_space<vmem_shared>> -> memref<128x64xf32, #tpu.memory_space<vmem_shared>>
      %dma_start3A_249 = arith.constant 0 : i32
      %dma_start3A_250 = arith.constant 0 : i32
      %dma_start3A_251 = tpu.memref_slice %arg8[%run_scoped3A_22, %dma_start3A_249, %dma_start3A_250] : memref<8x128x64xf32, #tpu.memory_space<vmem>> -> memref<1x128x64xf32, #tpu.memory_space<vmem>>
      %dma_start3A_252 = tpu.memref_squeeze %dma_start3A_251 : memref<1x128x64xf32, #tpu.memory_space<vmem>> -> memref<128x64xf32, #tpu.memory_space<vmem>>
      tpu.enqueue_dma source(%dma_start3A_252 : memref<128x64xf32, #tpu.memory_space<vmem>>) target(%dma_start3A_248 : memref<128x64xf32, #tpu.memory_space<vmem_shared>>) target_semaphore(%run_scoped3A_240 : memref<!tpu.dma_semaphore, #tpu.memory_space<semaphore_mem>>)
      %dma_wait3A_253 = arith.constant 0 : i32
      %dma_wait3A_254 = arith.constant 0 : i32
      %dma_wait3A_255 = tpu.memref_slice %arg8[%run_scoped3A_22, %dma_wait3A_253, %dma_wait3A_254] : memref<8x128x64xf32, #tpu.memory_space<vmem>> -> memref<1x128x64xf32, #tpu.memory_space<vmem>>
      %dma_wait3A_256 = tpu.memref_squeeze %dma_wait3A_255 : memref<1x128x64xf32, #tpu.memory_space<vmem>> -> memref<128x64xf32, #tpu.memory_space<vmem>>
      %dma_wait3A_257 = arith.constant 0 : i32
      %dma_wait3A_258 = tpu.memref_slice %arg9[%add3A_21, %dma_wait3A_257] : memref<10240x64xf32, #tpu.memory_space<vmem_shared>> -> memref<128x64xf32, #tpu.memory_space<vmem_shared>>
      %dma_wait3A_259 = arith.constant 0 : i32
      %dma_wait3A_260 = tpu.memref_slice %arg9[%add3A_21, %dma_wait3A_259] : memref<10240x64xf32, #tpu.memory_space<vmem_shared>> -> memref<128x64xf32, #tpu.memory_space<vmem_shared>>
      %dma_wait3A_261 = arith.constant 0 : i32
      %dma_wait3A_262 = arith.constant 0 : i32
      %dma_wait3A_263 = tpu.memref_slice %arg8[%run_scoped3A_22, %dma_wait3A_261, %dma_wait3A_262] : memref<8x128x64xf32, #tpu.memory_space<vmem>> -> memref<1x128x64xf32, #tpu.memory_space<vmem>>
      %dma_wait3A_264 = tpu.memref_squeeze %dma_wait3A_263 : memref<1x128x64xf32, #tpu.memory_space<vmem>> -> memref<128x64xf32, #tpu.memory_space<vmem>>
      tpu.wait_dma2 semaphore(%run_scoped3A_240 : memref<!tpu.dma_semaphore, #tpu.memory_space<semaphore_mem>>) src(%dma_wait3A_264 : memref<128x64xf32, #tpu.memory_space<vmem>>) dst(%dma_wait3A_260 : memref<128x64xf32, #tpu.memory_space<vmem_shared>>)
      tpu.yield
    }) : () -> ()
    "tpu.region"() ({
      %run_scoped3A_240 = tpu.sem_alloc : memref<!tpu.dma_semaphore, #tpu.memory_space<semaphore_mem>>
      %dma_start3A_241 = arith.constant 0 : i32
      %dma_start3A_242 = arith.constant 0 : i32
      %dma_start3A_243 = tpu.memref_slice %arg3[%add3A, %dma_start3A_241, %dma_start3A_242] : memref<32x79x128xi32, #tpu.memory_space<hbm>> -> memref<1x79x128xi32, #tpu.memory_space<hbm>>
      %dma_start3A_244 = tpu.memref_squeeze %dma_start3A_243 : memref<1x79x128xi32, #tpu.memory_space<hbm>> -> memref<79x128xi32, #tpu.memory_space<hbm>>
      %dma_start3A_245 = arith.constant 0 : i32
      %dma_start3A_246 = arith.constant 0 : i32
      %dma_start3A_247 = tpu.memref_slice %arg3[%add3A, %dma_start3A_245, %dma_start3A_246] : memref<32x79x128xi32, #tpu.memory_space<hbm>> -> memref<1x79x128xi32, #tpu.memory_space<hbm>>
      %dma_start3A_248 = tpu.memref_squeeze %dma_start3A_247 : memref<1x79x128xi32, #tpu.memory_space<hbm>> -> memref<79x128xi32, #tpu.memory_space<hbm>>
      tpu.enqueue_dma source(%dma_start3A_248 : memref<79x128xi32, #tpu.memory_space<hbm>>) target(%arg6 : memref<79x128xi32, #tpu.memory_space<vmem>>) target_semaphore(%run_scoped3A_240 : memref<!tpu.dma_semaphore, #tpu.memory_space<semaphore_mem>>)
      %dma_wait3A_249 = arith.constant 0 : i32
      %dma_wait3A_250 = arith.constant 0 : i32
      %dma_wait3A_251 = tpu.memref_slice %arg3[%add3A, %dma_wait3A_249, %dma_wait3A_250] : memref<32x79x128xi32, #tpu.memory_space<hbm>> -> memref<1x79x128xi32, #tpu.memory_space<hbm>>
      %dma_wait3A_252 = tpu.memref_squeeze %dma_wait3A_251 : memref<1x79x128xi32, #tpu.memory_space<hbm>> -> memref<79x128xi32, #tpu.memory_space<hbm>>
      %dma_wait3A_253 = arith.constant 0 : i32
      %dma_wait3A_254 = arith.constant 0 : i32
      %dma_wait3A_255 = tpu.memref_slice %arg3[%add3A, %dma_wait3A_253, %dma_wait3A_254] : memref<32x79x128xi32, #tpu.memory_space<hbm>> -> memref<1x79x128xi32, #tpu.memory_space<hbm>>
      %dma_wait3A_256 = tpu.memref_squeeze %dma_wait3A_255 : memref<1x79x128xi32, #tpu.memory_space<hbm>> -> memref<79x128xi32, #tpu.memory_space<hbm>>
      tpu.wait_dma2 semaphore(%run_scoped3A_240 : memref<!tpu.dma_semaphore, #tpu.memory_space<semaphore_mem>>) src(%dma_wait3A_256 : memref<79x128xi32, #tpu.memory_space<hbm>>) dst(%arg6 : memref<79x128xi32, #tpu.memory_space<vmem>>)
      tpu.yield
    }) : () -> ()
    "tpu.region"() ({
      %run_scoped3A_240 = tpu.sem_alloc : memref<!tpu.dma_semaphore, #tpu.memory_space<semaphore_mem>>
      %dma_start3A_241 = arith.constant 0 : i32
      %dma_start3A_242 = arith.constant 0 : i32
      %dma_start3A_243 = tpu.memref_slice %arg4[%add3A, %dma_start3A_241, %dma_start3A_242] : memref<32x79x128xi32, #tpu.memory_space<hbm>> -> memref<1x79x128xi32, #tpu.memory_space<hbm>>
      %dma_start3A_244 = tpu.memref_squeeze %dma_start3A_243 : memref<1x79x128xi32, #tpu.memory_space<hbm>> -> memref<79x128xi32, #tpu.memory_space<hbm>>
      %dma_start3A_245 = arith.constant 0 : i32
      %dma_start3A_246 = arith.constant 0 : i32
      %dma_start3A_247 = tpu.memref_slice %arg4[%add3A, %dma_start3A_245, %dma_start3A_246] : memref<32x79x128xi32, #tpu.memory_space<hbm>> -> memref<1x79x128xi32, #tpu.memory_space<hbm>>
      %dma_start3A_248 = tpu.memref_squeeze %dma_start3A_247 : memref<1x79x128xi32, #tpu.memory_space<hbm>> -> memref<79x128xi32, #tpu.memory_space<hbm>>
      tpu.enqueue_dma source(%dma_start3A_248 : memref<79x128xi32, #tpu.memory_space<hbm>>) target(%arg7 : memref<79x128xi32, #tpu.memory_space<vmem>>) target_semaphore(%run_scoped3A_240 : memref<!tpu.dma_semaphore, #tpu.memory_space<semaphore_mem>>)
      %dma_wait3A_249 = arith.constant 0 : i32
      %dma_wait3A_250 = arith.constant 0 : i32
      %dma_wait3A_251 = tpu.memref_slice %arg4[%add3A, %dma_wait3A_249, %dma_wait3A_250] : memref<32x79x128xi32, #tpu.memory_space<hbm>> -> memref<1x79x128xi32, #tpu.memory_space<hbm>>
      %dma_wait3A_252 = tpu.memref_squeeze %dma_wait3A_251 : memref<1x79x128xi32, #tpu.memory_space<hbm>> -> memref<79x128xi32, #tpu.memory_space<hbm>>
      %dma_wait3A_253 = arith.constant 0 : i32
      %dma_wait3A_254 = arith.constant 0 : i32
      %dma_wait3A_255 = tpu.memref_slice %arg4[%add3A, %dma_wait3A_253, %dma_wait3A_254] : memref<32x79x128xi32, #tpu.memory_space<hbm>> -> memref<1x79x128xi32, #tpu.memory_space<hbm>>
      %dma_wait3A_256 = tpu.memref_squeeze %dma_wait3A_255 : memref<1x79x128xi32, #tpu.memory_space<hbm>> -> memref<79x128xi32, #tpu.memory_space<hbm>>
      tpu.wait_dma2 semaphore(%run_scoped3A_240 : memref<!tpu.dma_semaphore, #tpu.memory_space<semaphore_mem>>) src(%dma_wait3A_256 : memref<79x128xi32, #tpu.memory_space<hbm>>) dst(%arg7 : memref<79x128xi32, #tpu.memory_space<vmem>>)
      tpu.yield
    }) : () -> ()
    %barrier3A = arith.constant 0 : index
    tpu.barrier barrier_id(%barrier3A)
    %dma_start3A = arith.constant 0 : i32
    %dma_start3A_23 = arith.constant 0 : i32
    %dma_start3A_24 = arith.constant 0 : i32
    %dma_start3A_25 = arith.constant 0 : i32
    %dma_start3A_26 = tpu.memref_slice %arg8[%dma_start3A_23, %dma_start3A_24, %dma_start3A_25] : memref<8x128x64xf32, #tpu.memory_space<vmem>> -> memref<1x128x64xf32, #tpu.memory_space<vmem>>
    %dma_start3A_27 = tpu.memref_squeeze %dma_start3A_26 : memref<1x128x64xf32, #tpu.memory_space<vmem>> -> memref<128x64xf32, #tpu.memory_space<vmem>>
    %dma_start3A_28 = arith.constant 0 : i32
    %dma_start3A_29 = tpu.memref_slice %arg6[%dma_start3A, %dma_start3A_28] : memref<79x128xi32, #tpu.memory_space<vmem>> -> memref<1x128xi32, #tpu.memory_space<vmem>>
    %dma_start3A_30 = tpu.memref_squeeze %dma_start3A_29 : memref<1x128xi32, #tpu.memory_space<vmem>> -> memref<128xi32, #tpu.memory_space<vmem>>
    %dma_start3A_31 = arith.constant 0 : i32
    %dma_start3A_32 = arith.constant 0 : i32
    %dma_start3A_33 = tpu.memref_slice %arg2[%dma_start3A_31, %dma_start3A_32] : memref<10240x64xf32, #tpu.memory_space<hbm>> -> memref<10240x64xf32, #tpu.memory_space<hbm>>
    tpu.enqueue_indirect_dma source(%dma_start3A_33 : memref<10240x64xf32, #tpu.memory_space<hbm>>) target(%dma_start3A_27 : memref<128x64xf32, #tpu.memory_space<vmem>>) offsets(%dma_start3A_30 : memref<128xi32, #tpu.memory_space<vmem>>) semaphore(%arg10 : memref<!tpu.dma_semaphore, #tpu.memory_space<semaphore_mem>>)
    %dma_start3A_34 = arith.constant 1 : i32
    %dma_start3A_35 = arith.constant 1 : i32
    %dma_start3A_36 = arith.constant 0 : i32
    %dma_start3A_37 = arith.constant 0 : i32
    %dma_start3A_38 = tpu.memref_slice %arg8[%dma_start3A_35, %dma_start3A_36, %dma_start3A_37] : memref<8x128x64xf32, #tpu.memory_space<vmem>> -> memref<1x128x64xf32, #tpu.memory_space<vmem>>
    %dma_start3A_39 = tpu.memref_squeeze %dma_start3A_38 : memref<1x128x64xf32, #tpu.memory_space<vmem>> -> memref<128x64xf32, #tpu.memory_space<vmem>>
    %dma_start3A_40 = arith.constant 0 : i32
    %dma_start3A_41 = tpu.memref_slice %arg6[%dma_start3A_34, %dma_start3A_40] : memref<79x128xi32, #tpu.memory_space<vmem>> -> memref<1x128xi32, #tpu.memory_space<vmem>>
    %dma_start3A_42 = tpu.memref_squeeze %dma_start3A_41 : memref<1x128xi32, #tpu.memory_space<vmem>> -> memref<128xi32, #tpu.memory_space<vmem>>
    %dma_start3A_43 = arith.constant 0 : i32
    %dma_start3A_44 = arith.constant 0 : i32
    %dma_start3A_45 = tpu.memref_slice %arg2[%dma_start3A_43, %dma_start3A_44] : memref<10240x64xf32, #tpu.memory_space<hbm>> -> memref<10240x64xf32, #tpu.memory_space<hbm>>
    tpu.enqueue_indirect_dma source(%dma_start3A_45 : memref<10240x64xf32, #tpu.memory_space<hbm>>) target(%dma_start3A_39 : memref<128x64xf32, #tpu.memory_space<vmem>>) offsets(%dma_start3A_42 : memref<128xi32, #tpu.memory_space<vmem>>) semaphore(%arg11 : memref<!tpu.dma_semaphore, #tpu.memory_space<semaphore_mem>>)
    %dma_start3A_46 = arith.constant 2 : i32
    %dma_start3A_47 = arith.constant 2 : i32
    %dma_start3A_48 = arith.constant 0 : i32
    %dma_start3A_49 = arith.constant 0 : i32
    %dma_start3A_50 = tpu.memref_slice %arg8[%dma_start3A_47, %dma_start3A_48, %dma_start3A_49] : memref<8x128x64xf32, #tpu.memory_space<vmem>> -> memref<1x128x64xf32, #tpu.memory_space<vmem>>
    %dma_start3A_51 = tpu.memref_squeeze %dma_start3A_50 : memref<1x128x64xf32, #tpu.memory_space<vmem>> -> memref<128x64xf32, #tpu.memory_space<vmem>>
    %dma_start3A_52 = arith.constant 0 : i32
    %dma_start3A_53 = tpu.memref_slice %arg6[%dma_start3A_46, %dma_start3A_52] : memref<79x128xi32, #tpu.memory_space<vmem>> -> memref<1x128xi32, #tpu.memory_space<vmem>>
    %dma_start3A_54 = tpu.memref_squeeze %dma_start3A_53 : memref<1x128xi32, #tpu.memory_space<vmem>> -> memref<128xi32, #tpu.memory_space<vmem>>
    %dma_start3A_55 = arith.constant 0 : i32
    %dma_start3A_56 = arith.constant 0 : i32
    %dma_start3A_57 = tpu.memref_slice %arg2[%dma_start3A_55, %dma_start3A_56] : memref<10240x64xf32, #tpu.memory_space<hbm>> -> memref<10240x64xf32, #tpu.memory_space<hbm>>
    tpu.enqueue_indirect_dma source(%dma_start3A_57 : memref<10240x64xf32, #tpu.memory_space<hbm>>) target(%dma_start3A_51 : memref<128x64xf32, #tpu.memory_space<vmem>>) offsets(%dma_start3A_54 : memref<128xi32, #tpu.memory_space<vmem>>) semaphore(%arg12 : memref<!tpu.dma_semaphore, #tpu.memory_space<semaphore_mem>>)
    %dma_start3A_58 = arith.constant 3 : i32
    %dma_start3A_59 = arith.constant 3 : i32
    %dma_start3A_60 = arith.constant 0 : i32
    %dma_start3A_61 = arith.constant 0 : i32
    %dma_start3A_62 = tpu.memref_slice %arg8[%dma_start3A_59, %dma_start3A_60, %dma_start3A_61] : memref<8x128x64xf32, #tpu.memory_space<vmem>> -> memref<1x128x64xf32, #tpu.memory_space<vmem>>
    %dma_start3A_63 = tpu.memref_squeeze %dma_start3A_62 : memref<1x128x64xf32, #tpu.memory_space<vmem>> -> memref<128x64xf32, #tpu.memory_space<vmem>>
    %dma_start3A_64 = arith.constant 0 : i32
    %dma_start3A_65 = tpu.memref_slice %arg6[%dma_start3A_58, %dma_start3A_64] : memref<79x128xi32, #tpu.memory_space<vmem>> -> memref<1x128xi32, #tpu.memory_space<vmem>>
    %dma_start3A_66 = tpu.memref_squeeze %dma_start3A_65 : memref<1x128xi32, #tpu.memory_space<vmem>> -> memref<128xi32, #tpu.memory_space<vmem>>
    %dma_start3A_67 = arith.constant 0 : i32
    %dma_start3A_68 = arith.constant 0 : i32
    %dma_start3A_69 = tpu.memref_slice %arg2[%dma_start3A_67, %dma_start3A_68] : memref<10240x64xf32, #tpu.memory_space<hbm>> -> memref<10240x64xf32, #tpu.memory_space<hbm>>
    tpu.enqueue_indirect_dma source(%dma_start3A_69 : memref<10240x64xf32, #tpu.memory_space<hbm>>) target(%dma_start3A_63 : memref<128x64xf32, #tpu.memory_space<vmem>>) offsets(%dma_start3A_66 : memref<128xi32, #tpu.memory_space<vmem>>) semaphore(%arg13 : memref<!tpu.dma_semaphore, #tpu.memory_space<semaphore_mem>>)
    %dma_start3A_70 = arith.constant 4 : i32
    %dma_start3A_71 = arith.constant 4 : i32
    %dma_start3A_72 = arith.constant 0 : i32
    %dma_start3A_73 = arith.constant 0 : i32
    %dma_start3A_74 = tpu.memref_slice %arg8[%dma_start3A_71, %dma_start3A_72, %dma_start3A_73] : memref<8x128x64xf32, #tpu.memory_space<vmem>> -> memref<1x128x64xf32, #tpu.memory_space<vmem>>
    %dma_start3A_75 = tpu.memref_squeeze %dma_start3A_74 : memref<1x128x64xf32, #tpu.memory_space<vmem>> -> memref<128x64xf32, #tpu.memory_space<vmem>>
    %dma_start3A_76 = arith.constant 0 : i32
    %dma_start3A_77 = tpu.memref_slice %arg6[%dma_start3A_70, %dma_start3A_76] : memref<79x128xi32, #tpu.memory_space<vmem>> -> memref<1x128xi32, #tpu.memory_space<vmem>>
    %dma_start3A_78 = tpu.memref_squeeze %dma_start3A_77 : memref<1x128xi32, #tpu.memory_space<vmem>> -> memref<128xi32, #tpu.memory_space<vmem>>
    %dma_start3A_79 = arith.constant 0 : i32
    %dma_start3A_80 = arith.constant 0 : i32
    %dma_start3A_81 = tpu.memref_slice %arg2[%dma_start3A_79, %dma_start3A_80] : memref<10240x64xf32, #tpu.memory_space<hbm>> -> memref<10240x64xf32, #tpu.memory_space<hbm>>
    tpu.enqueue_indirect_dma source(%dma_start3A_81 : memref<10240x64xf32, #tpu.memory_space<hbm>>) target(%dma_start3A_75 : memref<128x64xf32, #tpu.memory_space<vmem>>) offsets(%dma_start3A_78 : memref<128xi32, #tpu.memory_space<vmem>>) semaphore(%arg14 : memref<!tpu.dma_semaphore, #tpu.memory_space<semaphore_mem>>)
    %dma_start3A_82 = arith.constant 5 : i32
    %dma_start3A_83 = arith.constant 5 : i32
    %dma_start3A_84 = arith.constant 0 : i32
    %dma_start3A_85 = arith.constant 0 : i32
    %dma_start3A_86 = tpu.memref_slice %arg8[%dma_start3A_83, %dma_start3A_84, %dma_start3A_85] : memref<8x128x64xf32, #tpu.memory_space<vmem>> -> memref<1x128x64xf32, #tpu.memory_space<vmem>>
    %dma_start3A_87 = tpu.memref_squeeze %dma_start3A_86 : memref<1x128x64xf32, #tpu.memory_space<vmem>> -> memref<128x64xf32, #tpu.memory_space<vmem>>
    %dma_start3A_88 = arith.constant 0 : i32
    %dma_start3A_89 = tpu.memref_slice %arg6[%dma_start3A_82, %dma_start3A_88] : memref<79x128xi32, #tpu.memory_space<vmem>> -> memref<1x128xi32, #tpu.memory_space<vmem>>
    %dma_start3A_90 = tpu.memref_squeeze %dma_start3A_89 : memref<1x128xi32, #tpu.memory_space<vmem>> -> memref<128xi32, #tpu.memory_space<vmem>>
    %dma_start3A_91 = arith.constant 0 : i32
    %dma_start3A_92 = arith.constant 0 : i32
    %dma_start3A_93 = tpu.memref_slice %arg2[%dma_start3A_91, %dma_start3A_92] : memref<10240x64xf32, #tpu.memory_space<hbm>> -> memref<10240x64xf32, #tpu.memory_space<hbm>>
    tpu.enqueue_indirect_dma source(%dma_start3A_93 : memref<10240x64xf32, #tpu.memory_space<hbm>>) target(%dma_start3A_87 : memref<128x64xf32, #tpu.memory_space<vmem>>) offsets(%dma_start3A_90 : memref<128xi32, #tpu.memory_space<vmem>>) semaphore(%arg15 : memref<!tpu.dma_semaphore, #tpu.memory_space<semaphore_mem>>)
    %dma_start3A_94 = arith.constant 6 : i32
    %dma_start3A_95 = arith.constant 6 : i32
    %dma_start3A_96 = arith.constant 0 : i32
    %dma_start3A_97 = arith.constant 0 : i32
    %dma_start3A_98 = tpu.memref_slice %arg8[%dma_start3A_95, %dma_start3A_96, %dma_start3A_97] : memref<8x128x64xf32, #tpu.memory_space<vmem>> -> memref<1x128x64xf32, #tpu.memory_space<vmem>>
    %dma_start3A_99 = tpu.memref_squeeze %dma_start3A_98 : memref<1x128x64xf32, #tpu.memory_space<vmem>> -> memref<128x64xf32, #tpu.memory_space<vmem>>
    %dma_start3A_100 = arith.constant 0 : i32
    %dma_start3A_101 = tpu.memref_slice %arg6[%dma_start3A_94, %dma_start3A_100] : memref<79x128xi32, #tpu.memory_space<vmem>> -> memref<1x128xi32, #tpu.memory_space<vmem>>
    %dma_start3A_102 = tpu.memref_squeeze %dma_start3A_101 : memref<1x128xi32, #tpu.memory_space<vmem>> -> memref<128xi32, #tpu.memory_space<vmem>>
    %dma_start3A_103 = arith.constant 0 : i32
    %dma_start3A_104 = arith.constant 0 : i32
    %dma_start3A_105 = tpu.memref_slice %arg2[%dma_start3A_103, %dma_start3A_104] : memref<10240x64xf32, #tpu.memory_space<hbm>> -> memref<10240x64xf32, #tpu.memory_space<hbm>>
    tpu.enqueue_indirect_dma source(%dma_start3A_105 : memref<10240x64xf32, #tpu.memory_space<hbm>>) target(%dma_start3A_99 : memref<128x64xf32, #tpu.memory_space<vmem>>) offsets(%dma_start3A_102 : memref<128xi32, #tpu.memory_space<vmem>>) semaphore(%arg16 : memref<!tpu.dma_semaphore, #tpu.memory_space<semaphore_mem>>)
    %scan3A_106 = arith.constant 0 : i32
    %scan3A_107 = arith.constant 0 : i32
    %scan3A_108 = arith.constant 9 : i32
    %scan3A_109 = arith.addi %scan3A_107, %scan3A_108 : i32
    %scan3A_110 = arith.constant 1 : i32
    scf.for %scan3A_240 = %scan3A_107 to %scan3A_109 step %scan3A_110  : i32 {
      %mul3A_241 = arith.constant 8 : i32
      %mul3A_242 = arith.muli %mul3A_241, %scan3A_240 : i32
      %add3A_243 = arith.constant 7 : i32
      %add3A_244 = arith.addi %mul3A_242, %add3A_243 : i32
      %add3A_245 = arith.constant 0 : i32
      %add3A_246 = arith.addi %add3A_244, %add3A_245 : i32
      %dma_start3A_247 = arith.constant 7 : i32
      %dma_start3A_248 = arith.constant 0 : i32
      %dma_start3A_249 = arith.constant 0 : i32
      %dma_start3A_250 = tpu.memref_slice %arg8[%dma_start3A_247, %dma_start3A_248, %dma_start3A_249] : memref<8x128x64xf32, #tpu.memory_space<vmem>> -> memref<1x128x64xf32, #tpu.memory_space<vmem>>
      %dma_start3A_251 = tpu.memref_squeeze %dma_start3A_250 : memref<1x128x64xf32, #tpu.memory_space<vmem>> -> memref<128x64xf32, #tpu.memory_space<vmem>>
      %dma_start3A_252 = arith.constant 0 : i32
      %dma_start3A_253 = tpu.memref_slice %arg6[%add3A_246, %dma_start3A_252] : memref<79x128xi32, #tpu.memory_space<vmem>> -> memref<1x128xi32, #tpu.memory_space<vmem>>
      %dma_start3A_254 = tpu.memref_squeeze %dma_start3A_253 : memref<1x128xi32, #tpu.memory_space<vmem>> -> memref<128xi32, #tpu.memory_space<vmem>>
      %dma_start3A_255 = arith.constant 0 : i32
      %dma_start3A_256 = arith.constant 0 : i32
      %dma_start3A_257 = tpu.memref_slice %arg2[%dma_start3A_255, %dma_start3A_256] : memref<10240x64xf32, #tpu.memory_space<hbm>> -> memref<10240x64xf32, #tpu.memory_space<hbm>>
      tpu.enqueue_indirect_dma source(%dma_start3A_257 : memref<10240x64xf32, #tpu.memory_space<hbm>>) target(%dma_start3A_251 : memref<128x64xf32, #tpu.memory_space<vmem>>) offsets(%dma_start3A_254 : memref<128xi32, #tpu.memory_space<vmem>>) semaphore(%arg17 : memref<!tpu.dma_semaphore, #tpu.memory_space<semaphore_mem>>)
      %add3A_258 = arith.constant 0 : i32
      %add3A_259 = arith.addi %mul3A_242, %add3A_258 : i32
      %dma_wait3A_260 = arith.constant 0 : i32
      %dma_wait3A_261 = arith.constant 0 : i32
      %dma_wait3A_262 = arith.constant 0 : i32
      %dma_wait3A_263 = tpu.memref_slice %arg8[%dma_wait3A_260, %dma_wait3A_261, %dma_wait3A_262] : memref<8x128x64xf32, #tpu.memory_space<vmem>> -> memref<1x128x64xf32, #tpu.memory_space<vmem>>
      %dma_wait3A_264 = tpu.memref_squeeze %dma_wait3A_263 : memref<1x128x64xf32, #tpu.memory_space<vmem>> -> memref<128x64xf32, #tpu.memory_space<vmem>>
      %dma_wait3A_265 = arith.constant 0 : i32
      %dma_wait3A_266 = tpu.memref_slice %arg6[%add3A_259, %dma_wait3A_265] : memref<79x128xi32, #tpu.memory_space<vmem>> -> memref<1x128xi32, #tpu.memory_space<vmem>>
      %dma_wait3A_267 = tpu.memref_squeeze %dma_wait3A_266 : memref<1x128xi32, #tpu.memory_space<vmem>> -> memref<128xi32, #tpu.memory_space<vmem>>
      %dma_wait3A_268 = arith.constant 0 : i32
      %dma_wait3A_269 = arith.constant 0 : i32
      %dma_wait3A_270 = tpu.memref_slice %arg2[%dma_wait3A_268, %dma_wait3A_269] : memref<10240x64xf32, #tpu.memory_space<hbm>> -> memref<10240x64xf32, #tpu.memory_space<hbm>>
      tpu.wait_indirect_dma semaphore(%arg10 : memref<!tpu.dma_semaphore, #tpu.memory_space<semaphore_mem>>) src(%dma_wait3A_270 : memref<10240x64xf32, #tpu.memory_space<hbm>>) dst(%dma_wait3A_264 : memref<128x64xf32, #tpu.memory_space<vmem>>)
      %run_scoped3A_271 = arith.constant 0 : i32
      "tpu.region"() ({
        %run_scoped3A_475 = tpu.sem_alloc : memref<!tpu.dma_semaphore, #tpu.memory_space<semaphore_mem>>
        %dma_start3A_476 = arith.constant 0 : i32
        %dma_start3A_477 = arith.constant 0 : i32
        %dma_start3A_478 = tpu.memref_slice %arg8[%run_scoped3A_271, %dma_start3A_476, %dma_start3A_477] : memref<8x128x64xf32, #tpu.memory_space<vmem>> -> memref<1x128x64xf32, #tpu.memory_space<vmem>>
        %dma_start3A_479 = tpu.memref_squeeze %dma_start3A_478 : memref<1x128x64xf32, #tpu.memory_space<vmem>> -> memref<128x64xf32, #tpu.memory_space<vmem>>
        %dma_start3A_480 = arith.constant 0 : i32
        %dma_start3A_481 = tpu.memref_slice %arg7[%add3A_259, %dma_start3A_480] : memref<79x128xi32, #tpu.memory_space<vmem>> -> memref<1x128xi32, #tpu.memory_space<vmem>>
        %dma_start3A_482 = tpu.memref_squeeze %dma_start3A_481 : memref<1x128xi32, #tpu.memory_space<vmem>> -> memref<128xi32, #tpu.memory_space<vmem>>
        %dma_start3A_483 = arith.constant 0 : i32
        %dma_start3A_484 = arith.constant 0 : i32
        %dma_start3A_485 = tpu.memref_slice %arg9[%dma_start3A_483, %dma_start3A_484] : memref<10240x64xf32, #tpu.memory_space<vmem_shared>> -> memref<10240x64xf32, #tpu.memory_space<vmem_shared>>
        tpu.enqueue_indirect_dma source(%dma_start3A_479 : memref<128x64xf32, #tpu.memory_space<vmem>>) target(%dma_start3A_485 : memref<10240x64xf32, #tpu.memory_space<vmem_shared>>) offsets(%dma_start3A_482 : memref<128xi32, #tpu.memory_space<vmem>>) semaphore(%run_scoped3A_475 : memref<!tpu.dma_semaphore, #tpu.memory_space<semaphore_mem>>) {add = true}
        %dma_wait3A_486 = arith.constant 0 : i32
        %dma_wait3A_487 = arith.constant 0 : i32
        %dma_wait3A_488 = tpu.memref_slice %arg8[%run_scoped3A_271, %dma_wait3A_486, %dma_wait3A_487] : memref<8x128x64xf32, #tpu.memory_space<vmem>> -> memref<1x128x64xf32, #tpu.memory_space<vmem>>
        %dma_wait3A_489 = tpu.memref_squeeze %dma_wait3A_488 : memref<1x128x64xf32, #tpu.memory_space<vmem>> -> memref<128x64xf32, #tpu.memory_space<vmem>>
        %dma_wait3A_490 = arith.constant 0 : i32
        %dma_wait3A_491 = tpu.memref_slice %arg7[%add3A_259, %dma_wait3A_490] : memref<79x128xi32, #tpu.memory_space<vmem>> -> memref<1x128xi32, #tpu.memory_space<vmem>>
        %dma_wait3A_492 = tpu.memref_squeeze %dma_wait3A_491 : memref<1x128xi32, #tpu.memory_space<vmem>> -> memref<128xi32, #tpu.memory_space<vmem>>
        %dma_wait3A_493 = arith.constant 0 : i32
        %dma_wait3A_494 = arith.constant 0 : i32
        %dma_wait3A_495 = tpu.memref_slice %arg9[%dma_wait3A_493, %dma_wait3A_494] : memref<10240x64xf32, #tpu.memory_space<vmem_shared>> -> memref<10240x64xf32, #tpu.memory_space<vmem_shared>>
        tpu.wait_indirect_dma semaphore(%run_scoped3A_475 : memref<!tpu.dma_semaphore, #tpu.memory_space<semaphore_mem>>) src(%dma_wait3A_489 : memref<128x64xf32, #tpu.memory_space<vmem>>) dst(%dma_wait3A_495 : memref<10240x64xf32, #tpu.memory_space<vmem_shared>>)
        tpu.yield
      }) : () -> ()
      %add3A_272 = arith.constant 7 : i32
      %add3A_273 = arith.addi %mul3A_242, %add3A_272 : i32
      %add3A_274 = arith.constant 1 : i32
      %add3A_275 = arith.addi %add3A_273, %add3A_274 : i32
      %dma_start3A_276 = arith.constant 0 : i32
      %dma_start3A_277 = arith.constant 0 : i32
      %dma_start3A_278 = arith.constant 0 : i32
      %dma_start3A_279 = tpu.memref_slice %arg8[%dma_start3A_276, %dma_start3A_277, %dma_start3A_278] : memref<8x128x64xf32, #tpu.memory_space<vmem>> -> memref<1x128x64xf32, #tpu.memory_space<vmem>>
      %dma_start3A_280 = tpu.memref_squeeze %dma_start3A_279 : memref<1x128x64xf32, #tpu.memory_space<vmem>> -> memref<128x64xf32, #tpu.memory_space<vmem>>
      %dma_start3A_281 = arith.constant 0 : i32
      %dma_start3A_282 = tpu.memref_slice %arg6[%add3A_275, %dma_start3A_281] : memref<79x128xi32, #tpu.memory_space<vmem>> -> memref<1x128xi32, #tpu.memory_space<vmem>>
      %dma_start3A_283 = tpu.memref_squeeze %dma_start3A_282 : memref<1x128xi32, #tpu.memory_space<vmem>> -> memref<128xi32, #tpu.memory_space<vmem>>
      %dma_start3A_284 = arith.constant 0 : i32
      %dma_start3A_285 = arith.constant 0 : i32
      %dma_start3A_286 = tpu.memref_slice %arg2[%dma_start3A_284, %dma_start3A_285] : memref<10240x64xf32, #tpu.memory_space<hbm>> -> memref<10240x64xf32, #tpu.memory_space<hbm>>
      tpu.enqueue_indirect_dma source(%dma_start3A_286 : memref<10240x64xf32, #tpu.memory_space<hbm>>) target(%dma_start3A_280 : memref<128x64xf32, #tpu.memory_space<vmem>>) offsets(%dma_start3A_283 : memref<128xi32, #tpu.memory_space<vmem>>) semaphore(%arg10 : memref<!tpu.dma_semaphore, #tpu.memory_space<semaphore_mem>>)
      %add3A_287 = arith.constant 1 : i32
      %add3A_288 = arith.addi %mul3A_242, %add3A_287 : i32
      %dma_wait3A_289 = arith.constant 1 : i32
      %dma_wait3A_290 = arith.constant 0 : i32
      %dma_wait3A_291 = arith.constant 0 : i32
      %dma_wait3A_292 = tpu.memref_slice %arg8[%dma_wait3A_289, %dma_wait3A_290, %dma_wait3A_291] : memref<8x128x64xf32, #tpu.memory_space<vmem>> -> memref<1x128x64xf32, #tpu.memory_space<vmem>>
      %dma_wait3A_293 = tpu.memref_squeeze %dma_wait3A_292 : memref<1x128x64xf32, #tpu.memory_space<vmem>> -> memref<128x64xf32, #tpu.memory_space<vmem>>
      %dma_wait3A_294 = arith.constant 0 : i32
      %dma_wait3A_295 = tpu.memref_slice %arg6[%add3A_288, %dma_wait3A_294] : memref<79x128xi32, #tpu.memory_space<vmem>> -> memref<1x128xi32, #tpu.memory_space<vmem>>
      %dma_wait3A_296 = tpu.memref_squeeze %dma_wait3A_295 : memref<1x128xi32, #tpu.memory_space<vmem>> -> memref<128xi32, #tpu.memory_space<vmem>>
      %dma_wait3A_297 = arith.constant 0 : i32
      %dma_wait3A_298 = arith.constant 0 : i32
      %dma_wait3A_299 = tpu.memref_slice %arg2[%dma_wait3A_297, %dma_wait3A_298] : memref<10240x64xf32, #tpu.memory_space<hbm>> -> memref<10240x64xf32, #tpu.memory_space<hbm>>
      tpu.wait_indirect_dma semaphore(%arg11 : memref<!tpu.dma_semaphore, #tpu.memory_space<semaphore_mem>>) src(%dma_wait3A_299 : memref<10240x64xf32, #tpu.memory_space<hbm>>) dst(%dma_wait3A_293 : memref<128x64xf32, #tpu.memory_space<vmem>>)
      %run_scoped3A_300 = arith.constant 1 : i32
      "tpu.region"() ({
        %run_scoped3A_475 = tpu.sem_alloc : memref<!tpu.dma_semaphore, #tpu.memory_space<semaphore_mem>>
        %dma_start3A_476 = arith.constant 0 : i32
        %dma_start3A_477 = arith.constant 0 : i32
        %dma_start3A_478 = tpu.memref_slice %arg8[%run_scoped3A_300, %dma_start3A_476, %dma_start3A_477] : memref<8x128x64xf32, #tpu.memory_space<vmem>> -> memref<1x128x64xf32, #tpu.memory_space<vmem>>
        %dma_start3A_479 = tpu.memref_squeeze %dma_start3A_478 : memref<1x128x64xf32, #tpu.memory_space<vmem>> -> memref<128x64xf32, #tpu.memory_space<vmem>>
        %dma_start3A_480 = arith.constant 0 : i32
        %dma_start3A_481 = tpu.memref_slice %arg7[%add3A_288, %dma_start3A_480] : memref<79x128xi32, #tpu.memory_space<vmem>> -> memref<1x128xi32, #tpu.memory_space<vmem>>
        %dma_start3A_482 = tpu.memref_squeeze %dma_start3A_481 : memref<1x128xi32, #tpu.memory_space<vmem>> -> memref<128xi32, #tpu.memory_space<vmem>>
        %dma_start3A_483 = arith.constant 0 : i32
        %dma_start3A_484 = arith.constant 0 : i32
        %dma_start3A_485 = tpu.memref_slice %arg9[%dma_start3A_483, %dma_start3A_484] : memref<10240x64xf32, #tpu.memory_space<vmem_shared>> -> memref<10240x64xf32, #tpu.memory_space<vmem_shared>>
        tpu.enqueue_indirect_dma source(%dma_start3A_479 : memref<128x64xf32, #tpu.memory_space<vmem>>) target(%dma_start3A_485 : memref<10240x64xf32, #tpu.memory_space<vmem_shared>>) offsets(%dma_start3A_482 : memref<128xi32, #tpu.memory_space<vmem>>) semaphore(%run_scoped3A_475 : memref<!tpu.dma_semaphore, #tpu.memory_space<semaphore_mem>>) {add = true}
        %dma_wait3A_486 = arith.constant 0 : i32
        %dma_wait3A_487 = arith.constant 0 : i32
        %dma_wait3A_488 = tpu.memref_slice %arg8[%run_scoped3A_300, %dma_wait3A_486, %dma_wait3A_487] : memref<8x128x64xf32, #tpu.memory_space<vmem>> -> memref<1x128x64xf32, #tpu.memory_space<vmem>>
        %dma_wait3A_489 = tpu.memref_squeeze %dma_wait3A_488 : memref<1x128x64xf32, #tpu.memory_space<vmem>> -> memref<128x64xf32, #tpu.memory_space<vmem>>
        %dma_wait3A_490 = arith.constant 0 : i32
        %dma_wait3A_491 = tpu.memref_slice %arg7[%add3A_288, %dma_wait3A_490] : memref<79x128xi32, #tpu.memory_space<vmem>> -> memref<1x128xi32, #tpu.memory_space<vmem>>
        %dma_wait3A_492 = tpu.memref_squeeze %dma_wait3A_491 : memref<1x128xi32, #tpu.memory_space<vmem>> -> memref<128xi32, #tpu.memory_space<vmem>>
        %dma_wait3A_493 = arith.constant 0 : i32
        %dma_wait3A_494 = arith.constant 0 : i32
        %dma_wait3A_495 = tpu.memref_slice %arg9[%dma_wait3A_493, %dma_wait3A_494] : memref<10240x64xf32, #tpu.memory_space<vmem_shared>> -> memref<10240x64xf32, #tpu.memory_space<vmem_shared>>
        tpu.wait_indirect_dma semaphore(%run_scoped3A_475 : memref<!tpu.dma_semaphore, #tpu.memory_space<semaphore_mem>>) src(%dma_wait3A_489 : memref<128x64xf32, #tpu.memory_space<vmem>>) dst(%dma_wait3A_495 : memref<10240x64xf32, #tpu.memory_space<vmem_shared>>)
        tpu.yield
      }) : () -> ()
      %add3A_301 = arith.constant 7 : i32
      %add3A_302 = arith.addi %mul3A_242, %add3A_301 : i32
      %add3A_303 = arith.constant 2 : i32
      %add3A_304 = arith.addi %add3A_302, %add3A_303 : i32
      %dma_start3A_305 = arith.constant 1 : i32
      %dma_start3A_306 = arith.constant 0 : i32
      %dma_start3A_307 = arith.constant 0 : i32
      %dma_start3A_308 = tpu.memref_slice %arg8[%dma_start3A_305, %dma_start3A_306, %dma_start3A_307] : memref<8x128x64xf32, #tpu.memory_space<vmem>> -> memref<1x128x64xf32, #tpu.memory_space<vmem>>
      %dma_start3A_309 = tpu.memref_squeeze %dma_start3A_308 : memref<1x128x64xf32, #tpu.memory_space<vmem>> -> memref<128x64xf32, #tpu.memory_space<vmem>>
      %dma_start3A_310 = arith.constant 0 : i32
      %dma_start3A_311 = tpu.memref_slice %arg6[%add3A_304, %dma_start3A_310] : memref<79x128xi32, #tpu.memory_space<vmem>> -> memref<1x128xi32, #tpu.memory_space<vmem>>
      %dma_start3A_312 = tpu.memref_squeeze %dma_start3A_311 : memref<1x128xi32, #tpu.memory_space<vmem>> -> memref<128xi32, #tpu.memory_space<vmem>>
      %dma_start3A_313 = arith.constant 0 : i32
      %dma_start3A_314 = arith.constant 0 : i32
      %dma_start3A_315 = tpu.memref_slice %arg2[%dma_start3A_313, %dma_start3A_314] : memref<10240x64xf32, #tpu.memory_space<hbm>> -> memref<10240x64xf32, #tpu.memory_space<hbm>>
      tpu.enqueue_indirect_dma source(%dma_start3A_315 : memref<10240x64xf32, #tpu.memory_space<hbm>>) target(%dma_start3A_309 : memref<128x64xf32, #tpu.memory_space<vmem>>) offsets(%dma_start3A_312 : memref<128xi32, #tpu.memory_space<vmem>>) semaphore(%arg11 : memref<!tpu.dma_semaphore, #tpu.memory_space<semaphore_mem>>)
      %add3A_316 = arith.constant 2 : i32
      %add3A_317 = arith.addi %mul3A_242, %add3A_316 : i32
      %dma_wait3A_318 = arith.constant 2 : i32
      %dma_wait3A_319 = arith.constant 0 : i32
      %dma_wait3A_320 = arith.constant 0 : i32
      %dma_wait3A_321 = tpu.memref_slice %arg8[%dma_wait3A_318, %dma_wait3A_319, %dma_wait3A_320] : memref<8x128x64xf32, #tpu.memory_space<vmem>> -> memref<1x128x64xf32, #tpu.memory_space<vmem>>
      %dma_wait3A_322 = tpu.memref_squeeze %dma_wait3A_321 : memref<1x128x64xf32, #tpu.memory_space<vmem>> -> memref<128x64xf32, #tpu.memory_space<vmem>>
      %dma_wait3A_323 = arith.constant 0 : i32
      %dma_wait3A_324 = tpu.memref_slice %arg6[%add3A_317, %dma_wait3A_323] : memref<79x128xi32, #tpu.memory_space<vmem>> -> memref<1x128xi32, #tpu.memory_space<vmem>>
      %dma_wait3A_325 = tpu.memref_squeeze %dma_wait3A_324 : memref<1x128xi32, #tpu.memory_space<vmem>> -> memref<128xi32, #tpu.memory_space<vmem>>
      %dma_wait3A_326 = arith.constant 0 : i32
      %dma_wait3A_327 = arith.constant 0 : i32
      %dma_wait3A_328 = tpu.memref_slice %arg2[%dma_wait3A_326, %dma_wait3A_327] : memref<10240x64xf32, #tpu.memory_space<hbm>> -> memref<10240x64xf32, #tpu.memory_space<hbm>>
      tpu.wait_indirect_dma semaphore(%arg12 : memref<!tpu.dma_semaphore, #tpu.memory_space<semaphore_mem>>) src(%dma_wait3A_328 : memref<10240x64xf32, #tpu.memory_space<hbm>>) dst(%dma_wait3A_322 : memref<128x64xf32, #tpu.memory_space<vmem>>)
      %run_scoped3A_329 = arith.constant 2 : i32
      "tpu.region"() ({
        %run_scoped3A_475 = tpu.sem_alloc : memref<!tpu.dma_semaphore, #tpu.memory_space<semaphore_mem>>
        %dma_start3A_476 = arith.constant 0 : i32
        %dma_start3A_477 = arith.constant 0 : i32
        %dma_start3A_478 = tpu.memref_slice %arg8[%run_scoped3A_329, %dma_start3A_476, %dma_start3A_477] : memref<8x128x64xf32, #tpu.memory_space<vmem>> -> memref<1x128x64xf32, #tpu.memory_space<vmem>>
        %dma_start3A_479 = tpu.memref_squeeze %dma_start3A_478 : memref<1x128x64xf32, #tpu.memory_space<vmem>> -> memref<128x64xf32, #tpu.memory_space<vmem>>
        %dma_start3A_480 = arith.constant 0 : i32
        %dma_start3A_481 = tpu.memref_slice %arg7[%add3A_317, %dma_start3A_480] : memref<79x128xi32, #tpu.memory_space<vmem>> -> memref<1x128xi32, #tpu.memory_space<vmem>>
        %dma_start3A_482 = tpu.memref_squeeze %dma_start3A_481 : memref<1x128xi32, #tpu.memory_space<vmem>> -> memref<128xi32, #tpu.memory_space<vmem>>
        %dma_start3A_483 = arith.constant 0 : i32
        %dma_start3A_484 = arith.constant 0 : i32
        %dma_start3A_485 = tpu.memref_slice %arg9[%dma_start3A_483, %dma_start3A_484] : memref<10240x64xf32, #tpu.memory_space<vmem_shared>> -> memref<10240x64xf32, #tpu.memory_space<vmem_shared>>
        tpu.enqueue_indirect_dma source(%dma_start3A_479 : memref<128x64xf32, #tpu.memory_space<vmem>>) target(%dma_start3A_485 : memref<10240x64xf32, #tpu.memory_space<vmem_shared>>) offsets(%dma_start3A_482 : memref<128xi32, #tpu.memory_space<vmem>>) semaphore(%run_scoped3A_475 : memref<!tpu.dma_semaphore, #tpu.memory_space<semaphore_mem>>) {add = true}
        %dma_wait3A_486 = arith.constant 0 : i32
        %dma_wait3A_487 = arith.constant 0 : i32
        %dma_wait3A_488 = tpu.memref_slice %arg8[%run_scoped3A_329, %dma_wait3A_486, %dma_wait3A_487] : memref<8x128x64xf32, #tpu.memory_space<vmem>> -> memref<1x128x64xf32, #tpu.memory_space<vmem>>
        %dma_wait3A_489 = tpu.memref_squeeze %dma_wait3A_488 : memref<1x128x64xf32, #tpu.memory_space<vmem>> -> memref<128x64xf32, #tpu.memory_space<vmem>>
        %dma_wait3A_490 = arith.constant 0 : i32
        %dma_wait3A_491 = tpu.memref_slice %arg7[%add3A_317, %dma_wait3A_490] : memref<79x128xi32, #tpu.memory_space<vmem>> -> memref<1x128xi32, #tpu.memory_space<vmem>>
        %dma_wait3A_492 = tpu.memref_squeeze %dma_wait3A_491 : memref<1x128xi32, #tpu.memory_space<vmem>> -> memref<128xi32, #tpu.memory_space<vmem>>
        %dma_wait3A_493 = arith.constant 0 : i32
        %dma_wait3A_494 = arith.constant 0 : i32
        %dma_wait3A_495 = tpu.memref_slice %arg9[%dma_wait3A_493, %dma_wait3A_494] : memref<10240x64xf32, #tpu.memory_space<vmem_shared>> -> memref<10240x64xf32, #tpu.memory_space<vmem_shared>>
        tpu.wait_indirect_dma semaphore(%run_scoped3A_475 : memref<!tpu.dma_semaphore, #tpu.memory_space<semaphore_mem>>) src(%dma_wait3A_489 : memref<128x64xf32, #tpu.memory_space<vmem>>) dst(%dma_wait3A_495 : memref<10240x64xf32, #tpu.memory_space<vmem_shared>>)
        tpu.yield
      }) : () -> ()
      %add3A_330 = arith.constant 7 : i32
      %add3A_331 = arith.addi %mul3A_242, %add3A_330 : i32
      %add3A_332 = arith.constant 3 : i32
      %add3A_333 = arith.addi %add3A_331, %add3A_332 : i32
      %dma_start3A_334 = arith.constant 2 : i32
      %dma_start3A_335 = arith.constant 0 : i32
      %dma_start3A_336 = arith.constant 0 : i32
      %dma_start3A_337 = tpu.memref_slice %arg8[%dma_start3A_334, %dma_start3A_335, %dma_start3A_336] : memref<8x128x64xf32, #tpu.memory_space<vmem>> -> memref<1x128x64xf32, #tpu.memory_space<vmem>>
      %dma_start3A_338 = tpu.memref_squeeze %dma_start3A_337 : memref<1x128x64xf32, #tpu.memory_space<vmem>> -> memref<128x64xf32, #tpu.memory_space<vmem>>
      %dma_start3A_339 = arith.constant 0 : i32
      %dma_start3A_340 = tpu.memref_slice %arg6[%add3A_333, %dma_start3A_339] : memref<79x128xi32, #tpu.memory_space<vmem>> -> memref<1x128xi32, #tpu.memory_space<vmem>>
      %dma_start3A_341 = tpu.memref_squeeze %dma_start3A_340 : memref<1x128xi32, #tpu.memory_space<vmem>> -> memref<128xi32, #tpu.memory_space<vmem>>
      %dma_start3A_342 = arith.constant 0 : i32
      %dma_start3A_343 = arith.constant 0 : i32
      %dma_start3A_344 = tpu.memref_slice %arg2[%dma_start3A_342, %dma_start3A_343] : memref<10240x64xf32, #tpu.memory_space<hbm>> -> memref<10240x64xf32, #tpu.memory_space<hbm>>
      tpu.enqueue_indirect_dma source(%dma_start3A_344 : memref<10240x64xf32, #tpu.memory_space<hbm>>) target(%dma_start3A_338 : memref<128x64xf32, #tpu.memory_space<vmem>>) offsets(%dma_start3A_341 : memref<128xi32, #tpu.memory_space<vmem>>) semaphore(%arg12 : memref<!tpu.dma_semaphore, #tpu.memory_space<semaphore_mem>>)
      %add3A_345 = arith.constant 3 : i32
      %add3A_346 = arith.addi %mul3A_242, %add3A_345 : i32
      %dma_wait3A_347 = arith.constant 3 : i32
      %dma_wait3A_348 = arith.constant 0 : i32
      %dma_wait3A_349 = arith.constant 0 : i32
      %dma_wait3A_350 = tpu.memref_slice %arg8[%dma_wait3A_347, %dma_wait3A_348, %dma_wait3A_349] : memref<8x128x64xf32, #tpu.memory_space<vmem>> -> memref<1x128x64xf32, #tpu.memory_space<vmem>>
      %dma_wait3A_351 = tpu.memref_squeeze %dma_wait3A_350 : memref<1x128x64xf32, #tpu.memory_space<vmem>> -> memref<128x64xf32, #tpu.memory_space<vmem>>
      %dma_wait3A_352 = arith.constant 0 : i32
      %dma_wait3A_353 = tpu.memref_slice %arg6[%add3A_346, %dma_wait3A_352] : memref<79x128xi32, #tpu.memory_space<vmem>> -> memref<1x128xi32, #tpu.memory_space<vmem>>
      %dma_wait3A_354 = tpu.memref_squeeze %dma_wait3A_353 : memref<1x128xi32, #tpu.memory_space<vmem>> -> memref<128xi32, #tpu.memory_space<vmem>>
      %dma_wait3A_355 = arith.constant 0 : i32
      %dma_wait3A_356 = arith.constant 0 : i32
      %dma_wait3A_357 = tpu.memref_slice %arg2[%dma_wait3A_355, %dma_wait3A_356] : memref<10240x64xf32, #tpu.memory_space<hbm>> -> memref<10240x64xf32, #tpu.memory_space<hbm>>
      tpu.wait_indirect_dma semaphore(%arg13 : memref<!tpu.dma_semaphore, #tpu.memory_space<semaphore_mem>>) src(%dma_wait3A_357 : memref<10240x64xf32, #tpu.memory_space<hbm>>) dst(%dma_wait3A_351 : memref<128x64xf32, #tpu.memory_space<vmem>>)
      %run_scoped3A_358 = arith.constant 3 : i32
      "tpu.region"() ({
        %run_scoped3A_475 = tpu.sem_alloc : memref<!tpu.dma_semaphore, #tpu.memory_space<semaphore_mem>>
        %dma_start3A_476 = arith.constant 0 : i32
        %dma_start3A_477 = arith.constant 0 : i32
        %dma_start3A_478 = tpu.memref_slice %arg8[%run_scoped3A_358, %dma_start3A_476, %dma_start3A_477] : memref<8x128x64xf32, #tpu.memory_space<vmem>> -> memref<1x128x64xf32, #tpu.memory_space<vmem>>
        %dma_start3A_479 = tpu.memref_squeeze %dma_start3A_478 : memref<1x128x64xf32, #tpu.memory_space<vmem>> -> memref<128x64xf32, #tpu.memory_space<vmem>>
        %dma_start3A_480 = arith.constant 0 : i32
        %dma_start3A_481 = tpu.memref_slice %arg7[%add3A_346, %dma_start3A_480] : memref<79x128xi32, #tpu.memory_space<vmem>> -> memref<1x128xi32, #tpu.memory_space<vmem>>
        %dma_start3A_482 = tpu.memref_squeeze %dma_start3A_481 : memref<1x128xi32, #tpu.memory_space<vmem>> -> memref<128xi32, #tpu.memory_space<vmem>>
        %dma_start3A_483 = arith.constant 0 : i32
        %dma_start3A_484 = arith.constant 0 : i32
        %dma_start3A_485 = tpu.memref_slice %arg9[%dma_start3A_483, %dma_start3A_484] : memref<10240x64xf32, #tpu.memory_space<vmem_shared>> -> memref<10240x64xf32, #tpu.memory_space<vmem_shared>>
        tpu.enqueue_indirect_dma source(%dma_start3A_479 : memref<128x64xf32, #tpu.memory_space<vmem>>) target(%dma_start3A_485 : memref<10240x64xf32, #tpu.memory_space<vmem_shared>>) offsets(%dma_start3A_482 : memref<128xi32, #tpu.memory_space<vmem>>) semaphore(%run_scoped3A_475 : memref<!tpu.dma_semaphore, #tpu.memory_space<semaphore_mem>>) {add = true}
        %dma_wait3A_486 = arith.constant 0 : i32
        %dma_wait3A_487 = arith.constant 0 : i32
        %dma_wait3A_488 = tpu.memref_slice %arg8[%run_scoped3A_358, %dma_wait3A_486, %dma_wait3A_487] : memref<8x128x64xf32, #tpu.memory_space<vmem>> -> memref<1x128x64xf32, #tpu.memory_space<vmem>>
        %dma_wait3A_489 = tpu.memref_squeeze %dma_wait3A_488 : memref<1x128x64xf32, #tpu.memory_space<vmem>> -> memref<128x64xf32, #tpu.memory_space<vmem>>
        %dma_wait3A_490 = arith.constant 0 : i32
        %dma_wait3A_491 = tpu.memref_slice %arg7[%add3A_346, %dma_wait3A_490] : memref<79x128xi32, #tpu.memory_space<vmem>> -> memref<1x128xi32, #tpu.memory_space<vmem>>
        %dma_wait3A_492 = tpu.memref_squeeze %dma_wait3A_491 : memref<1x128xi32, #tpu.memory_space<vmem>> -> memref<128xi32, #tpu.memory_space<vmem>>
        %dma_wait3A_493 = arith.constant 0 : i32
        %dma_wait3A_494 = arith.constant 0 : i32
        %dma_wait3A_495 = tpu.memref_slice %arg9[%dma_wait3A_493, %dma_wait3A_494] : memref<10240x64xf32, #tpu.memory_space<vmem_shared>> -> memref<10240x64xf32, #tpu.memory_space<vmem_shared>>
        tpu.wait_indirect_dma semaphore(%run_scoped3A_475 : memref<!tpu.dma_semaphore, #tpu.memory_space<semaphore_mem>>) src(%dma_wait3A_489 : memref<128x64xf32, #tpu.memory_space<vmem>>) dst(%dma_wait3A_495 : memref<10240x64xf32, #tpu.memory_space<vmem_shared>>)
        tpu.yield
      }) : () -> ()
      %add3A_359 = arith.constant 7 : i32
      %add3A_360 = arith.addi %mul3A_242, %add3A_359 : i32
      %add3A_361 = arith.constant 4 : i32
      %add3A_362 = arith.addi %add3A_360, %add3A_361 : i32
      %dma_start3A_363 = arith.constant 3 : i32
      %dma_start3A_364 = arith.constant 0 : i32
      %dma_start3A_365 = arith.constant 0 : i32
      %dma_start3A_366 = tpu.memref_slice %arg8[%dma_start3A_363, %dma_start3A_364, %dma_start3A_365] : memref<8x128x64xf32, #tpu.memory_space<vmem>> -> memref<1x128x64xf32, #tpu.memory_space<vmem>>
      %dma_start3A_367 = tpu.memref_squeeze %dma_start3A_366 : memref<1x128x64xf32, #tpu.memory_space<vmem>> -> memref<128x64xf32, #tpu.memory_space<vmem>>
      %dma_start3A_368 = arith.constant 0 : i32
      %dma_start3A_369 = tpu.memref_slice %arg6[%add3A_362, %dma_start3A_368] : memref<79x128xi32, #tpu.memory_space<vmem>> -> memref<1x128xi32, #tpu.memory_space<vmem>>
      %dma_start3A_370 = tpu.memref_squeeze %dma_start3A_369 : memref<1x128xi32, #tpu.memory_space<vmem>> -> memref<128xi32, #tpu.memory_space<vmem>>
      %dma_start3A_371 = arith.constant 0 : i32
      %dma_start3A_372 = arith.constant 0 : i32
      %dma_start3A_373 = tpu.memref_slice %arg2[%dma_start3A_371, %dma_start3A_372] : memref<10240x64xf32, #tpu.memory_space<hbm>> -> memref<10240x64xf32, #tpu.memory_space<hbm>>
      tpu.enqueue_indirect_dma source(%dma_start3A_373 : memref<10240x64xf32, #tpu.memory_space<hbm>>) target(%dma_start3A_367 : memref<128x64xf32, #tpu.memory_space<vmem>>) offsets(%dma_start3A_370 : memref<128xi32, #tpu.memory_space<vmem>>) semaphore(%arg13 : memref<!tpu.dma_semaphore, #tpu.memory_space<semaphore_mem>>)
      %add3A_374 = arith.constant 4 : i32
      %add3A_375 = arith.addi %mul3A_242, %add3A_374 : i32
      %dma_wait3A_376 = arith.constant 4 : i32
      %dma_wait3A_377 = arith.constant 0 : i32
      %dma_wait3A_378 = arith.constant 0 : i32
      %dma_wait3A_379 = tpu.memref_slice %arg8[%dma_wait3A_376, %dma_wait3A_377, %dma_wait3A_378] : memref<8x128x64xf32, #tpu.memory_space<vmem>> -> memref<1x128x64xf32, #tpu.memory_space<vmem>>
      %dma_wait3A_380 = tpu.memref_squeeze %dma_wait3A_379 : memref<1x128x64xf32, #tpu.memory_space<vmem>> -> memref<128x64xf32, #tpu.memory_space<vmem>>
      %dma_wait3A_381 = arith.constant 0 : i32
      %dma_wait3A_382 = tpu.memref_slice %arg6[%add3A_375, %dma_wait3A_381] : memref<79x128xi32, #tpu.memory_space<vmem>> -> memref<1x128xi32, #tpu.memory_space<vmem>>
      %dma_wait3A_383 = tpu.memref_squeeze %dma_wait3A_382 : memref<1x128xi32, #tpu.memory_space<vmem>> -> memref<128xi32, #tpu.memory_space<vmem>>
      %dma_wait3A_384 = arith.constant 0 : i32
      %dma_wait3A_385 = arith.constant 0 : i32
      %dma_wait3A_386 = tpu.memref_slice %arg2[%dma_wait3A_384, %dma_wait3A_385] : memref<10240x64xf32, #tpu.memory_space<hbm>> -> memref<10240x64xf32, #tpu.memory_space<hbm>>
      tpu.wait_indirect_dma semaphore(%arg14 : memref<!tpu.dma_semaphore, #tpu.memory_space<semaphore_mem>>) src(%dma_wait3A_386 : memref<10240x64xf32, #tpu.memory_space<hbm>>) dst(%dma_wait3A_380 : memref<128x64xf32, #tpu.memory_space<vmem>>)
      %run_scoped3A_387 = arith.constant 4 : i32
      "tpu.region"() ({
        %run_scoped3A_475 = tpu.sem_alloc : memref<!tpu.dma_semaphore, #tpu.memory_space<semaphore_mem>>
        %dma_start3A_476 = arith.constant 0 : i32
        %dma_start3A_477 = arith.constant 0 : i32
        %dma_start3A_478 = tpu.memref_slice %arg8[%run_scoped3A_387, %dma_start3A_476, %dma_start3A_477] : memref<8x128x64xf32, #tpu.memory_space<vmem>> -> memref<1x128x64xf32, #tpu.memory_space<vmem>>
        %dma_start3A_479 = tpu.memref_squeeze %dma_start3A_478 : memref<1x128x64xf32, #tpu.memory_space<vmem>> -> memref<128x64xf32, #tpu.memory_space<vmem>>
        %dma_start3A_480 = arith.constant 0 : i32
        %dma_start3A_481 = tpu.memref_slice %arg7[%add3A_375, %dma_start3A_480] : memref<79x128xi32, #tpu.memory_space<vmem>> -> memref<1x128xi32, #tpu.memory_space<vmem>>
        %dma_start3A_482 = tpu.memref_squeeze %dma_start3A_481 : memref<1x128xi32, #tpu.memory_space<vmem>> -> memref<128xi32, #tpu.memory_space<vmem>>
        %dma_start3A_483 = arith.constant 0 : i32
        %dma_start3A_484 = arith.constant 0 : i32
        %dma_start3A_485 = tpu.memref_slice %arg9[%dma_start3A_483, %dma_start3A_484] : memref<10240x64xf32, #tpu.memory_space<vmem_shared>> -> memref<10240x64xf32, #tpu.memory_space<vmem_shared>>
        tpu.enqueue_indirect_dma source(%dma_start3A_479 : memref<128x64xf32, #tpu.memory_space<vmem>>) target(%dma_start3A_485 : memref<10240x64xf32, #tpu.memory_space<vmem_shared>>) offsets(%dma_start3A_482 : memref<128xi32, #tpu.memory_space<vmem>>) semaphore(%run_scoped3A_475 : memref<!tpu.dma_semaphore, #tpu.memory_space<semaphore_mem>>) {add = true}
        %dma_wait3A_486 = arith.constant 0 : i32
        %dma_wait3A_487 = arith.constant 0 : i32
        %dma_wait3A_488 = tpu.memref_slice %arg8[%run_scoped3A_387, %dma_wait3A_486, %dma_wait3A_487] : memref<8x128x64xf32, #tpu.memory_space<vmem>> -> memref<1x128x64xf32, #tpu.memory_space<vmem>>
        %dma_wait3A_489 = tpu.memref_squeeze %dma_wait3A_488 : memref<1x128x64xf32, #tpu.memory_space<vmem>> -> memref<128x64xf32, #tpu.memory_space<vmem>>
        %dma_wait3A_490 = arith.constant 0 : i32
        %dma_wait3A_491 = tpu.memref_slice %arg7[%add3A_375, %dma_wait3A_490] : memref<79x128xi32, #tpu.memory_space<vmem>> -> memref<1x128xi32, #tpu.memory_space<vmem>>
        %dma_wait3A_492 = tpu.memref_squeeze %dma_wait3A_491 : memref<1x128xi32, #tpu.memory_space<vmem>> -> memref<128xi32, #tpu.memory_space<vmem>>
        %dma_wait3A_493 = arith.constant 0 : i32
        %dma_wait3A_494 = arith.constant 0 : i32
        %dma_wait3A_495 = tpu.memref_slice %arg9[%dma_wait3A_493, %dma_wait3A_494] : memref<10240x64xf32, #tpu.memory_space<vmem_shared>> -> memref<10240x64xf32, #tpu.memory_space<vmem_shared>>
        tpu.wait_indirect_dma semaphore(%run_scoped3A_475 : memref<!tpu.dma_semaphore, #tpu.memory_space<semaphore_mem>>) src(%dma_wait3A_489 : memref<128x64xf32, #tpu.memory_space<vmem>>) dst(%dma_wait3A_495 : memref<10240x64xf32, #tpu.memory_space<vmem_shared>>)
        tpu.yield
      }) : () -> ()
      %add3A_388 = arith.constant 7 : i32
      %add3A_389 = arith.addi %mul3A_242, %add3A_388 : i32
      %add3A_390 = arith.constant 5 : i32
      %add3A_391 = arith.addi %add3A_389, %add3A_390 : i32
      %dma_start3A_392 = arith.constant 4 : i32
      %dma_start3A_393 = arith.constant 0 : i32
      %dma_start3A_394 = arith.constant 0 : i32
      %dma_start3A_395 = tpu.memref_slice %arg8[%dma_start3A_392, %dma_start3A_393, %dma_start3A_394] : memref<8x128x64xf32, #tpu.memory_space<vmem>> -> memref<1x128x64xf32, #tpu.memory_space<vmem>>
      %dma_start3A_396 = tpu.memref_squeeze %dma_start3A_395 : memref<1x128x64xf32, #tpu.memory_space<vmem>> -> memref<128x64xf32, #tpu.memory_space<vmem>>
      %dma_start3A_397 = arith.constant 0 : i32
      %dma_start3A_398 = tpu.memref_slice %arg6[%add3A_391, %dma_start3A_397] : memref<79x128xi32, #tpu.memory_space<vmem>> -> memref<1x128xi32, #tpu.memory_space<vmem>>
      %dma_start3A_399 = tpu.memref_squeeze %dma_start3A_398 : memref<1x128xi32, #tpu.memory_space<vmem>> -> memref<128xi32, #tpu.memory_space<vmem>>
      %dma_start3A_400 = arith.constant 0 : i32
      %dma_start3A_401 = arith.constant 0 : i32
      %dma_start3A_402 = tpu.memref_slice %arg2[%dma_start3A_400, %dma_start3A_401] : memref<10240x64xf32, #tpu.memory_space<hbm>> -> memref<10240x64xf32, #tpu.memory_space<hbm>>
      tpu.enqueue_indirect_dma source(%dma_start3A_402 : memref<10240x64xf32, #tpu.memory_space<hbm>>) target(%dma_start3A_396 : memref<128x64xf32, #tpu.memory_space<vmem>>) offsets(%dma_start3A_399 : memref<128xi32, #tpu.memory_space<vmem>>) semaphore(%arg14 : memref<!tpu.dma_semaphore, #tpu.memory_space<semaphore_mem>>)
      %add3A_403 = arith.constant 5 : i32
      %add3A_404 = arith.addi %mul3A_242, %add3A_403 : i32
      %dma_wait3A_405 = arith.constant 5 : i32
      %dma_wait3A_406 = arith.constant 0 : i32
      %dma_wait3A_407 = arith.constant 0 : i32
      %dma_wait3A_408 = tpu.memref_slice %arg8[%dma_wait3A_405, %dma_wait3A_406, %dma_wait3A_407] : memref<8x128x64xf32, #tpu.memory_space<vmem>> -> memref<1x128x64xf32, #tpu.memory_space<vmem>>
      %dma_wait3A_409 = tpu.memref_squeeze %dma_wait3A_408 : memref<1x128x64xf32, #tpu.memory_space<vmem>> -> memref<128x64xf32, #tpu.memory_space<vmem>>
      %dma_wait3A_410 = arith.constant 0 : i32
      %dma_wait3A_411 = tpu.memref_slice %arg6[%add3A_404, %dma_wait3A_410] : memref<79x128xi32, #tpu.memory_space<vmem>> -> memref<1x128xi32, #tpu.memory_space<vmem>>
      %dma_wait3A_412 = tpu.memref_squeeze %dma_wait3A_411 : memref<1x128xi32, #tpu.memory_space<vmem>> -> memref<128xi32, #tpu.memory_space<vmem>>
      %dma_wait3A_413 = arith.constant 0 : i32
      %dma_wait3A_414 = arith.constant 0 : i32
      %dma_wait3A_415 = tpu.memref_slice %arg2[%dma_wait3A_413, %dma_wait3A_414] : memref<10240x64xf32, #tpu.memory_space<hbm>> -> memref<10240x64xf32, #tpu.memory_space<hbm>>
      tpu.wait_indirect_dma semaphore(%arg15 : memref<!tpu.dma_semaphore, #tpu.memory_space<semaphore_mem>>) src(%dma_wait3A_415 : memref<10240x64xf32, #tpu.memory_space<hbm>>) dst(%dma_wait3A_409 : memref<128x64xf32, #tpu.memory_space<vmem>>)
      %run_scoped3A_416 = arith.constant 5 : i32
      "tpu.region"() ({
        %run_scoped3A_475 = tpu.sem_alloc : memref<!tpu.dma_semaphore, #tpu.memory_space<semaphore_mem>>
        %dma_start3A_476 = arith.constant 0 : i32
        %dma_start3A_477 = arith.constant 0 : i32
        %dma_start3A_478 = tpu.memref_slice %arg8[%run_scoped3A_416, %dma_start3A_476, %dma_start3A_477] : memref<8x128x64xf32, #tpu.memory_space<vmem>> -> memref<1x128x64xf32, #tpu.memory_space<vmem>>
        %dma_start3A_479 = tpu.memref_squeeze %dma_start3A_478 : memref<1x128x64xf32, #tpu.memory_space<vmem>> -> memref<128x64xf32, #tpu.memory_space<vmem>>
        %dma_start3A_480 = arith.constant 0 : i32
        %dma_start3A_481 = tpu.memref_slice %arg7[%add3A_404, %dma_start3A_480] : memref<79x128xi32, #tpu.memory_space<vmem>> -> memref<1x128xi32, #tpu.memory_space<vmem>>
        %dma_start3A_482 = tpu.memref_squeeze %dma_start3A_481 : memref<1x128xi32, #tpu.memory_space<vmem>> -> memref<128xi32, #tpu.memory_space<vmem>>
        %dma_start3A_483 = arith.constant 0 : i32
        %dma_start3A_484 = arith.constant 0 : i32
        %dma_start3A_485 = tpu.memref_slice %arg9[%dma_start3A_483, %dma_start3A_484] : memref<10240x64xf32, #tpu.memory_space<vmem_shared>> -> memref<10240x64xf32, #tpu.memory_space<vmem_shared>>
        tpu.enqueue_indirect_dma source(%dma_start3A_479 : memref<128x64xf32, #tpu.memory_space<vmem>>) target(%dma_start3A_485 : memref<10240x64xf32, #tpu.memory_space<vmem_shared>>) offsets(%dma_start3A_482 : memref<128xi32, #tpu.memory_space<vmem>>) semaphore(%run_scoped3A_475 : memref<!tpu.dma_semaphore, #tpu.memory_space<semaphore_mem>>) {add = true}
        %dma_wait3A_486 = arith.constant 0 : i32
        %dma_wait3A_487 = arith.constant 0 : i32
        %dma_wait3A_488 = tpu.memref_slice %arg8[%run_scoped3A_416, %dma_wait3A_486, %dma_wait3A_487] : memref<8x128x64xf32, #tpu.memory_space<vmem>> -> memref<1x128x64xf32, #tpu.memory_space<vmem>>
        %dma_wait3A_489 = tpu.memref_squeeze %dma_wait3A_488 : memref<1x128x64xf32, #tpu.memory_space<vmem>> -> memref<128x64xf32, #tpu.memory_space<vmem>>
        %dma_wait3A_490 = arith.constant 0 : i32
        %dma_wait3A_491 = tpu.memref_slice %arg7[%add3A_404, %dma_wait3A_490] : memref<79x128xi32, #tpu.memory_space<vmem>> -> memref<1x128xi32, #tpu.memory_space<vmem>>
        %dma_wait3A_492 = tpu.memref_squeeze %dma_wait3A_491 : memref<1x128xi32, #tpu.memory_space<vmem>> -> memref<128xi32, #tpu.memory_space<vmem>>
        %dma_wait3A_493 = arith.constant 0 : i32
        %dma_wait3A_494 = arith.constant 0 : i32
        %dma_wait3A_495 = tpu.memref_slice %arg9[%dma_wait3A_493, %dma_wait3A_494] : memref<10240x64xf32, #tpu.memory_space<vmem_shared>> -> memref<10240x64xf32, #tpu.memory_space<vmem_shared>>
        tpu.wait_indirect_dma semaphore(%run_scoped3A_475 : memref<!tpu.dma_semaphore, #tpu.memory_space<semaphore_mem>>) src(%dma_wait3A_489 : memref<128x64xf32, #tpu.memory_space<vmem>>) dst(%dma_wait3A_495 : memref<10240x64xf32, #tpu.memory_space<vmem_shared>>)
        tpu.yield
      }) : () -> ()
      %add3A_417 = arith.constant 7 : i32
      %add3A_418 = arith.addi %mul3A_242, %add3A_417 : i32
      %add3A_419 = arith.constant 6 : i32
      %add3A_420 = arith.addi %add3A_418, %add3A_419 : i32
      %dma_start3A_421 = arith.constant 5 : i32
      %dma_start3A_422 = arith.constant 0 : i32
      %dma_start3A_423 = arith.constant 0 : i32
      %dma_start3A_424 = tpu.memref_slice %arg8[%dma_start3A_421, %dma_start3A_422, %dma_start3A_423] : memref<8x128x64xf32, #tpu.memory_space<vmem>> -> memref<1x128x64xf32, #tpu.memory_space<vmem>>
      %dma_start3A_425 = tpu.memref_squeeze %dma_start3A_424 : memref<1x128x64xf32, #tpu.memory_space<vmem>> -> memref<128x64xf32, #tpu.memory_space<vmem>>
      %dma_start3A_426 = arith.constant 0 : i32
      %dma_start3A_427 = tpu.memref_slice %arg6[%add3A_420, %dma_start3A_426] : memref<79x128xi32, #tpu.memory_space<vmem>> -> memref<1x128xi32, #tpu.memory_space<vmem>>
      %dma_start3A_428 = tpu.memref_squeeze %dma_start3A_427 : memref<1x128xi32, #tpu.memory_space<vmem>> -> memref<128xi32, #tpu.memory_space<vmem>>
      %dma_start3A_429 = arith.constant 0 : i32
      %dma_start3A_430 = arith.constant 0 : i32
      %dma_start3A_431 = tpu.memref_slice %arg2[%dma_start3A_429, %dma_start3A_430] : memref<10240x64xf32, #tpu.memory_space<hbm>> -> memref<10240x64xf32, #tpu.memory_space<hbm>>
      tpu.enqueue_indirect_dma source(%dma_start3A_431 : memref<10240x64xf32, #tpu.memory_space<hbm>>) target(%dma_start3A_425 : memref<128x64xf32, #tpu.memory_space<vmem>>) offsets(%dma_start3A_428 : memref<128xi32, #tpu.memory_space<vmem>>) semaphore(%arg15 : memref<!tpu.dma_semaphore, #tpu.memory_space<semaphore_mem>>)
      %add3A_432 = arith.constant 6 : i32
      %add3A_433 = arith.addi %mul3A_242, %add3A_432 : i32
      %dma_wait3A_434 = arith.constant 6 : i32
      %dma_wait3A_435 = arith.constant 0 : i32
      %dma_wait3A_436 = arith.constant 0 : i32
      %dma_wait3A_437 = tpu.memref_slice %arg8[%dma_wait3A_434, %dma_wait3A_435, %dma_wait3A_436] : memref<8x128x64xf32, #tpu.memory_space<vmem>> -> memref<1x128x64xf32, #tpu.memory_space<vmem>>
      %dma_wait3A_438 = tpu.memref_squeeze %dma_wait3A_437 : memref<1x128x64xf32, #tpu.memory_space<vmem>> -> memref<128x64xf32, #tpu.memory_space<vmem>>
      %dma_wait3A_439 = arith.constant 0 : i32
      %dma_wait3A_440 = tpu.memref_slice %arg6[%add3A_433, %dma_wait3A_439] : memref<79x128xi32, #tpu.memory_space<vmem>> -> memref<1x128xi32, #tpu.memory_space<vmem>>
      %dma_wait3A_441 = tpu.memref_squeeze %dma_wait3A_440 : memref<1x128xi32, #tpu.memory_space<vmem>> -> memref<128xi32, #tpu.memory_space<vmem>>
      %dma_wait3A_442 = arith.constant 0 : i32
      %dma_wait3A_443 = arith.constant 0 : i32
      %dma_wait3A_444 = tpu.memref_slice %arg2[%dma_wait3A_442, %dma_wait3A_443] : memref<10240x64xf32, #tpu.memory_space<hbm>> -> memref<10240x64xf32, #tpu.memory_space<hbm>>
      tpu.wait_indirect_dma semaphore(%arg16 : memref<!tpu.dma_semaphore, #tpu.memory_space<semaphore_mem>>) src(%dma_wait3A_444 : memref<10240x64xf32, #tpu.memory_space<hbm>>) dst(%dma_wait3A_438 : memref<128x64xf32, #tpu.memory_space<vmem>>)
      %run_scoped3A_445 = arith.constant 6 : i32
      "tpu.region"() ({
        %run_scoped3A_475 = tpu.sem_alloc : memref<!tpu.dma_semaphore, #tpu.memory_space<semaphore_mem>>
        %dma_start3A_476 = arith.constant 0 : i32
        %dma_start3A_477 = arith.constant 0 : i32
        %dma_start3A_478 = tpu.memref_slice %arg8[%run_scoped3A_445, %dma_start3A_476, %dma_start3A_477] : memref<8x128x64xf32, #tpu.memory_space<vmem>> -> memref<1x128x64xf32, #tpu.memory_space<vmem>>
        %dma_start3A_479 = tpu.memref_squeeze %dma_start3A_478 : memref<1x128x64xf32, #tpu.memory_space<vmem>> -> memref<128x64xf32, #tpu.memory_space<vmem>>
        %dma_start3A_480 = arith.constant 0 : i32
        %dma_start3A_481 = tpu.memref_slice %arg7[%add3A_433, %dma_start3A_480] : memref<79x128xi32, #tpu.memory_space<vmem>> -> memref<1x128xi32, #tpu.memory_space<vmem>>
        %dma_start3A_482 = tpu.memref_squeeze %dma_start3A_481 : memref<1x128xi32, #tpu.memory_space<vmem>> -> memref<128xi32, #tpu.memory_space<vmem>>
        %dma_start3A_483 = arith.constant 0 : i32
        %dma_start3A_484 = arith.constant 0 : i32
        %dma_start3A_485 = tpu.memref_slice %arg9[%dma_start3A_483, %dma_start3A_484] : memref<10240x64xf32, #tpu.memory_space<vmem_shared>> -> memref<10240x64xf32, #tpu.memory_space<vmem_shared>>
        tpu.enqueue_indirect_dma source(%dma_start3A_479 : memref<128x64xf32, #tpu.memory_space<vmem>>) target(%dma_start3A_485 : memref<10240x64xf32, #tpu.memory_space<vmem_shared>>) offsets(%dma_start3A_482 : memref<128xi32, #tpu.memory_space<vmem>>) semaphore(%run_scoped3A_475 : memref<!tpu.dma_semaphore, #tpu.memory_space<semaphore_mem>>) {add = true}
        %dma_wait3A_486 = arith.constant 0 : i32
        %dma_wait3A_487 = arith.constant 0 : i32
        %dma_wait3A_488 = tpu.memref_slice %arg8[%run_scoped3A_445, %dma_wait3A_486, %dma_wait3A_487] : memref<8x128x64xf32, #tpu.memory_space<vmem>> -> memref<1x128x64xf32, #tpu.memory_space<vmem>>
        %dma_wait3A_489 = tpu.memref_squeeze %dma_wait3A_488 : memref<1x128x64xf32, #tpu.memory_space<vmem>> -> memref<128x64xf32, #tpu.memory_space<vmem>>
        %dma_wait3A_490 = arith.constant 0 : i32
        %dma_wait3A_491 = tpu.memref_slice %arg7[%add3A_433, %dma_wait3A_490] : memref<79x128xi32, #tpu.memory_space<vmem>> -> memref<1x128xi32, #tpu.memory_space<vmem>>
        %dma_wait3A_492 = tpu.memref_squeeze %dma_wait3A_491 : memref<1x128xi32, #tpu.memory_space<vmem>> -> memref<128xi32, #tpu.memory_space<vmem>>
        %dma_wait3A_493 = arith.constant 0 : i32
        %dma_wait3A_494 = arith.constant 0 : i32
        %dma_wait3A_495 = tpu.memref_slice %arg9[%dma_wait3A_493, %dma_wait3A_494] : memref<10240x64xf32, #tpu.memory_space<vmem_shared>> -> memref<10240x64xf32, #tpu.memory_space<vmem_shared>>
        tpu.wait_indirect_dma semaphore(%run_scoped3A_475 : memref<!tpu.dma_semaphore, #tpu.memory_space<semaphore_mem>>) src(%dma_wait3A_489 : memref<128x64xf32, #tpu.memory_space<vmem>>) dst(%dma_wait3A_495 : memref<10240x64xf32, #tpu.memory_space<vmem_shared>>)
        tpu.yield
      }) : () -> ()
      %add3A_446 = arith.constant 7 : i32
      %add3A_447 = arith.addi %mul3A_242, %add3A_446 : i32
      %add3A_448 = arith.constant 7 : i32
      %add3A_449 = arith.addi %add3A_447, %add3A_448 : i32
      %dma_start3A_450 = arith.constant 6 : i32
      %dma_start3A_451 = arith.constant 0 : i32
      %dma_start3A_452 = arith.constant 0 : i32
      %dma_start3A_453 = tpu.memref_slice %arg8[%dma_start3A_450, %dma_start3A_451, %dma_start3A_452] : memref<8x128x64xf32, #tpu.memory_space<vmem>> -> memref<1x128x64xf32, #tpu.memory_space<vmem>>
      %dma_start3A_454 = tpu.memref_squeeze %dma_start3A_453 : memref<1x128x64xf32, #tpu.memory_space<vmem>> -> memref<128x64xf32, #tpu.memory_space<vmem>>
      %dma_start3A_455 = arith.constant 0 : i32
      %dma_start3A_456 = tpu.memref_slice %arg6[%add3A_449, %dma_start3A_455] : memref<79x128xi32, #tpu.memory_space<vmem>> -> memref<1x128xi32, #tpu.memory_space<vmem>>
      %dma_start3A_457 = tpu.memref_squeeze %dma_start3A_456 : memref<1x128xi32, #tpu.memory_space<vmem>> -> memref<128xi32, #tpu.memory_space<vmem>>
      %dma_start3A_458 = arith.constant 0 : i32
      %dma_start3A_459 = arith.constant 0 : i32
      %dma_start3A_460 = tpu.memref_slice %arg2[%dma_start3A_458, %dma_start3A_459] : memref<10240x64xf32, #tpu.memory_space<hbm>> -> memref<10240x64xf32, #tpu.memory_space<hbm>>
      tpu.enqueue_indirect_dma source(%dma_start3A_460 : memref<10240x64xf32, #tpu.memory_space<hbm>>) target(%dma_start3A_454 : memref<128x64xf32, #tpu.memory_space<vmem>>) offsets(%dma_start3A_457 : memref<128xi32, #tpu.memory_space<vmem>>) semaphore(%arg16 : memref<!tpu.dma_semaphore, #tpu.memory_space<semaphore_mem>>)
      %add3A_461 = arith.constant 7 : i32
      %add3A_462 = arith.addi %mul3A_242, %add3A_461 : i32
      %dma_wait3A_463 = arith.constant 7 : i32
      %dma_wait3A_464 = arith.constant 0 : i32
      %dma_wait3A_465 = arith.constant 0 : i32
      %dma_wait3A_466 = tpu.memref_slice %arg8[%dma_wait3A_463, %dma_wait3A_464, %dma_wait3A_465] : memref<8x128x64xf32, #tpu.memory_space<vmem>> -> memref<1x128x64xf32, #tpu.memory_space<vmem>>
      %dma_wait3A_467 = tpu.memref_squeeze %dma_wait3A_466 : memref<1x128x64xf32, #tpu.memory_space<vmem>> -> memref<128x64xf32, #tpu.memory_space<vmem>>
      %dma_wait3A_468 = arith.constant 0 : i32
      %dma_wait3A_469 = tpu.memref_slice %arg6[%add3A_462, %dma_wait3A_468] : memref<79x128xi32, #tpu.memory_space<vmem>> -> memref<1x128xi32, #tpu.memory_space<vmem>>
      %dma_wait3A_470 = tpu.memref_squeeze %dma_wait3A_469 : memref<1x128xi32, #tpu.memory_space<vmem>> -> memref<128xi32, #tpu.memory_space<vmem>>
      %dma_wait3A_471 = arith.constant 0 : i32
      %dma_wait3A_472 = arith.constant 0 : i32
      %dma_wait3A_473 = tpu.memref_slice %arg2[%dma_wait3A_471, %dma_wait3A_472] : memref<10240x64xf32, #tpu.memory_space<hbm>> -> memref<10240x64xf32, #tpu.memory_space<hbm>>
      tpu.wait_indirect_dma semaphore(%arg17 : memref<!tpu.dma_semaphore, #tpu.memory_space<semaphore_mem>>) src(%dma_wait3A_473 : memref<10240x64xf32, #tpu.memory_space<hbm>>) dst(%dma_wait3A_467 : memref<128x64xf32, #tpu.memory_space<vmem>>)
      %run_scoped3A_474 = arith.constant 7 : i32
      "tpu.region"() ({
        %run_scoped3A_475 = tpu.sem_alloc : memref<!tpu.dma_semaphore, #tpu.memory_space<semaphore_mem>>
        %dma_start3A_476 = arith.constant 0 : i32
        %dma_start3A_477 = arith.constant 0 : i32
        %dma_start3A_478 = tpu.memref_slice %arg8[%run_scoped3A_474, %dma_start3A_476, %dma_start3A_477] : memref<8x128x64xf32, #tpu.memory_space<vmem>> -> memref<1x128x64xf32, #tpu.memory_space<vmem>>
        %dma_start3A_479 = tpu.memref_squeeze %dma_start3A_478 : memref<1x128x64xf32, #tpu.memory_space<vmem>> -> memref<128x64xf32, #tpu.memory_space<vmem>>
        %dma_start3A_480 = arith.constant 0 : i32
        %dma_start3A_481 = tpu.memref_slice %arg7[%add3A_462, %dma_start3A_480] : memref<79x128xi32, #tpu.memory_space<vmem>> -> memref<1x128xi32, #tpu.memory_space<vmem>>
        %dma_start3A_482 = tpu.memref_squeeze %dma_start3A_481 : memref<1x128xi32, #tpu.memory_space<vmem>> -> memref<128xi32, #tpu.memory_space<vmem>>
        %dma_start3A_483 = arith.constant 0 : i32
        %dma_start3A_484 = arith.constant 0 : i32
        %dma_start3A_485 = tpu.memref_slice %arg9[%dma_start3A_483, %dma_start3A_484] : memref<10240x64xf32, #tpu.memory_space<vmem_shared>> -> memref<10240x64xf32, #tpu.memory_space<vmem_shared>>
        tpu.enqueue_indirect_dma source(%dma_start3A_479 : memref<128x64xf32, #tpu.memory_space<vmem>>) target(%dma_start3A_485 : memref<10240x64xf32, #tpu.memory_space<vmem_shared>>) offsets(%dma_start3A_482 : memref<128xi32, #tpu.memory_space<vmem>>) semaphore(%run_scoped3A_475 : memref<!tpu.dma_semaphore, #tpu.memory_space<semaphore_mem>>) {add = true}
        %dma_wait3A_486 = arith.constant 0 : i32
        %dma_wait3A_487 = arith.constant 0 : i32
        %dma_wait3A_488 = tpu.memref_slice %arg8[%run_scoped3A_474, %dma_wait3A_486, %dma_wait3A_487] : memref<8x128x64xf32, #tpu.memory_space<vmem>> -> memref<1x128x64xf32, #tpu.memory_space<vmem>>
        %dma_wait3A_489 = tpu.memref_squeeze %dma_wait3A_488 : memref<1x128x64xf32, #tpu.memory_space<vmem>> -> memref<128x64xf32, #tpu.memory_space<vmem>>
        %dma_wait3A_490 = arith.constant 0 : i32
        %dma_wait3A_491 = tpu.memref_slice %arg7[%add3A_462, %dma_wait3A_490] : memref<79x128xi32, #tpu.memory_space<vmem>> -> memref<1x128xi32, #tpu.memory_space<vmem>>
        %dma_wait3A_492 = tpu.memref_squeeze %dma_wait3A_491 : memref<1x128xi32, #tpu.memory_space<vmem>> -> memref<128xi32, #tpu.memory_space<vmem>>
        %dma_wait3A_493 = arith.constant 0 : i32
        %dma_wait3A_494 = arith.constant 0 : i32
        %dma_wait3A_495 = tpu.memref_slice %arg9[%dma_wait3A_493, %dma_wait3A_494] : memref<10240x64xf32, #tpu.memory_space<vmem_shared>> -> memref<10240x64xf32, #tpu.memory_space<vmem_shared>>
        tpu.wait_indirect_dma semaphore(%run_scoped3A_475 : memref<!tpu.dma_semaphore, #tpu.memory_space<semaphore_mem>>) src(%dma_wait3A_489 : memref<128x64xf32, #tpu.memory_space<vmem>>) dst(%dma_wait3A_495 : memref<10240x64xf32, #tpu.memory_space<vmem_shared>>)
        tpu.yield
      }) : () -> ()
    }
    %scan3A_111 = arith.constant 9 : i32
    %dma_wait3A = arith.constant 72 : i32
    %dma_wait3A_112 = arith.constant 0 : i32
    %dma_wait3A_113 = arith.constant 0 : i32
    %dma_wait3A_114 = arith.constant 0 : i32
    %dma_wait3A_115 = tpu.memref_slice %arg8[%dma_wait3A_112, %dma_wait3A_113, %dma_wait3A_114] : memref<8x128x64xf32, #tpu.memory_space<vmem>> -> memref<1x128x64xf32, #tpu.memory_space<vmem>>
    %dma_wait3A_116 = tpu.memref_squeeze %dma_wait3A_115 : memref<1x128x64xf32, #tpu.memory_space<vmem>> -> memref<128x64xf32, #tpu.memory_space<vmem>>
    %dma_wait3A_117 = arith.constant 0 : i32
    %dma_wait3A_118 = tpu.memref_slice %arg6[%dma_wait3A, %dma_wait3A_117] : memref<79x128xi32, #tpu.memory_space<vmem>> -> memref<1x128xi32, #tpu.memory_space<vmem>>
    %dma_wait3A_119 = tpu.memref_squeeze %dma_wait3A_118 : memref<1x128xi32, #tpu.memory_space<vmem>> -> memref<128xi32, #tpu.memory_space<vmem>>
    %dma_wait3A_120 = arith.constant 0 : i32
    %dma_wait3A_121 = arith.constant 0 : i32
    %dma_wait3A_122 = tpu.memref_slice %arg2[%dma_wait3A_120, %dma_wait3A_121] : memref<10240x64xf32, #tpu.memory_space<hbm>> -> memref<10240x64xf32, #tpu.memory_space<hbm>>
    tpu.wait_indirect_dma semaphore(%arg10 : memref<!tpu.dma_semaphore, #tpu.memory_space<semaphore_mem>>) src(%dma_wait3A_122 : memref<10240x64xf32, #tpu.memory_space<hbm>>) dst(%dma_wait3A_116 : memref<128x64xf32, #tpu.memory_space<vmem>>)
    %run_scoped3A_123 = arith.constant 0 : i32
    %run_scoped3A_124 = arith.constant 72 : i32
    "tpu.region"() ({
      %run_scoped3A_240 = tpu.sem_alloc : memref<!tpu.dma_semaphore, #tpu.memory_space<semaphore_mem>>
      %dma_start3A_241 = arith.constant 0 : i32
      %dma_start3A_242 = arith.constant 0 : i32
      %dma_start3A_243 = tpu.memref_slice %arg8[%run_scoped3A_123, %dma_start3A_241, %dma_start3A_242] : memref<8x128x64xf32, #tpu.memory_space<vmem>> -> memref<1x128x64xf32, #tpu.memory_space<vmem>>
      %dma_start3A_244 = tpu.memref_squeeze %dma_start3A_243 : memref<1x128x64xf32, #tpu.memory_space<vmem>> -> memref<128x64xf32, #tpu.memory_space<vmem>>
      %dma_start3A_245 = arith.constant 0 : i32
      %dma_start3A_246 = tpu.memref_slice %arg7[%run_scoped3A_124, %dma_start3A_245] : memref<79x128xi32, #tpu.memory_space<vmem>> -> memref<1x128xi32, #tpu.memory_space<vmem>>
      %dma_start3A_247 = tpu.memref_squeeze %dma_start3A_246 : memref<1x128xi32, #tpu.memory_space<vmem>> -> memref<128xi32, #tpu.memory_space<vmem>>
      %dma_start3A_248 = arith.constant 0 : i32
      %dma_start3A_249 = arith.constant 0 : i32
      %dma_start3A_250 = tpu.memref_slice %arg9[%dma_start3A_248, %dma_start3A_249] : memref<10240x64xf32, #tpu.memory_space<vmem_shared>> -> memref<10240x64xf32, #tpu.memory_space<vmem_shared>>
      tpu.enqueue_indirect_dma source(%dma_start3A_244 : memref<128x64xf32, #tpu.memory_space<vmem>>) target(%dma_start3A_250 : memref<10240x64xf32, #tpu.memory_space<vmem_shared>>) offsets(%dma_start3A_247 : memref<128xi32, #tpu.memory_space<vmem>>) semaphore(%run_scoped3A_240 : memref<!tpu.dma_semaphore, #tpu.memory_space<semaphore_mem>>) {add = true}
      %dma_wait3A_251 = arith.constant 0 : i32
      %dma_wait3A_252 = arith.constant 0 : i32
      %dma_wait3A_253 = tpu.memref_slice %arg8[%run_scoped3A_123, %dma_wait3A_251, %dma_wait3A_252] : memref<8x128x64xf32, #tpu.memory_space<vmem>> -> memref<1x128x64xf32, #tpu.memory_space<vmem>>
      %dma_wait3A_254 = tpu.memref_squeeze %dma_wait3A_253 : memref<1x128x64xf32, #tpu.memory_space<vmem>> -> memref<128x64xf32, #tpu.memory_space<vmem>>
      %dma_wait3A_255 = arith.constant 0 : i32
      %dma_wait3A_256 = tpu.memref_slice %arg7[%run_scoped3A_124, %dma_wait3A_255] : memref<79x128xi32, #tpu.memory_space<vmem>> -> memref<1x128xi32, #tpu.memory_space<vmem>>
      %dma_wait3A_257 = tpu.memref_squeeze %dma_wait3A_256 : memref<1x128xi32, #tpu.memory_space<vmem>> -> memref<128xi32, #tpu.memory_space<vmem>>
      %dma_wait3A_258 = arith.constant 0 : i32
      %dma_wait3A_259 = arith.constant 0 : i32
      %dma_wait3A_260 = tpu.memref_slice %arg9[%dma_wait3A_258, %dma_wait3A_259] : memref<10240x64xf32, #tpu.memory_space<vmem_shared>> -> memref<10240x64xf32, #tpu.memory_space<vmem_shared>>
      tpu.wait_indirect_dma semaphore(%run_scoped3A_240 : memref<!tpu.dma_semaphore, #tpu.memory_space<semaphore_mem>>) src(%dma_wait3A_254 : memref<128x64xf32, #tpu.memory_space<vmem>>) dst(%dma_wait3A_260 : memref<10240x64xf32, #tpu.memory_space<vmem_shared>>)
      tpu.yield
    }) : () -> ()
    %dma_wait3A_125 = arith.constant 73 : i32
    %dma_wait3A_126 = arith.constant 1 : i32
    %dma_wait3A_127 = arith.constant 0 : i32
    %dma_wait3A_128 = arith.constant 0 : i32
    %dma_wait3A_129 = tpu.memref_slice %arg8[%dma_wait3A_126, %dma_wait3A_127, %dma_wait3A_128] : memref<8x128x64xf32, #tpu.memory_space<vmem>> -> memref<1x128x64xf32, #tpu.memory_space<vmem>>
    %dma_wait3A_130 = tpu.memref_squeeze %dma_wait3A_129 : memref<1x128x64xf32, #tpu.memory_space<vmem>> -> memref<128x64xf32, #tpu.memory_space<vmem>>
    %dma_wait3A_131 = arith.constant 0 : i32
    %dma_wait3A_132 = tpu.memref_slice %arg6[%dma_wait3A_125, %dma_wait3A_131] : memref<79x128xi32, #tpu.memory_space<vmem>> -> memref<1x128xi32, #tpu.memory_space<vmem>>
    %dma_wait3A_133 = tpu.memref_squeeze %dma_wait3A_132 : memref<1x128xi32, #tpu.memory_space<vmem>> -> memref<128xi32, #tpu.memory_space<vmem>>
    %dma_wait3A_134 = arith.constant 0 : i32
    %dma_wait3A_135 = arith.constant 0 : i32
    %dma_wait3A_136 = tpu.memref_slice %arg2[%dma_wait3A_134, %dma_wait3A_135] : memref<10240x64xf32, #tpu.memory_space<hbm>> -> memref<10240x64xf32, #tpu.memory_space<hbm>>
    tpu.wait_indirect_dma semaphore(%arg11 : memref<!tpu.dma_semaphore, #tpu.memory_space<semaphore_mem>>) src(%dma_wait3A_136 : memref<10240x64xf32, #tpu.memory_space<hbm>>) dst(%dma_wait3A_130 : memref<128x64xf32, #tpu.memory_space<vmem>>)
    %run_scoped3A_137 = arith.constant 1 : i32
    %run_scoped3A_138 = arith.constant 73 : i32
    "tpu.region"() ({
      %run_scoped3A_240 = tpu.sem_alloc : memref<!tpu.dma_semaphore, #tpu.memory_space<semaphore_mem>>
      %dma_start3A_241 = arith.constant 0 : i32
      %dma_start3A_242 = arith.constant 0 : i32
      %dma_start3A_243 = tpu.memref_slice %arg8[%run_scoped3A_137, %dma_start3A_241, %dma_start3A_242] : memref<8x128x64xf32, #tpu.memory_space<vmem>> -> memref<1x128x64xf32, #tpu.memory_space<vmem>>
      %dma_start3A_244 = tpu.memref_squeeze %dma_start3A_243 : memref<1x128x64xf32, #tpu.memory_space<vmem>> -> memref<128x64xf32, #tpu.memory_space<vmem>>
      %dma_start3A_245 = arith.constant 0 : i32
      %dma_start3A_246 = tpu.memref_slice %arg7[%run_scoped3A_138, %dma_start3A_245] : memref<79x128xi32, #tpu.memory_space<vmem>> -> memref<1x128xi32, #tpu.memory_space<vmem>>
      %dma_start3A_247 = tpu.memref_squeeze %dma_start3A_246 : memref<1x128xi32, #tpu.memory_space<vmem>> -> memref<128xi32, #tpu.memory_space<vmem>>
      %dma_start3A_248 = arith.constant 0 : i32
      %dma_start3A_249 = arith.constant 0 : i32
      %dma_start3A_250 = tpu.memref_slice %arg9[%dma_start3A_248, %dma_start3A_249] : memref<10240x64xf32, #tpu.memory_space<vmem_shared>> -> memref<10240x64xf32, #tpu.memory_space<vmem_shared>>
      tpu.enqueue_indirect_dma source(%dma_start3A_244 : memref<128x64xf32, #tpu.memory_space<vmem>>) target(%dma_start3A_250 : memref<10240x64xf32, #tpu.memory_space<vmem_shared>>) offsets(%dma_start3A_247 : memref<128xi32, #tpu.memory_space<vmem>>) semaphore(%run_scoped3A_240 : memref<!tpu.dma_semaphore, #tpu.memory_space<semaphore_mem>>) {add = true}
      %dma_wait3A_251 = arith.constant 0 : i32
      %dma_wait3A_252 = arith.constant 0 : i32
      %dma_wait3A_253 = tpu.memref_slice %arg8[%run_scoped3A_137, %dma_wait3A_251, %dma_wait3A_252] : memref<8x128x64xf32, #tpu.memory_space<vmem>> -> memref<1x128x64xf32, #tpu.memory_space<vmem>>
      %dma_wait3A_254 = tpu.memref_squeeze %dma_wait3A_253 : memref<1x128x64xf32, #tpu.memory_space<vmem>> -> memref<128x64xf32, #tpu.memory_space<vmem>>
      %dma_wait3A_255 = arith.constant 0 : i32
      %dma_wait3A_256 = tpu.memref_slice %arg7[%run_scoped3A_138, %dma_wait3A_255] : memref<79x128xi32, #tpu.memory_space<vmem>> -> memref<1x128xi32, #tpu.memory_space<vmem>>
      %dma_wait3A_257 = tpu.memref_squeeze %dma_wait3A_256 : memref<1x128xi32, #tpu.memory_space<vmem>> -> memref<128xi32, #tpu.memory_space<vmem>>
      %dma_wait3A_258 = arith.constant 0 : i32
      %dma_wait3A_259 = arith.constant 0 : i32
      %dma_wait3A_260 = tpu.memref_slice %arg9[%dma_wait3A_258, %dma_wait3A_259] : memref<10240x64xf32, #tpu.memory_space<vmem_shared>> -> memref<10240x64xf32, #tpu.memory_space<vmem_shared>>
      tpu.wait_indirect_dma semaphore(%run_scoped3A_240 : memref<!tpu.dma_semaphore, #tpu.memory_space<semaphore_mem>>) src(%dma_wait3A_254 : memref<128x64xf32, #tpu.memory_space<vmem>>) dst(%dma_wait3A_260 : memref<10240x64xf32, #tpu.memory_space<vmem_shared>>)
      tpu.yield
    }) : () -> ()
    %dma_wait3A_139 = arith.constant 74 : i32
    %dma_wait3A_140 = arith.constant 2 : i32
    %dma_wait3A_141 = arith.constant 0 : i32
    %dma_wait3A_142 = arith.constant 0 : i32
    %dma_wait3A_143 = tpu.memref_slice %arg8[%dma_wait3A_140, %dma_wait3A_141, %dma_wait3A_142] : memref<8x128x64xf32, #tpu.memory_space<vmem>> -> memref<1x128x64xf32, #tpu.memory_space<vmem>>
    %dma_wait3A_144 = tpu.memref_squeeze %dma_wait3A_143 : memref<1x128x64xf32, #tpu.memory_space<vmem>> -> memref<128x64xf32, #tpu.memory_space<vmem>>
    %dma_wait3A_145 = arith.constant 0 : i32
    %dma_wait3A_146 = tpu.memref_slice %arg6[%dma_wait3A_139, %dma_wait3A_145] : memref<79x128xi32, #tpu.memory_space<vmem>> -> memref<1x128xi32, #tpu.memory_space<vmem>>
    %dma_wait3A_147 = tpu.memref_squeeze %dma_wait3A_146 : memref<1x128xi32, #tpu.memory_space<vmem>> -> memref<128xi32, #tpu.memory_space<vmem>>
    %dma_wait3A_148 = arith.constant 0 : i32
    %dma_wait3A_149 = arith.constant 0 : i32
    %dma_wait3A_150 = tpu.memref_slice %arg2[%dma_wait3A_148, %dma_wait3A_149] : memref<10240x64xf32, #tpu.memory_space<hbm>> -> memref<10240x64xf32, #tpu.memory_space<hbm>>
    tpu.wait_indirect_dma semaphore(%arg12 : memref<!tpu.dma_semaphore, #tpu.memory_space<semaphore_mem>>) src(%dma_wait3A_150 : memref<10240x64xf32, #tpu.memory_space<hbm>>) dst(%dma_wait3A_144 : memref<128x64xf32, #tpu.memory_space<vmem>>)
    %run_scoped3A_151 = arith.constant 2 : i32
    %run_scoped3A_152 = arith.constant 74 : i32
    "tpu.region"() ({
      %run_scoped3A_240 = tpu.sem_alloc : memref<!tpu.dma_semaphore, #tpu.memory_space<semaphore_mem>>
      %dma_start3A_241 = arith.constant 0 : i32
      %dma_start3A_242 = arith.constant 0 : i32
      %dma_start3A_243 = tpu.memref_slice %arg8[%run_scoped3A_151, %dma_start3A_241, %dma_start3A_242] : memref<8x128x64xf32, #tpu.memory_space<vmem>> -> memref<1x128x64xf32, #tpu.memory_space<vmem>>
      %dma_start3A_244 = tpu.memref_squeeze %dma_start3A_243 : memref<1x128x64xf32, #tpu.memory_space<vmem>> -> memref<128x64xf32, #tpu.memory_space<vmem>>
      %dma_start3A_245 = arith.constant 0 : i32
      %dma_start3A_246 = tpu.memref_slice %arg7[%run_scoped3A_152, %dma_start3A_245] : memref<79x128xi32, #tpu.memory_space<vmem>> -> memref<1x128xi32, #tpu.memory_space<vmem>>
      %dma_start3A_247 = tpu.memref_squeeze %dma_start3A_246 : memref<1x128xi32, #tpu.memory_space<vmem>> -> memref<128xi32, #tpu.memory_space<vmem>>
      %dma_start3A_248 = arith.constant 0 : i32
      %dma_start3A_249 = arith.constant 0 : i32
      %dma_start3A_250 = tpu.memref_slice %arg9[%dma_start3A_248, %dma_start3A_249] : memref<10240x64xf32, #tpu.memory_space<vmem_shared>> -> memref<10240x64xf32, #tpu.memory_space<vmem_shared>>
      tpu.enqueue_indirect_dma source(%dma_start3A_244 : memref<128x64xf32, #tpu.memory_space<vmem>>) target(%dma_start3A_250 : memref<10240x64xf32, #tpu.memory_space<vmem_shared>>) offsets(%dma_start3A_247 : memref<128xi32, #tpu.memory_space<vmem>>) semaphore(%run_scoped3A_240 : memref<!tpu.dma_semaphore, #tpu.memory_space<semaphore_mem>>) {add = true}
      %dma_wait3A_251 = arith.constant 0 : i32
      %dma_wait3A_252 = arith.constant 0 : i32
      %dma_wait3A_253 = tpu.memref_slice %arg8[%run_scoped3A_151, %dma_wait3A_251, %dma_wait3A_252] : memref<8x128x64xf32, #tpu.memory_space<vmem>> -> memref<1x128x64xf32, #tpu.memory_space<vmem>>
      %dma_wait3A_254 = tpu.memref_squeeze %dma_wait3A_253 : memref<1x128x64xf32, #tpu.memory_space<vmem>> -> memref<128x64xf32, #tpu.memory_space<vmem>>
      %dma_wait3A_255 = arith.constant 0 : i32
      %dma_wait3A_256 = tpu.memref_slice %arg7[%run_scoped3A_152, %dma_wait3A_255] : memref<79x128xi32, #tpu.memory_space<vmem>> -> memref<1x128xi32, #tpu.memory_space<vmem>>
      %dma_wait3A_257 = tpu.memref_squeeze %dma_wait3A_256 : memref<1x128xi32, #tpu.memory_space<vmem>> -> memref<128xi32, #tpu.memory_space<vmem>>
      %dma_wait3A_258 = arith.constant 0 : i32
      %dma_wait3A_259 = arith.constant 0 : i32
      %dma_wait3A_260 = tpu.memref_slice %arg9[%dma_wait3A_258, %dma_wait3A_259] : memref<10240x64xf32, #tpu.memory_space<vmem_shared>> -> memref<10240x64xf32, #tpu.memory_space<vmem_shared>>
      tpu.wait_indirect_dma semaphore(%run_scoped3A_240 : memref<!tpu.dma_semaphore, #tpu.memory_space<semaphore_mem>>) src(%dma_wait3A_254 : memref<128x64xf32, #tpu.memory_space<vmem>>) dst(%dma_wait3A_260 : memref<10240x64xf32, #tpu.memory_space<vmem_shared>>)
      tpu.yield
    }) : () -> ()
    %dma_wait3A_153 = arith.constant 75 : i32
    %dma_wait3A_154 = arith.constant 3 : i32
    %dma_wait3A_155 = arith.constant 0 : i32
    %dma_wait3A_156 = arith.constant 0 : i32
    %dma_wait3A_157 = tpu.memref_slice %arg8[%dma_wait3A_154, %dma_wait3A_155, %dma_wait3A_156] : memref<8x128x64xf32, #tpu.memory_space<vmem>> -> memref<1x128x64xf32, #tpu.memory_space<vmem>>
    %dma_wait3A_158 = tpu.memref_squeeze %dma_wait3A_157 : memref<1x128x64xf32, #tpu.memory_space<vmem>> -> memref<128x64xf32, #tpu.memory_space<vmem>>
    %dma_wait3A_159 = arith.constant 0 : i32
    %dma_wait3A_160 = tpu.memref_slice %arg6[%dma_wait3A_153, %dma_wait3A_159] : memref<79x128xi32, #tpu.memory_space<vmem>> -> memref<1x128xi32, #tpu.memory_space<vmem>>
    %dma_wait3A_161 = tpu.memref_squeeze %dma_wait3A_160 : memref<1x128xi32, #tpu.memory_space<vmem>> -> memref<128xi32, #tpu.memory_space<vmem>>
    %dma_wait3A_162 = arith.constant 0 : i32
    %dma_wait3A_163 = arith.constant 0 : i32
    %dma_wait3A_164 = tpu.memref_slice %arg2[%dma_wait3A_162, %dma_wait3A_163] : memref<10240x64xf32, #tpu.memory_space<hbm>> -> memref<10240x64xf32, #tpu.memory_space<hbm>>
    tpu.wait_indirect_dma semaphore(%arg13 : memref<!tpu.dma_semaphore, #tpu.memory_space<semaphore_mem>>) src(%dma_wait3A_164 : memref<10240x64xf32, #tpu.memory_space<hbm>>) dst(%dma_wait3A_158 : memref<128x64xf32, #tpu.memory_space<vmem>>)
    %run_scoped3A_165 = arith.constant 3 : i32
    %run_scoped3A_166 = arith.constant 75 : i32
    "tpu.region"() ({
      %run_scoped3A_240 = tpu.sem_alloc : memref<!tpu.dma_semaphore, #tpu.memory_space<semaphore_mem>>
      %dma_start3A_241 = arith.constant 0 : i32
      %dma_start3A_242 = arith.constant 0 : i32
      %dma_start3A_243 = tpu.memref_slice %arg8[%run_scoped3A_165, %dma_start3A_241, %dma_start3A_242] : memref<8x128x64xf32, #tpu.memory_space<vmem>> -> memref<1x128x64xf32, #tpu.memory_space<vmem>>
      %dma_start3A_244 = tpu.memref_squeeze %dma_start3A_243 : memref<1x128x64xf32, #tpu.memory_space<vmem>> -> memref<128x64xf32, #tpu.memory_space<vmem>>
      %dma_start3A_245 = arith.constant 0 : i32
      %dma_start3A_246 = tpu.memref_slice %arg7[%run_scoped3A_166, %dma_start3A_245] : memref<79x128xi32, #tpu.memory_space<vmem>> -> memref<1x128xi32, #tpu.memory_space<vmem>>
      %dma_start3A_247 = tpu.memref_squeeze %dma_start3A_246 : memref<1x128xi32, #tpu.memory_space<vmem>> -> memref<128xi32, #tpu.memory_space<vmem>>
      %dma_start3A_248 = arith.constant 0 : i32
      %dma_start3A_249 = arith.constant 0 : i32
      %dma_start3A_250 = tpu.memref_slice %arg9[%dma_start3A_248, %dma_start3A_249] : memref<10240x64xf32, #tpu.memory_space<vmem_shared>> -> memref<10240x64xf32, #tpu.memory_space<vmem_shared>>
      tpu.enqueue_indirect_dma source(%dma_start3A_244 : memref<128x64xf32, #tpu.memory_space<vmem>>) target(%dma_start3A_250 : memref<10240x64xf32, #tpu.memory_space<vmem_shared>>) offsets(%dma_start3A_247 : memref<128xi32, #tpu.memory_space<vmem>>) semaphore(%run_scoped3A_240 : memref<!tpu.dma_semaphore, #tpu.memory_space<semaphore_mem>>) {add = true}
      %dma_wait3A_251 = arith.constant 0 : i32
      %dma_wait3A_252 = arith.constant 0 : i32
      %dma_wait3A_253 = tpu.memref_slice %arg8[%run_scoped3A_165, %dma_wait3A_251, %dma_wait3A_252] : memref<8x128x64xf32, #tpu.memory_space<vmem>> -> memref<1x128x64xf32, #tpu.memory_space<vmem>>
      %dma_wait3A_254 = tpu.memref_squeeze %dma_wait3A_253 : memref<1x128x64xf32, #tpu.memory_space<vmem>> -> memref<128x64xf32, #tpu.memory_space<vmem>>
      %dma_wait3A_255 = arith.constant 0 : i32
      %dma_wait3A_256 = tpu.memref_slice %arg7[%run_scoped3A_166, %dma_wait3A_255] : memref<79x128xi32, #tpu.memory_space<vmem>> -> memref<1x128xi32, #tpu.memory_space<vmem>>
      %dma_wait3A_257 = tpu.memref_squeeze %dma_wait3A_256 : memref<1x128xi32, #tpu.memory_space<vmem>> -> memref<128xi32, #tpu.memory_space<vmem>>
      %dma_wait3A_258 = arith.constant 0 : i32
      %dma_wait3A_259 = arith.constant 0 : i32
      %dma_wait3A_260 = tpu.memref_slice %arg9[%dma_wait3A_258, %dma_wait3A_259] : memref<10240x64xf32, #tpu.memory_space<vmem_shared>> -> memref<10240x64xf32, #tpu.memory_space<vmem_shared>>
      tpu.wait_indirect_dma semaphore(%run_scoped3A_240 : memref<!tpu.dma_semaphore, #tpu.memory_space<semaphore_mem>>) src(%dma_wait3A_254 : memref<128x64xf32, #tpu.memory_space<vmem>>) dst(%dma_wait3A_260 : memref<10240x64xf32, #tpu.memory_space<vmem_shared>>)
      tpu.yield
    }) : () -> ()
    %dma_wait3A_167 = arith.constant 76 : i32
    %dma_wait3A_168 = arith.constant 4 : i32
    %dma_wait3A_169 = arith.constant 0 : i32
    %dma_wait3A_170 = arith.constant 0 : i32
    %dma_wait3A_171 = tpu.memref_slice %arg8[%dma_wait3A_168, %dma_wait3A_169, %dma_wait3A_170] : memref<8x128x64xf32, #tpu.memory_space<vmem>> -> memref<1x128x64xf32, #tpu.memory_space<vmem>>
    %dma_wait3A_172 = tpu.memref_squeeze %dma_wait3A_171 : memref<1x128x64xf32, #tpu.memory_space<vmem>> -> memref<128x64xf32, #tpu.memory_space<vmem>>
    %dma_wait3A_173 = arith.constant 0 : i32
    %dma_wait3A_174 = tpu.memref_slice %arg6[%dma_wait3A_167, %dma_wait3A_173] : memref<79x128xi32, #tpu.memory_space<vmem>> -> memref<1x128xi32, #tpu.memory_space<vmem>>
    %dma_wait3A_175 = tpu.memref_squeeze %dma_wait3A_174 : memref<1x128xi32, #tpu.memory_space<vmem>> -> memref<128xi32, #tpu.memory_space<vmem>>
    %dma_wait3A_176 = arith.constant 0 : i32
    %dma_wait3A_177 = arith.constant 0 : i32
    %dma_wait3A_178 = tpu.memref_slice %arg2[%dma_wait3A_176, %dma_wait3A_177] : memref<10240x64xf32, #tpu.memory_space<hbm>> -> memref<10240x64xf32, #tpu.memory_space<hbm>>
    tpu.wait_indirect_dma semaphore(%arg14 : memref<!tpu.dma_semaphore, #tpu.memory_space<semaphore_mem>>) src(%dma_wait3A_178 : memref<10240x64xf32, #tpu.memory_space<hbm>>) dst(%dma_wait3A_172 : memref<128x64xf32, #tpu.memory_space<vmem>>)
    %run_scoped3A_179 = arith.constant 4 : i32
    %run_scoped3A_180 = arith.constant 76 : i32
    "tpu.region"() ({
      %run_scoped3A_240 = tpu.sem_alloc : memref<!tpu.dma_semaphore, #tpu.memory_space<semaphore_mem>>
      %dma_start3A_241 = arith.constant 0 : i32
      %dma_start3A_242 = arith.constant 0 : i32
      %dma_start3A_243 = tpu.memref_slice %arg8[%run_scoped3A_179, %dma_start3A_241, %dma_start3A_242] : memref<8x128x64xf32, #tpu.memory_space<vmem>> -> memref<1x128x64xf32, #tpu.memory_space<vmem>>
      %dma_start3A_244 = tpu.memref_squeeze %dma_start3A_243 : memref<1x128x64xf32, #tpu.memory_space<vmem>> -> memref<128x64xf32, #tpu.memory_space<vmem>>
      %dma_start3A_245 = arith.constant 0 : i32
      %dma_start3A_246 = tpu.memref_slice %arg7[%run_scoped3A_180, %dma_start3A_245] : memref<79x128xi32, #tpu.memory_space<vmem>> -> memref<1x128xi32, #tpu.memory_space<vmem>>
      %dma_start3A_247 = tpu.memref_squeeze %dma_start3A_246 : memref<1x128xi32, #tpu.memory_space<vmem>> -> memref<128xi32, #tpu.memory_space<vmem>>
      %dma_start3A_248 = arith.constant 0 : i32
      %dma_start3A_249 = arith.constant 0 : i32
      %dma_start3A_250 = tpu.memref_slice %arg9[%dma_start3A_248, %dma_start3A_249] : memref<10240x64xf32, #tpu.memory_space<vmem_shared>> -> memref<10240x64xf32, #tpu.memory_space<vmem_shared>>
      tpu.enqueue_indirect_dma source(%dma_start3A_244 : memref<128x64xf32, #tpu.memory_space<vmem>>) target(%dma_start3A_250 : memref<10240x64xf32, #tpu.memory_space<vmem_shared>>) offsets(%dma_start3A_247 : memref<128xi32, #tpu.memory_space<vmem>>) semaphore(%run_scoped3A_240 : memref<!tpu.dma_semaphore, #tpu.memory_space<semaphore_mem>>) {add = true}
      %dma_wait3A_251 = arith.constant 0 : i32
      %dma_wait3A_252 = arith.constant 0 : i32
      %dma_wait3A_253 = tpu.memref_slice %arg8[%run_scoped3A_179, %dma_wait3A_251, %dma_wait3A_252] : memref<8x128x64xf32, #tpu.memory_space<vmem>> -> memref<1x128x64xf32, #tpu.memory_space<vmem>>
      %dma_wait3A_254 = tpu.memref_squeeze %dma_wait3A_253 : memref<1x128x64xf32, #tpu.memory_space<vmem>> -> memref<128x64xf32, #tpu.memory_space<vmem>>
      %dma_wait3A_255 = arith.constant 0 : i32
      %dma_wait3A_256 = tpu.memref_slice %arg7[%run_scoped3A_180, %dma_wait3A_255] : memref<79x128xi32, #tpu.memory_space<vmem>> -> memref<1x128xi32, #tpu.memory_space<vmem>>
      %dma_wait3A_257 = tpu.memref_squeeze %dma_wait3A_256 : memref<1x128xi32, #tpu.memory_space<vmem>> -> memref<128xi32, #tpu.memory_space<vmem>>
      %dma_wait3A_258 = arith.constant 0 : i32
      %dma_wait3A_259 = arith.constant 0 : i32
      %dma_wait3A_260 = tpu.memref_slice %arg9[%dma_wait3A_258, %dma_wait3A_259] : memref<10240x64xf32, #tpu.memory_space<vmem_shared>> -> memref<10240x64xf32, #tpu.memory_space<vmem_shared>>
      tpu.wait_indirect_dma semaphore(%run_scoped3A_240 : memref<!tpu.dma_semaphore, #tpu.memory_space<semaphore_mem>>) src(%dma_wait3A_254 : memref<128x64xf32, #tpu.memory_space<vmem>>) dst(%dma_wait3A_260 : memref<10240x64xf32, #tpu.memory_space<vmem_shared>>)
      tpu.yield
    }) : () -> ()
    %dma_wait3A_181 = arith.constant 77 : i32
    %dma_wait3A_182 = arith.constant 5 : i32
    %dma_wait3A_183 = arith.constant 0 : i32
    %dma_wait3A_184 = arith.constant 0 : i32
    %dma_wait3A_185 = tpu.memref_slice %arg8[%dma_wait3A_182, %dma_wait3A_183, %dma_wait3A_184] : memref<8x128x64xf32, #tpu.memory_space<vmem>> -> memref<1x128x64xf32, #tpu.memory_space<vmem>>
    %dma_wait3A_186 = tpu.memref_squeeze %dma_wait3A_185 : memref<1x128x64xf32, #tpu.memory_space<vmem>> -> memref<128x64xf32, #tpu.memory_space<vmem>>
    %dma_wait3A_187 = arith.constant 0 : i32
    %dma_wait3A_188 = tpu.memref_slice %arg6[%dma_wait3A_181, %dma_wait3A_187] : memref<79x128xi32, #tpu.memory_space<vmem>> -> memref<1x128xi32, #tpu.memory_space<vmem>>
    %dma_wait3A_189 = tpu.memref_squeeze %dma_wait3A_188 : memref<1x128xi32, #tpu.memory_space<vmem>> -> memref<128xi32, #tpu.memory_space<vmem>>
    %dma_wait3A_190 = arith.constant 0 : i32
    %dma_wait3A_191 = arith.constant 0 : i32
    %dma_wait3A_192 = tpu.memref_slice %arg2[%dma_wait3A_190, %dma_wait3A_191] : memref<10240x64xf32, #tpu.memory_space<hbm>> -> memref<10240x64xf32, #tpu.memory_space<hbm>>
    tpu.wait_indirect_dma semaphore(%arg15 : memref<!tpu.dma_semaphore, #tpu.memory_space<semaphore_mem>>) src(%dma_wait3A_192 : memref<10240x64xf32, #tpu.memory_space<hbm>>) dst(%dma_wait3A_186 : memref<128x64xf32, #tpu.memory_space<vmem>>)
    %run_scoped3A_193 = arith.constant 5 : i32
    %run_scoped3A_194 = arith.constant 77 : i32
    "tpu.region"() ({
      %run_scoped3A_240 = tpu.sem_alloc : memref<!tpu.dma_semaphore, #tpu.memory_space<semaphore_mem>>
      %dma_start3A_241 = arith.constant 0 : i32
      %dma_start3A_242 = arith.constant 0 : i32
      %dma_start3A_243 = tpu.memref_slice %arg8[%run_scoped3A_193, %dma_start3A_241, %dma_start3A_242] : memref<8x128x64xf32, #tpu.memory_space<vmem>> -> memref<1x128x64xf32, #tpu.memory_space<vmem>>
      %dma_start3A_244 = tpu.memref_squeeze %dma_start3A_243 : memref<1x128x64xf32, #tpu.memory_space<vmem>> -> memref<128x64xf32, #tpu.memory_space<vmem>>
      %dma_start3A_245 = arith.constant 0 : i32
      %dma_start3A_246 = tpu.memref_slice %arg7[%run_scoped3A_194, %dma_start3A_245] : memref<79x128xi32, #tpu.memory_space<vmem>> -> memref<1x128xi32, #tpu.memory_space<vmem>>
      %dma_start3A_247 = tpu.memref_squeeze %dma_start3A_246 : memref<1x128xi32, #tpu.memory_space<vmem>> -> memref<128xi32, #tpu.memory_space<vmem>>
      %dma_start3A_248 = arith.constant 0 : i32
      %dma_start3A_249 = arith.constant 0 : i32
      %dma_start3A_250 = tpu.memref_slice %arg9[%dma_start3A_248, %dma_start3A_249] : memref<10240x64xf32, #tpu.memory_space<vmem_shared>> -> memref<10240x64xf32, #tpu.memory_space<vmem_shared>>
      tpu.enqueue_indirect_dma source(%dma_start3A_244 : memref<128x64xf32, #tpu.memory_space<vmem>>) target(%dma_start3A_250 : memref<10240x64xf32, #tpu.memory_space<vmem_shared>>) offsets(%dma_start3A_247 : memref<128xi32, #tpu.memory_space<vmem>>) semaphore(%run_scoped3A_240 : memref<!tpu.dma_semaphore, #tpu.memory_space<semaphore_mem>>) {add = true}
      %dma_wait3A_251 = arith.constant 0 : i32
      %dma_wait3A_252 = arith.constant 0 : i32
      %dma_wait3A_253 = tpu.memref_slice %arg8[%run_scoped3A_193, %dma_wait3A_251, %dma_wait3A_252] : memref<8x128x64xf32, #tpu.memory_space<vmem>> -> memref<1x128x64xf32, #tpu.memory_space<vmem>>
      %dma_wait3A_254 = tpu.memref_squeeze %dma_wait3A_253 : memref<1x128x64xf32, #tpu.memory_space<vmem>> -> memref<128x64xf32, #tpu.memory_space<vmem>>
      %dma_wait3A_255 = arith.constant 0 : i32
      %dma_wait3A_256 = tpu.memref_slice %arg7[%run_scoped3A_194, %dma_wait3A_255] : memref<79x128xi32, #tpu.memory_space<vmem>> -> memref<1x128xi32, #tpu.memory_space<vmem>>
      %dma_wait3A_257 = tpu.memref_squeeze %dma_wait3A_256 : memref<1x128xi32, #tpu.memory_space<vmem>> -> memref<128xi32, #tpu.memory_space<vmem>>
      %dma_wait3A_258 = arith.constant 0 : i32
      %dma_wait3A_259 = arith.constant 0 : i32
      %dma_wait3A_260 = tpu.memref_slice %arg9[%dma_wait3A_258, %dma_wait3A_259] : memref<10240x64xf32, #tpu.memory_space<vmem_shared>> -> memref<10240x64xf32, #tpu.memory_space<vmem_shared>>
      tpu.wait_indirect_dma semaphore(%run_scoped3A_240 : memref<!tpu.dma_semaphore, #tpu.memory_space<semaphore_mem>>) src(%dma_wait3A_254 : memref<128x64xf32, #tpu.memory_space<vmem>>) dst(%dma_wait3A_260 : memref<10240x64xf32, #tpu.memory_space<vmem_shared>>)
      tpu.yield
    }) : () -> ()
    %dma_wait3A_195 = arith.constant 78 : i32
    %dma_wait3A_196 = arith.constant 6 : i32
    %dma_wait3A_197 = arith.constant 0 : i32
    %dma_wait3A_198 = arith.constant 0 : i32
    %dma_wait3A_199 = tpu.memref_slice %arg8[%dma_wait3A_196, %dma_wait3A_197, %dma_wait3A_198] : memref<8x128x64xf32, #tpu.memory_space<vmem>> -> memref<1x128x64xf32, #tpu.memory_space<vmem>>
    %dma_wait3A_200 = tpu.memref_squeeze %dma_wait3A_199 : memref<1x128x64xf32, #tpu.memory_space<vmem>> -> memref<128x64xf32, #tpu.memory_space<vmem>>
    %dma_wait3A_201 = arith.constant 0 : i32
    %dma_wait3A_202 = tpu.memref_slice %arg6[%dma_wait3A_195, %dma_wait3A_201] : memref<79x128xi32, #tpu.memory_space<vmem>> -> memref<1x128xi32, #tpu.memory_space<vmem>>
    %dma_wait3A_203 = tpu.memref_squeeze %dma_wait3A_202 : memref<1x128xi32, #tpu.memory_space<vmem>> -> memref<128xi32, #tpu.memory_space<vmem>>
    %dma_wait3A_204 = arith.constant 0 : i32
    %dma_wait3A_205 = arith.constant 0 : i32
    %dma_wait3A_206 = tpu.memref_slice %arg2[%dma_wait3A_204, %dma_wait3A_205] : memref<10240x64xf32, #tpu.memory_space<hbm>> -> memref<10240x64xf32, #tpu.memory_space<hbm>>
    tpu.wait_indirect_dma semaphore(%arg16 : memref<!tpu.dma_semaphore, #tpu.memory_space<semaphore_mem>>) src(%dma_wait3A_206 : memref<10240x64xf32, #tpu.memory_space<hbm>>) dst(%dma_wait3A_200 : memref<128x64xf32, #tpu.memory_space<vmem>>)
    %run_scoped3A_207 = arith.constant 6 : i32
    %run_scoped3A_208 = arith.constant 78 : i32
    "tpu.region"() ({
      %run_scoped3A_240 = tpu.sem_alloc : memref<!tpu.dma_semaphore, #tpu.memory_space<semaphore_mem>>
      %dma_start3A_241 = arith.constant 0 : i32
      %dma_start3A_242 = arith.constant 0 : i32
      %dma_start3A_243 = tpu.memref_slice %arg8[%run_scoped3A_207, %dma_start3A_241, %dma_start3A_242] : memref<8x128x64xf32, #tpu.memory_space<vmem>> -> memref<1x128x64xf32, #tpu.memory_space<vmem>>
      %dma_start3A_244 = tpu.memref_squeeze %dma_start3A_243 : memref<1x128x64xf32, #tpu.memory_space<vmem>> -> memref<128x64xf32, #tpu.memory_space<vmem>>
      %dma_start3A_245 = arith.constant 0 : i32
      %dma_start3A_246 = tpu.memref_slice %arg7[%run_scoped3A_208, %dma_start3A_245] : memref<79x128xi32, #tpu.memory_space<vmem>> -> memref<1x128xi32, #tpu.memory_space<vmem>>
      %dma_start3A_247 = tpu.memref_squeeze %dma_start3A_246 : memref<1x128xi32, #tpu.memory_space<vmem>> -> memref<128xi32, #tpu.memory_space<vmem>>
      %dma_start3A_248 = arith.constant 0 : i32
      %dma_start3A_249 = arith.constant 0 : i32
      %dma_start3A_250 = tpu.memref_slice %arg9[%dma_start3A_248, %dma_start3A_249] : memref<10240x64xf32, #tpu.memory_space<vmem_shared>> -> memref<10240x64xf32, #tpu.memory_space<vmem_shared>>
      tpu.enqueue_indirect_dma source(%dma_start3A_244 : memref<128x64xf32, #tpu.memory_space<vmem>>) target(%dma_start3A_250 : memref<10240x64xf32, #tpu.memory_space<vmem_shared>>) offsets(%dma_start3A_247 : memref<128xi32, #tpu.memory_space<vmem>>) semaphore(%run_scoped3A_240 : memref<!tpu.dma_semaphore, #tpu.memory_space<semaphore_mem>>) {add = true}
      %dma_wait3A_251 = arith.constant 0 : i32
      %dma_wait3A_252 = arith.constant 0 : i32
      %dma_wait3A_253 = tpu.memref_slice %arg8[%run_scoped3A_207, %dma_wait3A_251, %dma_wait3A_252] : memref<8x128x64xf32, #tpu.memory_space<vmem>> -> memref<1x128x64xf32, #tpu.memory_space<vmem>>
      %dma_wait3A_254 = tpu.memref_squeeze %dma_wait3A_253 : memref<1x128x64xf32, #tpu.memory_space<vmem>> -> memref<128x64xf32, #tpu.memory_space<vmem>>
      %dma_wait3A_255 = arith.constant 0 : i32
      %dma_wait3A_256 = tpu.memref_slice %arg7[%run_scoped3A_208, %dma_wait3A_255] : memref<79x128xi32, #tpu.memory_space<vmem>> -> memref<1x128xi32, #tpu.memory_space<vmem>>
      %dma_wait3A_257 = tpu.memref_squeeze %dma_wait3A_256 : memref<1x128xi32, #tpu.memory_space<vmem>> -> memref<128xi32, #tpu.memory_space<vmem>>
      %dma_wait3A_258 = arith.constant 0 : i32
      %dma_wait3A_259 = arith.constant 0 : i32
      %dma_wait3A_260 = tpu.memref_slice %arg9[%dma_wait3A_258, %dma_wait3A_259] : memref<10240x64xf32, #tpu.memory_space<vmem_shared>> -> memref<10240x64xf32, #tpu.memory_space<vmem_shared>>
      tpu.wait_indirect_dma semaphore(%run_scoped3A_240 : memref<!tpu.dma_semaphore, #tpu.memory_space<semaphore_mem>>) src(%dma_wait3A_254 : memref<128x64xf32, #tpu.memory_space<vmem>>) dst(%dma_wait3A_260 : memref<10240x64xf32, #tpu.memory_space<vmem_shared>>)
      tpu.yield
    }) : () -> ()
    %barrier3A_209 = arith.constant 0 : index
    tpu.barrier barrier_id(%barrier3A_209)
    %add3A_210 = arith.constant 0 : i32
    %add3A_211 = arith.addi %mul3A_8, %add3A_210 : i32
    %run_scoped3A_212 = arith.constant 0 : i32
    "tpu.region"() ({
      %run_scoped3A_240 = tpu.sem_alloc : memref<!tpu.dma_semaphore, #tpu.memory_space<semaphore_mem>>
      %dma_start3A_241 = arith.constant 0 : i32
      %dma_start3A_242 = arith.constant 0 : i32
      %dma_start3A_243 = tpu.memref_slice %arg8[%run_scoped3A_212, %dma_start3A_241, %dma_start3A_242] : memref<8x128x64xf32, #tpu.memory_space<vmem>> -> memref<1x128x64xf32, #tpu.memory_space<vmem>>
      %dma_start3A_244 = tpu.memref_squeeze %dma_start3A_243 : memref<1x128x64xf32, #tpu.memory_space<vmem>> -> memref<128x64xf32, #tpu.memory_space<vmem>>
      %dma_start3A_245 = arith.constant 0 : i32
      %dma_start3A_246 = tpu.memref_slice %arg9[%add3A_211, %dma_start3A_245] : memref<10240x64xf32, #tpu.memory_space<vmem_shared>> -> memref<128x64xf32, #tpu.memory_space<vmem_shared>>
      %dma_start3A_247 = arith.constant 0 : i32
      %dma_start3A_248 = arith.constant 0 : i32
      %dma_start3A_249 = tpu.memref_slice %arg8[%run_scoped3A_212, %dma_start3A_247, %dma_start3A_248] : memref<8x128x64xf32, #tpu.memory_space<vmem>> -> memref<1x128x64xf32, #tpu.memory_space<vmem>>
      %dma_start3A_250 = tpu.memref_squeeze %dma_start3A_249 : memref<1x128x64xf32, #tpu.memory_space<vmem>> -> memref<128x64xf32, #tpu.memory_space<vmem>>
      %dma_start3A_251 = arith.constant 0 : i32
      %dma_start3A_252 = tpu.memref_slice %arg9[%add3A_211, %dma_start3A_251] : memref<10240x64xf32, #tpu.memory_space<vmem_shared>> -> memref<128x64xf32, #tpu.memory_space<vmem_shared>>
      tpu.enqueue_dma source(%dma_start3A_252 : memref<128x64xf32, #tpu.memory_space<vmem_shared>>) target(%dma_start3A_250 : memref<128x64xf32, #tpu.memory_space<vmem>>) target_semaphore(%run_scoped3A_240 : memref<!tpu.dma_semaphore, #tpu.memory_space<semaphore_mem>>)
      %dma_wait3A_253 = arith.constant 0 : i32
      %dma_wait3A_254 = arith.constant 0 : i32
      %dma_wait3A_255 = tpu.memref_slice %arg8[%run_scoped3A_212, %dma_wait3A_253, %dma_wait3A_254] : memref<8x128x64xf32, #tpu.memory_space<vmem>> -> memref<1x128x64xf32, #tpu.memory_space<vmem>>
      %dma_wait3A_256 = tpu.memref_squeeze %dma_wait3A_255 : memref<1x128x64xf32, #tpu.memory_space<vmem>> -> memref<128x64xf32, #tpu.memory_space<vmem>>
      %dma_wait3A_257 = arith.constant 0 : i32
      %dma_wait3A_258 = tpu.memref_slice %arg9[%add3A_211, %dma_wait3A_257] : memref<10240x64xf32, #tpu.memory_space<vmem_shared>> -> memref<128x64xf32, #tpu.memory_space<vmem_shared>>
      %dma_wait3A_259 = arith.constant 0 : i32
      %dma_wait3A_260 = arith.constant 0 : i32
      %dma_wait3A_261 = tpu.memref_slice %arg8[%run_scoped3A_212, %dma_wait3A_259, %dma_wait3A_260] : memref<8x128x64xf32, #tpu.memory_space<vmem>> -> memref<1x128x64xf32, #tpu.memory_space<vmem>>
      %dma_wait3A_262 = tpu.memref_squeeze %dma_wait3A_261 : memref<1x128x64xf32, #tpu.memory_space<vmem>> -> memref<128x64xf32, #tpu.memory_space<vmem>>
      %dma_wait3A_263 = arith.constant 0 : i32
      %dma_wait3A_264 = tpu.memref_slice %arg9[%add3A_211, %dma_wait3A_263] : memref<10240x64xf32, #tpu.memory_space<vmem_shared>> -> memref<128x64xf32, #tpu.memory_space<vmem_shared>>
      tpu.wait_dma2 semaphore(%run_scoped3A_240 : memref<!tpu.dma_semaphore, #tpu.memory_space<semaphore_mem>>) src(%dma_wait3A_264 : memref<128x64xf32, #tpu.memory_space<vmem_shared>>) dst(%dma_wait3A_262 : memref<128x64xf32, #tpu.memory_space<vmem>>)
      tpu.yield
    }) : () -> ()
    %mul3A_213 = arith.constant 64 : i32
    %mul3A_214 = arith.muli %arg0, %mul3A_213 : i32
    %run_scoped3A_215 = arith.constant 0 : i32
    "tpu.region"() ({
      %run_scoped3A_240 = tpu.sem_alloc : memref<!tpu.dma_semaphore, #tpu.memory_space<semaphore_mem>>
      %dma_start3A_241 = arith.constant 0 : i32
      %dma_start3A_242 = arith.constant 0 : i32
      %dma_start3A_243 = tpu.memref_slice %arg8[%run_scoped3A_215, %dma_start3A_241, %dma_start3A_242] : memref<8x128x64xf32, #tpu.memory_space<vmem>> -> memref<1x128x64xf32, #tpu.memory_space<vmem>>
      %dma_start3A_244 = tpu.memref_squeeze %dma_start3A_243 : memref<1x128x64xf32, #tpu.memory_space<vmem>> -> memref<128x64xf32, #tpu.memory_space<vmem>>
      %dma_start3A_245 = tpu.memref_slice %arg5[%add3A_211, %mul3A_214] : memref<10240x128xf32, #tpu.memory_space<hbm>> -> memref<128x64xf32, #tpu.memory_space<hbm>>
      %dma_start3A_246 = tpu.memref_slice %arg5[%add3A_211, %mul3A_214] : memref<10240x128xf32, #tpu.memory_space<hbm>> -> memref<128x64xf32, #tpu.memory_space<hbm>>
      %dma_start3A_247 = arith.constant 0 : i32
      %dma_start3A_248 = arith.constant 0 : i32
      %dma_start3A_249 = tpu.memref_slice %arg8[%run_scoped3A_215, %dma_start3A_247, %dma_start3A_248] : memref<8x128x64xf32, #tpu.memory_space<vmem>> -> memref<1x128x64xf32, #tpu.memory_space<vmem>>
      %dma_start3A_250 = tpu.memref_squeeze %dma_start3A_249 : memref<1x128x64xf32, #tpu.memory_space<vmem>> -> memref<128x64xf32, #tpu.memory_space<vmem>>
      tpu.enqueue_dma source(%dma_start3A_250 : memref<128x64xf32, #tpu.memory_space<vmem>>) target(%dma_start3A_246 : memref<128x64xf32, #tpu.memory_space<hbm>>) target_semaphore(%run_scoped3A_240 : memref<!tpu.dma_semaphore, #tpu.memory_space<semaphore_mem>>)
      %dma_wait3A_251 = arith.constant 0 : i32
      %dma_wait3A_252 = arith.constant 0 : i32
      %dma_wait3A_253 = tpu.memref_slice %arg8[%run_scoped3A_215, %dma_wait3A_251, %dma_wait3A_252] : memref<8x128x64xf32, #tpu.memory_space<vmem>> -> memref<1x128x64xf32, #tpu.memory_space<vmem>>
      %dma_wait3A_254 = tpu.memref_squeeze %dma_wait3A_253 : memref<1x128x64xf32, #tpu.memory_space<vmem>> -> memref<128x64xf32, #tpu.memory_space<vmem>>
      %dma_wait3A_255 = tpu.memref_slice %arg5[%add3A_211, %mul3A_214] : memref<10240x128xf32, #tpu.memory_space<hbm>> -> memref<128x64xf32, #tpu.memory_space<hbm>>
      %dma_wait3A_256 = tpu.memref_slice %arg5[%add3A_211, %mul3A_214] : memref<10240x128xf32, #tpu.memory_space<hbm>> -> memref<128x64xf32, #tpu.memory_space<hbm>>
      %dma_wait3A_257 = arith.constant 0 : i32
      %dma_wait3A_258 = arith.constant 0 : i32
      %dma_wait3A_259 = tpu.memref_slice %arg8[%run_scoped3A_215, %dma_wait3A_257, %dma_wait3A_258] : memref<8x128x64xf32, #tpu.memory_space<vmem>> -> memref<1x128x64xf32, #tpu.memory_space<vmem>>
      %dma_wait3A_260 = tpu.memref_squeeze %dma_wait3A_259 : memref<1x128x64xf32, #tpu.memory_space<vmem>> -> memref<128x64xf32, #tpu.memory_space<vmem>>
      tpu.wait_dma2 semaphore(%run_scoped3A_240 : memref<!tpu.dma_semaphore, #tpu.memory_space<semaphore_mem>>) src(%dma_wait3A_260 : memref<128x64xf32, #tpu.memory_space<vmem>>) dst(%dma_wait3A_256 : memref<128x64xf32, #tpu.memory_space<hbm>>)
      tpu.yield
    }) : () -> ()
    %add3A_216 = arith.constant 128 : i32
    %add3A_217 = arith.addi %mul3A_8, %add3A_216 : i32
    %run_scoped3A_218 = arith.constant 0 : i32
    "tpu.region"() ({
      %run_scoped3A_240 = tpu.sem_alloc : memref<!tpu.dma_semaphore, #tpu.memory_space<semaphore_mem>>
      %dma_start3A_241 = arith.constant 0 : i32
      %dma_start3A_242 = arith.constant 0 : i32
      %dma_start3A_243 = tpu.memref_slice %arg8[%run_scoped3A_218, %dma_start3A_241, %dma_start3A_242] : memref<8x128x64xf32, #tpu.memory_space<vmem>> -> memref<1x128x64xf32, #tpu.memory_space<vmem>>
      %dma_start3A_244 = tpu.memref_squeeze %dma_start3A_243 : memref<1x128x64xf32, #tpu.memory_space<vmem>> -> memref<128x64xf32, #tpu.memory_space<vmem>>
      %dma_start3A_245 = arith.constant 0 : i32
      %dma_start3A_246 = tpu.memref_slice %arg9[%add3A_217, %dma_start3A_245] : memref<10240x64xf32, #tpu.memory_space<vmem_shared>> -> memref<128x64xf32, #tpu.memory_space<vmem_shared>>
      %dma_start3A_247 = arith.constant 0 : i32
      %dma_start3A_248 = arith.constant 0 : i32
      %dma_start3A_249 = tpu.memref_slice %arg8[%run_scoped3A_218, %dma_start3A_247, %dma_start3A_248] : memref<8x128x64xf32, #tpu.memory_space<vmem>> -> memref<1x128x64xf32, #tpu.memory_space<vmem>>
      %dma_start3A_250 = tpu.memref_squeeze %dma_start3A_249 : memref<1x128x64xf32, #tpu.memory_space<vmem>> -> memref<128x64xf32, #tpu.memory_space<vmem>>
      %dma_start3A_251 = arith.constant 0 : i32
      %dma_start3A_252 = tpu.memref_slice %arg9[%add3A_217, %dma_start3A_251] : memref<10240x64xf32, #tpu.memory_space<vmem_shared>> -> memref<128x64xf32, #tpu.memory_space<vmem_shared>>
      tpu.enqueue_dma source(%dma_start3A_252 : memref<128x64xf32, #tpu.memory_space<vmem_shared>>) target(%dma_start3A_250 : memref<128x64xf32, #tpu.memory_space<vmem>>) target_semaphore(%run_scoped3A_240 : memref<!tpu.dma_semaphore, #tpu.memory_space<semaphore_mem>>)
      %dma_wait3A_253 = arith.constant 0 : i32
      %dma_wait3A_254 = arith.constant 0 : i32
      %dma_wait3A_255 = tpu.memref_slice %arg8[%run_scoped3A_218, %dma_wait3A_253, %dma_wait3A_254] : memref<8x128x64xf32, #tpu.memory_space<vmem>> -> memref<1x128x64xf32, #tpu.memory_space<vmem>>
      %dma_wait3A_256 = tpu.memref_squeeze %dma_wait3A_255 : memref<1x128x64xf32, #tpu.memory_space<vmem>> -> memref<128x64xf32, #tpu.memory_space<vmem>>
      %dma_wait3A_257 = arith.constant 0 : i32
      %dma_wait3A_258 = tpu.memref_slice %arg9[%add3A_217, %dma_wait3A_257] : memref<10240x64xf32, #tpu.memory_space<vmem_shared>> -> memref<128x64xf32, #tpu.memory_space<vmem_shared>>
      %dma_wait3A_259 = arith.constant 0 : i32
      %dma_wait3A_260 = arith.constant 0 : i32
      %dma_wait3A_261 = tpu.memref_slice %arg8[%run_scoped3A_218, %dma_wait3A_259, %dma_wait3A_260] : memref<8x128x64xf32, #tpu.memory_space<vmem>> -> memref<1x128x64xf32, #tpu.memory_space<vmem>>
      %dma_wait3A_262 = tpu.memref_squeeze %dma_wait3A_261 : memref<1x128x64xf32, #tpu.memory_space<vmem>> -> memref<128x64xf32, #tpu.memory_space<vmem>>
      %dma_wait3A_263 = arith.constant 0 : i32
      %dma_wait3A_264 = tpu.memref_slice %arg9[%add3A_217, %dma_wait3A_263] : memref<10240x64xf32, #tpu.memory_space<vmem_shared>> -> memref<128x64xf32, #tpu.memory_space<vmem_shared>>
      tpu.wait_dma2 semaphore(%run_scoped3A_240 : memref<!tpu.dma_semaphore, #tpu.memory_space<semaphore_mem>>) src(%dma_wait3A_264 : memref<128x64xf32, #tpu.memory_space<vmem_shared>>) dst(%dma_wait3A_262 : memref<128x64xf32, #tpu.memory_space<vmem>>)
      tpu.yield
    }) : () -> ()
    %mul3A_219 = arith.constant 64 : i32
    %mul3A_220 = arith.muli %arg0, %mul3A_219 : i32
    %run_scoped3A_221 = arith.constant 0 : i32
    "tpu.region"() ({
      %run_scoped3A_240 = tpu.sem_alloc : memref<!tpu.dma_semaphore, #tpu.memory_space<semaphore_mem>>
      %dma_start3A_241 = arith.constant 0 : i32
      %dma_start3A_242 = arith.constant 0 : i32
      %dma_start3A_243 = tpu.memref_slice %arg8[%run_scoped3A_221, %dma_start3A_241, %dma_start3A_242] : memref<8x128x64xf32, #tpu.memory_space<vmem>> -> memref<1x128x64xf32, #tpu.memory_space<vmem>>
      %dma_start3A_244 = tpu.memref_squeeze %dma_start3A_243 : memref<1x128x64xf32, #tpu.memory_space<vmem>> -> memref<128x64xf32, #tpu.memory_space<vmem>>
      %dma_start3A_245 = tpu.memref_slice %arg5[%add3A_217, %mul3A_220] : memref<10240x128xf32, #tpu.memory_space<hbm>> -> memref<128x64xf32, #tpu.memory_space<hbm>>
      %dma_start3A_246 = tpu.memref_slice %arg5[%add3A_217, %mul3A_220] : memref<10240x128xf32, #tpu.memory_space<hbm>> -> memref<128x64xf32, #tpu.memory_space<hbm>>
      %dma_start3A_247 = arith.constant 0 : i32
      %dma_start3A_248 = arith.constant 0 : i32
      %dma_start3A_249 = tpu.memref_slice %arg8[%run_scoped3A_221, %dma_start3A_247, %dma_start3A_248] : memref<8x128x64xf32, #tpu.memory_space<vmem>> -> memref<1x128x64xf32, #tpu.memory_space<vmem>>
      %dma_start3A_250 = tpu.memref_squeeze %dma_start3A_249 : memref<1x128x64xf32, #tpu.memory_space<vmem>> -> memref<128x64xf32, #tpu.memory_space<vmem>>
      tpu.enqueue_dma source(%dma_start3A_250 : memref<128x64xf32, #tpu.memory_space<vmem>>) target(%dma_start3A_246 : memref<128x64xf32, #tpu.memory_space<hbm>>) target_semaphore(%run_scoped3A_240 : memref<!tpu.dma_semaphore, #tpu.memory_space<semaphore_mem>>)
      %dma_wait3A_251 = arith.constant 0 : i32
      %dma_wait3A_252 = arith.constant 0 : i32
      %dma_wait3A_253 = tpu.memref_slice %arg8[%run_scoped3A_221, %dma_wait3A_251, %dma_wait3A_252] : memref<8x128x64xf32, #tpu.memory_space<vmem>> -> memref<1x128x64xf32, #tpu.memory_space<vmem>>
      %dma_wait3A_254 = tpu.memref_squeeze %dma_wait3A_253 : memref<1x128x64xf32, #tpu.memory_space<vmem>> -> memref<128x64xf32, #tpu.memory_space<vmem>>
      %dma_wait3A_255 = tpu.memref_slice %arg5[%add3A_217, %mul3A_220] : memref<10240x128xf32, #tpu.memory_space<hbm>> -> memref<128x64xf32, #tpu.memory_space<hbm>>
      %dma_wait3A_256 = tpu.memref_slice %arg5[%add3A_217, %mul3A_220] : memref<10240x128xf32, #tpu.memory_space<hbm>> -> memref<128x64xf32, #tpu.memory_space<hbm>>
      %dma_wait3A_257 = arith.constant 0 : i32
      %dma_wait3A_258 = arith.constant 0 : i32
      %dma_wait3A_259 = tpu.memref_slice %arg8[%run_scoped3A_221, %dma_wait3A_257, %dma_wait3A_258] : memref<8x128x64xf32, #tpu.memory_space<vmem>> -> memref<1x128x64xf32, #tpu.memory_space<vmem>>
      %dma_wait3A_260 = tpu.memref_squeeze %dma_wait3A_259 : memref<1x128x64xf32, #tpu.memory_space<vmem>> -> memref<128x64xf32, #tpu.memory_space<vmem>>
      tpu.wait_dma2 semaphore(%run_scoped3A_240 : memref<!tpu.dma_semaphore, #tpu.memory_space<semaphore_mem>>) src(%dma_wait3A_260 : memref<128x64xf32, #tpu.memory_space<vmem>>) dst(%dma_wait3A_256 : memref<128x64xf32, #tpu.memory_space<hbm>>)
      tpu.yield
    }) : () -> ()
    %add3A_222 = arith.constant 256 : i32
    %add3A_223 = arith.addi %mul3A_8, %add3A_222 : i32
    %run_scoped3A_224 = arith.constant 0 : i32
    "tpu.region"() ({
      %run_scoped3A_240 = tpu.sem_alloc : memref<!tpu.dma_semaphore, #tpu.memory_space<semaphore_mem>>
      %dma_start3A_241 = arith.constant 0 : i32
      %dma_start3A_242 = arith.constant 0 : i32
      %dma_start3A_243 = tpu.memref_slice %arg8[%run_scoped3A_224, %dma_start3A_241, %dma_start3A_242] : memref<8x128x64xf32, #tpu.memory_space<vmem>> -> memref<1x128x64xf32, #tpu.memory_space<vmem>>
      %dma_start3A_244 = tpu.memref_squeeze %dma_start3A_243 : memref<1x128x64xf32, #tpu.memory_space<vmem>> -> memref<128x64xf32, #tpu.memory_space<vmem>>
      %dma_start3A_245 = arith.constant 0 : i32
      %dma_start3A_246 = tpu.memref_slice %arg9[%add3A_223, %dma_start3A_245] : memref<10240x64xf32, #tpu.memory_space<vmem_shared>> -> memref<128x64xf32, #tpu.memory_space<vmem_shared>>
      %dma_start3A_247 = arith.constant 0 : i32
      %dma_start3A_248 = arith.constant 0 : i32
      %dma_start3A_249 = tpu.memref_slice %arg8[%run_scoped3A_224, %dma_start3A_247, %dma_start3A_248] : memref<8x128x64xf32, #tpu.memory_space<vmem>> -> memref<1x128x64xf32, #tpu.memory_space<vmem>>
      %dma_start3A_250 = tpu.memref_squeeze %dma_start3A_249 : memref<1x128x64xf32, #tpu.memory_space<vmem>> -> memref<128x64xf32, #tpu.memory_space<vmem>>
      %dma_start3A_251 = arith.constant 0 : i32
      %dma_start3A_252 = tpu.memref_slice %arg9[%add3A_223, %dma_start3A_251] : memref<10240x64xf32, #tpu.memory_space<vmem_shared>> -> memref<128x64xf32, #tpu.memory_space<vmem_shared>>
      tpu.enqueue_dma source(%dma_start3A_252 : memref<128x64xf32, #tpu.memory_space<vmem_shared>>) target(%dma_start3A_250 : memref<128x64xf32, #tpu.memory_space<vmem>>) target_semaphore(%run_scoped3A_240 : memref<!tpu.dma_semaphore, #tpu.memory_space<semaphore_mem>>)
      %dma_wait3A_253 = arith.constant 0 : i32
      %dma_wait3A_254 = arith.constant 0 : i32
      %dma_wait3A_255 = tpu.memref_slice %arg8[%run_scoped3A_224, %dma_wait3A_253, %dma_wait3A_254] : memref<8x128x64xf32, #tpu.memory_space<vmem>> -> memref<1x128x64xf32, #tpu.memory_space<vmem>>
      %dma_wait3A_256 = tpu.memref_squeeze %dma_wait3A_255 : memref<1x128x64xf32, #tpu.memory_space<vmem>> -> memref<128x64xf32, #tpu.memory_space<vmem>>
      %dma_wait3A_257 = arith.constant 0 : i32
      %dma_wait3A_258 = tpu.memref_slice %arg9[%add3A_223, %dma_wait3A_257] : memref<10240x64xf32, #tpu.memory_space<vmem_shared>> -> memref<128x64xf32, #tpu.memory_space<vmem_shared>>
      %dma_wait3A_259 = arith.constant 0 : i32
      %dma_wait3A_260 = arith.constant 0 : i32
      %dma_wait3A_261 = tpu.memref_slice %arg8[%run_scoped3A_224, %dma_wait3A_259, %dma_wait3A_260] : memref<8x128x64xf32, #tpu.memory_space<vmem>> -> memref<1x128x64xf32, #tpu.memory_space<vmem>>
      %dma_wait3A_262 = tpu.memref_squeeze %dma_wait3A_261 : memref<1x128x64xf32, #tpu.memory_space<vmem>> -> memref<128x64xf32, #tpu.memory_space<vmem>>
      %dma_wait3A_263 = arith.constant 0 : i32
      %dma_wait3A_264 = tpu.memref_slice %arg9[%add3A_223, %dma_wait3A_263] : memref<10240x64xf32, #tpu.memory_space<vmem_shared>> -> memref<128x64xf32, #tpu.memory_space<vmem_shared>>
      tpu.wait_dma2 semaphore(%run_scoped3A_240 : memref<!tpu.dma_semaphore, #tpu.memory_space<semaphore_mem>>) src(%dma_wait3A_264 : memref<128x64xf32, #tpu.memory_space<vmem_shared>>) dst(%dma_wait3A_262 : memref<128x64xf32, #tpu.memory_space<vmem>>)
      tpu.yield
    }) : () -> ()
    %mul3A_225 = arith.constant 64 : i32
    %mul3A_226 = arith.muli %arg0, %mul3A_225 : i32
    %run_scoped3A_227 = arith.constant 0 : i32
    "tpu.region"() ({
      %run_scoped3A_240 = tpu.sem_alloc : memref<!tpu.dma_semaphore, #tpu.memory_space<semaphore_mem>>
      %dma_start3A_241 = arith.constant 0 : i32
      %dma_start3A_242 = arith.constant 0 : i32
      %dma_start3A_243 = tpu.memref_slice %arg8[%run_scoped3A_227, %dma_start3A_241, %dma_start3A_242] : memref<8x128x64xf32, #tpu.memory_space<vmem>> -> memref<1x128x64xf32, #tpu.memory_space<vmem>>
      %dma_start3A_244 = tpu.memref_squeeze %dma_start3A_243 : memref<1x128x64xf32, #tpu.memory_space<vmem>> -> memref<128x64xf32, #tpu.memory_space<vmem>>
      %dma_start3A_245 = tpu.memref_slice %arg5[%add3A_223, %mul3A_226] : memref<10240x128xf32, #tpu.memory_space<hbm>> -> memref<128x64xf32, #tpu.memory_space<hbm>>
      %dma_start3A_246 = tpu.memref_slice %arg5[%add3A_223, %mul3A_226] : memref<10240x128xf32, #tpu.memory_space<hbm>> -> memref<128x64xf32, #tpu.memory_space<hbm>>
      %dma_start3A_247 = arith.constant 0 : i32
      %dma_start3A_248 = arith.constant 0 : i32
      %dma_start3A_249 = tpu.memref_slice %arg8[%run_scoped3A_227, %dma_start3A_247, %dma_start3A_248] : memref<8x128x64xf32, #tpu.memory_space<vmem>> -> memref<1x128x64xf32, #tpu.memory_space<vmem>>
      %dma_start3A_250 = tpu.memref_squeeze %dma_start3A_249 : memref<1x128x64xf32, #tpu.memory_space<vmem>> -> memref<128x64xf32, #tpu.memory_space<vmem>>
      tpu.enqueue_dma source(%dma_start3A_250 : memref<128x64xf32, #tpu.memory_space<vmem>>) target(%dma_start3A_246 : memref<128x64xf32, #tpu.memory_space<hbm>>) target_semaphore(%run_scoped3A_240 : memref<!tpu.dma_semaphore, #tpu.memory_space<semaphore_mem>>)
      %dma_wait3A_251 = arith.constant 0 : i32
      %dma_wait3A_252 = arith.constant 0 : i32
      %dma_wait3A_253 = tpu.memref_slice %arg8[%run_scoped3A_227, %dma_wait3A_251, %dma_wait3A_252] : memref<8x128x64xf32, #tpu.memory_space<vmem>> -> memref<1x128x64xf32, #tpu.memory_space<vmem>>
      %dma_wait3A_254 = tpu.memref_squeeze %dma_wait3A_253 : memref<1x128x64xf32, #tpu.memory_space<vmem>> -> memref<128x64xf32, #tpu.memory_space<vmem>>
      %dma_wait3A_255 = tpu.memref_slice %arg5[%add3A_223, %mul3A_226] : memref<10240x128xf32, #tpu.memory_space<hbm>> -> memref<128x64xf32, #tpu.memory_space<hbm>>
      %dma_wait3A_256 = tpu.memref_slice %arg5[%add3A_223, %mul3A_226] : memref<10240x128xf32, #tpu.memory_space<hbm>> -> memref<128x64xf32, #tpu.memory_space<hbm>>
      %dma_wait3A_257 = arith.constant 0 : i32
      %dma_wait3A_258 = arith.constant 0 : i32
      %dma_wait3A_259 = tpu.memref_slice %arg8[%run_scoped3A_227, %dma_wait3A_257, %dma_wait3A_258] : memref<8x128x64xf32, #tpu.memory_space<vmem>> -> memref<1x128x64xf32, #tpu.memory_space<vmem>>
      %dma_wait3A_260 = tpu.memref_squeeze %dma_wait3A_259 : memref<1x128x64xf32, #tpu.memory_space<vmem>> -> memref<128x64xf32, #tpu.memory_space<vmem>>
      tpu.wait_dma2 semaphore(%run_scoped3A_240 : memref<!tpu.dma_semaphore, #tpu.memory_space<semaphore_mem>>) src(%dma_wait3A_260 : memref<128x64xf32, #tpu.memory_space<vmem>>) dst(%dma_wait3A_256 : memref<128x64xf32, #tpu.memory_space<hbm>>)
      tpu.yield
    }) : () -> ()
    %add3A_228 = arith.constant 384 : i32
    %add3A_229 = arith.addi %mul3A_8, %add3A_228 : i32
    %run_scoped3A_230 = arith.constant 0 : i32
    "tpu.region"() ({
      %run_scoped3A_240 = tpu.sem_alloc : memref<!tpu.dma_semaphore, #tpu.memory_space<semaphore_mem>>
      %dma_start3A_241 = arith.constant 0 : i32
      %dma_start3A_242 = arith.constant 0 : i32
      %dma_start3A_243 = tpu.memref_slice %arg8[%run_scoped3A_230, %dma_start3A_241, %dma_start3A_242] : memref<8x128x64xf32, #tpu.memory_space<vmem>> -> memref<1x128x64xf32, #tpu.memory_space<vmem>>
      %dma_start3A_244 = tpu.memref_squeeze %dma_start3A_243 : memref<1x128x64xf32, #tpu.memory_space<vmem>> -> memref<128x64xf32, #tpu.memory_space<vmem>>
      %dma_start3A_245 = arith.constant 0 : i32
      %dma_start3A_246 = tpu.memref_slice %arg9[%add3A_229, %dma_start3A_245] : memref<10240x64xf32, #tpu.memory_space<vmem_shared>> -> memref<128x64xf32, #tpu.memory_space<vmem_shared>>
      %dma_start3A_247 = arith.constant 0 : i32
      %dma_start3A_248 = arith.constant 0 : i32
      %dma_start3A_249 = tpu.memref_slice %arg8[%run_scoped3A_230, %dma_start3A_247, %dma_start3A_248] : memref<8x128x64xf32, #tpu.memory_space<vmem>> -> memref<1x128x64xf32, #tpu.memory_space<vmem>>
      %dma_start3A_250 = tpu.memref_squeeze %dma_start3A_249 : memref<1x128x64xf32, #tpu.memory_space<vmem>> -> memref<128x64xf32, #tpu.memory_space<vmem>>
      %dma_start3A_251 = arith.constant 0 : i32
      %dma_start3A_252 = tpu.memref_slice %arg9[%add3A_229, %dma_start3A_251] : memref<10240x64xf32, #tpu.memory_space<vmem_shared>> -> memref<128x64xf32, #tpu.memory_space<vmem_shared>>
      tpu.enqueue_dma source(%dma_start3A_252 : memref<128x64xf32, #tpu.memory_space<vmem_shared>>) target(%dma_start3A_250 : memref<128x64xf32, #tpu.memory_space<vmem>>) target_semaphore(%run_scoped3A_240 : memref<!tpu.dma_semaphore, #tpu.memory_space<semaphore_mem>>)
      %dma_wait3A_253 = arith.constant 0 : i32
      %dma_wait3A_254 = arith.constant 0 : i32
      %dma_wait3A_255 = tpu.memref_slice %arg8[%run_scoped3A_230, %dma_wait3A_253, %dma_wait3A_254] : memref<8x128x64xf32, #tpu.memory_space<vmem>> -> memref<1x128x64xf32, #tpu.memory_space<vmem>>
      %dma_wait3A_256 = tpu.memref_squeeze %dma_wait3A_255 : memref<1x128x64xf32, #tpu.memory_space<vmem>> -> memref<128x64xf32, #tpu.memory_space<vmem>>
      %dma_wait3A_257 = arith.constant 0 : i32
      %dma_wait3A_258 = tpu.memref_slice %arg9[%add3A_229, %dma_wait3A_257] : memref<10240x64xf32, #tpu.memory_space<vmem_shared>> -> memref<128x64xf32, #tpu.memory_space<vmem_shared>>
      %dma_wait3A_259 = arith.constant 0 : i32
      %dma_wait3A_260 = arith.constant 0 : i32
      %dma_wait3A_261 = tpu.memref_slice %arg8[%run_scoped3A_230, %dma_wait3A_259, %dma_wait3A_260] : memref<8x128x64xf32, #tpu.memory_space<vmem>> -> memref<1x128x64xf32, #tpu.memory_space<vmem>>
      %dma_wait3A_262 = tpu.memref_squeeze %dma_wait3A_261 : memref<1x128x64xf32, #tpu.memory_space<vmem>> -> memref<128x64xf32, #tpu.memory_space<vmem>>
      %dma_wait3A_263 = arith.constant 0 : i32
      %dma_wait3A_264 = tpu.memref_slice %arg9[%add3A_229, %dma_wait3A_263] : memref<10240x64xf32, #tpu.memory_space<vmem_shared>> -> memref<128x64xf32, #tpu.memory_space<vmem_shared>>
      tpu.wait_dma2 semaphore(%run_scoped3A_240 : memref<!tpu.dma_semaphore, #tpu.memory_space<semaphore_mem>>) src(%dma_wait3A_264 : memref<128x64xf32, #tpu.memory_space<vmem_shared>>) dst(%dma_wait3A_262 : memref<128x64xf32, #tpu.memory_space<vmem>>)
      tpu.yield
    }) : () -> ()
    %mul3A_231 = arith.constant 64 : i32
    %mul3A_232 = arith.muli %arg0, %mul3A_231 : i32
    %run_scoped3A_233 = arith.constant 0 : i32
    "tpu.region"() ({
      %run_scoped3A_240 = tpu.sem_alloc : memref<!tpu.dma_semaphore, #tpu.memory_space<semaphore_mem>>
      %dma_start3A_241 = arith.constant 0 : i32
      %dma_start3A_242 = arith.constant 0 : i32
      %dma_start3A_243 = tpu.memref_slice %arg8[%run_scoped3A_233, %dma_start3A_241, %dma_start3A_242] : memref<8x128x64xf32, #tpu.memory_space<vmem>> -> memref<1x128x64xf32, #tpu.memory_space<vmem>>
      %dma_start3A_244 = tpu.memref_squeeze %dma_start3A_243 : memref<1x128x64xf32, #tpu.memory_space<vmem>> -> memref<128x64xf32, #tpu.memory_space<vmem>>
      %dma_start3A_245 = tpu.memref_slice %arg5[%add3A_229, %mul3A_232] : memref<10240x128xf32, #tpu.memory_space<hbm>> -> memref<128x64xf32, #tpu.memory_space<hbm>>
      %dma_start3A_246 = tpu.memref_slice %arg5[%add3A_229, %mul3A_232] : memref<10240x128xf32, #tpu.memory_space<hbm>> -> memref<128x64xf32, #tpu.memory_space<hbm>>
      %dma_start3A_247 = arith.constant 0 : i32
      %dma_start3A_248 = arith.constant 0 : i32
      %dma_start3A_249 = tpu.memref_slice %arg8[%run_scoped3A_233, %dma_start3A_247, %dma_start3A_248] : memref<8x128x64xf32, #tpu.memory_space<vmem>> -> memref<1x128x64xf32, #tpu.memory_space<vmem>>
      %dma_start3A_250 = tpu.memref_squeeze %dma_start3A_249 : memref<1x128x64xf32, #tpu.memory_space<vmem>> -> memref<128x64xf32, #tpu.memory_space<vmem>>
      tpu.enqueue_dma source(%dma_start3A_250 : memref<128x64xf32, #tpu.memory_space<vmem>>) target(%dma_start3A_246 : memref<128x64xf32, #tpu.memory_space<hbm>>) target_semaphore(%run_scoped3A_240 : memref<!tpu.dma_semaphore, #tpu.memory_space<semaphore_mem>>)
      %dma_wait3A_251 = arith.constant 0 : i32
      %dma_wait3A_252 = arith.constant 0 : i32
      %dma_wait3A_253 = tpu.memref_slice %arg8[%run_scoped3A_233, %dma_wait3A_251, %dma_wait3A_252] : memref<8x128x64xf32, #tpu.memory_space<vmem>> -> memref<1x128x64xf32, #tpu.memory_space<vmem>>
      %dma_wait3A_254 = tpu.memref_squeeze %dma_wait3A_253 : memref<1x128x64xf32, #tpu.memory_space<vmem>> -> memref<128x64xf32, #tpu.memory_space<vmem>>
      %dma_wait3A_255 = tpu.memref_slice %arg5[%add3A_229, %mul3A_232] : memref<10240x128xf32, #tpu.memory_space<hbm>> -> memref<128x64xf32, #tpu.memory_space<hbm>>
      %dma_wait3A_256 = tpu.memref_slice %arg5[%add3A_229, %mul3A_232] : memref<10240x128xf32, #tpu.memory_space<hbm>> -> memref<128x64xf32, #tpu.memory_space<hbm>>
      %dma_wait3A_257 = arith.constant 0 : i32
      %dma_wait3A_258 = arith.constant 0 : i32
      %dma_wait3A_259 = tpu.memref_slice %arg8[%run_scoped3A_233, %dma_wait3A_257, %dma_wait3A_258] : memref<8x128x64xf32, #tpu.memory_space<vmem>> -> memref<1x128x64xf32, #tpu.memory_space<vmem>>
      %dma_wait3A_260 = tpu.memref_squeeze %dma_wait3A_259 : memref<1x128x64xf32, #tpu.memory_space<vmem>> -> memref<128x64xf32, #tpu.memory_space<vmem>>
      tpu.wait_dma2 semaphore(%run_scoped3A_240 : memref<!tpu.dma_semaphore, #tpu.memory_space<semaphore_mem>>) src(%dma_wait3A_260 : memref<128x64xf32, #tpu.memory_space<vmem>>) dst(%dma_wait3A_256 : memref<128x64xf32, #tpu.memory_space<hbm>>)
      tpu.yield
    }) : () -> ()
    %add3A_234 = arith.constant 512 : i32
    %add3A_235 = arith.addi %mul3A_8, %add3A_234 : i32
    %run_scoped3A_236 = arith.constant 0 : i32
    "tpu.region"() ({
      %run_scoped3A_240 = tpu.sem_alloc : memref<!tpu.dma_semaphore, #tpu.memory_space<semaphore_mem>>
      %dma_start3A_241 = arith.constant 0 : i32
      %dma_start3A_242 = arith.constant 0 : i32
      %dma_start3A_243 = tpu.memref_slice %arg8[%run_scoped3A_236, %dma_start3A_241, %dma_start3A_242] : memref<8x128x64xf32, #tpu.memory_space<vmem>> -> memref<1x128x64xf32, #tpu.memory_space<vmem>>
      %dma_start3A_244 = tpu.memref_squeeze %dma_start3A_243 : memref<1x128x64xf32, #tpu.memory_space<vmem>> -> memref<128x64xf32, #tpu.memory_space<vmem>>
      %dma_start3A_245 = arith.constant 0 : i32
      %dma_start3A_246 = tpu.memref_slice %arg9[%add3A_235, %dma_start3A_245] : memref<10240x64xf32, #tpu.memory_space<vmem_shared>> -> memref<128x64xf32, #tpu.memory_space<vmem_shared>>
      %dma_start3A_247 = arith.constant 0 : i32
      %dma_start3A_248 = arith.constant 0 : i32
      %dma_start3A_249 = tpu.memref_slice %arg8[%run_scoped3A_236, %dma_start3A_247, %dma_start3A_248] : memref<8x128x64xf32, #tpu.memory_space<vmem>> -> memref<1x128x64xf32, #tpu.memory_space<vmem>>
      %dma_start3A_250 = tpu.memref_squeeze %dma_start3A_249 : memref<1x128x64xf32, #tpu.memory_space<vmem>> -> memref<128x64xf32, #tpu.memory_space<vmem>>
      %dma_start3A_251 = arith.constant 0 : i32
      %dma_start3A_252 = tpu.memref_slice %arg9[%add3A_235, %dma_start3A_251] : memref<10240x64xf32, #tpu.memory_space<vmem_shared>> -> memref<128x64xf32, #tpu.memory_space<vmem_shared>>
      tpu.enqueue_dma source(%dma_start3A_252 : memref<128x64xf32, #tpu.memory_space<vmem_shared>>) target(%dma_start3A_250 : memref<128x64xf32, #tpu.memory_space<vmem>>) target_semaphore(%run_scoped3A_240 : memref<!tpu.dma_semaphore, #tpu.memory_space<semaphore_mem>>)
      %dma_wait3A_253 = arith.constant 0 : i32
      %dma_wait3A_254 = arith.constant 0 : i32
      %dma_wait3A_255 = tpu.memref_slice %arg8[%run_scoped3A_236, %dma_wait3A_253, %dma_wait3A_254] : memref<8x128x64xf32, #tpu.memory_space<vmem>> -> memref<1x128x64xf32, #tpu.memory_space<vmem>>
      %dma_wait3A_256 = tpu.memref_squeeze %dma_wait3A_255 : memref<1x128x64xf32, #tpu.memory_space<vmem>> -> memref<128x64xf32, #tpu.memory_space<vmem>>
      %dma_wait3A_257 = arith.constant 0 : i32
      %dma_wait3A_258 = tpu.memref_slice %arg9[%add3A_235, %dma_wait3A_257] : memref<10240x64xf32, #tpu.memory_space<vmem_shared>> -> memref<128x64xf32, #tpu.memory_space<vmem_shared>>
      %dma_wait3A_259 = arith.constant 0 : i32
      %dma_wait3A_260 = arith.constant 0 : i32
      %dma_wait3A_261 = tpu.memref_slice %arg8[%run_scoped3A_236, %dma_wait3A_259, %dma_wait3A_260] : memref<8x128x64xf32, #tpu.memory_space<vmem>> -> memref<1x128x64xf32, #tpu.memory_space<vmem>>
      %dma_wait3A_262 = tpu.memref_squeeze %dma_wait3A_261 : memref<1x128x64xf32, #tpu.memory_space<vmem>> -> memref<128x64xf32, #tpu.memory_space<vmem>>
      %dma_wait3A_263 = arith.constant 0 : i32
      %dma_wait3A_264 = tpu.memref_slice %arg9[%add3A_235, %dma_wait3A_263] : memref<10240x64xf32, #tpu.memory_space<vmem_shared>> -> memref<128x64xf32, #tpu.memory_space<vmem_shared>>
      tpu.wait_dma2 semaphore(%run_scoped3A_240 : memref<!tpu.dma_semaphore, #tpu.memory_space<semaphore_mem>>) src(%dma_wait3A_264 : memref<128x64xf32, #tpu.memory_space<vmem_shared>>) dst(%dma_wait3A_262 : memref<128x64xf32, #tpu.memory_space<vmem>>)
      tpu.yield
    }) : () -> ()
    %mul3A_237 = arith.constant 64 : i32
    %mul3A_238 = arith.muli %arg0, %mul3A_237 : i32
    %run_scoped3A_239 = arith.constant 0 : i32
    "tpu.region"() ({
      %run_scoped3A_240 = tpu.sem_alloc : memref<!tpu.dma_semaphore, #tpu.memory_space<semaphore_mem>>
      %dma_start3A_241 = arith.constant 0 : i32
      %dma_start3A_242 = arith.constant 0 : i32
      %dma_start3A_243 = tpu.memref_slice %arg8[%run_scoped3A_239, %dma_start3A_241, %dma_start3A_242] : memref<8x128x64xf32, #tpu.memory_space<vmem>> -> memref<1x128x64xf32, #tpu.memory_space<vmem>>
      %dma_start3A_244 = tpu.memref_squeeze %dma_start3A_243 : memref<1x128x64xf32, #tpu.memory_space<vmem>> -> memref<128x64xf32, #tpu.memory_space<vmem>>
      %dma_start3A_245 = tpu.memref_slice %arg5[%add3A_235, %mul3A_238] : memref<10240x128xf32, #tpu.memory_space<hbm>> -> memref<128x64xf32, #tpu.memory_space<hbm>>
      %dma_start3A_246 = tpu.memref_slice %arg5[%add3A_235, %mul3A_238] : memref<10240x128xf32, #tpu.memory_space<hbm>> -> memref<128x64xf32, #tpu.memory_space<hbm>>
      %dma_start3A_247 = arith.constant 0 : i32
      %dma_start3A_248 = arith.constant 0 : i32
      %dma_start3A_249 = tpu.memref_slice %arg8[%run_scoped3A_239, %dma_start3A_247, %dma_start3A_248] : memref<8x128x64xf32, #tpu.memory_space<vmem>> -> memref<1x128x64xf32, #tpu.memory_space<vmem>>
      %dma_start3A_250 = tpu.memref_squeeze %dma_start3A_249 : memref<1x128x64xf32, #tpu.memory_space<vmem>> -> memref<128x64xf32, #tpu.memory_space<vmem>>
      tpu.enqueue_dma source(%dma_start3A_250 : memref<128x64xf32, #tpu.memory_space<vmem>>) target(%dma_start3A_246 : memref<128x64xf32, #tpu.memory_space<hbm>>) target_semaphore(%run_scoped3A_240 : memref<!tpu.dma_semaphore, #tpu.memory_space<semaphore_mem>>)
      %dma_wait3A_251 = arith.constant 0 : i32
      %dma_wait3A_252 = arith.constant 0 : i32
      %dma_wait3A_253 = tpu.memref_slice %arg8[%run_scoped3A_239, %dma_wait3A_251, %dma_wait3A_252] : memref<8x128x64xf32, #tpu.memory_space<vmem>> -> memref<1x128x64xf32, #tpu.memory_space<vmem>>
      %dma_wait3A_254 = tpu.memref_squeeze %dma_wait3A_253 : memref<1x128x64xf32, #tpu.memory_space<vmem>> -> memref<128x64xf32, #tpu.memory_space<vmem>>
      %dma_wait3A_255 = tpu.memref_slice %arg5[%add3A_235, %mul3A_238] : memref<10240x128xf32, #tpu.memory_space<hbm>> -> memref<128x64xf32, #tpu.memory_space<hbm>>
      %dma_wait3A_256 = tpu.memref_slice %arg5[%add3A_235, %mul3A_238] : memref<10240x128xf32, #tpu.memory_space<hbm>> -> memref<128x64xf32, #tpu.memory_space<hbm>>
      %dma_wait3A_257 = arith.constant 0 : i32
      %dma_wait3A_258 = arith.constant 0 : i32
      %dma_wait3A_259 = tpu.memref_slice %arg8[%run_scoped3A_239, %dma_wait3A_257, %dma_wait3A_258] : memref<8x128x64xf32, #tpu.memory_space<vmem>> -> memref<1x128x64xf32, #tpu.memory_space<vmem>>
      %dma_wait3A_260 = tpu.memref_squeeze %dma_wait3A_259 : memref<1x128x64xf32, #tpu.memory_space<vmem>> -> memref<128x64xf32, #tpu.memory_space<vmem>>
      tpu.wait_dma2 semaphore(%run_scoped3A_240 : memref<!tpu.dma_semaphore, #tpu.memory_space<semaphore_mem>>) src(%dma_wait3A_260 : memref<128x64xf32, #tpu.memory_space<vmem>>) dst(%dma_wait3A_256 : memref<128x64xf32, #tpu.memory_space<hbm>>)
      tpu.yield
    }) : () -> ()
    return
  }
}

#map = affine_map<(d0, d1) -> (0, 0, 0)>
#map1 = affine_map<(d0, d1) -> (0, 0)>
module attributes {stable_mosaic.version = 14 : i64} {
  func.func @deg_k(%arg0: i32, %arg1: i32, %arg2: memref<32x79x128xi32, #tpu.memory_space<hbm>>, %arg3: memref<32x10240xf32, #tpu.memory_space<hbm>>, %arg4: memref<79x128xi32, #tpu.memory_space<vmem>>, %arg5: memref<10240xf32, #tpu.memory_space<vmem>>) attributes {dimension_semantics = [#tpu.dimension_semantics<core_parallel>, #tpu.dimension_semantics<subcore_parallel>], iteration_bounds = array<i64: 2, 16>, scalar_prefetch = 0 : i64, scratch_operands = 2 : i64, tpu.core_type = #tpu.core_type<sc_vector_subcore>, window_params = [{transform_indices = #map}, {transform_indices = #map1}]} {
    %mul3A = arith.constant 16 : i32
    %mul3A_0 = arith.muli %arg0, %mul3A : i32
    %add3A = arith.addi %mul3A_0, %arg1 : i32
    %broadcast_in_dim3A = arith.constant 0.000000e+00 : f32
    %broadcast_in_dim3A_1 = vector.broadcast %broadcast_in_dim3A : f32 to vector<16xf32>
    %broadcast_in_dim3A_2 = arith.constant 1.000000e+00 : f32
    %broadcast_in_dim3A_3 = vector.broadcast %broadcast_in_dim3A_2 : f32 to vector<16xf32>
    %scan3A = arith.constant 0 : i32
    %scan3A_4 = arith.constant 0 : i32
    %scan3A_5 = arith.constant 640 : i32
    %scan3A_6 = arith.addi %scan3A_4, %scan3A_5 : i32
    %scan3A_7 = arith.constant 1 : i32
    scf.for %scan3A_15 = %scan3A_4 to %scan3A_6 step %scan3A_7  : i32 {
      %mul3A_16 = arith.constant 16 : i32
      %mul3A_17 = arith.muli %scan3A_15, %mul3A_16 : i32
      %swap3A = arith.index_cast %mul3A_17 : i32 to index
      %swap3A_18 = tpu.vector_load %arg5[%swap3A] {strides = array<i32>} : memref<10240xf32, #tpu.memory_space<vmem>>, vector<16xf32>,
      tpu.vector_store %arg5[%swap3A], %broadcast_in_dim3A_1 {strides = array<i32>} : memref<10240xf32, #tpu.memory_space<vmem>>, vector<16xf32>,
    }
    %scan3A_8 = arith.constant 640 : i32
    "tpu.region"() ({
      %run_scoped3A = tpu.sem_alloc : memref<!tpu.dma_semaphore, #tpu.memory_space<semaphore_mem>>
      %dma_start3A = arith.constant 0 : i32
      %dma_start3A_15 = arith.constant 0 : i32
      %dma_start3A_16 = tpu.memref_slice %arg2[%add3A, %dma_start3A, %dma_start3A_15] : memref<32x79x128xi32, #tpu.memory_space<hbm>> -> memref<1x79x128xi32, #tpu.memory_space<hbm>>
      %dma_start3A_17 = tpu.memref_squeeze %dma_start3A_16 : memref<1x79x128xi32, #tpu.memory_space<hbm>> -> memref<79x128xi32, #tpu.memory_space<hbm>>
      %dma_start3A_18 = arith.constant 0 : i32
      %dma_start3A_19 = arith.constant 0 : i32
      %dma_start3A_20 = tpu.memref_slice %arg2[%add3A, %dma_start3A_18, %dma_start3A_19] : memref<32x79x128xi32, #tpu.memory_space<hbm>> -> memref<1x79x128xi32, #tpu.memory_space<hbm>>
      %dma_start3A_21 = tpu.memref_squeeze %dma_start3A_20 : memref<1x79x128xi32, #tpu.memory_space<hbm>> -> memref<79x128xi32, #tpu.memory_space<hbm>>
      tpu.enqueue_dma source(%dma_start3A_21 : memref<79x128xi32, #tpu.memory_space<hbm>>) target(%arg4 : memref<79x128xi32, #tpu.memory_space<vmem>>) target_semaphore(%run_scoped3A : memref<!tpu.dma_semaphore, #tpu.memory_space<semaphore_mem>>)
      %dma_wait3A = arith.constant 0 : i32
      %dma_wait3A_22 = arith.constant 0 : i32
      %dma_wait3A_23 = tpu.memref_slice %arg2[%add3A, %dma_wait3A, %dma_wait3A_22] : memref<32x79x128xi32, #tpu.memory_space<hbm>> -> memref<1x79x128xi32, #tpu.memory_space<hbm>>
      %dma_wait3A_24 = tpu.memref_squeeze %dma_wait3A_23 : memref<1x79x128xi32, #tpu.memory_space<hbm>> -> memref<79x128xi32, #tpu.memory_space<hbm>>
      %dma_wait3A_25 = arith.constant 0 : i32
      %dma_wait3A_26 = arith.constant 0 : i32
      %dma_wait3A_27 = tpu.memref_slice %arg2[%add3A, %dma_wait3A_25, %dma_wait3A_26] : memref<32x79x128xi32, #tpu.memory_space<hbm>> -> memref<1x79x128xi32, #tpu.memory_space<hbm>>
      %dma_wait3A_28 = tpu.memref_squeeze %dma_wait3A_27 : memref<1x79x128xi32, #tpu.memory_space<hbm>> -> memref<79x128xi32, #tpu.memory_space<hbm>>
      tpu.wait_dma2 semaphore(%run_scoped3A : memref<!tpu.dma_semaphore, #tpu.memory_space<semaphore_mem>>) src(%dma_wait3A_28 : memref<79x128xi32, #tpu.memory_space<hbm>>) dst(%arg4 : memref<79x128xi32, #tpu.memory_space<vmem>>)
      tpu.yield
    }) : () -> ()
    %scan3A_9 = arith.constant 0 : i32
    %scan3A_10 = arith.constant 0 : i32
    %scan3A_11 = arith.constant 79 : i32
    %scan3A_12 = arith.addi %scan3A_10, %scan3A_11 : i32
    %scan3A_13 = arith.constant 1 : i32
    scf.for %scan3A_15 = %scan3A_10 to %scan3A_12 step %scan3A_13  : i32 {
      %get3A = arith.index_cast %scan3A_15 : i32 to index
      %get3A_16 = arith.constant 0 : index
      %get3A_17 = tpu.vector_load %arg4[%get3A, %get3A_16] {strides = array<i32>} : memref<79x128xi32, #tpu.memory_space<vmem>>, vector<16xi32>,
      tpu.vector_store_idx %arg5[%get3A_17], %broadcast_in_dim3A_3 {add = true} : memref<10240xf32, #tpu.memory_space<vmem>>[vector<16xi32>], vector<16xf32>,
      %get3A_18 = arith.index_cast %scan3A_15 : i32 to index
      %get3A_19 = arith.constant 16 : index
      %get3A_20 = tpu.vector_load %arg4[%get3A_18, %get3A_19] {strides = array<i32>} : memref<79x128xi32, #tpu.memory_space<vmem>>, vector<16xi32>,
      tpu.vector_store_idx %arg5[%get3A_20], %broadcast_in_dim3A_3 {add = true} : memref<10240xf32, #tpu.memory_space<vmem>>[vector<16xi32>], vector<16xf32>,
      %get3A_21 = arith.index_cast %scan3A_15 : i32 to index
      %get3A_22 = arith.constant 32 : index
      %get3A_23 = tpu.vector_load %arg4[%get3A_21, %get3A_22] {strides = array<i32>} : memref<79x128xi32, #tpu.memory_space<vmem>>, vector<16xi32>,
      tpu.vector_store_idx %arg5[%get3A_23], %broadcast_in_dim3A_3 {add = true} : memref<10240xf32, #tpu.memory_space<vmem>>[vector<16xi32>], vector<16xf32>,
      %get3A_24 = arith.index_cast %scan3A_15 : i32 to index
      %get3A_25 = arith.constant 48 : index
      %get3A_26 = tpu.vector_load %arg4[%get3A_24, %get3A_25] {strides = array<i32>} : memref<79x128xi32, #tpu.memory_space<vmem>>, vector<16xi32>,
      tpu.vector_store_idx %arg5[%get3A_26], %broadcast_in_dim3A_3 {add = true} : memref<10240xf32, #tpu.memory_space<vmem>>[vector<16xi32>], vector<16xf32>,
      %get3A_27 = arith.index_cast %scan3A_15 : i32 to index
      %get3A_28 = arith.constant 64 : index
      %get3A_29 = tpu.vector_load %arg4[%get3A_27, %get3A_28] {strides = array<i32>} : memref<79x128xi32, #tpu.memory_space<vmem>>, vector<16xi32>,
      tpu.vector_store_idx %arg5[%get3A_29], %broadcast_in_dim3A_3 {add = true} : memref<10240xf32, #tpu.memory_space<vmem>>[vector<16xi32>], vector<16xf32>,
      %get3A_30 = arith.index_cast %scan3A_15 : i32 to index
      %get3A_31 = arith.constant 80 : index
      %get3A_32 = tpu.vector_load %arg4[%get3A_30, %get3A_31] {strides = array<i32>} : memref<79x128xi32, #tpu.memory_space<vmem>>, vector<16xi32>,
      tpu.vector_store_idx %arg5[%get3A_32], %broadcast_in_dim3A_3 {add = true} : memref<10240xf32, #tpu.memory_space<vmem>>[vector<16xi32>], vector<16xf32>,
      %get3A_33 = arith.index_cast %scan3A_15 : i32 to index
      %get3A_34 = arith.constant 96 : index
      %get3A_35 = tpu.vector_load %arg4[%get3A_33, %get3A_34] {strides = array<i32>} : memref<79x128xi32, #tpu.memory_space<vmem>>, vector<16xi32>,
      tpu.vector_store_idx %arg5[%get3A_35], %broadcast_in_dim3A_3 {add = true} : memref<10240xf32, #tpu.memory_space<vmem>>[vector<16xi32>], vector<16xf32>,
      %get3A_36 = arith.index_cast %scan3A_15 : i32 to index
      %get3A_37 = arith.constant 112 : index
      %get3A_38 = tpu.vector_load %arg4[%get3A_36, %get3A_37] {strides = array<i32>} : memref<79x128xi32, #tpu.memory_space<vmem>>, vector<16xi32>,
      tpu.vector_store_idx %arg5[%get3A_38], %broadcast_in_dim3A_3 {add = true} : memref<10240xf32, #tpu.memory_space<vmem>>[vector<16xi32>], vector<16xf32>,
    }
    %scan3A_14 = arith.constant 79 : i32
    "tpu.region"() ({
      %run_scoped3A = tpu.sem_alloc : memref<!tpu.dma_semaphore, #tpu.memory_space<semaphore_mem>>
      %dma_start3A = arith.constant 0 : i32
      %dma_start3A_15 = tpu.memref_slice %arg3[%add3A, %dma_start3A] : memref<32x10240xf32, #tpu.memory_space<hbm>> -> memref<1x10240xf32, #tpu.memory_space<hbm>>
      %dma_start3A_16 = tpu.memref_squeeze %dma_start3A_15 : memref<1x10240xf32, #tpu.memory_space<hbm>> -> memref<10240xf32, #tpu.memory_space<hbm>>
      %dma_start3A_17 = arith.constant 0 : i32
      %dma_start3A_18 = tpu.memref_slice %arg3[%add3A, %dma_start3A_17] : memref<32x10240xf32, #tpu.memory_space<hbm>> -> memref<1x10240xf32, #tpu.memory_space<hbm>>
      %dma_start3A_19 = tpu.memref_squeeze %dma_start3A_18 : memref<1x10240xf32, #tpu.memory_space<hbm>> -> memref<10240xf32, #tpu.memory_space<hbm>>
      tpu.enqueue_dma source(%arg5 : memref<10240xf32, #tpu.memory_space<vmem>>) target(%dma_start3A_19 : memref<10240xf32, #tpu.memory_space<hbm>>) target_semaphore(%run_scoped3A : memref<!tpu.dma_semaphore, #tpu.memory_space<semaphore_mem>>)
      %dma_wait3A = arith.constant 0 : i32
      %dma_wait3A_20 = tpu.memref_slice %arg3[%add3A, %dma_wait3A] : memref<32x10240xf32, #tpu.memory_space<hbm>> -> memref<1x10240xf32, #tpu.memory_space<hbm>>
      %dma_wait3A_21 = tpu.memref_squeeze %dma_wait3A_20 : memref<1x10240xf32, #tpu.memory_space<hbm>> -> memref<10240xf32, #tpu.memory_space<hbm>>
      %dma_wait3A_22 = arith.constant 0 : i32
      %dma_wait3A_23 = tpu.memref_slice %arg3[%add3A, %dma_wait3A_22] : memref<32x10240xf32, #tpu.memory_space<hbm>> -> memref<1x10240xf32, #tpu.memory_space<hbm>>
      %dma_wait3A_24 = tpu.memref_squeeze %dma_wait3A_23 : memref<1x10240xf32, #tpu.memory_space<hbm>> -> memref<10240xf32, #tpu.memory_space<hbm>>
      tpu.wait_dma2 semaphore(%run_scoped3A : memref<!tpu.dma_semaphore, #tpu.memory_space<semaphore_mem>>) src(%arg5 : memref<10240xf32, #tpu.memory_space<vmem>>) dst(%dma_wait3A_24 : memref<10240xf32, #tpu.memory_space<hbm>>)
      tpu.yield
    }) : () -> ()
    return
  }
}

module attributes {stable_mosaic.version = 14 : i64} {
  func.func @_pre_body(%arg0: i32, %arg1: memref<1280x128xf32, #tpu.memory_space<vmem>>, %arg2: memref<128x64xf32, #tpu.memory_space<vmem>>, %arg3: memref<1280x32xf32, #tpu.memory_space<vmem>>, %arg4: memref<1280x64xf32, #tpu.memory_space<vmem>>, %arg5: memref<1280x1xf32, #tpu.memory_space<vmem>>) attributes {dimension_semantics = [#tpu.dimension_semantics<arbitrary>], iteration_bounds = array<i64: 8>, scalar_prefetch = 0 : i64, scratch_operands = 0 : i64, tpu.core_type = #tpu.core_type<tc>, window_params = [{transform_indices = @transform_0, window_bounds = array<i64: 1280, 128>}, {pipeline_mode = #tpu.pipeline_mode<synchronous>, transform_indices = @transform_1, window_bounds = array<i64: 128, 64>}, {transform_indices = @transform_2, window_bounds = array<i64: 1280, 32>}, {transform_indices = @transform_3, window_bounds = array<i64: 1280, 64>}, {transform_indices = @transform_4, window_bounds = array<i64: 1280, 1>}]} {
    %get3A = arith.constant 0 : index
    %get3A_0 = arith.constant 0 : index
    %get3A_1 = vector.load %arg3[%get3A, %get3A_0] : memref<1280x32xf32, #tpu.memory_space<vmem>>, vector<1280x32xf32>
    %reduce_sum3A = arith.constant dense<0.000000e+00> : vector<1280xf32>
    %reduce_sum3A_2 = vector.multi_reduction <add>, %get3A_1, %reduce_sum3A [1] : vector<1280x32xf32> to vector<1280xf32>
    %broadcast_in_dim3A = vector.shape_cast %reduce_sum3A_2 : vector<1280xf32> to vector<1280x1xf32>
    %add3A = arith.constant 1.000000e+00 : f32
    %add3A_3 = vector.broadcast %add3A : f32 to vector<1280x1xf32>
    %add3A_4 = arith.addf %broadcast_in_dim3A, %add3A_3 : vector<1280x1xf32>
    %rsqrt3A = math.rsqrt %add3A_4 : vector<1280x1xf32>
    %get3A_5 = arith.constant 0 : index
    %get3A_6 = arith.constant 0 : index
    %get3A_7 = vector.load %arg1[%get3A_5, %get3A_6] : memref<1280x128xf32, #tpu.memory_space<vmem>>, vector<1280x128xf32>
    %get3A_8 = arith.constant 0 : index
    %get3A_9 = arith.constant 0 : index
    %get3A_10 = vector.load %arg2[%get3A_8, %get3A_9] : memref<128x64xf32, #tpu.memory_space<vmem>>, vector<128x64xf32>
    %dot_general3A = arith.constant dense<0.000000e+00> : vector<1280x64xf32>
    %dot_general3A_11 = tpu.matmul %get3A_7, %get3A_10, %dot_general3A {dimension_numbers = #tpu.dot_dimension_numbers<[1], [0], [0], [1], [0, 0, 1, 1], [], []>, transpose_lhs_hint = false} : vector<1280x128xf32>, vector<128x64xf32>, vector<1280x64xf32> -> vector<1280x64xf32>
    %mul3A = vector.broadcast %rsqrt3A : vector<1280x1xf32> to vector<1280x64xf32>
    %mul3A_12 = arith.mulf %dot_general3A_11, %mul3A : vector<1280x64xf32>
    %swap3A = arith.constant 0 : index
    %swap3A_13 = arith.constant 0 : index
    %swap3A_14 = vector.load %arg4[%swap3A, %swap3A_13] : memref<1280x64xf32, #tpu.memory_space<vmem>>, vector<1280x64xf32>
    tpu.vector_store %arg4[%swap3A, %swap3A_13], %mul3A_12 {strides = array<i32>} : memref<1280x64xf32, #tpu.memory_space<vmem>>, vector<1280x64xf32>,
    %swap3A_15 = arith.constant 0 : index
    %swap3A_16 = arith.constant 0 : index
    %swap3A_17 = vector.load %arg5[%swap3A_15, %swap3A_16] : memref<1280x1xf32, #tpu.memory_space<vmem>>, vector<1280x1xf32>
    tpu.vector_store %arg5[%swap3A_15, %swap3A_16], %rsqrt3A {strides = array<i32>} : memref<1280x1xf32, #tpu.memory_space<vmem>>, vector<1280x1xf32>,
    return
  }
  func.func @transform_0(%arg0: i32) -> (i32, i32) {
    %c0_i32 = arith.constant 0 : i32
    %c0_i32_0 = arith.constant 0 : i32
    return %arg0, %c0_i32 : i32, i32
  }
  func.func @transform_1(%arg0: i32) -> (i32, i32) {
    %c0_i32 = arith.constant 0 : i32
    %c0_i32_0 = arith.constant 0 : i32
    %c0_i32_1 = arith.constant 0 : i32
    return %c0_i32, %c0_i32_0 : i32, i32
  }
  func.func @transform_2(%arg0: i32) -> (i32, i32) {
    %c0_i32 = arith.constant 0 : i32
    %c0_i32_0 = arith.constant 0 : i32
    return %arg0, %c0_i32 : i32, i32
  }
  func.func @transform_3(%arg0: i32) -> (i32, i32) {
    %c0_i32 = arith.constant 0 : i32
    %c0_i32_0 = arith.constant 0 : i32
    return %arg0, %c0_i32 : i32, i32
  }
  func.func @transform_4(%arg0: i32) -> (i32, i32) {
    %c0_i32 = arith.constant 0 : i32
    %c0_i32_0 = arith.constant 0 : i32
    return %arg0, %c0_i32 : i32, i32
  }
}

module attributes {stable_mosaic.version = 14 : i64} {
  func.func @_mid_body(%arg0: i32, %arg1: memref<1280x128xf32, #tpu.memory_space<vmem>>, %arg2: memref<1280x64xf32, #tpu.memory_space<vmem>>, %arg3: memref<1280x1xf32, #tpu.memory_space<vmem>>, %arg4: memref<1x64xf32, #tpu.memory_space<vmem>>, %arg5: memref<64x32xf32, #tpu.memory_space<vmem>>, %arg6: memref<1280x32xf32, #tpu.memory_space<vmem>>) attributes {dimension_semantics = [#tpu.dimension_semantics<arbitrary>], iteration_bounds = array<i64: 8>, scalar_prefetch = 0 : i64, scratch_operands = 0 : i64, tpu.core_type = #tpu.core_type<tc>, window_params = [{transform_indices = @transform_0, window_bounds = array<i64: 1280, 128>}, {transform_indices = @transform_1, window_bounds = array<i64: 1280, 64>}, {transform_indices = @transform_2, window_bounds = array<i64: 1280, 1>}, {pipeline_mode = #tpu.pipeline_mode<synchronous>, transform_indices = @transform_3, window_bounds = array<i64: 1, 64>}, {pipeline_mode = #tpu.pipeline_mode<synchronous>, transform_indices = @transform_4, window_bounds = array<i64: 64, 32>}, {transform_indices = @transform_5, window_bounds = array<i64: 1280, 32>}]} {
    %get3A = arith.constant 0 : index
    %get3A_0 = arith.constant 0 : index
    %get3A_1 = vector.load %arg1[%get3A, %get3A_0] : memref<1280x128xf32, #tpu.memory_space<vmem>>, vector<1280x64xf32>
    %get3A_2 = arith.constant 0 : index
    %get3A_3 = arith.constant 64 : index
    %get3A_4 = vector.load %arg1[%get3A_2, %get3A_3] : memref<1280x128xf32, #tpu.memory_space<vmem>>, vector<1280x64xf32>
    %add3A = arith.addf %get3A_1, %get3A_4 : vector<1280x64xf32>
    %get3A_5 = arith.constant 0 : index
    %get3A_6 = arith.constant 0 : index
    %get3A_7 = vector.load %arg2[%get3A_5, %get3A_6] : memref<1280x64xf32, #tpu.memory_space<vmem>>, vector<1280x64xf32>
    %add3A_8 = arith.addf %add3A, %get3A_7 : vector<1280x64xf32>
    %get3A_9 = arith.constant 0 : index
    %get3A_10 = arith.constant 0 : index
    %get3A_11 = vector.load %arg3[%get3A_9, %get3A_10] : memref<1280x1xf32, #tpu.memory_space<vmem>>, vector<1280x1xf32>
    %mul3A = vector.broadcast %get3A_11 : vector<1280x1xf32> to vector<1280x64xf32>
    %mul3A_12 = arith.mulf %add3A_8, %mul3A : vector<1280x64xf32>
    %get3A_13 = arith.constant 0 : index
    %get3A_14 = arith.constant 0 : index
    %get3A_15 = vector.load %arg4[%get3A_13, %get3A_14] : memref<1x64xf32, #tpu.memory_space<vmem>>, vector<1x64xf32>
    %add3A_16 = vector.broadcast %get3A_15 : vector<1x64xf32> to vector<1280x64xf32>
    %add3A_17 = arith.addf %mul3A_12, %add3A_16 : vector<1280x64xf32>
    %gt3A = arith.constant 0.000000e+00 : f32
    %gt3A_18 = vector.broadcast %gt3A : f32 to vector<1280x64xf32>
    %gt3A_19 = arith.cmpf ogt, %add3A_17, %gt3A_18 : vector<1280x64xf32>
    %mul3A_20 = arith.constant 0.00999999977 : f32
    %mul3A_21 = vector.broadcast %mul3A_20 : f32 to vector<1280x64xf32>
    %mul3A_22 = arith.mulf %mul3A_21, %add3A_17 : vector<1280x64xf32>
    %select_n3A = arith.select %gt3A_19, %add3A_17, %mul3A_22 : vector<1280x64xi1>, vector<1280x64xf32>
    %get3A_23 = arith.constant 0 : index
    %get3A_24 = arith.constant 0 : index
    %get3A_25 = vector.load %arg5[%get3A_23, %get3A_24] : memref<64x32xf32, #tpu.memory_space<vmem>>, vector<64x32xf32>
    %dot_general3A = arith.constant dense<0.000000e+00> : vector<1280x32xf32>
    %dot_general3A_26 = tpu.matmul %select_n3A, %get3A_25, %dot_general3A {dimension_numbers = #tpu.dot_dimension_numbers<[1], [0], [0], [1], [0, 0, 1, 1], [], []>, transpose_lhs_hint = false} : vector<1280x64xf32>, vector<64x32xf32>, vector<1280x32xf32> -> vector<1280x32xf32>
    %get3A_27 = arith.constant 0 : index
    %get3A_28 = arith.constant 0 : index
    %get3A_29 = vector.load %arg3[%get3A_27, %get3A_28] : memref<1280x1xf32, #tpu.memory_space<vmem>>, vector<1280x1xf32>
    %mul3A_30 = vector.broadcast %get3A_29 : vector<1280x1xf32> to vector<1280x32xf32>
    %mul3A_31 = arith.mulf %dot_general3A_26, %mul3A_30 : vector<1280x32xf32>
    %swap3A = arith.constant 0 : index
    %swap3A_32 = arith.constant 0 : index
    %swap3A_33 = vector.load %arg6[%swap3A, %swap3A_32] : memref<1280x32xf32, #tpu.memory_space<vmem>>, vector<1280x32xf32>
    tpu.vector_store %arg6[%swap3A, %swap3A_32], %mul3A_31 {strides = array<i32>} : memref<1280x32xf32, #tpu.memory_space<vmem>>, vector<1280x32xf32>,
    return
  }
  func.func @transform_0(%arg0: i32) -> (i32, i32) {
    %c0_i32 = arith.constant 0 : i32
    %c0_i32_0 = arith.constant 0 : i32
    return %arg0, %c0_i32 : i32, i32
  }
  func.func @transform_1(%arg0: i32) -> (i32, i32) {
    %c0_i32 = arith.constant 0 : i32
    %c0_i32_0 = arith.constant 0 : i32
    return %arg0, %c0_i32 : i32, i32
  }
  func.func @transform_2(%arg0: i32) -> (i32, i32) {
    %c0_i32 = arith.constant 0 : i32
    %c0_i32_0 = arith.constant 0 : i32
    return %arg0, %c0_i32 : i32, i32
  }
  func.func @transform_3(%arg0: i32) -> (i32, i32) {
    %c0_i32 = arith.constant 0 : i32
    %c0_i32_0 = arith.constant 0 : i32
    %c0_i32_1 = arith.constant 0 : i32
    return %c0_i32, %c0_i32_0 : i32, i32
  }
  func.func @transform_4(%arg0: i32) -> (i32, i32) {
    %c0_i32 = arith.constant 0 : i32
    %c0_i32_0 = arith.constant 0 : i32
    %c0_i32_1 = arith.constant 0 : i32
    return %c0_i32, %c0_i32_0 : i32, i32
  }
  func.func @transform_5(%arg0: i32) -> (i32, i32) {
    %c0_i32 = arith.constant 0 : i32
    %c0_i32_0 = arith.constant 0 : i32
    return %arg0, %c0_i32 : i32, i32
  }
}

module attributes {stable_mosaic.version = 14 : i64} {
  func.func @_fin_body(%arg0: i32, %arg1: memref<2000x128xf32, #tpu.memory_space<vmem>>, %arg2: memref<2000x32xf32, #tpu.memory_space<vmem>>, %arg3: memref<2000x1xf32, #tpu.memory_space<vmem>>, %arg4: memref<1x32xf32, #tpu.memory_space<vmem>>, %arg5: memref<32x16xf32, #tpu.memory_space<vmem>>, %arg6: memref<1x16xf32, #tpu.memory_space<vmem>>, %arg7: memref<16x64xf32, #tpu.memory_space<vmem>>, %arg8: memref<1x64xf32, #tpu.memory_space<vmem>>, %arg9: memref<64x128xf32, #tpu.memory_space<vmem>>, %arg10: memref<1x128xf32, #tpu.memory_space<vmem>>, %arg11: memref<2000x16xf32, #tpu.memory_space<vmem>>, %arg12: memref<2000x128xf32, #tpu.memory_space<vmem>>) attributes {dimension_semantics = [#tpu.dimension_semantics<arbitrary>], iteration_bounds = array<i64: 5>, scalar_prefetch = 0 : i64, scratch_operands = 0 : i64, tpu.core_type = #tpu.core_type<tc>, window_params = [{transform_indices = @transform_0, window_bounds = array<i64: 2000, 128>}, {transform_indices = @transform_1, window_bounds = array<i64: 2000, 32>}, {transform_indices = @transform_2, window_bounds = array<i64: 2000, 1>}, {pipeline_mode = #tpu.pipeline_mode<synchronous>, transform_indices = @transform_3, window_bounds = array<i64: 1, 32>}, {pipeline_mode = #tpu.pipeline_mode<synchronous>, transform_indices = @transform_4, window_bounds = array<i64: 32, 16>}, {pipeline_mode = #tpu.pipeline_mode<synchronous>, transform_indices = @transform_5, window_bounds = array<i64: 1, 16>}, {pipeline_mode = #tpu.pipeline_mode<synchronous>, transform_indices = @transform_6, window_bounds = array<i64: 16, 64>}, {pipeline_mode = #tpu.pipeline_mode<synchronous>, transform_indices = @transform_7, window_bounds = array<i64: 1, 64>}, {pipeline_mode = #tpu.pipeline_mode<synchronous>, transform_indices = @transform_8, window_bounds = array<i64: 64, 128>}, {pipeline_mode = #tpu.pipeline_mode<synchronous>, transform_indices = @transform_9, window_bounds = array<i64: 1, 128>}, {transform_indices = @transform_10, window_bounds = array<i64: 2000, 16>}, {transform_indices = @transform_11, window_bounds = array<i64: 2000, 128>}]} {
    %get3A = arith.constant 0 : index
    %get3A_0 = arith.constant 0 : index
    %get3A_1 = vector.load %arg1[%get3A, %get3A_0] : memref<2000x128xf32, #tpu.memory_space<vmem>>, vector<2000x32xf32>
    %get3A_2 = arith.constant 0 : index
    %get3A_3 = arith.constant 32 : index
    %get3A_4 = vector.load %arg1[%get3A_2, %get3A_3] : memref<2000x128xf32, #tpu.memory_space<vmem>>, vector<2000x32xf32>
    %add3A = arith.addf %get3A_1, %get3A_4 : vector<2000x32xf32>
    %get3A_5 = arith.constant 0 : index
    %get3A_6 = arith.constant 0 : index
    %get3A_7 = vector.load %arg2[%get3A_5, %get3A_6] : memref<2000x32xf32, #tpu.memory_space<vmem>>, vector<2000x32xf32>
    %add3A_8 = arith.addf %add3A, %get3A_7 : vector<2000x32xf32>
    %get3A_9 = arith.constant 0 : index
    %get3A_10 = arith.constant 0 : index
    %get3A_11 = vector.load %arg3[%get3A_9, %get3A_10] : memref<2000x1xf32, #tpu.memory_space<vmem>>, vector<2000x1xf32>
    %mul3A = vector.broadcast %get3A_11 : vector<2000x1xf32> to vector<2000x32xf32>
    %mul3A_12 = arith.mulf %add3A_8, %mul3A : vector<2000x32xf32>
    %get3A_13 = arith.constant 0 : index
    %get3A_14 = arith.constant 0 : index
    %get3A_15 = vector.load %arg4[%get3A_13, %get3A_14] : memref<1x32xf32, #tpu.memory_space<vmem>>, vector<1x32xf32>
    %add3A_16 = vector.broadcast %get3A_15 : vector<1x32xf32> to vector<2000x32xf32>
    %add3A_17 = arith.addf %mul3A_12, %add3A_16 : vector<2000x32xf32>
    %gt3A = arith.constant 0.000000e+00 : f32
    %gt3A_18 = vector.broadcast %gt3A : f32 to vector<2000x32xf32>
    %gt3A_19 = arith.cmpf ogt, %add3A_17, %gt3A_18 : vector<2000x32xf32>
    %mul3A_20 = arith.constant 0.00999999977 : f32
    %mul3A_21 = vector.broadcast %mul3A_20 : f32 to vector<2000x32xf32>
    %mul3A_22 = arith.mulf %mul3A_21, %add3A_17 : vector<2000x32xf32>
    %select_n3A = arith.select %gt3A_19, %add3A_17, %mul3A_22 : vector<2000x32xi1>, vector<2000x32xf32>
    %get3A_23 = arith.constant 0 : index
    %get3A_24 = arith.constant 0 : index
    %get3A_25 = vector.load %arg5[%get3A_23, %get3A_24] : memref<32x16xf32, #tpu.memory_space<vmem>>, vector<32x16xf32>
    %dot_general3A = arith.constant dense<0.000000e+00> : vector<2000x16xf32>
    %dot_general3A_26 = tpu.matmul %select_n3A, %get3A_25, %dot_general3A {dimension_numbers = #tpu.dot_dimension_numbers<[1], [0], [0], [1], [0, 0, 1, 1], [], []>, transpose_lhs_hint = false} : vector<2000x32xf32>, vector<32x16xf32>, vector<2000x16xf32> -> vector<2000x16xf32>
    %get3A_27 = arith.constant 0 : index
    %get3A_28 = arith.constant 0 : index
    %get3A_29 = vector.load %arg6[%get3A_27, %get3A_28] : memref<1x16xf32, #tpu.memory_space<vmem>>, vector<1x16xf32>
    %add3A_30 = vector.broadcast %get3A_29 : vector<1x16xf32> to vector<2000x16xf32>
    %add3A_31 = arith.addf %dot_general3A_26, %add3A_30 : vector<2000x16xf32>
    %reduce_max3A = arith.constant dense<0xFF800000> : vector<2000xf32>
    %reduce_max3A_32 = vector.multi_reduction <maximumf>, %add3A_31, %reduce_max3A [1] : vector<2000x16xf32> to vector<2000xf32>
    %broadcast_in_dim3A = vector.shape_cast %reduce_max3A_32 : vector<2000xf32> to vector<2000x1xf32>
    %sub3A = vector.broadcast %broadcast_in_dim3A : vector<2000x1xf32> to vector<2000x16xf32>
    %sub3A_33 = arith.subf %add3A_31, %sub3A : vector<2000x16xf32>
    %exp3A = math.exp %sub3A_33 : vector<2000x16xf32>
    %reduce_sum3A = arith.constant dense<0.000000e+00> : vector<2000xf32>
    %reduce_sum3A_34 = vector.multi_reduction <add>, %exp3A, %reduce_sum3A [1] : vector<2000x16xf32> to vector<2000xf32>
    %broadcast_in_dim3A_35 = vector.shape_cast %reduce_sum3A_34 : vector<2000xf32> to vector<2000x1xf32>
    %div3A = vector.broadcast %broadcast_in_dim3A_35 : vector<2000x1xf32> to vector<2000x16xf32>
    %div3A_36 = arith.divf %exp3A, %div3A : vector<2000x16xf32>
    %swap3A = arith.constant 0 : index
    %swap3A_37 = arith.constant 0 : index
    %swap3A_38 = vector.load %arg11[%swap3A, %swap3A_37] : memref<2000x16xf32, #tpu.memory_space<vmem>>, vector<2000x16xf32>
    tpu.vector_store %arg11[%swap3A, %swap3A_37], %div3A_36 {strides = array<i32>} : memref<2000x16xf32, #tpu.memory_space<vmem>>, vector<2000x16xf32>,
    %get3A_39 = arith.constant 0 : index
    %get3A_40 = arith.constant 0 : index
    %get3A_41 = vector.load %arg7[%get3A_39, %get3A_40] : memref<16x64xf32, #tpu.memory_space<vmem>>, vector<16x64xf32>
    %dot_general3A_42 = arith.constant dense<0.000000e+00> : vector<2000x64xf32>
    %dot_general3A_43 = tpu.matmul %div3A_36, %get3A_41, %dot_general3A_42 {dimension_numbers = #tpu.dot_dimension_numbers<[1], [0], [0], [1], [0, 0, 1, 1], [], []>, transpose_lhs_hint = false} : vector<2000x16xf32>, vector<16x64xf32>, vector<2000x64xf32> -> vector<2000x64xf32>
    %get3A_44 = arith.constant 0 : index
    %get3A_45 = arith.constant 0 : index
    %get3A_46 = vector.load %arg8[%get3A_44, %get3A_45] : memref<1x64xf32, #tpu.memory_space<vmem>>, vector<1x64xf32>
    %add3A_47 = vector.broadcast %get3A_46 : vector<1x64xf32> to vector<2000x64xf32>
    %add3A_48 = arith.addf %dot_general3A_43, %add3A_47 : vector<2000x64xf32>
    %max3A = arith.constant 0.000000e+00 : f32
    %max3A_49 = vector.broadcast %max3A : f32 to vector<2000x64xf32>
    %max3A_50 = arith.maximumf %add3A_48, %max3A_49 : vector<2000x64xf32>
    %get3A_51 = arith.constant 0 : index
    %get3A_52 = arith.constant 0 : index
    %get3A_53 = vector.load %arg9[%get3A_51, %get3A_52] : memref<64x128xf32, #tpu.memory_space<vmem>>, vector<64x128xf32>
    %dot_general3A_54 = arith.constant dense<0.000000e+00> : vector<2000x128xf32>
    %dot_general3A_55 = tpu.matmul %max3A_50, %get3A_53, %dot_general3A_54 {dimension_numbers = #tpu.dot_dimension_numbers<[1], [0], [0], [1], [0, 0, 1, 1], [], []>, transpose_lhs_hint = false} : vector<2000x64xf32>, vector<64x128xf32>, vector<2000x128xf32> -> vector<2000x128xf32>
    %get3A_56 = arith.constant 0 : index
    %get3A_57 = arith.constant 0 : index
    %get3A_58 = vector.load %arg10[%get3A_56, %get3A_57] : memref<1x128xf32, #tpu.memory_space<vmem>>, vector<1x128xf32>
    %add3A_59 = vector.broadcast %get3A_58 : vector<1x128xf32> to vector<2000x128xf32>
    %add3A_60 = arith.addf %dot_general3A_55, %add3A_59 : vector<2000x128xf32>
    %swap3A_61 = arith.constant 0 : index
    %swap3A_62 = arith.constant 0 : index
    %swap3A_63 = vector.load %arg12[%swap3A_61, %swap3A_62] : memref<2000x128xf32, #tpu.memory_space<vmem>>, vector<2000x128xf32>
    tpu.vector_store %arg12[%swap3A_61, %swap3A_62], %add3A_60 {strides = array<i32>} : memref<2000x128xf32, #tpu.memory_space<vmem>>, vector<2000x128xf32>,
    return
  }
  func.func @transform_0(%arg0: i32) -> (i32, i32) {
    %c0_i32 = arith.constant 0 : i32
    %c0_i32_0 = arith.constant 0 : i32
    return %arg0, %c0_i32 : i32, i32
  }
  func.func @transform_1(%arg0: i32) -> (i32, i32) {
    %c0_i32 = arith.constant 0 : i32
    %c0_i32_0 = arith.constant 0 : i32
    return %arg0, %c0_i32 : i32, i32
  }
  func.func @transform_2(%arg0: i32) -> (i32, i32) {
    %c0_i32 = arith.constant 0 : i32
    %c0_i32_0 = arith.constant 0 : i32
    return %arg0, %c0_i32 : i32, i32
  }
  func.func @transform_3(%arg0: i32) -> (i32, i32) {
    %c0_i32 = arith.constant 0 : i32
    %c0_i32_0 = arith.constant 0 : i32
    %c0_i32_1 = arith.constant 0 : i32
    return %c0_i32, %c0_i32_0 : i32, i32
  }
  func.func @transform_4(%arg0: i32) -> (i32, i32) {
    %c0_i32 = arith.constant 0 : i32
    %c0_i32_0 = arith.constant 0 : i32
    %c0_i32_1 = arith.constant 0 : i32
    return %c0_i32, %c0_i32_0 : i32, i32
  }
  func.func @transform_5(%arg0: i32) -> (i32, i32) {
    %c0_i32 = arith.constant 0 : i32
    %c0_i32_0 = arith.constant 0 : i32
    %c0_i32_1 = arith.constant 0 : i32
    return %c0_i32, %c0_i32_0 : i32, i32
  }
  func.func @transform_6(%arg0: i32) -> (i32, i32) {
    %c0_i32 = arith.constant 0 : i32
    %c0_i32_0 = arith.constant 0 : i32
    %c0_i32_1 = arith.constant 0 : i32
    return %c0_i32, %c0_i32_0 : i32, i32
  }
  func.func @transform_7(%arg0: i32) -> (i32, i32) {
    %c0_i32 = arith.constant 0 : i32
    %c0_i32_0 = arith.constant 0 : i32
    %c0_i32_1 = arith.constant 0 : i32
    return %c0_i32, %c0_i32_0 : i32, i32
  }
  func.func @transform_8(%arg0: i32) -> (i32, i32) {
    %c0_i32 = arith.constant 0 : i32
    %c0_i32_0 = arith.constant 0 : i32
    %c0_i32_1 = arith.constant 0 : i32
    return %c0_i32, %c0_i32_0 : i32, i32
  }
  func.func @transform_9(%arg0: i32) -> (i32, i32) {
    %c0_i32 = arith.constant 0 : i32
    %c0_i32_0 = arith.constant 0 : i32
    %c0_i32_1 = arith.constant 0 : i32
    return %c0_i32, %c0_i32_0 : i32, i32
  }
  func.func @transform_10(%arg0: i32) -> (i32, i32) {
    %c0_i32 = arith.constant 0 : i32
    %c0_i32_0 = arith.constant 0 : i32
    return %arg0, %c0_i32 : i32, i32
  }
  func.func @transform_11(%arg0: i32) -> (i32, i32) {
    %c0_i32 = arith.constant 0 : i32
    %c0_i32_0 = arith.constant 0 : i32
    return %arg0, %c0_i32 : i32, i32
  }
}

</mosaic_0001>

<sc_bundles>
// kernel: kernel.11.cloned.1.call-start
scs
__scs_entry_jumppad:
0x0: {  	(pc) =	sbr.rel $0x88, $3  }
0x1: {  	(tag) =	ssettag $0x0;
	lr =	simm.s32 $0x1  }
0x2: {  	[smem:$0x3F95] =	sst lr;
	_ =	strace $0xD0000000  }
0x3: {  	_ = 	snop  }
0x4: {  	_ = 	snop  }
0x5: {  	_ = 	snop  }
0x6: {  	_ = 	snop  }
0x7: {  	_ = 	snop  }
__scs_overlays_trampoline_lowered:
0x8: {  	[smem:$0x3FA4] =	sst s0  }
0x9: {  	[smem:$0x3FA5] =	sst s1  }
0xa: {  	[smem:$0x3FA6] =	sst s2  }
0xb: {  	[smem:$0x3FA7] =	sst s3  }
0xc: {  	[smem:$0x3FA8] =	sst s4  }
0xd: {  	[smem:$0x3FA9] =	sst s5  }
0xe: {  	[smem:$0x3FAA] =	sst s6  }
0xf: {  	[smem:$0x3FAB] =	sst s7  }
0x10: {  	[smem:$0x3FAC] =	sst s8  }
0x11: {  	[smem:$0x3FAD] =	sst s9;
	s0 =	simm.s32 @!p0 $0x0  }
0x12: {  	s1 =	sld [smem:$0x3F93];
	s0 =	simm.s32 @p0 $0x1  }
0x13: {  	[smem:$0x3FAE] =	sst s0;
	s0 =	simm.s32 @!p1 $0x0  }
0x14: {  	s2 =	sld [smem:$0x3F92];
	s0 =	simm.s32 @p1 $0x1  }
0x15: {  	[smem:$0x3FAF] =	sst s0;
	s0 =	simm.s32 @!p2 $0x0  }
0x16: {  	s3 =	sld [smem:$0x3FDB];
	s0 =	simm.s32 @p2 $0x1  }
0x17: {  	s4 =	simm.s32 $0x1BF5;
	[smem:$0x3FB1] =	sst s0  }
0x18: {  	s0 =	sld [smem:$0x3F94];
	_ =	swait.ge [sflag:s4], $0x0  }
0x19: {  	s7 =	sld [smem:$0x3F95]  }
0x1a: {  	s8 =	sadd.s32 $0xFFFFE003, lr  }
0x1b: {  	s9 =	sadd.s32 $0xFFFFFEF7, lr;
	s5 =	simm.s32 $0xFFFFFFFF;
	p2 =	slt.u32 s8, $0xFFFFF086  }
0x1c: {  	p1 =	slt.u32 s9, $0xF7A;
	s5 =	simm.s32 @!p2 $0x0  }
0x1d: {  	s5 =	simm.s32 @p1 $0x1;
	p0 =	seq.s32 s7, s2  }
0x1e: {  	s7 =	smul.u32 @!p0 $0xF7A, s2;
	p2 =	seq.s32 @!p0 s5, $0x0  }
0x1f: {  	s9 =	smul.u32 $0xF7A, s1;
	s8 =	simm.s32 @!p0 $0x1BF5;
	p2 =	por !p2, p0  }
0x20: {  	[sflag:s8] =	ssyncset.s32 @!p0 $0xFFFFF086;
	s6 =	sadd.s32 @!p0 s3, s7;
	s7 =	simm.s32 @!p0 $0x108  }
0x21: {  	s3 =	sadd.s32 s3, s9;
	s6 =	sadd.s32 @!p0 $0x88, s6;
	s7 =	simm.s32 @p2 $0x1082  }
0x22: {  	[simem:s7], [sflag:s8] =	dma.local @!p0 [hbm:s6], $0xF7A  }
0x23: {  	s9 =	sor.u32 $0xD0000000, s2;
	s6 =	simm.s32 $0x108;
	_ =	swait.ge @!p0 [sflag:s8], $0x0  }
0x24: {  	s3 =	sadd.s32 $0x88, s3;
	s6 =	simm.s32 @!p1 $0x1082;
	[sflag:s4] =	ssyncset.s32 $0xFFFFF086  }
0x25: {  	[simem:s6], [sflag:s4] =	dma.local [hbm:s3], $0xF7A  }
0x26: {  	[smem:$0x3F95] =	sst s1;
	(tag) =	ssettag s2;
	_ =	strace s9  }
0x27: {  	s1 =	sld [smem:$0x3FA5]  }
0x28: {  	s2 =	sld [smem:$0x3FA6]  }
0x29: {  	s4 =	sld [smem:$0x3FA8]  }
0x2a: {  	p0 =	seq.s32 s5, $0x0;
	s5 =	sld [smem:$0x3FA9]  }
0x2b: {  	s6 =	sld [smem:$0x3FAA]  }
0x2c: {  	s7 =	sld [smem:$0x3FAB]  }
0x2d: {  	s3 =	simm.s32 $0x108;
	s8 =	sld [smem:$0x3FAC]  }
0x2e: {  	s3 =	simm.s32 @!p0 $0x1082;
	s9 =	sld [smem:$0x3FAD]  }
0x2f: {  	lr =	sadd.s32 s0, s3;
	s0 =	sld [smem:$0x3FA4]  }
0x30: {  	s3 =	sld [smem:$0x3FA7]  }
0x31: {  	[smem:$0x3FB0] =	sst s10  }
0x32: {  	s10 =	sld [smem:$0x3FAE];
	_ =	sdelay $0x3  }
0x33: {  	p0 =	seq.s32 s10, $0x1;
	s10 =	sld [smem:$0x3FB0];
	_ =	sdelay $0x3  }
0x34: {  	[smem:$0x3FB0] =	sst s10  }
0x35: {  	s10 =	sld [smem:$0x3FAF];
	_ =	sdelay $0x3  }
0x36: {  	p1 =	seq.s32 s10, $0x1;
	s10 =	sld [smem:$0x3FB0];
	_ =	sdelay $0x3  }
0x37: {  	[smem:$0x3FB0] =	sst s10  }
0x38: {  	s10 =	sld [smem:$0x3FB1]  }
0x39: {  	_ = 	snop;
	(pc) =	sbr.ind lr, $3  }
0x3a: {  	_ = 	snop  }
0x3b: {  	_ = 	snop  }
0x3c: {  	p2 =	seq.s32 s10, $0x1;
	s10 =	sld [smem:$0x3FB0]  }
0x3d: {  	_ =	shalt  }
0x3e: {  	_ =	shalt  }
0x3f: {  	_ =	shalt  }
0x40: {  	_ =	shalt  }
0x41: {  	_ =	shalt  }
0x42: {  	_ =	shalt  }
0x43: {  	_ =	shalt  }
0x44: {  	_ =	shalt  }
0x45: {  	_ =	shalt  }
0x46: {  	_ =	shalt  }
0x47: {  	_ =	shalt  }
0x48: {  	_ =	shalt  }
0x49: {  	_ =	shalt  }
0x4a: {  	_ =	shalt  }
0x4b: {  	_ =	shalt  }
0x4c: {  	_ =	shalt  }
0x4d: {  	_ =	shalt  }
0x4e: {  	_ =	shalt  }
0x4f: {  	_ =	shalt  }
0x50: {  	_ =	shalt  }
0x51: {  	_ =	shalt  }
0x52: {  	_ =	shalt  }
0x53: {  	_ =	shalt  }
0x54: {  	_ =	shalt  }
0x55: {  	_ =	shalt  }
0x56: {  	_ =	shalt  }
0x57: {  	_ =	shalt  }
0x58: {  	_ =	shalt  }
0x59: {  	_ =	shalt  }
0x5a: {  	_ =	shalt  }
0x5b: {  	_ =	shalt  }
0x5c: {  	_ =	shalt  }
0x5d: {  	_ =	shalt  }
0x5e: {  	_ =	shalt  }
0x5f: {  	_ =	shalt  }
0x60: {  	_ =	shalt  }
0x61: {  	_ =	shalt  }
0x62: {  	_ =	shalt  }
0x63: {  	_ =	shalt  }
0x64: {  	_ =	shalt  }
0x65: {  	_ =	shalt  }
0x66: {  	_ =	shalt  }
0x67: {  	_ =	shalt  }
0x68: {  	_ =	shalt  }
0x69: {  	_ =	shalt  }
0x6a: {  	_ =	shalt  }
0x6b: {  	_ =	shalt  }
0x6c: {  	_ =	shalt  }
0x6d: {  	_ =	shalt  }
0x6e: {  	_ =	shalt  }
0x6f: {  	_ =	shalt  }
0x70: {  	_ =	shalt  }
0x71: {  	_ =	shalt  }
0x72: {  	_ =	shalt  }
0x73: {  	_ =	shalt  }
0x74: {  	_ =	shalt  }
0x75: {  	_ =	shalt  }
0x76: {  	_ =	shalt  }
0x77: {  	_ =	shalt  }
0x78: {  	_ =	shalt  }
0x79: {  	_ =	shalt  }
0x7a: {  	_ =	shalt  }
0x7b: {  	_ =	shalt  }
0x7c: {  	_ =	shalt  }
0x7d: {  	_ =	shalt  }
0x7e: {  	_ =	shalt  }
0x7f: {  	_ =	shalt  }
0x80: {  	_ =	shalt  }
0x81: {  	_ =	shalt  }
0x82: {  	_ =	shalt  }
0x83: {  	_ =	shalt  }
0x84: {  	_ =	shalt  }
0x85: {  	_ =	shalt  }
0x86: {  	_ =	shalt  }
0x87: {  	_ =	shalt  }
.Lfunc_end0:
.L_simem_size_0:
called_computation.1_lowered:
.L_overlay_start_0:
0x88: {  	s2 =	sld [smem:$0x3FD9]  }
0x89: {  	s3 =	sld [smem:$0x3FFE];
	_ =	sdelay $0x1  }
0x8a: {  	s1 =	srdreg.scid  }
0x8b: {  	s0 =	sand.u32 $0x1, s1  }
0x8c: {  	s14 =	sshll.u32 s0, $0xA;
	s2 =	sadd.s32 s3, s2  }
0x8d: {  	s2 =	sadd.s32 s2, s14  }
0x8e: {  	[smem:$0x3FBC] =	sst s2  }
0x8f: {  	_ = 	snop  }
0x90: {  	s2 =	sld [smem:$0x3FD0];
	_ =	sdelay $0x2  }
0x91: {  	s15 =	simm.s32 $0xA;
	s4 =	simm.s32 $0x10  }
0x92: {  	[smem:s4], [sflag:s15] =	dma.local [hbm:s2], $0x1  }
0x93: {  	_ =	swait.eq [sflag:s15], $0x1  }
0x94: {  	[sflag:s15] =	ssyncset.done $0x0  }
0x95: {  	[sflag:s15] =	ssyncadd.s32 $0xFFFFFFFF  }
0x96: {  	s16 =	sld [smem:$0x11];
	(tm) =	ssettm $0x1  }
0x97: {  	s17 =	sld [smem:$0x3FFB];
	_ =	sdelay $0x3  }
0x98: {  	_ =	strace s17  }
0x99: {  	s3 =	sld [smem:$0x3FFC];
	_ =	sdelay $0x3  }
0x9a: {  	_ =	strace s3  }
0x9b: {  	s3 =	sld [smem:$0x3FFD];
	_ =	sdelay $0x3  }
0x9c: {  	_ =	strace s3  }
0x9d: {  	_ =	strace $0x8FFFFFFF  }
0x9e: {  	s18 =	sld [smem:$0x3FDB];
	_ =	sdelay $0x1  }
0x9f: {  	s19 =	simm.s32 $_scs_section_size  }
0xa0: {  	s5 =	simm.s32 $_size__tile_overlayer_lowered;
	s6 =	simm.s32 $_tile_overlayer_lowered  }
0xa1: {  	s22 =	simm.s32 $0x1BFF;
	s21 =	sshll.u32 s6, $0x1;
	s3 =	sadd.s32 s19, s18  }
0xa2: {  	s7 =	simm.s32 $0x0;
	s20 =	sshll.u32 s5, $0x1;
	s5 =	sadd.s32 s21, s3  }
0xa3: {  	[timem:s7], [sflag:s22] =	dma.local [hbm:s5], s20  }
0xa4: {  	_ =	swait.ge [sflag:s22], s20  }
0xa5: {  	s4 =	ssub.s32 $0x0, s20;
	[sflag:s22] =	ssyncset.done $0x0  }
0xa6: {  	[sflag:s22] =	ssyncadd.s32 s4;
	_ =	sdelay $0x1  }
0xa7: {  	s23 =	simm.s32 $0x1B8B  }
0xa8: {  	_ =	swait.ge [sflag:s23], $0x1  }
0xa9: {  	[sflag:s23] =	ssyncset.done $0x0  }
0xaa: {  	s25 =	simm.s32 $0x1B8E;
	s24 =	sld [smem:$0x3FFE];
	[sflag:s23] =	ssyncadd.s32 $0xFFFFFFFF  }
0xab: {  	s26 =	simm.s32 $execute0_lowered;
	[smem:$0x3FD2] =	sst s25  }
0xac: {  	s5 =	sshll.u32 s26, $0x1;
	_ =	strace $0x80000049;
	[dreg:$0x1] =	wrdreg $0xFFFFFFFF  }
0xad: {  	s28 =	simm.s32 $_size_execute0_lowered;
	s3 =	sadd.s32 s3, s5;
	[dreg:$0x0] =	wrdreg $0x0  }
0xae: {  	s5 =	sshll.u32 s28, $0x1;
	[dreg:$0x2] =	wrdreg s3  }
0xaf: {  	[dreg:$0x3] =	wrdreg s5  }
0xb0: {  	[dreg:$0x4] =	wrdreg $0xC0  }
0xb1: {  	_ =	task [dreg:s7], $0x5FFFF  }
0xb2: {  	[dreg:$0x1] =	wrdreg $0xFFFFFFFF  }
0xb3: {  	[dreg:$0x0] =	wrdreg $0x60  }
0xb4: {  	[dreg:$0x2] =	wrdreg s16  }
0xb5: {  	[dreg:$0x3] =	wrdreg s24  }
0xb6: {  	[dreg:$0x4] =	wrdreg $0x14F000  }
0xb7: {  	[dreg:$0x5] =	wrdreg $0x9  }
0xb8: {  	_ =	task.clear_ibuf [dreg:s7], $0x6FFFF;
	_ =	strace $0x90000049  }
0xb9: {  	s29 =	simm.s32 $0x9;
	_ =	strace $0x8000004B  }
0xba: {  	_ =	swait.ge [sflag:s29], $0x1  }
0xbb: {  	[sflag:s29] =	ssyncadd.s32 $0xFFFFFFFF  }
0xbc: {  	_ =	strace $0x9000004B  }
0xbd: {  	_ =	sfence  }
0xbe: {  	s30 =	sld [smem:$0x0];
	_ =	sdelay $0x2  }
0xbf: {  	s31 =	sshll.u32 s1, $0xD;
	s1 =	sshrl.u32 s1, $0x2  }
0xc0: {  	s3 =	sand.u32 $0x4000, s31;
	s1 =	sadd.s32 s1, s30  }
0xc1: {  	s0 =	sor.u32 s3, s0;
	s1 =	sshll.u32 s1, $0x11  }
0xc2: {  	s0 =	sor.u32 s1, s0  }
0xc3: {  	s0 =	sadd.s32 $0x8F2B, s0  }
0xc4: {  	[sflag:s0] =	ssyncadd.remote.s32 $0x1  }
0xc5: {  	_ =	sfence.sel $0xFFFF  }
0xc6: {  	[dreg:$0x0] =	wrdreg $0xFFFFFFFF;
	(pc) =	sbr.abs _section_cstart, $3  }
0xc7: {  	[dreg:$0x1] =	wrdreg $0xFFFFFFFF  }
0xc8: {  	_ =	task.clear_ibuf [dreg:s7], $0x2FFFF;
	_ =	strace $0x9FFFFFFF  }
0xc9: {  	(tm) =	ssettm $0x7FFFFFFF  }
tec
execute0_lowered:
.L_overlay_start_1:
0x0: {  	(tag) =	ssettag $0x1  }
0x1: {  	s0 =	rddreg [dreg:$0x0]  }
0x2: {  	s2 =	rddreg [dreg:$0x1]  }
0x3: {  	s1 =	srdreg.scid;
	s3 =	rddreg [dreg:$0x2]  }
0x4: {  	s16 =	stileid.u32;
	s4 =	simm.s32 $0x0;
	s29 =	simm.s32 $0xCF00  }
0x5: {  	s31 =	simm.s32 $0xEF00;
	s28 =	simm.s32 $0x3;
	s30 =	simm.s32 $0x4  }
0x6: {  	s1 =	sand.u32 $0x1, s1;
	[smem:$0x7FF] =	sst s4;
	s7 =	smul.u32 $0x28000, s16  }
0x7: {  	s9 =	smul.u32 $0x280, s16;
	s5 =	sshll.u32 s1, $0x4;
	_ =	strace $0x8000004A  }
0x8: {  	s6 =	ssub.s32 $0x2, s1;
	s1 =	sshll.u32 s1, $0x6;
	s5 =	sor.u32 s16, s5  }
0x9: {  	s22 =	sshrl.u32 s6, $0x1;
	s23 =	sshrl.u32 s7, $0x2;
	s12 =	sadd.s32 $0x80, s9  }
0xa: {  	s13 =	sadd.s32 $0x100, s9;
	s14 =	sadd.s32 $0x180, s9;
	s16 =	smul.u32 $0x14000, s16  }
0xb: {  	s15 =	sadd.s32 $0x200, s9;
	s5 =	smul.u32 $0x4F0, s5;
	s11 =	ssub.s32 s6, s22  }
0xc: {  	s24 =	sshll.u32 s12, $0x6;
	s25 =	sshll.u32 s13, $0x6;
	s8 =	sshll.u32 s14, $0x6  }
0xd: {  	s9 =	sshll.u32 s15, $0x6;
	s12 =	sshll.u32 s12, $0x7;
	s21 =	sshll.u32 s13, $0x7  }
0xe: {  	s22 =	sshll.u32 s14, $0x7;
	s13 =	simm.s32 $0x40;
	s17 =	sadd.s32 s24, s3  }
0xf: {  	s26 =	sadd.s32 s25, s3;
	s8 =	sadd.s32 s8, s3;
	s9 =	sadd.s32 s9, s3  }
0x10: {  	s16 =	sor.u32 s1, s16;
	s12 =	sor.u32 s1, s12;
	s10 =	sadd.s32 s5, s2  }
0x11: {  	s2 =	sadd.s32 $0x3F000, s2;
	s5 =	sadd.s32 s23, s3;
	[dreg:$0x4] =	wrdreg s26  }
0x12: {  	s16 =	sshrl.u32 s16, $0x3;
	s12 =	sshrl.u32 s12, $0x3;
	s23 =	sshll.u32 s15, $0x7  }
0x13: {  	s26 =	smax.u32 s11, $0x1;
	s11 =	simm.s32 $0x7;
	s7 =	sadd.s32 $0x3400, s10  }
0x14: {  	s18 =	sadd.s32 $0xD200, s10;
	s19 =	sadd.s32 s2, s16;
	[dreg:$0xc] =	wrdreg s26  }
0x15: {  	s20 =	sadd.s32 s2, s12;
	s10 =	sor.u32 s1, s21;
	[dreg:$0x5] =	wrdreg s7  }
0x16: {  	s12 =	sor.u32 s1, s22;
	s1 =	sor.u32 s1, s23;
	[dreg:$0x6] =	wrdreg s18  }
0x17: {  	s21 =	simm.s32 $0x80;
	s22 =	simm.s32 $0x6F00;
	[dreg:$0x7] =	wrdreg s19  }
0x18: {  	s26 =	simm.s32 $0xAF00;
	s23 =	simm.s32 $0x1;
	[dreg:$0x8] =	wrdreg s20  }
0x19: {  	s10 =	sshrl.u32 s10, $0x3;
	s12 =	sshrl.u32 s12, $0x3;
	s1 =	sshrl.u32 s1, $0x3  }
0x1a: {  	s18 =	simm.s32 $0x4F00;
	s19 =	simm.s32 $0x9;
	s24 =	sadd.s32 s2, s10  }
0x1b: {  	s20 =	simm.s32 $0x12F00;
	s25 =	sadd.s32 s2, s12;
	[dreg:$0x9] =	wrdreg s24  }
0x1c: {  	s1 =	sadd.s32 s2, s1;
	s2 =	simm.s32 $0x10F00;
	[dreg:$0xa] =	wrdreg s25  }
0x1d: {  	s10 =	simm.s32 $0x6;
	s12 =	simm.s32 $0x8;
	[dreg:$0xb] =	wrdreg s1  }
0x1e: {  	v0 =	vimm.f32 $0.0e+00;
	s24 =	simm.s32 $0x8F00;
	s25 =	simm.s32 $0x2;
	s1 =	simm.s32 $0x5  }
.LBB2_1:
0x1f: {  	s15 =	simm.s32 $0x100;
	s14 =	simm.s32 $0x0  }
.LBB2_2:
0x20: {  	p0 =	sne.s32 s15, $0x7F00;
	[tilespmem:s14+$0x4F30] =	vst v0;
	s16 =	smov.u32 s15;
	s15 =	sadd.s32 $0x100, s15  }
.Ltmp0:
0x21: {  	[tilespmem:s14+$0x4F20] =	vst v0;
	(pc) =	sbr.rel @p0 .LBB2_2-.Ltmp0, $3  }
0x22: {  	[tilespmem:s14+$0x4F00] =	vst v0  }
0x23: {  	[tilespmem:s14+$0x4F10] =	vst v0;
	_ =	sdelay $0x1  }
0x24: {  	s14 =	sshra.s32 s16, $0x2  }
0x25: {  	[tilespmem:s14+$0x4F30] =	vst v0  }
0x26: {  	[tilespmem:s14+$0x4F20] =	vst v0  }
0x27: {  	[tilespmem:s14+$0x4F00] =	vst v0  }
0x28: {  	[tilespmem:s14+$0x4F10] =	vst v0  }
0x29: {  	[spmem:s5] =	stream.linear.scatter [tilespmem:s18], [sflag:$0x9], $0x2000, $0x38;
	[tilespmem:$0x1EF00] =	vst v63  }
0x2a: {  	_ =	swait.ge [sflag:s19], $0x2000  }
0x2b: {  	[sflag:s19] =	ssyncset.done $0x0  }
0x2c: {  	[sflag:s19] =	ssyncadd.s32 $0xFFFFE000  }
0x2d: {  	[spmem:s17] =	stream.linear.scatter [tilespmem:s18], [sflag:$0x9], $0x2000, $0x38;
	[tilespmem:$0x1EF00] =	vst v63  }
0x2e: {  	_ =	swait.ge [sflag:s19], $0x2000  }
0x2f: {  	[sflag:s19] =	ssyncset.done $0x0  }
0x30: {  	s16 =	rddreg [dreg:$0x4];
	[sflag:s19] =	ssyncadd.s32 $0xFFFFE000  }
0x31: {  	[spmem:s16] =	stream.linear.scatter [tilespmem:s18], [sflag:$0x9], $0x2000, $0x38;
	[tilespmem:$0x1EF00] =	vst v63  }
0x32: {  	_ =	swait.ge [sflag:s19], $0x2000  }
0x33: {  	[sflag:s19] =	ssyncset.done $0x0  }
0x34: {  	[sflag:s19] =	ssyncadd.s32 $0xFFFFE000  }
0x35: {  	[spmem:s8] =	stream.linear.scatter [tilespmem:s18], [sflag:$0x9], $0x2000, $0x38;
	[tilespmem:$0x1EF00] =	vst v63  }
0x36: {  	_ =	swait.ge [sflag:s19], $0x2000  }
0x37: {  	[sflag:s19] =	ssyncset.done $0x0  }
0x38: {  	[sflag:s19] =	ssyncadd.s32 $0xFFFFE000  }
0x39: {  	[spmem:s9] =	stream.linear.scatter [tilespmem:s18], [sflag:$0x9], $0x2000, $0x38;
	[tilespmem:$0x1EF00] =	vst v63  }
0x3a: {  	_ =	swait.ge [sflag:s19], $0x2000  }
0x3b: {  	s7 =	smov.u32 s17;
	[sflag:s19] =	ssyncset.done $0x0  }
0x3c: {  	s17 =	simm.s32 $0x0;
	s15 =	rddreg [dreg:$0x5];
	[sflag:s19] =	ssyncadd.s32 $0xFFFFE000  }
0x3d: {  	[tilespmem:s17], [sflag:$0x9] =	stream.linear.gather [hbm4b:s15+s17], $0x2780, $0x38;
	[tilespmem:$0x1EF00] =	vst v63  }
0x3e: {  	_ =	swait.ge [sflag:s19], $0x2780  }
0x3f: {  	[sflag:s19] =	ssyncset.done $0x0  }
0x40: {  	s15 =	simm.s32 $0x2780;
	s16 =	rddreg [dreg:$0x6];
	[sflag:s19] =	ssyncadd.s32 $0xFFFFD880  }
0x41: {  	[tilespmem:s15], [sflag:$0x9] =	stream.linear.gather [hbm4b:s16+s17], $0x2780, $0x38;
	[tilespmem:$0x1EF00] =	vst v63  }
0x42: {  	_ =	swait.ge [sflag:s19], $0x2780  }
0x43: {  	[sflag:s19] =	ssyncset.done $0x0  }
0x44: {  	[sflag:s19] =	ssyncadd.s32 $0xFFFFD880  }
0x45: {  	[bflag:$0x0] =	sbarrier.arrive $0xFFFF  }
0x46: {  	[tilespmem:s18], [sflag:$0x1] =	stream.indirect.gather [hbm4b:s0+s21], $0x40, s17, s21, $0xb8;
	[tilespmem:$0x1EF00] =	vst v63  }
0x47: {  	_ = 	snop  }
0x48: {  	[tilespmem:s22], [sflag:$0x2] =	stream.indirect.gather [hbm4b:s0+s21], $0x40, s21, s21, $0xb8;
	[tilespmem:$0x1EF00] =	vst v63  }
0x49: {  	s17 =	simm.s32 $0x100  }
0x4a: {  	[tilespmem:s24], [sflag:$0x3] =	stream.indirect.gather [hbm4b:s0+s21], $0x40, s17, s21, $0xb8;
	[tilespmem:$0x1EF00] =	vst v63  }
0x4b: {  	s14 =	simm.s32 $0x180  }
0x4c: {  	[tilespmem:s26], [sflag:$0x4] =	stream.indirect.gather [hbm4b:s0+s21], $0x40, s14, s21, $0xb8;
	[tilespmem:$0x1EF00] =	vst v63  }
0x4d: {  	s15 =	simm.s32 $0x200  }
0x4e: {  	[tilespmem:s29], [sflag:$0x5] =	stream.indirect.gather [hbm4b:s0+s21], $0x40, s15, s21, $0xb8;
	[tilespmem:$0x1EF00] =	vst v63  }
0x4f: {  	s16 =	simm.s32 $0x280  }
0x50: {  	[tilespmem:s31], [sflag:$0x6] =	stream.indirect.gather [hbm4b:s0+s21], $0x40, s16, s21, $0xb8;
	[tilespmem:$0x1EF00] =	vst v63  }
0x51: {  	s17 =	simm.s32 $0x300  }
0x52: {  	[tilespmem:s2], [sflag:$0x7] =	stream.indirect.gather [hbm4b:s0+s21], $0x40, s17, s21, $0xb8;
	[tilespmem:$0x1EF00] =	vst v63  }
0x53: {  	s6 =	smov.u32 s5;
	s5 =	simm.s32 $0x380  }
0x54: {  	[tilespmem:s20], [sflag:$0x8] =	stream.indirect.gather [hbm4b:s0+s21], $0x40, s5, s21, $0xb8;
	[tilespmem:$0x1EF00] =	vst v63  }
0x55: {  	_ =	swait.ge [sflag:s23], $0x2000  }
0x56: {  	[sflag:s23] =	ssyncset.done $0x0  }
0x57: {  	s15 =	simm.s32 $0x2780;
	[sflag:s23] =	ssyncadd.s32 $0xFFFFE000  }
0x58: {  	[spmem:s3] =	stream.indirect.scatter.add.f32 [tilespmem:s18], [sflag:$0x9], $0x40, s15, s21, $0xb8;
	[tilespmem:$0x1EF00] =	vst v63  }
0x59: {  	_ =	swait.ge [sflag:s19], $0x2000  }
0x5a: {  	[sflag:s19] =	ssyncset.done $0x0  }
0x5b: {  	s16 =	simm.s32 $0x400;
	[sflag:s19] =	ssyncadd.s32 $0xFFFFE000  }
0x5c: {  	[tilespmem:s18], [sflag:$0x1] =	stream.indirect.gather [hbm4b:s0+s21], $0x40, s16, s21, $0xb8;
	[tilespmem:$0x1EF00] =	vst v63  }
0x5d: {  	_ =	swait.ge [sflag:s25], $0x2000  }
0x5e: {  	[sflag:s25] =	ssyncset.done $0x0  }
0x5f: {  	s17 =	simm.s32 $0x2800;
	[sflag:s25] =	ssyncadd.s32 $0xFFFFE000  }
0x60: {  	[spmem:s3] =	stream.indirect.scatter.add.f32 [tilespmem:s22], [sflag:$0x9], $0x40, s17, s21, $0xb8;
	[tilespmem:$0x1EF00] =	vst v63  }
0x61: {  	_ =	swait.ge [sflag:s19], $0x2000  }
0x62: {  	[sflag:s19] =	ssyncset.done $0x0  }
0x63: {  	s5 =	simm.s32 $0x480;
	[sflag:s19] =	ssyncadd.s32 $0xFFFFE000  }
0x64: {  	[tilespmem:s22], [sflag:$0x2] =	stream.indirect.gather [hbm4b:s0+s21], $0x40, s5, s21, $0xb8;
	[tilespmem:$0x1EF00] =	vst v63  }
0x65: {  	_ =	swait.ge [sflag:s28], $0x2000  }
0x66: {  	[sflag:s28] =	ssyncset.done $0x0  }
0x67: {  	s15 =	simm.s32 $0x2880;
	[sflag:s28] =	ssyncadd.s32 $0xFFFFE000  }
0x68: {  	[spmem:s3] =	stream.indirect.scatter.add.f32 [tilespmem:s24], [sflag:$0x9], $0x40, s15, s21, $0xb8;
	[tilespmem:$0x1EF00] =	vst v63  }
0x69: {  	_ =	swait.ge [sflag:s19], $0x2000  }
0x6a: {  	[sflag:s19] =	ssyncset.done $0x0  }
0x6b: {  	s16 =	simm.s32 $0x500;
	[sflag:s19] =	ssyncadd.s32 $0xFFFFE000  }
0x6c: {  	[tilespmem:s24], [sflag:$0x3] =	stream.indirect.gather [hbm4b:s0+s21], $0x40, s16, s21, $0xb8;
	[tilespmem:$0x1EF00] =	vst v63  }
0x6d: {  	_ =	swait.ge [sflag:s30], $0x2000  }
0x6e: {  	[sflag:s30] =	ssyncset.done $0x0  }
0x6f: {  	s17 =	simm.s32 $0x2900;
	[sflag:s30] =	ssyncadd.s32 $0xFFFFE000  }
0x70: {  	[spmem:s3] =	stream.indirect.scatter.add.f32 [tilespmem:s26], [sflag:$0x9], $0x40, s17, s21, $0xb8;
	[tilespmem:$0x1EF00] =	vst v63  }
0x71: {  	_ =	swait.ge [sflag:s19], $0x2000  }
0x72: {  	[sflag:s19] =	ssyncset.done $0x0  }
0x73: {  	s5 =	simm.s32 $0x580;
	[sflag:s19] =	ssyncadd.s32 $0xFFFFE000  }
0x74: {  	[tilespmem:s26], [sflag:$0x4] =	stream.indirect.gather [hbm4b:s0+s21], $0x40, s5, s21, $0xb8;
	[tilespmem:$0x1EF00] =	vst v63  }
0x75: {  	_ =	swait.ge [sflag:s1], $0x2000  }
0x76: {  	[sflag:s1] =	ssyncset.done $0x0  }
0x77: {  	s15 =	simm.s32 $0x2980;
	[sflag:s1] =	ssyncadd.s32 $0xFFFFE000  }
0x78: {  	[spmem:s3] =	stream.indirect.scatter.add.f32 [tilespmem:s29], [sflag:$0x9], $0x40, s15, s21, $0xb8;
	[tilespmem:$0x1EF00] =	vst v63  }
0x79: {  	_ =	swait.ge [sflag:s19], $0x2000  }
0x7a: {  	[sflag:s19] =	ssyncset.done $0x0  }
0x7b: {  	s16 =	simm.s32 $0x600;
	[sflag:s19] =	ssyncadd.s32 $0xFFFFE000  }
0x7c: {  	[tilespmem:s29], [sflag:$0x5] =	stream.indirect.gather [hbm4b:s0+s21], $0x40, s16, s21, $0xb8;
	[tilespmem:$0x1EF00] =	vst v63  }
0x7d: {  	_ =	swait.ge [sflag:s10], $0x2000  }
0x7e: {  	[sflag:s10] =	ssyncset.done $0x0  }
0x7f: {  	s17 =	simm.s32 $0x2A00;
	[sflag:s10] =	ssyncadd.s32 $0xFFFFE000  }
0x80: {  	[spmem:s3] =	stream.indirect.scatter.add.f32 [tilespmem:s31], [sflag:$0x9], $0x40, s17, s21, $0xb8;
	[tilespmem:$0x1EF00] =	vst v63  }
0x81: {  	_ =	swait.ge [sflag:s19], $0x2000  }
0x82: {  	[sflag:s19] =	ssyncset.done $0x0  }
0x83: {  	s5 =	simm.s32 $0x680;
	[sflag:s19] =	ssyncadd.s32 $0xFFFFE000  }
0x84: {  	[tilespmem:s31], [sflag:$0x6] =	stream.indirect.gather [hbm4b:s0+s21], $0x40, s5, s21, $0xb8;
	[tilespmem:$0x1EF00] =	vst v63  }
0x85: {  	_ =	swait.ge [sflag:s11], $0x2000  }
0x86: {  	[sflag:s11] =	ssyncset.done $0x0  }
0x87: {  	s15 =	simm.s32 $0x2A80;
	[sflag:s11] =	ssyncadd.s32 $0xFFFFE000  }
0x88: {  	[spmem:s3] =	stream.indirect.scatter.add.f32 [tilespmem:s2], [sflag:$0x9], $0x40, s15, s21, $0xb8;
	[tilespmem:$0x1EF00] =	vst v63  }
0x89: {  	_ =	swait.ge [sflag:s19], $0x2000  }
0x8a: {  	[sflag:s19] =	ssyncset.done $0x0  }
0x8b: {  	s16 =	simm.s32 $0x700;
	[sflag:s19] =	ssyncadd.s32 $0xFFFFE000  }
0x8c: {  	[tilespmem:s2], [sflag:$0x7] =	stream.indirect.gather [hbm4b:s0+s21], $0x40, s16, s21, $0xb8;
	[tilespmem:$0x1EF00] =	vst v63  }
0x8d: {  	_ =	swait.ge [sflag:s12], $0x2000  }
0x8e: {  	[sflag:s12] =	ssyncset.done $0x0  }
0x8f: {  	s17 =	simm.s32 $0x2B00;
	[sflag:s12] =	ssyncadd.s32 $0xFFFFE000  }
0x90: {  	[spmem:s3] =	stream.indirect.scatter.add.f32 [tilespmem:s20], [sflag:$0x9], $0x40, s17, s21, $0xb8;
	[tilespmem:$0x1EF00] =	vst v63  }
0x91: {  	_ =	swait.ge [sflag:s19], $0x2000  }
0x92: {  	s14 =	simm.s32 $0x400;
	s15 =	simm.s32 $0x2000;
	[sflag:s19] =	ssyncset.done $0x0  }
.LBB2_4:
0x93: {  	s5 =	sadd.s32 $0x380, s14  }
0x94: {  	[sflag:s19] =	ssyncadd.s32 $0xFFFFE000;
	s16 =	smov.u32 s15;
	s17 =	sadd.s32 $0x1000, s15  }
0x95: {  	[tilespmem:s20], [sflag:$0x8] =	stream.indirect.gather [hbm4b:s0+s21], $0x40, s5, s21, $0xb8;
	[tilespmem:$0x1EF00] =	vst v63  }
0x96: {  	p0 =	sne.s32 s15, $0x8000;
	_ =	swait.ge [sflag:s23], $0x2000  }
0x97: {  	[sflag:s23] =	ssyncset.done $0x0  }
0x98: {  	s5 =	sadd.s32 $0x2780, s14;
	[sflag:s23] =	ssyncadd.s32 $0xFFFFE000  }
0x99: {  	[spmem:s3] =	stream.indirect.scatter.add.f32 [tilespmem:s18], [sflag:$0x9], $0x40, s5, s21, $0xb8;
	[tilespmem:$0x1EF00] =	vst v63  }
0x9a: {  	_ =	swait.ge [sflag:s19], $0x2000  }
0x9b: {  	[sflag:s19] =	ssyncset.done $0x0  }
0x9c: {  	s5 =	sadd.s32 $0x400, s14;
	[sflag:s19] =	ssyncadd.s32 $0xFFFFE000  }
0x9d: {  	[tilespmem:s18], [sflag:$0x1] =	stream.indirect.gather [hbm4b:s0+s21], $0x40, s5, s21, $0xb8;
	[tilespmem:$0x1EF00] =	vst v63  }
0x9e: {  	_ =	swait.ge [sflag:s25], $0x2000  }
0x9f: {  	[sflag:s25] =	ssyncset.done $0x0  }
0xa0: {  	s5 =	sadd.s32 $0x2800, s14;
	[sflag:s25] =	ssyncadd.s32 $0xFFFFE000  }
0xa1: {  	[spmem:s3] =	stream.indirect.scatter.add.f32 [tilespmem:s22], [sflag:$0x9], $0x40, s5, s21, $0xb8;
	[tilespmem:$0x1EF00] =	vst v63  }
0xa2: {  	_ =	swait.ge [sflag:s19], $0x2000  }
0xa3: {  	[sflag:s19] =	ssyncset.done $0x0  }
0xa4: {  	s5 =	sadd.s32 $0x480, s14;
	[sflag:s19] =	ssyncadd.s32 $0xFFFFE000  }
0xa5: {  	[tilespmem:s22], [sflag:$0x2] =	stream.indirect.gather [hbm4b:s0+s21], $0x40, s5, s21, $0xb8;
	[tilespmem:$0x1EF00] =	vst v63  }
0xa6: {  	_ =	swait.ge [sflag:s28], $0x2000  }
0xa7: {  	[sflag:s28] =	ssyncset.done $0x0  }
0xa8: {  	s5 =	sadd.s32 $0x2880, s14;
	[sflag:s28] =	ssyncadd.s32 $0xFFFFE000  }
0xa9: {  	[spmem:s3] =	stream.indirect.scatter.add.f32 [tilespmem:s24], [sflag:$0x9], $0x40, s5, s21, $0xb8;
	[tilespmem:$0x1EF00] =	vst v63  }
0xaa: {  	_ =	swait.ge [sflag:s19], $0x2000  }
0xab: {  	[sflag:s19] =	ssyncset.done $0x0  }
0xac: {  	s5 =	sadd.s32 $0x500, s14;
	[sflag:s19] =	ssyncadd.s32 $0xFFFFE000  }
0xad: {  	[tilespmem:s24], [sflag:$0x3] =	stream.indirect.gather [hbm4b:s0+s21], $0x40, s5, s21, $0xb8;
	[tilespmem:$0x1EF00] =	vst v63  }
0xae: {  	_ =	swait.ge [sflag:s30], $0x2000  }
0xaf: {  	[sflag:s30] =	ssyncset.done $0x0  }
0xb0: {  	s5 =	sadd.s32 $0x2900, s14;
	[sflag:s30] =	ssyncadd.s32 $0xFFFFE000  }
0xb1: {  	[spmem:s3] =	stream.indirect.scatter.add.f32 [tilespmem:s26], [sflag:$0x9], $0x40, s5, s21, $0xb8;
	[tilespmem:$0x1EF00] =	vst v63  }
0xb2: {  	_ =	swait.ge [sflag:s19], $0x2000  }
0xb3: {  	[sflag:s19] =	ssyncset.done $0x0  }
0xb4: {  	s5 =	sadd.s32 $0x580, s14;
	[sflag:s19] =	ssyncadd.s32 $0xFFFFE000  }
0xb5: {  	[tilespmem:s26], [sflag:$0x4] =	stream.indirect.gather [hbm4b:s0+s21], $0x40, s5, s21, $0xb8;
	[tilespmem:$0x1EF00] =	vst v63  }
0xb6: {  	_ =	swait.ge [sflag:s1], $0x2000  }
0xb7: {  	[sflag:s1] =	ssyncset.done $0x0  }
0xb8: {  	s5 =	sadd.s32 $0x2980, s14;
	[sflag:s1] =	ssyncadd.s32 $0xFFFFE000  }
0xb9: {  	[spmem:s3] =	stream.indirect.scatter.add.f32 [tilespmem:s29], [sflag:$0x9], $0x40, s5, s21, $0xb8;
	[tilespmem:$0x1EF00] =	vst v63  }
0xba: {  	_ =	swait.ge [sflag:s19], $0x2000  }
0xbb: {  	[sflag:s19] =	ssyncset.done $0x0  }
0xbc: {  	s5 =	sadd.s32 $0x600, s14;
	[sflag:s19] =	ssyncadd.s32 $0xFFFFE000  }
0xbd: {  	[tilespmem:s29], [sflag:$0x5] =	stream.indirect.gather [hbm4b:s0+s21], $0x40, s5, s21, $0xb8;
	[tilespmem:$0x1EF00] =	vst v63  }
0xbe: {  	_ =	swait.ge [sflag:s10], $0x2000  }
0xbf: {  	[sflag:s10] =	ssyncset.done $0x0  }
0xc0: {  	s5 =	sadd.s32 $0x2A00, s14;
	[sflag:s10] =	ssyncadd.s32 $0xFFFFE000  }
0xc1: {  	[spmem:s3] =	stream.indirect.scatter.add.f32 [tilespmem:s31], [sflag:$0x9], $0x40, s5, s21, $0xb8;
	[tilespmem:$0x1EF00] =	vst v63  }
0xc2: {  	_ =	swait.ge [sflag:s19], $0x2000  }
0xc3: {  	[sflag:s19] =	ssyncset.done $0x0  }
0xc4: {  	s5 =	sadd.s32 $0x680, s14;
	[sflag:s19] =	ssyncadd.s32 $0xFFFFE000  }
0xc5: {  	[tilespmem:s31], [sflag:$0x6] =	stream.indirect.gather [hbm4b:s0+s21], $0x40, s5, s21, $0xb8;
	[tilespmem:$0x1EF00] =	vst v63  }
0xc6: {  	_ =	swait.ge [sflag:s11], $0x2000  }
0xc7: {  	[sflag:s11] =	ssyncset.done $0x0  }
0xc8: {  	s5 =	sadd.s32 $0x2A80, s14;
	[sflag:s11] =	ssyncadd.s32 $0xFFFFE000  }
0xc9: {  	[spmem:s3] =	stream.indirect.scatter.add.f32 [tilespmem:s2], [sflag:$0x9], $0x40, s5, s21, $0xb8;
	[tilespmem:$0x1EF00] =	vst v63  }
0xca: {  	_ =	swait.ge [sflag:s19], $0x2000  }
0xcb: {  	[sflag:s19] =	ssyncset.done $0x0  }
0xcc: {  	s5 =	sadd.s32 $0x700, s14;
	[sflag:s19] =	ssyncadd.s32 $0xFFFFE000  }
0xcd: {  	[tilespmem:s2], [sflag:$0x7] =	stream.indirect.gather [hbm4b:s0+s21], $0x40, s5, s21, $0xb8;
	[tilespmem:$0x1EF00] =	vst v63  }
0xce: {  	_ =	swait.ge [sflag:s12], $0x2000  }
.Ltmp1:
0xcf: {  	[sflag:s12] =	ssyncset.done $0x0;
	(pc) =	sbr.rel @p0 .LBB2_4-.Ltmp1, $4  }
0xd0: {  	s5 =	sadd.s32 $0x2B00, s14;
	[sflag:s12] =	ssyncadd.s32 $0xFFFFE000  }
0xd1: {  	[spmem:s3] =	stream.indirect.scatter.add.f32 [tilespmem:s20], [sflag:$0x9], $0x40, s5, s21, $0xb8;
	[tilespmem:$0x1EF00] =	vst v63  }
0xd2: {  	_ =	swait.ge [sflag:s19], $0x2000  }
0xd3: {  	s15 =	smov.u32 s17;
	s14 =	sshra.s32 s16, $0x2;
	[sflag:s19] =	ssyncset.done $0x0  }
0xd4: {  	s5 =	sadd.s32 $0x380, s14;
	[sflag:s19] =	ssyncadd.s32 $0xFFFFE000  }
0xd5: {  	[tilespmem:s20], [sflag:$0x8] =	stream.indirect.gather [hbm4b:s0+s21], $0x40, s5, s21, $0xb8;
	[tilespmem:$0x1EF00] =	vst v63  }
0xd6: {  	_ =	swait.ge [sflag:s23], $0x2000  }
0xd7: {  	[sflag:s23] =	ssyncset.done $0x0  }
0xd8: {  	s16 =	sadd.s32 $0x2780, s14;
	[sflag:s23] =	ssyncadd.s32 $0xFFFFE000  }
0xd9: {  	[spmem:s3] =	stream.indirect.scatter.add.f32 [tilespmem:s18], [sflag:$0x9], $0x40, s16, s21, $0xb8;
	[tilespmem:$0x1EF00] =	vst v63  }
0xda: {  	_ =	swait.ge [sflag:s19], $0x2000  }
0xdb: {  	[sflag:s19] =	ssyncset.done $0x0  }
0xdc: {  	s17 =	sadd.s32 $0x400, s14;
	[sflag:s19] =	ssyncadd.s32 $0xFFFFE000  }
0xdd: {  	[tilespmem:s18], [sflag:$0x1] =	stream.indirect.gather [hbm4b:s0+s21], $0x40, s17, s21, $0xb8;
	[tilespmem:$0x1EF00] =	vst v63  }
0xde: {  	_ =	swait.ge [sflag:s25], $0x2000  }
0xdf: {  	[sflag:s25] =	ssyncset.done $0x0  }
0xe0: {  	s15 =	sadd.s32 $0x2800, s14;
	[sflag:s25] =	ssyncadd.s32 $0xFFFFE000  }
0xe1: {  	[spmem:s3] =	stream.indirect.scatter.add.f32 [tilespmem:s22], [sflag:$0x9], $0x40, s15, s21, $0xb8;
	[tilespmem:$0x1EF00] =	vst v63  }
0xe2: {  	_ =	swait.ge [sflag:s19], $0x2000  }
0xe3: {  	[sflag:s19] =	ssyncset.done $0x0  }
0xe4: {  	s16 =	sadd.s32 $0x480, s14;
	[sflag:s19] =	ssyncadd.s32 $0xFFFFE000  }
0xe5: {  	[tilespmem:s22], [sflag:$0x2] =	stream.indirect.gather [hbm4b:s0+s21], $0x40, s16, s21, $0xb8;
	[tilespmem:$0x1EF00] =	vst v63  }
0xe6: {  	_ =	swait.ge [sflag:s28], $0x2000  }
0xe7: {  	[sflag:s28] =	ssyncset.done $0x0  }
0xe8: {  	s17 =	sadd.s32 $0x2880, s14;
	[sflag:s28] =	ssyncadd.s32 $0xFFFFE000  }
0xe9: {  	[spmem:s3] =	stream.indirect.scatter.add.f32 [tilespmem:s24], [sflag:$0x9], $0x40, s17, s21, $0xb8;
	[tilespmem:$0x1EF00] =	vst v63  }
0xea: {  	_ =	swait.ge [sflag:s19], $0x2000  }
0xeb: {  	[sflag:s19] =	ssyncset.done $0x0  }
0xec: {  	s15 =	sadd.s32 $0x500, s14;
	[sflag:s19] =	ssyncadd.s32 $0xFFFFE000  }
0xed: {  	[tilespmem:s24], [sflag:$0x3] =	stream.indirect.gather [hbm4b:s0+s21], $0x40, s15, s21, $0xb8;
	[tilespmem:$0x1EF00] =	vst v63  }
0xee: {  	_ =	swait.ge [sflag:s30], $0x2000  }
0xef: {  	[sflag:s30] =	ssyncset.done $0x0  }
0xf0: {  	s16 =	sadd.s32 $0x2900, s14;
	[sflag:s30] =	ssyncadd.s32 $0xFFFFE000  }
0xf1: {  	[spmem:s3] =	stream.indirect.scatter.add.f32 [tilespmem:s26], [sflag:$0x9], $0x40, s16, s21, $0xb8;
	[tilespmem:$0x1EF00] =	vst v63  }
0xf2: {  	_ =	swait.ge [sflag:s19], $0x2000  }
0xf3: {  	[sflag:s19] =	ssyncset.done $0x0  }
0xf4: {  	s17 =	sadd.s32 $0x580, s14;
	[sflag:s19] =	ssyncadd.s32 $0xFFFFE000  }
0xf5: {  	[tilespmem:s26], [sflag:$0x4] =	stream.indirect.gather [hbm4b:s0+s21], $0x40, s17, s21, $0xb8;
	[tilespmem:$0x1EF00] =	vst v63  }
0xf6: {  	_ =	swait.ge [sflag:s1], $0x2000  }
0xf7: {  	[sflag:s1] =	ssyncset.done $0x0  }
0xf8: {  	s15 =	sadd.s32 $0x2980, s14;
	[sflag:s1] =	ssyncadd.s32 $0xFFFFE000  }
0xf9: {  	[spmem:s3] =	stream.indirect.scatter.add.f32 [tilespmem:s29], [sflag:$0x9], $0x40, s15, s21, $0xb8;
	[tilespmem:$0x1EF00] =	vst v63  }
0xfa: {  	_ =	swait.ge [sflag:s19], $0x2000  }
0xfb: {  	[sflag:s19] =	ssyncset.done $0x0  }
0xfc: {  	s16 =	sadd.s32 $0x600, s14;
	[sflag:s19] =	ssyncadd.s32 $0xFFFFE000  }
0xfd: {  	[tilespmem:s29], [sflag:$0x5] =	stream.indirect.gather [hbm4b:s0+s21], $0x40, s16, s21, $0xb8;
	[tilespmem:$0x1EF00] =	vst v63  }
0xfe: {  	_ =	swait.ge [sflag:s10], $0x2000  }
0xff: {  	[sflag:s10] =	ssyncset.done $0x0  }
0x100: {  	s17 =	sadd.s32 $0x2A00, s14;
	[sflag:s10] =	ssyncadd.s32 $0xFFFFE000  }
0x101: {  	[spmem:s3] =	stream.indirect.scatter.add.f32 [tilespmem:s31], [sflag:$0x9], $0x40, s17, s21, $0xb8;
	[tilespmem:$0x1EF00] =	vst v63  }
0x102: {  	_ =	swait.ge [sflag:s19], $0x2000  }
0x103: {  	[sflag:s19] =	ssyncset.done $0x0  }
0x104: {  	s15 =	sadd.s32 $0x680, s14;
	[sflag:s19] =	ssyncadd.s32 $0xFFFFE000  }
0x105: {  	[tilespmem:s31], [sflag:$0x6] =	stream.indirect.gather [hbm4b:s0+s21], $0x40, s15, s21, $0xb8;
	[tilespmem:$0x1EF00] =	vst v63  }
0x106: {  	_ =	swait.ge [sflag:s11], $0x2000  }
0x107: {  	[sflag:s11] =	ssyncset.done $0x0  }
0x108: {  	s16 =	sadd.s32 $0x2A80, s14;
	[sflag:s11] =	ssyncadd.s32 $0xFFFFE000  }
0x109: {  	[spmem:s3] =	stream.indirect.scatter.add.f32 [tilespmem:s2], [sflag:$0x9], $0x40, s16, s21, $0xb8;
	[tilespmem:$0x1EF00] =	vst v63  }
0x10a: {  	_ =	swait.ge [sflag:s19], $0x2000  }
0x10b: {  	[sflag:s19] =	ssyncset.done $0x0  }
0x10c: {  	s17 =	sadd.s32 $0x700, s14;
	[sflag:s19] =	ssyncadd.s32 $0xFFFFE000  }
0x10d: {  	[tilespmem:s2], [sflag:$0x7] =	stream.indirect.gather [hbm4b:s0+s21], $0x40, s17, s21, $0xb8;
	[tilespmem:$0x1EF00] =	vst v63  }
0x10e: {  	_ =	swait.ge [sflag:s12], $0x2000  }
0x10f: {  	[sflag:s12] =	ssyncset.done $0x0  }
0x110: {  	s14 =	sadd.s32 $0x2B00, s14;
	[sflag:s12] =	ssyncadd.s32 $0xFFFFE000  }
0x111: {  	[spmem:s3] =	stream.indirect.scatter.add.f32 [tilespmem:s20], [sflag:$0x9], $0x40, s14, s21, $0xb8;
	[tilespmem:$0x1EF00] =	vst v63  }
0x112: {  	_ =	swait.ge [sflag:s19], $0x2000  }
0x113: {  	[sflag:s19] =	ssyncset.done $0x0  }
0x114: {  	[sflag:s19] =	ssyncadd.s32 $0xFFFFE000  }
0x115: {  	_ =	swait.ge [sflag:s23], $0x2000  }
0x116: {  	[sflag:s23] =	ssyncset.done $0x0  }
0x117: {  	s15 =	simm.s32 $0x4B80;
	[sflag:s23] =	ssyncadd.s32 $0xFFFFE000  }
0x118: {  	[spmem:s3] =	stream.indirect.scatter.add.f32 [tilespmem:s18], [sflag:$0x9], $0x40, s15, s21, $0xb8;
	[tilespmem:$0x1EF00] =	vst v63  }
0x119: {  	_ =	swait.ge [sflag:s19], $0x2000  }
0x11a: {  	[sflag:s19] =	ssyncset.done $0x0  }
0x11b: {  	[sflag:s19] =	ssyncadd.s32 $0xFFFFE000  }
0x11c: {  	_ =	swait.ge [sflag:s25], $0x2000  }
0x11d: {  	[sflag:s25] =	ssyncset.done $0x0  }
0x11e: {  	s16 =	simm.s32 $0x4C00;
	[sflag:s25] =	ssyncadd.s32 $0xFFFFE000  }
0x11f: {  	[spmem:s3] =	stream.indirect.scatter.add.f32 [tilespmem:s22], [sflag:$0x9], $0x40, s16, s21, $0xb8;
	[tilespmem:$0x1EF00] =	vst v63  }
0x120: {  	_ =	swait.ge [sflag:s19], $0x2000  }
0x121: {  	[sflag:s19] =	ssyncset.done $0x0  }
0x122: {  	[sflag:s19] =	ssyncadd.s32 $0xFFFFE000  }
0x123: {  	_ =	swait.ge [sflag:s28], $0x2000  }
0x124: {  	[sflag:s28] =	ssyncset.done $0x0  }
0x125: {  	s17 =	simm.s32 $0x4C80;
	[sflag:s28] =	ssyncadd.s32 $0xFFFFE000  }
0x126: {  	[spmem:s3] =	stream.indirect.scatter.add.f32 [tilespmem:s24], [sflag:$0x9], $0x40, s17, s21, $0xb8;
	[tilespmem:$0x1EF00] =	vst v63  }
0x127: {  	_ =	swait.ge [sflag:s19], $0x2000  }
0x128: {  	[sflag:s19] =	ssyncset.done $0x0  }
0x129: {  	[sflag:s19] =	ssyncadd.s32 $0xFFFFE000  }
0x12a: {  	_ =	swait.ge [sflag:s30], $0x2000  }
0x12b: {  	[sflag:s30] =	ssyncset.done $0x0  }
0x12c: {  	s14 =	simm.s32 $0x4D00;
	[sflag:s30] =	ssyncadd.s32 $0xFFFFE000  }
0x12d: {  	[spmem:s3] =	stream.indirect.scatter.add.f32 [tilespmem:s26], [sflag:$0x9], $0x40, s14, s21, $0xb8;
	[tilespmem:$0x1EF00] =	vst v63  }
0x12e: {  	_ =	swait.ge [sflag:s19], $0x2000  }
0x12f: {  	[sflag:s19] =	ssyncset.done $0x0  }
0x130: {  	[sflag:s19] =	ssyncadd.s32 $0xFFFFE000  }
0x131: {  	_ =	swait.ge [sflag:s1], $0x2000  }
0x132: {  	[sflag:s1] =	ssyncset.done $0x0  }
0x133: {  	s15 =	simm.s32 $0x4D80;
	[sflag:s1] =	ssyncadd.s32 $0xFFFFE000  }
0x134: {  	[spmem:s3] =	stream.indirect.scatter.add.f32 [tilespmem:s29], [sflag:$0x9], $0x40, s15, s21, $0xb8;
	[tilespmem:$0x1EF00] =	vst v63  }
0x135: {  	_ =	swait.ge [sflag:s19], $0x2000  }
0x136: {  	[sflag:s19] =	ssyncset.done $0x0  }
0x137: {  	[sflag:s19] =	ssyncadd.s32 $0xFFFFE000  }
0x138: {  	_ =	swait.ge [sflag:s10], $0x2000  }
0x139: {  	[sflag:s10] =	ssyncset.done $0x0  }
0x13a: {  	s16 =	simm.s32 $0x4E00;
	[sflag:s10] =	ssyncadd.s32 $0xFFFFE000  }
0x13b: {  	[spmem:s3] =	stream.indirect.scatter.add.f32 [tilespmem:s31], [sflag:$0x9], $0x40, s16, s21, $0xb8;
	[tilespmem:$0x1EF00] =	vst v63  }
0x13c: {  	_ =	swait.ge [sflag:s19], $0x2000  }
0x13d: {  	[sflag:s19] =	ssyncset.done $0x0  }
0x13e: {  	[sflag:s19] =	ssyncadd.s32 $0xFFFFE000  }
0x13f: {  	_ =	swait.ge [sflag:s11], $0x2000  }
0x140: {  	[sflag:s11] =	ssyncset.done $0x0  }
0x141: {  	s17 =	simm.s32 $0x4E80;
	[sflag:s11] =	ssyncadd.s32 $0xFFFFE000  }
0x142: {  	[spmem:s3] =	stream.indirect.scatter.add.f32 [tilespmem:s2], [sflag:$0x9], $0x40, s17, s21, $0xb8;
	[tilespmem:$0x1EF00] =	vst v63  }
0x143: {  	_ =	swait.ge [sflag:s19], $0x2000  }
0x144: {  	[sflag:s19] =	ssyncset.done $0x0  }
0x145: {  	[sflag:s19] =	ssyncadd.s32 $0xFFFFE000  }
0x146: {  	[bflag:$0x0] =	sbarrier.arrive $0xFFFF  }
0x147: {  	[tilespmem:s18], [sflag:$0x9] =	stream.linear.gather [spmem:s6], $0x2000, $0x38;
	[tilespmem:$0x1EF00] =	vst v63  }
0x148: {  	_ =	swait.ge [sflag:s19], $0x2000  }
0x149: {  	[sflag:s19] =	ssyncset.done $0x0  }
0x14a: {  	s14 =	rddreg [dreg:$0x7];
	[sflag:s19] =	ssyncadd.s32 $0xFFFFE000  }
0x14b: {  	[hbm4b:s14+s13] =	stream.strided.scatter [tilespmem:s18], [sflag:$0x9], $0x2000, s21, s13, $0x38;
	[tilespmem:$0x1EF00] =	vst v63  }
0x14c: {  	_ =	swait.ge [sflag:s19], $0x2000  }
0x14d: {  	[sflag:s19] =	ssyncset.done $0x0  }
0x14e: {  	[sflag:s19] =	ssyncadd.s32 $0xFFFFE000  }
0x14f: {  	[tilespmem:s18], [sflag:$0x9] =	stream.linear.gather [spmem:s7], $0x2000, $0x38;
	[tilespmem:$0x1EF00] =	vst v63  }
0x150: {  	_ =	swait.ge [sflag:s19], $0x2000  }
0x151: {  	[sflag:s19] =	ssyncset.done $0x0  }
0x152: {  	s15 =	rddreg [dreg:$0x8];
	[sflag:s19] =	ssyncadd.s32 $0xFFFFE000  }
0x153: {  	[hbm4b:s15+s13] =	stream.strided.scatter [tilespmem:s18], [sflag:$0x9], $0x2000, s21, s13, $0x38;
	[tilespmem:$0x1EF00] =	vst v63  }
0x154: {  	_ =	swait.ge [sflag:s19], $0x2000  }
0x155: {  	[sflag:s19] =	ssyncset.done $0x0  }
0x156: {  	s16 =	rddreg [dreg:$0x4];
	[sflag:s19] =	ssyncadd.s32 $0xFFFFE000  }
0x157: {  	[tilespmem:s18], [sflag:$0x9] =	stream.linear.gather [spmem:s16], $0x2000, $0x38;
	[tilespmem:$0x1EF00] =	vst v63  }
0x158: {  	_ =	swait.ge [sflag:s19], $0x2000  }
0x159: {  	[sflag:s19] =	ssyncset.done $0x0  }
0x15a: {  	s17 =	smov.u32 s7;
	s7 =	rddreg [dreg:$0x9];
	[sflag:s19] =	ssyncadd.s32 $0xFFFFE000  }
0x15b: {  	[hbm4b:s7+s13] =	stream.strided.scatter [tilespmem:s18], [sflag:$0x9], $0x2000, s21, s13, $0x38;
	[tilespmem:$0x1EF00] =	vst v63  }
0x15c: {  	_ =	swait.ge [sflag:s19], $0x2000  }
0x15d: {  	[sflag:s19] =	ssyncset.done $0x0  }
0x15e: {  	[sflag:s19] =	ssyncadd.s32 $0xFFFFE000  }
0x15f: {  	[tilespmem:s18], [sflag:$0x9] =	stream.linear.gather [spmem:s8], $0x2000, $0x38;
	[tilespmem:$0x1EF00] =	vst v63  }
0x160: {  	_ =	swait.ge [sflag:s19], $0x2000  }
0x161: {  	[sflag:s19] =	ssyncset.done $0x0  }
0x162: {  	s14 =	rddreg [dreg:$0xa];
	[sflag:s19] =	ssyncadd.s32 $0xFFFFE000  }
0x163: {  	[hbm4b:s14+s13] =	stream.strided.scatter [tilespmem:s18], [sflag:$0x9], $0x2000, s21, s13, $0x38;
	[tilespmem:$0x1EF00] =	vst v63  }
0x164: {  	_ =	swait.ge [sflag:s19], $0x2000  }
0x165: {  	[sflag:s19] =	ssyncset.done $0x0  }
0x166: {  	[sflag:s19] =	ssyncadd.s32 $0xFFFFE000  }
0x167: {  	[tilespmem:s18], [sflag:$0x9] =	stream.linear.gather [spmem:s9], $0x2000, $0x38;
	[tilespmem:$0x1EF00] =	vst v63  }
0x168: {  	_ =	swait.ge [sflag:s19], $0x2000  }
0x169: {  	[sflag:s19] =	ssyncset.done $0x0  }
0x16a: {  	s15 =	rddreg [dreg:$0xb];
	[sflag:s19] =	ssyncadd.s32 $0xFFFFE000  }
0x16b: {  	[hbm4b:s15+s13] =	stream.strided.scatter [tilespmem:s18], [sflag:$0x9], $0x2000, s21, s13, $0x38;
	[tilespmem:$0x1EF00] =	vst v63  }
0x16c: {  	_ =	swait.ge [sflag:s19], $0x2000  }
0x16d: {  	s4 =	sadd.s32 $0x1, s4;
	s16 =	rddreg [dreg:$0xc]  }
0x16e: {  	p0 =	sne.s32 s4, s16  }
.Ltmp2:
0x16f: {  	_ = 	snop;
	(pc) =	sbr.rel @p0 .LBB2_1-.Ltmp2, $3  }
0x170: {  	_ =	sdelay $0x1  }
0x171: {  	[sflag:s19] =	ssyncset.done $0x0  }
0x172: {  	s5 =	smov.u32 s6;
	[sflag:s19] =	ssyncadd.s32 $0xFFFFE000  }
0x173: {  	_ =	sfence.sel $0x180000  }
0x174: {  	[bflag:$0x0] =	sbarrier.arrive $0xFFFF  }
0x175: {  	_ =	strace $0x9000004A  }
0x176: {  	s0 =	stileid.u32;
	[bflag:$0x2] =	sbarrier.arrive $0xFFFF  }
0x177: {  	p0 =	sne.s32 s0, $0x0;
	s0 =	rddreg [dreg:$0x3]  }
0x178: {  	s0 =	sadd.s32 @!p0 $0x100000, s0  }
0x179: {  	[sflag:s0] =	ssyncadd.tile.s32 @!p0 $0x1;
	_ =	shalt  }
.Lfunc_end2:
_tile_overlayer_lowered:
.L_overlay_start_2:
0x17a: {  	(tag) =	ssettag $0x2  }
0x17b: {  	s0 =	rddreg [dreg:$0x0];
	s2 =	stileid.u32  }
0x17c: {  	s1 =	rddreg [dreg:$0x1];
	p0 =	sne.s32 s2, $0x0  }
0x17d: {  	s3 =	rddreg [dreg:$0x2];
	[bflag:$0x3] =	sbarrier.arrive $0xFFFF;
	s2 =	simm.s32 @!p0 $0x1C09  }
0x17e: {  	[timem:s3], [sflag:s2] =	dma.local @!p0 [hbm:s0], s1  }
0x17f: {  	s0 =	simm.s32 @!p0 $0x9  }
0x180: {  	_ =	swait.ge @!p0 [sflag:s0], s1  }
0x181: {  	s1 =	ssub.s32 @!p0 $0x0, s1;
	[sflag:s0] =	ssyncset.done @!p0 $0x0  }
0x182: {  	[sflag:s0] =	ssyncadd.s32 @!p0 s1  }
0x183: {  	[bflag:$0x3] =	sbarrier.arrive $0xFFFF  }
0x184: {  	_ =	shalt  }

// kernel: kernel.14.cloned.1.call-start
scs
__scs_entry_jumppad:
0x0: {  	(pc) =	sbr.rel $0x88, $3  }
0x1: {  	(tag) =	ssettag $0x0;
	lr =	simm.s32 $0x1  }
0x2: {  	[smem:$0x3F95] =	sst lr;
	_ =	strace $0xD0000000  }
0x3: {  	_ = 	snop  }
0x4: {  	_ = 	snop  }
0x5: {  	_ = 	snop  }
0x6: {  	_ = 	snop  }
0x7: {  	_ = 	snop  }
__scs_overlays_trampoline_lowered:
0x8: {  	[smem:$0x3FA4] =	sst s0  }
0x9: {  	[smem:$0x3FA5] =	sst s1  }
0xa: {  	[smem:$0x3FA6] =	sst s2  }
0xb: {  	[smem:$0x3FA7] =	sst s3  }
0xc: {  	[smem:$0x3FA8] =	sst s4  }
0xd: {  	[smem:$0x3FA9] =	sst s5  }
0xe: {  	[smem:$0x3FAA] =	sst s6  }
0xf: {  	[smem:$0x3FAB] =	sst s7  }
0x10: {  	[smem:$0x3FAC] =	sst s8  }
0x11: {  	[smem:$0x3FAD] =	sst s9;
	s0 =	simm.s32 @!p0 $0x0  }
0x12: {  	s1 =	sld [smem:$0x3F93];
	s0 =	simm.s32 @p0 $0x1  }
0x13: {  	[smem:$0x3FAE] =	sst s0;
	s0 =	simm.s32 @!p1 $0x0  }
0x14: {  	s2 =	sld [smem:$0x3F92];
	s0 =	simm.s32 @p1 $0x1  }
0x15: {  	[smem:$0x3FAF] =	sst s0;
	s0 =	simm.s32 @!p2 $0x0  }
0x16: {  	s3 =	sld [smem:$0x3FDB];
	s0 =	simm.s32 @p2 $0x1  }
0x17: {  	s4 =	simm.s32 $0x1BF5;
	[smem:$0x3FB1] =	sst s0  }
0x18: {  	s0 =	sld [smem:$0x3F94];
	_ =	swait.ge [sflag:s4], $0x0  }
0x19: {  	s7 =	sld [smem:$0x3F95]  }
0x1a: {  	s8 =	sadd.s32 $0xFFFFE003, lr  }
0x1b: {  	s9 =	sadd.s32 $0xFFFFFEF7, lr;
	s5 =	simm.s32 $0xFFFFFFFF;
	p2 =	slt.u32 s8, $0xFFFFF086  }
0x1c: {  	p1 =	slt.u32 s9, $0xF7A;
	s5 =	simm.s32 @!p2 $0x0  }
0x1d: {  	s5 =	simm.s32 @p1 $0x1;
	p0 =	seq.s32 s7, s2  }
0x1e: {  	s7 =	smul.u32 @!p0 $0xF7A, s2;
	p2 =	seq.s32 @!p0 s5, $0x0  }
0x1f: {  	s9 =	smul.u32 $0xF7A, s1;
	s8 =	simm.s32 @!p0 $0x1BF5;
	p2 =	por !p2, p0  }
0x20: {  	[sflag:s8] =	ssyncset.s32 @!p0 $0xFFFFF086;
	s6 =	sadd.s32 @!p0 s3, s7;
	s7 =	simm.s32 @!p0 $0x108  }
0x21: {  	s3 =	sadd.s32 s3, s9;
	s6 =	sadd.s32 @!p0 $0x88, s6;
	s7 =	simm.s32 @p2 $0x1082  }
0x22: {  	[simem:s7], [sflag:s8] =	dma.local @!p0 [hbm:s6], $0xF7A  }
0x23: {  	s9 =	sor.u32 $0xD0000000, s2;
	s6 =	simm.s32 $0x108;
	_ =	swait.ge @!p0 [sflag:s8], $0x0  }
0x24: {  	s3 =	sadd.s32 $0x88, s3;
	s6 =	simm.s32 @!p1 $0x1082;
	[sflag:s4] =	ssyncset.s32 $0xFFFFF086  }
0x25: {  	[simem:s6], [sflag:s4] =	dma.local [hbm:s3], $0xF7A  }
0x26: {  	[smem:$0x3F95] =	sst s1;
	(tag) =	ssettag s2;
	_ =	strace s9  }
0x27: {  	s1 =	sld [smem:$0x3FA5]  }
0x28: {  	s2 =	sld [smem:$0x3FA6]  }
0x29: {  	s4 =	sld [smem:$0x3FA8]  }
0x2a: {  	p0 =	seq.s32 s5, $0x0;
	s5 =	sld [smem:$0x3FA9]  }
0x2b: {  	s6 =	sld [smem:$0x3FAA]  }
0x2c: {  	s7 =	sld [smem:$0x3FAB]  }
0x2d: {  	s3 =	simm.s32 $0x108;
	s8 =	sld [smem:$0x3FAC]  }
0x2e: {  	s3 =	simm.s32 @!p0 $0x1082;
	s9 =	sld [smem:$0x3FAD]  }
0x2f: {  	lr =	sadd.s32 s0, s3;
	s0 =	sld [smem:$0x3FA4]  }
0x30: {  	s3 =	sld [smem:$0x3FA7]  }
0x31: {  	[smem:$0x3FB0] =	sst s10  }
0x32: {  	s10 =	sld [smem:$0x3FAE];
	_ =	sdelay $0x3  }
0x33: {  	p0 =	seq.s32 s10, $0x1;
	s10 =	sld [smem:$0x3FB0];
	_ =	sdelay $0x3  }
0x34: {  	[smem:$0x3FB0] =	sst s10  }
0x35: {  	s10 =	sld [smem:$0x3FAF];
	_ =	sdelay $0x3  }
0x36: {  	p1 =	seq.s32 s10, $0x1;
	s10 =	sld [smem:$0x3FB0];
	_ =	sdelay $0x3  }
0x37: {  	[smem:$0x3FB0] =	sst s10  }
0x38: {  	s10 =	sld [smem:$0x3FB1]  }
0x39: {  	_ = 	snop;
	(pc) =	sbr.ind lr, $3  }
0x3a: {  	_ = 	snop  }
0x3b: {  	_ = 	snop  }
0x3c: {  	p2 =	seq.s32 s10, $0x1;
	s10 =	sld [smem:$0x3FB0]  }
0x3d: {  	_ =	shalt  }
0x3e: {  	_ =	shalt  }
0x3f: {  	_ =	shalt  }
0x40: {  	_ =	shalt  }
0x41: {  	_ =	shalt  }
0x42: {  	_ =	shalt  }
0x43: {  	_ =	shalt  }
0x44: {  	_ =	shalt  }
0x45: {  	_ =	shalt  }
0x46: {  	_ =	shalt  }
0x47: {  	_ =	shalt  }
0x48: {  	_ =	shalt  }
0x49: {  	_ =	shalt  }
0x4a: {  	_ =	shalt  }
0x4b: {  	_ =	shalt  }
0x4c: {  	_ =	shalt  }
0x4d: {  	_ =	shalt  }
0x4e: {  	_ =	shalt  }
0x4f: {  	_ =	shalt  }
0x50: {  	_ =	shalt  }
0x51: {  	_ =	shalt  }
0x52: {  	_ =	shalt  }
0x53: {  	_ =	shalt  }
0x54: {  	_ =	shalt  }
0x55: {  	_ =	shalt  }
0x56: {  	_ =	shalt  }
0x57: {  	_ =	shalt  }
0x58: {  	_ =	shalt  }
0x59: {  	_ =	shalt  }
0x5a: {  	_ =	shalt  }
0x5b: {  	_ =	shalt  }
0x5c: {  	_ =	shalt  }
0x5d: {  	_ =	shalt  }
0x5e: {  	_ =	shalt  }
0x5f: {  	_ =	shalt  }
0x60: {  	_ =	shalt  }
0x61: {  	_ =	shalt  }
0x62: {  	_ =	shalt  }
0x63: {  	_ =	shalt  }
0x64: {  	_ =	shalt  }
0x65: {  	_ =	shalt  }
0x66: {  	_ =	shalt  }
0x67: {  	_ =	shalt  }
0x68: {  	_ =	shalt  }
0x69: {  	_ =	shalt  }
0x6a: {  	_ =	shalt  }
0x6b: {  	_ =	shalt  }
0x6c: {  	_ =	shalt  }
0x6d: {  	_ =	shalt  }
0x6e: {  	_ =	shalt  }
0x6f: {  	_ =	shalt  }
0x70: {  	_ =	shalt  }
0x71: {  	_ =	shalt  }
0x72: {  	_ =	shalt  }
0x73: {  	_ =	shalt  }
0x74: {  	_ =	shalt  }
0x75: {  	_ =	shalt  }
0x76: {  	_ =	shalt  }
0x77: {  	_ =	shalt  }
0x78: {  	_ =	shalt  }
0x79: {  	_ =	shalt  }
0x7a: {  	_ =	shalt  }
0x7b: {  	_ =	shalt  }
0x7c: {  	_ =	shalt  }
0x7d: {  	_ =	shalt  }
0x7e: {  	_ =	shalt  }
0x7f: {  	_ =	shalt  }
0x80: {  	_ =	shalt  }
0x81: {  	_ =	shalt  }
0x82: {  	_ =	shalt  }
0x83: {  	_ =	shalt  }
0x84: {  	_ =	shalt  }
0x85: {  	_ =	shalt  }
0x86: {  	_ =	shalt  }
0x87: {  	_ =	shalt  }
.Lfunc_end0:
.L_simem_size_0:
called_computation.2_lowered:
.L_overlay_start_0:
0x88: {  	s2 =	sld [smem:$0x3FD9]  }
0x89: {  	s3 =	sld [smem:$0x3FFE];
	_ =	sdelay $0x1  }
0x8a: {  	s1 =	srdreg.scid  }
0x8b: {  	s0 =	sand.u32 $0x1, s1  }
0x8c: {  	s14 =	sshll.u32 s0, $0xA;
	s2 =	sadd.s32 s3, s2  }
0x8d: {  	s2 =	sadd.s32 s2, s14  }
0x8e: {  	[smem:$0x3FBC] =	sst s2  }
0x8f: {  	_ = 	snop  }
0x90: {  	s2 =	sld [smem:$0x3FD0];
	_ =	sdelay $0x2  }
0x91: {  	s15 =	simm.s32 $0xA;
	s4 =	simm.s32 $0x10  }
0x92: {  	[smem:s4], [sflag:s15] =	dma.local [hbm:s2], $0x1  }
0x93: {  	_ =	swait.eq [sflag:s15], $0x1  }
0x94: {  	[sflag:s15] =	ssyncset.done $0x0  }
0x95: {  	[sflag:s15] =	ssyncadd.s32 $0xFFFFFFFF  }
0x96: {  	s16 =	sld [smem:$0x11];
	(tm) =	ssettm $0x1  }
0x97: {  	s17 =	sld [smem:$0x3FFB];
	_ =	sdelay $0x3  }
0x98: {  	_ =	strace s17  }
0x99: {  	s3 =	sld [smem:$0x3FFC];
	_ =	sdelay $0x3  }
0x9a: {  	_ =	strace s3  }
0x9b: {  	s3 =	sld [smem:$0x3FFD];
	_ =	sdelay $0x3  }
0x9c: {  	_ =	strace s3  }
0x9d: {  	_ =	strace $0x8FFFFFFF  }
0x9e: {  	s18 =	sld [smem:$0x3FDB];
	_ =	sdelay $0x1  }
0x9f: {  	s19 =	simm.s32 $_scs_section_size  }
0xa0: {  	s5 =	simm.s32 $_size__tile_overlayer_lowered;
	s6 =	simm.s32 $_tile_overlayer_lowered  }
0xa1: {  	s22 =	simm.s32 $0x1BFF;
	s21 =	sshll.u32 s6, $0x1;
	s3 =	sadd.s32 s19, s18  }
0xa2: {  	s7 =	simm.s32 $0x0;
	s20 =	sshll.u32 s5, $0x1;
	s5 =	sadd.s32 s21, s3  }
0xa3: {  	[timem:s7], [sflag:s22] =	dma.local [hbm:s5], s20  }
0xa4: {  	_ =	swait.ge [sflag:s22], s20  }
0xa5: {  	s4 =	ssub.s32 $0x0, s20;
	[sflag:s22] =	ssyncset.done $0x0  }
0xa6: {  	[sflag:s22] =	ssyncadd.s32 s4;
	_ =	sdelay $0x1  }
0xa7: {  	s23 =	simm.s32 $0x1B8B  }
0xa8: {  	_ =	swait.ge [sflag:s23], $0x1  }
0xa9: {  	[sflag:s23] =	ssyncset.done $0x0  }
0xaa: {  	s25 =	simm.s32 $0x1B8E;
	s24 =	sld [smem:$0x3FFE];
	[sflag:s23] =	ssyncadd.s32 $0xFFFFFFFF  }
0xab: {  	s26 =	simm.s32 $execute0_lowered;
	[smem:$0x3FD2] =	sst s25  }
0xac: {  	s5 =	sshll.u32 s26, $0x1;
	_ =	strace $0x8000004C;
	[dreg:$0x1] =	wrdreg $0xFFFFFFFF  }
0xad: {  	s28 =	simm.s32 $_size_execute0_lowered;
	s3 =	sadd.s32 s3, s5;
	[dreg:$0x0] =	wrdreg $0x0  }
0xae: {  	s5 =	sshll.u32 s28, $0x1;
	[dreg:$0x2] =	wrdreg s3  }
0xaf: {  	[dreg:$0x3] =	wrdreg s5  }
0xb0: {  	[dreg:$0x4] =	wrdreg $0xC0  }
0xb1: {  	_ =	task [dreg:s7], $0x5FFFF  }
0xb2: {  	[dreg:$0x1] =	wrdreg $0xFFFFFFFF  }
0xb3: {  	[dreg:$0x0] =	wrdreg $0x60  }
0xb4: {  	[dreg:$0x2] =	wrdreg s16  }
0xb5: {  	[dreg:$0x3] =	wrdreg s24  }
0xb6: {  	[dreg:$0x4] =	wrdreg $0xCF000  }
0xb7: {  	[dreg:$0x5] =	wrdreg $0x9  }
0xb8: {  	_ =	task.clear_ibuf [dreg:s7], $0x6FFFF;
	_ =	strace $0x9000004C  }
0xb9: {  	s29 =	simm.s32 $0x9;
	_ =	strace $0x8000004E  }
0xba: {  	_ =	swait.ge [sflag:s29], $0x1  }
0xbb: {  	[sflag:s29] =	ssyncadd.s32 $0xFFFFFFFF  }
0xbc: {  	_ =	strace $0x9000004E  }
0xbd: {  	_ =	sfence  }
0xbe: {  	s30 =	sld [smem:$0x0];
	_ =	sdelay $0x2  }
0xbf: {  	s31 =	sshll.u32 s1, $0xD;
	s1 =	sshrl.u32 s1, $0x2  }
0xc0: {  	s3 =	sand.u32 $0x4000, s31;
	s1 =	sadd.s32 s1, s30  }
0xc1: {  	s0 =	sor.u32 s3, s0;
	s1 =	sshll.u32 s1, $0x11  }
0xc2: {  	s0 =	sor.u32 s1, s0  }
0xc3: {  	s0 =	sadd.s32 $0x8F2B, s0  }
0xc4: {  	[sflag:s0] =	ssyncadd.remote.s32 $0x1  }
0xc5: {  	_ =	sfence.sel $0xFFFF  }
0xc6: {  	[dreg:$0x0] =	wrdreg $0xFFFFFFFF;
	(pc) =	sbr.abs _section_cstart, $3  }
0xc7: {  	[dreg:$0x1] =	wrdreg $0xFFFFFFFF  }
0xc8: {  	_ =	task.clear_ibuf [dreg:s7], $0x2FFFF;
	_ =	strace $0x9FFFFFFF  }
0xc9: {  	(tm) =	ssettm $0x7FFFFFFF  }
tec
execute0_lowered:
.L_overlay_start_1:
0x0: {  	(tag) =	ssettag $0x1  }
0x1: {  	s0 =	rddreg [dreg:$0x0]  }
0x2: {  	s2 =	rddreg [dreg:$0x1]  }
0x3: {  	s1 =	srdreg.scid;
	s3 =	rddreg [dreg:$0x2]  }
0x4: {  	s7 =	stileid.u32;
	s4 =	simm.s32 $0x0;
	s29 =	simm.s32 $0x8F00  }
0x5: {  	s31 =	simm.s32 $0x9F00;
	s28 =	simm.s32 $0x3;
	s30 =	simm.s32 $0x4  }
0x6: {  	s1 =	sand.u32 $0x1, s1;
	[smem:$0x7FF] =	sst s4;
	s10 =	smul.u32 $0x14000, s7  }
0x7: {  	s5 =	sshll.u32 s1, $0x4;
	_ =	strace $0x8000004D;
	s6 =	ssub.s32 $0x2, s1  }
0x8: {  	s1 =	sshll.u32 s1, $0x5;
	s5 =	sor.u32 s7, s5;
	s26 =	sshrl.u32 s6, $0x1  }
0x9: {  	s7 =	sshrl.u32 s10, $0x2;
	s13 =	sadd.s32 $0x4000, s10;
	s14 =	sadd.s32 $0x8000, s10  }
0xa: {  	s15 =	sadd.s32 $0xC000, s10;
	s5 =	smul.u32 $0x4F0, s5;
	s12 =	ssub.s32 s6, s26  }
0xb: {  	s8 =	sshrl.u32 s13, $0x2;
	s9 =	sshrl.u32 s14, $0x2;
	s13 =	sor.u32 s1, s13  }
0xc: {  	s22 =	sor.u32 s1, s14;
	s23 =	sor.u32 s1, s15;
	s17 =	sadd.s32 s8, s3  }
0xd: {  	s16 =	sadd.s32 s9, s3;
	s8 =	sshrl.u32 s15, $0x2;
	s13 =	sshrl.u32 s13, $0x3  }
0xe: {  	s26 =	smax.u32 s12, $0x1;
	s12 =	simm.s32 $0x8;
	s11 =	sadd.s32 s5, s2  }
0xf: {  	s2 =	sadd.s32 $0x17000, s2;
	s5 =	sadd.s32 s7, s3;
	[dreg:$0x4] =	wrdreg s16  }
0x10: {  	s16 =	sadd.s32 $0x10000, s10;
	s8 =	sadd.s32 s8, s3;
	s10 =	sor.u32 s1, s10  }
0x11: {  	[dreg:$0xc] =	wrdreg s26;
	s26 =	simm.s32 $0x7F00;
	s9 =	sshrl.u32 s16, $0x2  }
0x12: {  	s18 =	sadd.s32 $0x3400, s11;
	s10 =	sshrl.u32 s10, $0x3;
	s19 =	sadd.s32 $0xD200, s11  }
0x13: {  	s21 =	sadd.s32 s2, s13;
	s1 =	sor.u32 s1, s16;
	s11 =	sshrl.u32 s23, $0x3  }
0x14: {  	s23 =	simm.s32 $0x1;
	s13 =	simm.s32 $0x20;
	[dreg:$0x5] =	wrdreg s18  }
0x15: {  	s9 =	sadd.s32 s9, s3;
	[dreg:$0x6] =	wrdreg s19;
	s20 =	sadd.s32 s2, s10  }
0x16: {  	[dreg:$0x8] =	wrdreg s21;
	s10 =	sshrl.u32 s22, $0x3;
	s1 =	sshrl.u32 s1, $0x3  }
0x17: {  	s25 =	sadd.s32 s2, s11;
	s18 =	simm.s32 $0x4F00;
	s19 =	simm.s32 $0x9  }
0x18: {  	s21 =	simm.s32 $0x80;
	s22 =	simm.s32 $0x5F00;
	[dreg:$0x7] =	wrdreg s20  }
0x19: {  	s11 =	simm.s32 $0x7;
	s24 =	sadd.s32 s2, s10;
	[dreg:$0xa] =	wrdreg s25  }
0x1a: {  	s1 =	sadd.s32 s2, s1;
	s2 =	simm.s32 $0xAF00;
	s20 =	simm.s32 $0xBF00  }
0x1b: {  	s25 =	simm.s32 $0x2;
	s10 =	simm.s32 $0x6;
	[dreg:$0x9] =	wrdreg s24  }
0x1c: {  	v0 =	vimm.f32 $0.0e+00;
	[dreg:$0xb] =	wrdreg s1;
	s24 =	simm.s32 $0x6F00;
	s1 =	simm.s32 $0x5  }
.LBB2_1:
0x1d: {  	s14 =	simm.s32 $0x80;
	s15 =	simm.s32 $0x0  }
.LBB2_2:
0x1e: {  	p0 =	sne.s32 s14, $0x3F80;
	[tilespmem:s15+$0x4F00] =	vst v0;
	s16 =	smov.u32 s14;
	s14 =	sadd.s32 $0x80, s14  }
.Ltmp0:
0x1f: {  	[tilespmem:s15+$0x4F10] =	vst v0;
	(pc) =	sbr.rel @p0 .LBB2_2-.Ltmp0, $2  }
0x20: {  	_ =	sdelay $0x2  }
0x21: {  	s15 =	sshra.s32 s16, $0x2  }
0x22: {  	[tilespmem:s15+$0x4F00] =	vst v0  }
0x23: {  	[tilespmem:s15+$0x4F10] =	vst v0  }
0x24: {  	[spmem:s5] =	stream.linear.scatter [tilespmem:s18], [sflag:$0x9], $0x1000, $0x38;
	[tilespmem:$0x11F00] =	vst v63  }
0x25: {  	_ =	swait.ge [sflag:s19], $0x1000  }
0x26: {  	[sflag:s19] =	ssyncset.done $0x0  }
0x27: {  	[sflag:s19] =	ssyncadd.s32 $0xFFFFF000  }
0x28: {  	[spmem:s17] =	stream.linear.scatter [tilespmem:s18], [sflag:$0x9], $0x1000, $0x38;
	[tilespmem:$0x11F00] =	vst v63  }
0x29: {  	_ =	swait.ge [sflag:s19], $0x1000  }
0x2a: {  	[sflag:s19] =	ssyncset.done $0x0  }
0x2b: {  	s16 =	rddreg [dreg:$0x4];
	[sflag:s19] =	ssyncadd.s32 $0xFFFFF000  }
0x2c: {  	[spmem:s16] =	stream.linear.scatter [tilespmem:s18], [sflag:$0x9], $0x1000, $0x38;
	[tilespmem:$0x11F00] =	vst v63  }
0x2d: {  	_ =	swait.ge [sflag:s19], $0x1000  }
0x2e: {  	[sflag:s19] =	ssyncset.done $0x0  }
0x2f: {  	[sflag:s19] =	ssyncadd.s32 $0xFFFFF000  }
0x30: {  	[spmem:s8] =	stream.linear.scatter [tilespmem:s18], [sflag:$0x9], $0x1000, $0x38;
	[tilespmem:$0x11F00] =	vst v63  }
0x31: {  	_ =	swait.ge [sflag:s19], $0x1000  }
0x32: {  	[sflag:s19] =	ssyncset.done $0x0  }
0x33: {  	[sflag:s19] =	ssyncadd.s32 $0xFFFFF000  }
0x34: {  	[spmem:s9] =	stream.linear.scatter [tilespmem:s18], [sflag:$0x9], $0x1000, $0x38;
	[tilespmem:$0x11F00] =	vst v63  }
0x35: {  	_ =	swait.ge [sflag:s19], $0x1000  }
0x36: {  	s7 =	smov.u32 s17;
	[sflag:s19] =	ssyncset.done $0x0  }
0x37: {  	s14 =	simm.s32 $0x0;
	s17 =	rddreg [dreg:$0x5];
	[sflag:s19] =	ssyncadd.s32 $0xFFFFF000  }
0x38: {  	[tilespmem:s14], [sflag:$0x9] =	stream.linear.gather [hbm4b:s17+s14], $0x2780, $0x38;
	[tilespmem:$0x11F00] =	vst v63  }
0x39: {  	_ =	swait.ge [sflag:s19], $0x2780  }
0x3a: {  	[sflag:s19] =	ssyncset.done $0x0  }
0x3b: {  	s16 =	simm.s32 $0x2780;
	s15 =	rddreg [dreg:$0x6];
	[sflag:s19] =	ssyncadd.s32 $0xFFFFD880  }
0x3c: {  	[tilespmem:s16], [sflag:$0x9] =	stream.linear.gather [hbm4b:s15+s14], $0x2780, $0x38;
	[tilespmem:$0x11F00] =	vst v63  }
0x3d: {  	_ =	swait.ge [sflag:s19], $0x2780  }
0x3e: {  	[sflag:s19] =	ssyncset.done $0x0  }
0x3f: {  	[sflag:s19] =	ssyncadd.s32 $0xFFFFD880  }
0x40: {  	[bflag:$0x0] =	sbarrier.arrive $0xFFFF  }
0x41: {  	[tilespmem:s18], [sflag:$0x1] =	stream.indirect.gather [hbm4b:s0+s21], $0x20, s14, s21, $0xb8;
	[tilespmem:$0x11F00] =	vst v63  }
0x42: {  	_ = 	snop  }
0x43: {  	[tilespmem:s22], [sflag:$0x2] =	stream.indirect.gather [hbm4b:s0+s21], $0x20, s21, s21, $0xb8;
	[tilespmem:$0x11F00] =	vst v63  }
0x44: {  	s17 =	simm.s32 $0x100  }
0x45: {  	[tilespmem:s24], [sflag:$0x3] =	stream.indirect.gather [hbm4b:s0+s21], $0x20, s17, s21, $0xb8;
	[tilespmem:$0x11F00] =	vst v63  }
0x46: {  	s14 =	simm.s32 $0x180  }
0x47: {  	[tilespmem:s26], [sflag:$0x4] =	stream.indirect.gather [hbm4b:s0+s21], $0x20, s14, s21, $0xb8;
	[tilespmem:$0x11F00] =	vst v63  }
0x48: {  	s15 =	simm.s32 $0x200  }
0x49: {  	[tilespmem:s29], [sflag:$0x5] =	stream.indirect.gather [hbm4b:s0+s21], $0x20, s15, s21, $0xb8;
	[tilespmem:$0x11F00] =	vst v63  }
0x4a: {  	s16 =	simm.s32 $0x280  }
0x4b: {  	[tilespmem:s31], [sflag:$0x6] =	stream.indirect.gather [hbm4b:s0+s21], $0x20, s16, s21, $0xb8;
	[tilespmem:$0x11F00] =	vst v63  }
0x4c: {  	s17 =	simm.s32 $0x300  }
0x4d: {  	[tilespmem:s2], [sflag:$0x7] =	stream.indirect.gather [hbm4b:s0+s21], $0x20, s17, s21, $0xb8;
	[tilespmem:$0x11F00] =	vst v63  }
0x4e: {  	s6 =	smov.u32 s5;
	s5 =	simm.s32 $0x380  }
0x4f: {  	[tilespmem:s20], [sflag:$0x8] =	stream.indirect.gather [hbm4b:s0+s21], $0x20, s5, s21, $0xb8;
	[tilespmem:$0x11F00] =	vst v63  }
0x50: {  	_ =	swait.ge [sflag:s23], $0x1000  }
0x51: {  	[sflag:s23] =	ssyncset.done $0x0  }
0x52: {  	s15 =	simm.s32 $0x2780;
	[sflag:s23] =	ssyncadd.s32 $0xFFFFF000  }
0x53: {  	[spmem:s3] =	stream.indirect.scatter.add.f32 [tilespmem:s18], [sflag:$0x9], $0x20, s15, s21, $0xb8;
	[tilespmem:$0x11F00] =	vst v63  }
0x54: {  	_ =	swait.ge [sflag:s19], $0x1000  }
0x55: {  	[sflag:s19] =	ssyncset.done $0x0  }
0x56: {  	s16 =	simm.s32 $0x400;
	[sflag:s19] =	ssyncadd.s32 $0xFFFFF000  }
0x57: {  	[tilespmem:s18], [sflag:$0x1] =	stream.indirect.gather [hbm4b:s0+s21], $0x20, s16, s21, $0xb8;
	[tilespmem:$0x11F00] =	vst v63  }
0x58: {  	_ =	swait.ge [sflag:s25], $0x1000  }
0x59: {  	[sflag:s25] =	ssyncset.done $0x0  }
0x5a: {  	s17 =	simm.s32 $0x2800;
	[sflag:s25] =	ssyncadd.s32 $0xFFFFF000  }
0x5b: {  	[spmem:s3] =	stream.indirect.scatter.add.f32 [tilespmem:s22], [sflag:$0x9], $0x20, s17, s21, $0xb8;
	[tilespmem:$0x11F00] =	vst v63  }
0x5c: {  	_ =	swait.ge [sflag:s19], $0x1000  }
0x5d: {  	[sflag:s19] =	ssyncset.done $0x0  }
0x5e: {  	s5 =	simm.s32 $0x480;
	[sflag:s19] =	ssyncadd.s32 $0xFFFFF000  }
0x5f: {  	[tilespmem:s22], [sflag:$0x2] =	stream.indirect.gather [hbm4b:s0+s21], $0x20, s5, s21, $0xb8;
	[tilespmem:$0x11F00] =	vst v63  }
0x60: {  	_ =	swait.ge [sflag:s28], $0x1000  }
0x61: {  	[sflag:s28] =	ssyncset.done $0x0  }
0x62: {  	s15 =	simm.s32 $0x2880;
	[sflag:s28] =	ssyncadd.s32 $0xFFFFF000  }
0x63: {  	[spmem:s3] =	stream.indirect.scatter.add.f32 [tilespmem:s24], [sflag:$0x9], $0x20, s15, s21, $0xb8;
	[tilespmem:$0x11F00] =	vst v63  }
0x64: {  	_ =	swait.ge [sflag:s19], $0x1000  }
0x65: {  	[sflag:s19] =	ssyncset.done $0x0  }
0x66: {  	s16 =	simm.s32 $0x500;
	[sflag:s19] =	ssyncadd.s32 $0xFFFFF000  }
0x67: {  	[tilespmem:s24], [sflag:$0x3] =	stream.indirect.gather [hbm4b:s0+s21], $0x20, s16, s21, $0xb8;
	[tilespmem:$0x11F00] =	vst v63  }
0x68: {  	_ =	swait.ge [sflag:s30], $0x1000  }
0x69: {  	[sflag:s30] =	ssyncset.done $0x0  }
0x6a: {  	s17 =	simm.s32 $0x2900;
	[sflag:s30] =	ssyncadd.s32 $0xFFFFF000  }
0x6b: {  	[spmem:s3] =	stream.indirect.scatter.add.f32 [tilespmem:s26], [sflag:$0x9], $0x20, s17, s21, $0xb8;
	[tilespmem:$0x11F00] =	vst v63  }
0x6c: {  	_ =	swait.ge [sflag:s19], $0x1000  }
0x6d: {  	[sflag:s19] =	ssyncset.done $0x0  }
0x6e: {  	s5 =	simm.s32 $0x580;
	[sflag:s19] =	ssyncadd.s32 $0xFFFFF000  }
0x6f: {  	[tilespmem:s26], [sflag:$0x4] =	stream.indirect.gather [hbm4b:s0+s21], $0x20, s5, s21, $0xb8;
	[tilespmem:$0x11F00] =	vst v63  }
0x70: {  	_ =	swait.ge [sflag:s1], $0x1000  }
0x71: {  	[sflag:s1] =	ssyncset.done $0x0  }
0x72: {  	s15 =	simm.s32 $0x2980;
	[sflag:s1] =	ssyncadd.s32 $0xFFFFF000  }
0x73: {  	[spmem:s3] =	stream.indirect.scatter.add.f32 [tilespmem:s29], [sflag:$0x9], $0x20, s15, s21, $0xb8;
	[tilespmem:$0x11F00] =	vst v63  }
0x74: {  	_ =	swait.ge [sflag:s19], $0x1000  }
0x75: {  	[sflag:s19] =	ssyncset.done $0x0  }
0x76: {  	s16 =	simm.s32 $0x600;
	[sflag:s19] =	ssyncadd.s32 $0xFFFFF000  }
0x77: {  	[tilespmem:s29], [sflag:$0x5] =	stream.indirect.gather [hbm4b:s0+s21], $0x20, s16, s21, $0xb8;
	[tilespmem:$0x11F00] =	vst v63  }
0x78: {  	_ =	swait.ge [sflag:s10], $0x1000  }
0x79: {  	[sflag:s10] =	ssyncset.done $0x0  }
0x7a: {  	s17 =	simm.s32 $0x2A00;
	[sflag:s10] =	ssyncadd.s32 $0xFFFFF000  }
0x7b: {  	[spmem:s3] =	stream.indirect.scatter.add.f32 [tilespmem:s31], [sflag:$0x9], $0x20, s17, s21, $0xb8;
	[tilespmem:$0x11F00] =	vst v63  }
0x7c: {  	_ =	swait.ge [sflag:s19], $0x1000  }
0x7d: {  	[sflag:s19] =	ssyncset.done $0x0  }
0x7e: {  	s5 =	simm.s32 $0x680;
	[sflag:s19] =	ssyncadd.s32 $0xFFFFF000  }
0x7f: {  	[tilespmem:s31], [sflag:$0x6] =	stream.indirect.gather [hbm4b:s0+s21], $0x20, s5, s21, $0xb8;
	[tilespmem:$0x11F00] =	vst v63  }
0x80: {  	_ =	swait.ge [sflag:s11], $0x1000  }
0x81: {  	[sflag:s11] =	ssyncset.done $0x0  }
0x82: {  	s15 =	simm.s32 $0x2A80;
	[sflag:s11] =	ssyncadd.s32 $0xFFFFF000  }
0x83: {  	[spmem:s3] =	stream.indirect.scatter.add.f32 [tilespmem:s2], [sflag:$0x9], $0x20, s15, s21, $0xb8;
	[tilespmem:$0x11F00] =	vst v63  }
0x84: {  	_ =	swait.ge [sflag:s19], $0x1000  }
0x85: {  	[sflag:s19] =	ssyncset.done $0x0  }
0x86: {  	s16 =	simm.s32 $0x700;
	[sflag:s19] =	ssyncadd.s32 $0xFFFFF000  }
0x87: {  	[tilespmem:s2], [sflag:$0x7] =	stream.indirect.gather [hbm4b:s0+s21], $0x20, s16, s21, $0xb8;
	[tilespmem:$0x11F00] =	vst v63  }
0x88: {  	_ =	swait.ge [sflag:s12], $0x1000  }
0x89: {  	[sflag:s12] =	ssyncset.done $0x0  }
0x8a: {  	s17 =	simm.s32 $0x2B00;
	[sflag:s12] =	ssyncadd.s32 $0xFFFFF000  }
0x8b: {  	[spmem:s3] =	stream.indirect.scatter.add.f32 [tilespmem:s20], [sflag:$0x9], $0x20, s17, s21, $0xb8;
	[tilespmem:$0x11F00] =	vst v63  }
0x8c: {  	_ =	swait.ge [sflag:s19], $0x1000  }
0x8d: {  	s14 =	simm.s32 $0x400;
	s15 =	simm.s32 $0x2000;
	[sflag:s19] =	ssyncset.done $0x0  }
.LBB2_4:
0x8e: {  	s5 =	sadd.s32 $0x380, s14  }
0x8f: {  	[sflag:s19] =	ssyncadd.s32 $0xFFFFF000;
	s16 =	smov.u32 s15;
	s17 =	sadd.s32 $0x1000, s15  }
0x90: {  	[tilespmem:s20], [sflag:$0x8] =	stream.indirect.gather [hbm4b:s0+s21], $0x20, s5, s21, $0xb8;
	[tilespmem:$0x11F00] =	vst v63  }
0x91: {  	p0 =	sne.s32 s15, $0x8000;
	_ =	swait.ge [sflag:s23], $0x1000  }
0x92: {  	[sflag:s23] =	ssyncset.done $0x0  }
0x93: {  	s5 =	sadd.s32 $0x2780, s14;
	[sflag:s23] =	ssyncadd.s32 $0xFFFFF000  }
0x94: {  	[spmem:s3] =	stream.indirect.scatter.add.f32 [tilespmem:s18], [sflag:$0x9], $0x20, s5, s21, $0xb8;
	[tilespmem:$0x11F00] =	vst v63  }
0x95: {  	_ =	swait.ge [sflag:s19], $0x1000  }
0x96: {  	[sflag:s19] =	ssyncset.done $0x0  }
0x97: {  	s5 =	sadd.s32 $0x400, s14;
	[sflag:s19] =	ssyncadd.s32 $0xFFFFF000  }
0x98: {  	[tilespmem:s18], [sflag:$0x1] =	stream.indirect.gather [hbm4b:s0+s21], $0x20, s5, s21, $0xb8;
	[tilespmem:$0x11F00] =	vst v63  }
0x99: {  	_ =	swait.ge [sflag:s25], $0x1000  }
0x9a: {  	[sflag:s25] =	ssyncset.done $0x0  }
0x9b: {  	s5 =	sadd.s32 $0x2800, s14;
	[sflag:s25] =	ssyncadd.s32 $0xFFFFF000  }
0x9c: {  	[spmem:s3] =	stream.indirect.scatter.add.f32 [tilespmem:s22], [sflag:$0x9], $0x20, s5, s21, $0xb8;
	[tilespmem:$0x11F00] =	vst v63  }
0x9d: {  	_ =	swait.ge [sflag:s19], $0x1000  }
0x9e: {  	[sflag:s19] =	ssyncset.done $0x0  }
0x9f: {  	s5 =	sadd.s32 $0x480, s14;
	[sflag:s19] =	ssyncadd.s32 $0xFFFFF000  }
0xa0: {  	[tilespmem:s22], [sflag:$0x2] =	stream.indirect.gather [hbm4b:s0+s21], $0x20, s5, s21, $0xb8;
	[tilespmem:$0x11F00] =	vst v63  }
0xa1: {  	_ =	swait.ge [sflag:s28], $0x1000  }
0xa2: {  	[sflag:s28] =	ssyncset.done $0x0  }
0xa3: {  	s5 =	sadd.s32 $0x2880, s14;
	[sflag:s28] =	ssyncadd.s32 $0xFFFFF000  }
0xa4: {  	[spmem:s3] =	stream.indirect.scatter.add.f32 [tilespmem:s24], [sflag:$0x9], $0x20, s5, s21, $0xb8;
	[tilespmem:$0x11F00] =	vst v63  }
0xa5: {  	_ =	swait.ge [sflag:s19], $0x1000  }
0xa6: {  	[sflag:s19] =	ssyncset.done $0x0  }
0xa7: {  	s5 =	sadd.s32 $0x500, s14;
	[sflag:s19] =	ssyncadd.s32 $0xFFFFF000  }
0xa8: {  	[tilespmem:s24], [sflag:$0x3] =	stream.indirect.gather [hbm4b:s0+s21], $0x20, s5, s21, $0xb8;
	[tilespmem:$0x11F00] =	vst v63  }
0xa9: {  	_ =	swait.ge [sflag:s30], $0x1000  }
0xaa: {  	[sflag:s30] =	ssyncset.done $0x0  }
0xab: {  	s5 =	sadd.s32 $0x2900, s14;
	[sflag:s30] =	ssyncadd.s32 $0xFFFFF000  }
0xac: {  	[spmem:s3] =	stream.indirect.scatter.add.f32 [tilespmem:s26], [sflag:$0x9], $0x20, s5, s21, $0xb8;
	[tilespmem:$0x11F00] =	vst v63  }
0xad: {  	_ =	swait.ge [sflag:s19], $0x1000  }
0xae: {  	[sflag:s19] =	ssyncset.done $0x0  }
0xaf: {  	s5 =	sadd.s32 $0x580, s14;
	[sflag:s19] =	ssyncadd.s32 $0xFFFFF000  }
0xb0: {  	[tilespmem:s26], [sflag:$0x4] =	stream.indirect.gather [hbm4b:s0+s21], $0x20, s5, s21, $0xb8;
	[tilespmem:$0x11F00] =	vst v63  }
0xb1: {  	_ =	swait.ge [sflag:s1], $0x1000  }
0xb2: {  	[sflag:s1] =	ssyncset.done $0x0  }
0xb3: {  	s5 =	sadd.s32 $0x2980, s14;
	[sflag:s1] =	ssyncadd.s32 $0xFFFFF000  }
0xb4: {  	[spmem:s3] =	stream.indirect.scatter.add.f32 [tilespmem:s29], [sflag:$0x9], $0x20, s5, s21, $0xb8;
	[tilespmem:$0x11F00] =	vst v63  }
0xb5: {  	_ =	swait.ge [sflag:s19], $0x1000  }
0xb6: {  	[sflag:s19] =	ssyncset.done $0x0  }
0xb7: {  	s5 =	sadd.s32 $0x600, s14;
	[sflag:s19] =	ssyncadd.s32 $0xFFFFF000  }
0xb8: {  	[tilespmem:s29], [sflag:$0x5] =	stream.indirect.gather [hbm4b:s0+s21], $0x20, s5, s21, $0xb8;
	[tilespmem:$0x11F00] =	vst v63  }
0xb9: {  	_ =	swait.ge [sflag:s10], $0x1000  }
0xba: {  	[sflag:s10] =	ssyncset.done $0x0  }
0xbb: {  	s5 =	sadd.s32 $0x2A00, s14;
	[sflag:s10] =	ssyncadd.s32 $0xFFFFF000  }
0xbc: {  	[spmem:s3] =	stream.indirect.scatter.add.f32 [tilespmem:s31], [sflag:$0x9], $0x20, s5, s21, $0xb8;
	[tilespmem:$0x11F00] =	vst v63  }
0xbd: {  	_ =	swait.ge [sflag:s19], $0x1000  }
0xbe: {  	[sflag:s19] =	ssyncset.done $0x0  }
0xbf: {  	s5 =	sadd.s32 $0x680, s14;
	[sflag:s19] =	ssyncadd.s32 $0xFFFFF000  }
0xc0: {  	[tilespmem:s31], [sflag:$0x6] =	stream.indirect.gather [hbm4b:s0+s21], $0x20, s5, s21, $0xb8;
	[tilespmem:$0x11F00] =	vst v63  }
0xc1: {  	_ =	swait.ge [sflag:s11], $0x1000  }
0xc2: {  	[sflag:s11] =	ssyncset.done $0x0  }
0xc3: {  	s5 =	sadd.s32 $0x2A80, s14;
	[sflag:s11] =	ssyncadd.s32 $0xFFFFF000  }
0xc4: {  	[spmem:s3] =	stream.indirect.scatter.add.f32 [tilespmem:s2], [sflag:$0x9], $0x20, s5, s21, $0xb8;
	[tilespmem:$0x11F00] =	vst v63  }
0xc5: {  	_ =	swait.ge [sflag:s19], $0x1000  }
0xc6: {  	[sflag:s19] =	ssyncset.done $0x0  }
0xc7: {  	s5 =	sadd.s32 $0x700, s14;
	[sflag:s19] =	ssyncadd.s32 $0xFFFFF000  }
0xc8: {  	[tilespmem:s2], [sflag:$0x7] =	stream.indirect.gather [hbm4b:s0+s21], $0x20, s5, s21, $0xb8;
	[tilespmem:$0x11F00] =	vst v63  }
0xc9: {  	_ =	swait.ge [sflag:s12], $0x1000  }
.Ltmp1:
0xca: {  	[sflag:s12] =	ssyncset.done $0x0;
	(pc) =	sbr.rel @p0 .LBB2_4-.Ltmp1, $4  }
0xcb: {  	s5 =	sadd.s32 $0x2B00, s14;
	[sflag:s12] =	ssyncadd.s32 $0xFFFFF000  }
0xcc: {  	[spmem:s3] =	stream.indirect.scatter.add.f32 [tilespmem:s20], [sflag:$0x9], $0x20, s5, s21, $0xb8;
	[tilespmem:$0x11F00] =	vst v63  }
0xcd: {  	_ =	swait.ge [sflag:s19], $0x1000  }
0xce: {  	s15 =	smov.u32 s17;
	s14 =	sshra.s32 s16, $0x2;
	[sflag:s19] =	ssyncset.done $0x0  }
0xcf: {  	s5 =	sadd.s32 $0x380, s14;
	[sflag:s19] =	ssyncadd.s32 $0xFFFFF000  }
0xd0: {  	[tilespmem:s20], [sflag:$0x8] =	stream.indirect.gather [hbm4b:s0+s21], $0x20, s5, s21, $0xb8;
	[tilespmem:$0x11F00] =	vst v63  }
0xd1: {  	_ =	swait.ge [sflag:s23], $0x1000  }
0xd2: {  	[sflag:s23] =	ssyncset.done $0x0  }
0xd3: {  	s16 =	sadd.s32 $0x2780, s14;
	[sflag:s23] =	ssyncadd.s32 $0xFFFFF000  }
0xd4: {  	[spmem:s3] =	stream.indirect.scatter.add.f32 [tilespmem:s18], [sflag:$0x9], $0x20, s16, s21, $0xb8;
	[tilespmem:$0x11F00] =	vst v63  }
0xd5: {  	_ =	swait.ge [sflag:s19], $0x1000  }
0xd6: {  	[sflag:s19] =	ssyncset.done $0x0  }
0xd7: {  	s17 =	sadd.s32 $0x400, s14;
	[sflag:s19] =	ssyncadd.s32 $0xFFFFF000  }
0xd8: {  	[tilespmem:s18], [sflag:$0x1] =	stream.indirect.gather [hbm4b:s0+s21], $0x20, s17, s21, $0xb8;
	[tilespmem:$0x11F00] =	vst v63  }
0xd9: {  	_ =	swait.ge [sflag:s25], $0x1000  }
0xda: {  	[sflag:s25] =	ssyncset.done $0x0  }
0xdb: {  	s15 =	sadd.s32 $0x2800, s14;
	[sflag:s25] =	ssyncadd.s32 $0xFFFFF000  }
0xdc: {  	[spmem:s3] =	stream.indirect.scatter.add.f32 [tilespmem:s22], [sflag:$0x9], $0x20, s15, s21, $0xb8;
	[tilespmem:$0x11F00] =	vst v63  }
0xdd: {  	_ =	swait.ge [sflag:s19], $0x1000  }
0xde: {  	[sflag:s19] =	ssyncset.done $0x0  }
0xdf: {  	s16 =	sadd.s32 $0x480, s14;
	[sflag:s19] =	ssyncadd.s32 $0xFFFFF000  }
0xe0: {  	[tilespmem:s22], [sflag:$0x2] =	stream.indirect.gather [hbm4b:s0+s21], $0x20, s16, s21, $0xb8;
	[tilespmem:$0x11F00] =	vst v63  }
0xe1: {  	_ =	swait.ge [sflag:s28], $0x1000  }
0xe2: {  	[sflag:s28] =	ssyncset.done $0x0  }
0xe3: {  	s17 =	sadd.s32 $0x2880, s14;
	[sflag:s28] =	ssyncadd.s32 $0xFFFFF000  }
0xe4: {  	[spmem:s3] =	stream.indirect.scatter.add.f32 [tilespmem:s24], [sflag:$0x9], $0x20, s17, s21, $0xb8;
	[tilespmem:$0x11F00] =	vst v63  }
0xe5: {  	_ =	swait.ge [sflag:s19], $0x1000  }
0xe6: {  	[sflag:s19] =	ssyncset.done $0x0  }
0xe7: {  	s15 =	sadd.s32 $0x500, s14;
	[sflag:s19] =	ssyncadd.s32 $0xFFFFF000  }
0xe8: {  	[tilespmem:s24], [sflag:$0x3] =	stream.indirect.gather [hbm4b:s0+s21], $0x20, s15, s21, $0xb8;
	[tilespmem:$0x11F00] =	vst v63  }
0xe9: {  	_ =	swait.ge [sflag:s30], $0x1000  }
0xea: {  	[sflag:s30] =	ssyncset.done $0x0  }
0xeb: {  	s16 =	sadd.s32 $0x2900, s14;
	[sflag:s30] =	ssyncadd.s32 $0xFFFFF000  }
0xec: {  	[spmem:s3] =	stream.indirect.scatter.add.f32 [tilespmem:s26], [sflag:$0x9], $0x20, s16, s21, $0xb8;
	[tilespmem:$0x11F00] =	vst v63  }
0xed: {  	_ =	swait.ge [sflag:s19], $0x1000  }
0xee: {  	[sflag:s19] =	ssyncset.done $0x0  }
0xef: {  	s17 =	sadd.s32 $0x580, s14;
	[sflag:s19] =	ssyncadd.s32 $0xFFFFF000  }
0xf0: {  	[tilespmem:s26], [sflag:$0x4] =	stream.indirect.gather [hbm4b:s0+s21], $0x20, s17, s21, $0xb8;
	[tilespmem:$0x11F00] =	vst v63  }
0xf1: {  	_ =	swait.ge [sflag:s1], $0x1000  }
0xf2: {  	[sflag:s1] =	ssyncset.done $0x0  }
0xf3: {  	s15 =	sadd.s32 $0x2980, s14;
	[sflag:s1] =	ssyncadd.s32 $0xFFFFF000  }
0xf4: {  	[spmem:s3] =	stream.indirect.scatter.add.f32 [tilespmem:s29], [sflag:$0x9], $0x20, s15, s21, $0xb8;
	[tilespmem:$0x11F00] =	vst v63  }
0xf5: {  	_ =	swait.ge [sflag:s19], $0x1000  }
0xf6: {  	[sflag:s19] =	ssyncset.done $0x0  }
0xf7: {  	s16 =	sadd.s32 $0x600, s14;
	[sflag:s19] =	ssyncadd.s32 $0xFFFFF000  }
0xf8: {  	[tilespmem:s29], [sflag:$0x5] =	stream.indirect.gather [hbm4b:s0+s21], $0x20, s16, s21, $0xb8;
	[tilespmem:$0x11F00] =	vst v63  }
0xf9: {  	_ =	swait.ge [sflag:s10], $0x1000  }
0xfa: {  	[sflag:s10] =	ssyncset.done $0x0  }
0xfb: {  	s17 =	sadd.s32 $0x2A00, s14;
	[sflag:s10] =	ssyncadd.s32 $0xFFFFF000  }
0xfc: {  	[spmem:s3] =	stream.indirect.scatter.add.f32 [tilespmem:s31], [sflag:$0x9], $0x20, s17, s21, $0xb8;
	[tilespmem:$0x11F00] =	vst v63  }
0xfd: {  	_ =	swait.ge [sflag:s19], $0x1000  }
0xfe: {  	[sflag:s19] =	ssyncset.done $0x0  }
0xff: {  	s15 =	sadd.s32 $0x680, s14;
	[sflag:s19] =	ssyncadd.s32 $0xFFFFF000  }
0x100: {  	[tilespmem:s31], [sflag:$0x6] =	stream.indirect.gather [hbm4b:s0+s21], $0x20, s15, s21, $0xb8;
	[tilespmem:$0x11F00] =	vst v63  }
0x101: {  	_ =	swait.ge [sflag:s11], $0x1000  }
0x102: {  	[sflag:s11] =	ssyncset.done $0x0  }
0x103: {  	s16 =	sadd.s32 $0x2A80, s14;
	[sflag:s11] =	ssyncadd.s32 $0xFFFFF000  }
0x104: {  	[spmem:s3] =	stream.indirect.scatter.add.f32 [tilespmem:s2], [sflag:$0x9], $0x20, s16, s21, $0xb8;
	[tilespmem:$0x11F00] =	vst v63  }
0x105: {  	_ =	swait.ge [sflag:s19], $0x1000  }
0x106: {  	[sflag:s19] =	ssyncset.done $0x0  }
0x107: {  	s17 =	sadd.s32 $0x700, s14;
	[sflag:s19] =	ssyncadd.s32 $0xFFFFF000  }
0x108: {  	[tilespmem:s2], [sflag:$0x7] =	stream.indirect.gather [hbm4b:s0+s21], $0x20, s17, s21, $0xb8;
	[tilespmem:$0x11F00] =	vst v63  }
0x109: {  	_ =	swait.ge [sflag:s12], $0x1000  }
0x10a: {  	[sflag:s12] =	ssyncset.done $0x0  }
0x10b: {  	s14 =	sadd.s32 $0x2B00, s14;
	[sflag:s12] =	ssyncadd.s32 $0xFFFFF000  }
0x10c: {  	[spmem:s3] =	stream.indirect.scatter.add.f32 [tilespmem:s20], [sflag:$0x9], $0x20, s14, s21, $0xb8;
	[tilespmem:$0x11F00] =	vst v63  }
0x10d: {  	_ =	swait.ge [sflag:s19], $0x1000  }
0x10e: {  	[sflag:s19] =	ssyncset.done $0x0  }
0x10f: {  	[sflag:s19] =	ssyncadd.s32 $0xFFFFF000  }
0x110: {  	_ =	swait.ge [sflag:s23], $0x1000  }
0x111: {  	[sflag:s23] =	ssyncset.done $0x0  }
0x112: {  	s15 =	simm.s32 $0x4B80;
	[sflag:s23] =	ssyncadd.s32 $0xFFFFF000  }
0x113: {  	[spmem:s3] =	stream.indirect.scatter.add.f32 [tilespmem:s18], [sflag:$0x9], $0x20, s15, s21, $0xb8;
	[tilespmem:$0x11F00] =	vst v63  }
0x114: {  	_ =	swait.ge [sflag:s19], $0x1000  }
0x115: {  	[sflag:s19] =	ssyncset.done $0x0  }
0x116: {  	[sflag:s19] =	ssyncadd.s32 $0xFFFFF000  }
0x117: {  	_ =	swait.ge [sflag:s25], $0x1000  }
0x118: {  	[sflag:s25] =	ssyncset.done $0x0  }
0x119: {  	s16 =	simm.s32 $0x4C00;
	[sflag:s25] =	ssyncadd.s32 $0xFFFFF000  }
0x11a: {  	[spmem:s3] =	stream.indirect.scatter.add.f32 [tilespmem:s22], [sflag:$0x9], $0x20, s16, s21, $0xb8;
	[tilespmem:$0x11F00] =	vst v63  }
0x11b: {  	_ =	swait.ge [sflag:s19], $0x1000  }
0x11c: {  	[sflag:s19] =	ssyncset.done $0x0  }
0x11d: {  	[sflag:s19] =	ssyncadd.s32 $0xFFFFF000  }
0x11e: {  	_ =	swait.ge [sflag:s28], $0x1000  }
0x11f: {  	[sflag:s28] =	ssyncset.done $0x0  }
0x120: {  	s17 =	simm.s32 $0x4C80;
	[sflag:s28] =	ssyncadd.s32 $0xFFFFF000  }
0x121: {  	[spmem:s3] =	stream.indirect.scatter.add.f32 [tilespmem:s24], [sflag:$0x9], $0x20, s17, s21, $0xb8;
	[tilespmem:$0x11F00] =	vst v63  }
0x122: {  	_ =	swait.ge [sflag:s19], $0x1000  }
0x123: {  	[sflag:s19] =	ssyncset.done $0x0  }
0x124: {  	[sflag:s19] =	ssyncadd.s32 $0xFFFFF000  }
0x125: {  	_ =	swait.ge [sflag:s30], $0x1000  }
0x126: {  	[sflag:s30] =	ssyncset.done $0x0  }
0x127: {  	s14 =	simm.s32 $0x4D00;
	[sflag:s30] =	ssyncadd.s32 $0xFFFFF000  }
0x128: {  	[spmem:s3] =	stream.indirect.scatter.add.f32 [tilespmem:s26], [sflag:$0x9], $0x20, s14, s21, $0xb8;
	[tilespmem:$0x11F00] =	vst v63  }
0x129: {  	_ =	swait.ge [sflag:s19], $0x1000  }
0x12a: {  	[sflag:s19] =	ssyncset.done $0x0  }
0x12b: {  	[sflag:s19] =	ssyncadd.s32 $0xFFFFF000  }
0x12c: {  	_ =	swait.ge [sflag:s1], $0x1000  }
0x12d: {  	[sflag:s1] =	ssyncset.done $0x0  }
0x12e: {  	s15 =	simm.s32 $0x4D80;
	[sflag:s1] =	ssyncadd.s32 $0xFFFFF000  }
0x12f: {  	[spmem:s3] =	stream.indirect.scatter.add.f32 [tilespmem:s29], [sflag:$0x9], $0x20, s15, s21, $0xb8;
	[tilespmem:$0x11F00] =	vst v63  }
0x130: {  	_ =	swait.ge [sflag:s19], $0x1000  }
0x131: {  	[sflag:s19] =	ssyncset.done $0x0  }
0x132: {  	[sflag:s19] =	ssyncadd.s32 $0xFFFFF000  }
0x133: {  	_ =	swait.ge [sflag:s10], $0x1000  }
0x134: {  	[sflag:s10] =	ssyncset.done $0x0  }
0x135: {  	s16 =	simm.s32 $0x4E00;
	[sflag:s10] =	ssyncadd.s32 $0xFFFFF000  }
0x136: {  	[spmem:s3] =	stream.indirect.scatter.add.f32 [tilespmem:s31], [sflag:$0x9], $0x20, s16, s21, $0xb8;
	[tilespmem:$0x11F00] =	vst v63  }
0x137: {  	_ =	swait.ge [sflag:s19], $0x1000  }
0x138: {  	[sflag:s19] =	ssyncset.done $0x0  }
0x139: {  	[sflag:s19] =	ssyncadd.s32 $0xFFFFF000  }
0x13a: {  	_ =	swait.ge [sflag:s11], $0x1000  }
0x13b: {  	[sflag:s11] =	ssyncset.done $0x0  }
0x13c: {  	s17 =	simm.s32 $0x4E80;
	[sflag:s11] =	ssyncadd.s32 $0xFFFFF000  }
0x13d: {  	[spmem:s3] =	stream.indirect.scatter.add.f32 [tilespmem:s2], [sflag:$0x9], $0x20, s17, s21, $0xb8;
	[tilespmem:$0x11F00] =	vst v63  }
0x13e: {  	_ =	swait.ge [sflag:s19], $0x1000  }
0x13f: {  	[sflag:s19] =	ssyncset.done $0x0  }
0x140: {  	[sflag:s19] =	ssyncadd.s32 $0xFFFFF000  }
0x141: {  	[bflag:$0x0] =	sbarrier.arrive $0xFFFF  }
0x142: {  	[tilespmem:s18], [sflag:$0x9] =	stream.linear.gather [spmem:s6], $0x1000, $0x38;
	[tilespmem:$0x11F00] =	vst v63  }
0x143: {  	_ =	swait.ge [sflag:s19], $0x1000  }
0x144: {  	[sflag:s19] =	ssyncset.done $0x0  }
0x145: {  	s14 =	rddreg [dreg:$0x7];
	[sflag:s19] =	ssyncadd.s32 $0xFFFFF000  }
0x146: {  	[hbm4b:s14+s13] =	stream.strided.scatter [tilespmem:s18], [sflag:$0x9], $0x1000, s21, s13, $0x38;
	[tilespmem:$0x11F00] =	vst v63  }
0x147: {  	_ =	swait.ge [sflag:s19], $0x1000  }
0x148: {  	[sflag:s19] =	ssyncset.done $0x0  }
0x149: {  	[sflag:s19] =	ssyncadd.s32 $0xFFFFF000  }
0x14a: {  	[tilespmem:s18], [sflag:$0x9] =	stream.linear.gather [spmem:s7], $0x1000, $0x38;
	[tilespmem:$0x11F00] =	vst v63  }
0x14b: {  	_ =	swait.ge [sflag:s19], $0x1000  }
0x14c: {  	[sflag:s19] =	ssyncset.done $0x0  }
0x14d: {  	s15 =	rddreg [dreg:$0x8];
	[sflag:s19] =	ssyncadd.s32 $0xFFFFF000  }
0x14e: {  	[hbm4b:s15+s13] =	stream.strided.scatter [tilespmem:s18], [sflag:$0x9], $0x1000, s21, s13, $0x38;
	[tilespmem:$0x11F00] =	vst v63  }
0x14f: {  	_ =	swait.ge [sflag:s19], $0x1000  }
0x150: {  	[sflag:s19] =	ssyncset.done $0x0  }
0x151: {  	s16 =	rddreg [dreg:$0x4];
	[sflag:s19] =	ssyncadd.s32 $0xFFFFF000  }
0x152: {  	[tilespmem:s18], [sflag:$0x9] =	stream.linear.gather [spmem:s16], $0x1000, $0x38;
	[tilespmem:$0x11F00] =	vst v63  }
0x153: {  	_ =	swait.ge [sflag:s19], $0x1000  }
0x154: {  	[sflag:s19] =	ssyncset.done $0x0  }
0x155: {  	s17 =	smov.u32 s7;
	s7 =	rddreg [dreg:$0x9];
	[sflag:s19] =	ssyncadd.s32 $0xFFFFF000  }
0x156: {  	[hbm4b:s7+s13] =	stream.strided.scatter [tilespmem:s18], [sflag:$0x9], $0x1000, s21, s13, $0x38;
	[tilespmem:$0x11F00] =	vst v63  }
0x157: {  	_ =	swait.ge [sflag:s19], $0x1000  }
0x158: {  	[sflag:s19] =	ssyncset.done $0x0  }
0x159: {  	[sflag:s19] =	ssyncadd.s32 $0xFFFFF000  }
0x15a: {  	[tilespmem:s18], [sflag:$0x9] =	stream.linear.gather [spmem:s8], $0x1000, $0x38;
	[tilespmem:$0x11F00] =	vst v63  }
0x15b: {  	_ =	swait.ge [sflag:s19], $0x1000  }
0x15c: {  	[sflag:s19] =	ssyncset.done $0x0  }
0x15d: {  	s14 =	rddreg [dreg:$0xa];
	[sflag:s19] =	ssyncadd.s32 $0xFFFFF000  }
0x15e: {  	[hbm4b:s14+s13] =	stream.strided.scatter [tilespmem:s18], [sflag:$0x9], $0x1000, s21, s13, $0x38;
	[tilespmem:$0x11F00] =	vst v63  }
0x15f: {  	_ =	swait.ge [sflag:s19], $0x1000  }
0x160: {  	[sflag:s19] =	ssyncset.done $0x0  }
0x161: {  	[sflag:s19] =	ssyncadd.s32 $0xFFFFF000  }
0x162: {  	[tilespmem:s18], [sflag:$0x9] =	stream.linear.gather [spmem:s9], $0x1000, $0x38;
	[tilespmem:$0x11F00] =	vst v63  }
0x163: {  	_ =	swait.ge [sflag:s19], $0x1000  }
0x164: {  	[sflag:s19] =	ssyncset.done $0x0  }
0x165: {  	s15 =	rddreg [dreg:$0xb];
	[sflag:s19] =	ssyncadd.s32 $0xFFFFF000  }
0x166: {  	[hbm4b:s15+s13] =	stream.strided.scatter [tilespmem:s18], [sflag:$0x9], $0x1000, s21, s13, $0x38;
	[tilespmem:$0x11F00] =	vst v63  }
0x167: {  	_ =	swait.ge [sflag:s19], $0x1000  }
0x168: {  	s4 =	sadd.s32 $0x1, s4;
	s16 =	rddreg [dreg:$0xc]  }
0x169: {  	p0 =	sne.s32 s4, s16  }
.Ltmp2:
0x16a: {  	_ = 	snop;
	(pc) =	sbr.rel @p0 .LBB2_1-.Ltmp2, $3  }
0x16b: {  	_ =	sdelay $0x1  }
0x16c: {  	[sflag:s19] =	ssyncset.done $0x0  }
0x16d: {  	s5 =	smov.u32 s6;
	[sflag:s19] =	ssyncadd.s32 $0xFFFFF000  }
0x16e: {  	_ =	sfence.sel $0x180000  }
0x16f: {  	[bflag:$0x0] =	sbarrier.arrive $0xFFFF  }
0x170: {  	_ =	strace $0x9000004D  }
0x171: {  	s0 =	stileid.u32;
	[bflag:$0x2] =	sbarrier.arrive $0xFFFF  }
0x172: {  	p0 =	sne.s32 s0, $0x0;
	s0 =	rddreg [dreg:$0x3]  }
0x173: {  	s0 =	sadd.s32 @!p0 $0x100000, s0  }
0x174: {  	[sflag:s0] =	ssyncadd.tile.s32 @!p0 $0x1;
	_ =	shalt  }
.Lfunc_end2:
_tile_overlayer_lowered:
.L_overlay_start_2:
0x175: {  	(tag) =	ssettag $0x2  }
0x176: {  	s0 =	rddreg [dreg:$0x0];
	s2 =	stileid.u32  }
0x177: {  	s1 =	rddreg [dreg:$0x1];
	p0 =	sne.s32 s2, $0x0  }
0x178: {  	s3 =	rddreg [dreg:$0x2];
	[bflag:$0x3] =	sbarrier.arrive $0xFFFF;
	s2 =	simm.s32 @!p0 $0x1C09  }
0x179: {  	[timem:s3], [sflag:s2] =	dma.local @!p0 [hbm:s0], s1  }
0x17a: {  	s0 =	simm.s32 @!p0 $0x9  }
0x17b: {  	_ =	swait.ge @!p0 [sflag:s0], s1  }
0x17c: {  	s1 =	ssub.s32 @!p0 $0x0, s1;
	[sflag:s0] =	ssyncset.done @!p0 $0x0  }
0x17d: {  	[sflag:s0] =	ssyncadd.s32 @!p0 s1  }
0x17e: {  	[bflag:$0x3] =	sbarrier.arrive $0xFFFF  }
0x17f: {  	_ =	shalt  }

// kernel: kernel.8.cloned.1.call-start
scs
__scs_entry_jumppad:
0x0: {  	(pc) =	sbr.rel $0x88, $3  }
0x1: {  	(tag) =	ssettag $0x0;
	lr =	simm.s32 $0x1  }
0x2: {  	[smem:$0x3F95] =	sst lr;
	_ =	strace $0xD0000000  }
0x3: {  	_ = 	snop  }
0x4: {  	_ = 	snop  }
0x5: {  	_ = 	snop  }
0x6: {  	_ = 	snop  }
0x7: {  	_ = 	snop  }
__scs_overlays_trampoline_lowered:
0x8: {  	[smem:$0x3FA4] =	sst s0  }
0x9: {  	[smem:$0x3FA5] =	sst s1  }
0xa: {  	[smem:$0x3FA6] =	sst s2  }
0xb: {  	[smem:$0x3FA7] =	sst s3  }
0xc: {  	[smem:$0x3FA8] =	sst s4  }
0xd: {  	[smem:$0x3FA9] =	sst s5  }
0xe: {  	[smem:$0x3FAA] =	sst s6  }
0xf: {  	[smem:$0x3FAB] =	sst s7  }
0x10: {  	[smem:$0x3FAC] =	sst s8  }
0x11: {  	[smem:$0x3FAD] =	sst s9;
	s0 =	simm.s32 @!p0 $0x0  }
0x12: {  	s1 =	sld [smem:$0x3F93];
	s0 =	simm.s32 @p0 $0x1  }
0x13: {  	[smem:$0x3FAE] =	sst s0;
	s0 =	simm.s32 @!p1 $0x0  }
0x14: {  	s2 =	sld [smem:$0x3F92];
	s0 =	simm.s32 @p1 $0x1  }
0x15: {  	[smem:$0x3FAF] =	sst s0;
	s0 =	simm.s32 @!p2 $0x0  }
0x16: {  	s3 =	sld [smem:$0x3FDB];
	s0 =	simm.s32 @p2 $0x1  }
0x17: {  	s4 =	simm.s32 $0x1BF5;
	[smem:$0x3FB1] =	sst s0  }
0x18: {  	s0 =	sld [smem:$0x3F94];
	_ =	swait.ge [sflag:s4], $0x0  }
0x19: {  	s7 =	sld [smem:$0x3F95]  }
0x1a: {  	s8 =	sadd.s32 $0xFFFFE003, lr  }
0x1b: {  	s9 =	sadd.s32 $0xFFFFFEF7, lr;
	s5 =	simm.s32 $0xFFFFFFFF;
	p2 =	slt.u32 s8, $0xFFFFF086  }
0x1c: {  	p1 =	slt.u32 s9, $0xF7A;
	s5 =	simm.s32 @!p2 $0x0  }
0x1d: {  	s5 =	simm.s32 @p1 $0x1;
	p0 =	seq.s32 s7, s2  }
0x1e: {  	s7 =	smul.u32 @!p0 $0xF7A, s2;
	p2 =	seq.s32 @!p0 s5, $0x0  }
0x1f: {  	s9 =	smul.u32 $0xF7A, s1;
	s8 =	simm.s32 @!p0 $0x1BF5;
	p2 =	por !p2, p0  }
0x20: {  	[sflag:s8] =	ssyncset.s32 @!p0 $0xFFFFF086;
	s6 =	sadd.s32 @!p0 s3, s7;
	s7 =	simm.s32 @!p0 $0x108  }
0x21: {  	s3 =	sadd.s32 s3, s9;
	s6 =	sadd.s32 @!p0 $0x88, s6;
	s7 =	simm.s32 @p2 $0x1082  }
0x22: {  	[simem:s7], [sflag:s8] =	dma.local @!p0 [hbm:s6], $0xF7A  }
0x23: {  	s9 =	sor.u32 $0xD0000000, s2;
	s6 =	simm.s32 $0x108;
	_ =	swait.ge @!p0 [sflag:s8], $0x0  }
0x24: {  	s3 =	sadd.s32 $0x88, s3;
	s6 =	simm.s32 @!p1 $0x1082;
	[sflag:s4] =	ssyncset.s32 $0xFFFFF086  }
0x25: {  	[simem:s6], [sflag:s4] =	dma.local [hbm:s3], $0xF7A  }
0x26: {  	[smem:$0x3F95] =	sst s1;
	(tag) =	ssettag s2;
	_ =	strace s9  }
0x27: {  	s1 =	sld [smem:$0x3FA5]  }
0x28: {  	s2 =	sld [smem:$0x3FA6]  }
0x29: {  	s4 =	sld [smem:$0x3FA8]  }
0x2a: {  	p0 =	seq.s32 s5, $0x0;
	s5 =	sld [smem:$0x3FA9]  }
0x2b: {  	s6 =	sld [smem:$0x3FAA]  }
0x2c: {  	s7 =	sld [smem:$0x3FAB]  }
0x2d: {  	s3 =	simm.s32 $0x108;
	s8 =	sld [smem:$0x3FAC]  }
0x2e: {  	s3 =	simm.s32 @!p0 $0x1082;
	s9 =	sld [smem:$0x3FAD]  }
0x2f: {  	lr =	sadd.s32 s0, s3;
	s0 =	sld [smem:$0x3FA4]  }
0x30: {  	s3 =	sld [smem:$0x3FA7]  }
0x31: {  	[smem:$0x3FB0] =	sst s10  }
0x32: {  	s10 =	sld [smem:$0x3FAE];
	_ =	sdelay $0x3  }
0x33: {  	p0 =	seq.s32 s10, $0x1;
	s10 =	sld [smem:$0x3FB0];
	_ =	sdelay $0x3  }
0x34: {  	[smem:$0x3FB0] =	sst s10  }
0x35: {  	s10 =	sld [smem:$0x3FAF];
	_ =	sdelay $0x3  }
0x36: {  	p1 =	seq.s32 s10, $0x1;
	s10 =	sld [smem:$0x3FB0];
	_ =	sdelay $0x3  }
0x37: {  	[smem:$0x3FB0] =	sst s10  }
0x38: {  	s10 =	sld [smem:$0x3FB1]  }
0x39: {  	_ = 	snop;
	(pc) =	sbr.ind lr, $3  }
0x3a: {  	_ = 	snop  }
0x3b: {  	_ = 	snop  }
0x3c: {  	p2 =	seq.s32 s10, $0x1;
	s10 =	sld [smem:$0x3FB0]  }
0x3d: {  	_ =	shalt  }
0x3e: {  	_ =	shalt  }
0x3f: {  	_ =	shalt  }
0x40: {  	_ =	shalt  }
0x41: {  	_ =	shalt  }
0x42: {  	_ =	shalt  }
0x43: {  	_ =	shalt  }
0x44: {  	_ =	shalt  }
0x45: {  	_ =	shalt  }
0x46: {  	_ =	shalt  }
0x47: {  	_ =	shalt  }
0x48: {  	_ =	shalt  }
0x49: {  	_ =	shalt  }
0x4a: {  	_ =	shalt  }
0x4b: {  	_ =	shalt  }
0x4c: {  	_ =	shalt  }
0x4d: {  	_ =	shalt  }
0x4e: {  	_ =	shalt  }
0x4f: {  	_ =	shalt  }
0x50: {  	_ =	shalt  }
0x51: {  	_ =	shalt  }
0x52: {  	_ =	shalt  }
0x53: {  	_ =	shalt  }
0x54: {  	_ =	shalt  }
0x55: {  	_ =	shalt  }
0x56: {  	_ =	shalt  }
0x57: {  	_ =	shalt  }
0x58: {  	_ =	shalt  }
0x59: {  	_ =	shalt  }
0x5a: {  	_ =	shalt  }
0x5b: {  	_ =	shalt  }
0x5c: {  	_ =	shalt  }
0x5d: {  	_ =	shalt  }
0x5e: {  	_ =	shalt  }
0x5f: {  	_ =	shalt  }
0x60: {  	_ =	shalt  }
0x61: {  	_ =	shalt  }
0x62: {  	_ =	shalt  }
0x63: {  	_ =	shalt  }
0x64: {  	_ =	shalt  }
0x65: {  	_ =	shalt  }
0x66: {  	_ =	shalt  }
0x67: {  	_ =	shalt  }
0x68: {  	_ =	shalt  }
0x69: {  	_ =	shalt  }
0x6a: {  	_ =	shalt  }
0x6b: {  	_ =	shalt  }
0x6c: {  	_ =	shalt  }
0x6d: {  	_ =	shalt  }
0x6e: {  	_ =	shalt  }
0x6f: {  	_ =	shalt  }
0x70: {  	_ =	shalt  }
0x71: {  	_ =	shalt  }
0x72: {  	_ =	shalt  }
0x73: {  	_ =	shalt  }
0x74: {  	_ =	shalt  }
0x75: {  	_ =	shalt  }
0x76: {  	_ =	shalt  }
0x77: {  	_ =	shalt  }
0x78: {  	_ =	shalt  }
0x79: {  	_ =	shalt  }
0x7a: {  	_ =	shalt  }
0x7b: {  	_ =	shalt  }
0x7c: {  	_ =	shalt  }
0x7d: {  	_ =	shalt  }
0x7e: {  	_ =	shalt  }
0x7f: {  	_ =	shalt  }
0x80: {  	_ =	shalt  }
0x81: {  	_ =	shalt  }
0x82: {  	_ =	shalt  }
0x83: {  	_ =	shalt  }
0x84: {  	_ =	shalt  }
0x85: {  	_ =	shalt  }
0x86: {  	_ =	shalt  }
0x87: {  	_ =	shalt  }
.Lfunc_end0:
.L_simem_size_0:
called_computation_lowered:
.L_overlay_start_0:
0x88: {  	s2 =	sld [smem:$0x3FD9]  }
0x89: {  	s3 =	sld [smem:$0x3FFE];
	_ =	sdelay $0x1  }
0x8a: {  	s1 =	srdreg.scid  }
0x8b: {  	s0 =	sand.u32 $0x1, s1  }
0x8c: {  	s14 =	sshll.u32 s0, $0xA;
	s2 =	sadd.s32 s3, s2  }
0x8d: {  	s2 =	sadd.s32 s2, s14  }
0x8e: {  	[smem:$0x3FBC] =	sst s2  }
0x8f: {  	_ = 	snop  }
0x90: {  	s2 =	sld [smem:$0x3FD0];
	_ =	sdelay $0x2  }
0x91: {  	s15 =	simm.s32 $0xA;
	s4 =	simm.s32 $0x10  }
0x92: {  	[smem:s4], [sflag:s15] =	dma.local [hbm:s2], $0x1  }
0x93: {  	_ =	swait.eq [sflag:s15], $0x1  }
0x94: {  	[sflag:s15] =	ssyncset.done $0x0  }
0x95: {  	[sflag:s15] =	ssyncadd.s32 $0xFFFFFFFF  }
0x96: {  	s16 =	sld [smem:$0x11];
	(tm) =	ssettm $0x1  }
0x97: {  	s17 =	sld [smem:$0x3FFB];
	_ =	sdelay $0x3  }
0x98: {  	_ =	strace s17  }
0x99: {  	s3 =	sld [smem:$0x3FFC];
	_ =	sdelay $0x3  }
0x9a: {  	_ =	strace s3  }
0x9b: {  	s3 =	sld [smem:$0x3FFD];
	_ =	sdelay $0x3  }
0x9c: {  	_ =	strace s3  }
0x9d: {  	_ =	strace $0x8FFFFFFF  }
0x9e: {  	s18 =	sld [smem:$0x3FDB];
	_ =	sdelay $0x1  }
0x9f: {  	s19 =	simm.s32 $_scs_section_size  }
0xa0: {  	s5 =	simm.s32 $_size__tile_overlayer_lowered;
	s6 =	simm.s32 $_tile_overlayer_lowered  }
0xa1: {  	s22 =	simm.s32 $0x1BFF;
	s21 =	sshll.u32 s6, $0x1;
	s3 =	sadd.s32 s19, s18  }
0xa2: {  	s7 =	simm.s32 $0x0;
	s20 =	sshll.u32 s5, $0x1;
	s5 =	sadd.s32 s21, s3  }
0xa3: {  	[timem:s7], [sflag:s22] =	dma.local [hbm:s5], s20  }
0xa4: {  	_ =	swait.ge [sflag:s22], s20  }
0xa5: {  	s4 =	ssub.s32 $0x0, s20;
	[sflag:s22] =	ssyncset.done $0x0  }
0xa6: {  	[sflag:s22] =	ssyncadd.s32 s4;
	_ =	sdelay $0x1  }
0xa7: {  	s23 =	simm.s32 $0x1B8B  }
0xa8: {  	_ =	swait.ge [sflag:s23], $0x1  }
0xa9: {  	[sflag:s23] =	ssyncset.done $0x0  }
0xaa: {  	s25 =	simm.s32 $0x1B8E;
	s24 =	sld [smem:$0x3FFE];
	[sflag:s23] =	ssyncadd.s32 $0xFFFFFFFF  }
0xab: {  	s26 =	simm.s32 $execute0_lowered;
	[smem:$0x3FD2] =	sst s25  }
0xac: {  	s5 =	sshll.u32 s26, $0x1;
	_ =	strace $0x80000046;
	[dreg:$0x1] =	wrdreg $0xFFFFFFFF  }
0xad: {  	s28 =	simm.s32 $_size_execute0_lowered;
	s3 =	sadd.s32 s3, s5;
	[dreg:$0x0] =	wrdreg $0x0  }
0xae: {  	s5 =	sshll.u32 s28, $0x1;
	[dreg:$0x2] =	wrdreg s3  }
0xaf: {  	[dreg:$0x3] =	wrdreg s5  }
0xb0: {  	[dreg:$0x4] =	wrdreg $0xC0  }
0xb1: {  	_ =	task [dreg:s7], $0x5FFFF  }
0xb2: {  	[dreg:$0x1] =	wrdreg $0xFFFFFFFF  }
0xb3: {  	[dreg:$0x0] =	wrdreg $0x60  }
0xb4: {  	[dreg:$0x2] =	wrdreg s24  }
0xb5: {  	[dreg:$0x3] =	wrdreg s16  }
0xb6: {  	[dreg:$0x4] =	wrdreg $0x9  }
0xb7: {  	_ =	task.clear_ibuf [dreg:s7], $0x5FFFF;
	_ =	strace $0x90000046  }
0xb8: {  	s29 =	simm.s32 $0x9;
	_ =	strace $0x80000048  }
0xb9: {  	_ =	swait.ge [sflag:s29], $0x1  }
0xba: {  	[sflag:s29] =	ssyncadd.s32 $0xFFFFFFFF  }
0xbb: {  	_ =	strace $0x90000048  }
0xbc: {  	_ =	sfence  }
0xbd: {  	s30 =	sld [smem:$0x0];
	_ =	sdelay $0x2  }
0xbe: {  	s31 =	sshll.u32 s1, $0xD;
	s1 =	sshrl.u32 s1, $0x2  }
0xbf: {  	s3 =	sand.u32 $0x4000, s31;
	s1 =	sadd.s32 s1, s30  }
0xc0: {  	s0 =	sor.u32 s3, s0;
	s1 =	sshll.u32 s1, $0x11  }
0xc1: {  	s0 =	sor.u32 s1, s0  }
0xc2: {  	s0 =	sadd.s32 $0x8F2B, s0  }
0xc3: {  	[sflag:s0] =	ssyncadd.remote.s32 $0x1  }
0xc4: {  	_ =	sfence.sel $0xFFFF  }
0xc5: {  	[dreg:$0x0] =	wrdreg $0xFFFFFFFF;
	(pc) =	sbr.abs _section_cstart, $3  }
0xc6: {  	[dreg:$0x1] =	wrdreg $0xFFFFFFFF  }
0xc7: {  	_ =	task.clear_ibuf [dreg:s7], $0x2FFFF;
	_ =	strace $0x9FFFFFFF  }
0xc8: {  	(tm) =	ssettm $0x7FFFFFFF  }
0xc9: {  	_ =	shalt  }
tec
execute0_lowered:
.L_overlay_start_1:
0x0: {  	(tag) =	ssettag $0x1  }
0x1: {  	s0 =	srdreg.scid  }
0x2: {  	s3 =	rddreg [dreg:$0x0];
	s4 =	sand.u32 $0x1, s0  }
0x3: {  	s5 =	rddreg [dreg:$0x1];
	s1 =	stileid.u32;
	s2 =	sshll.u32 s4, $0x4  }
0x4: {  	s0 =	rddreg [dreg:$0x2];
	s6 =	sor.u32 s1, s2  }
0x5: {  	s4 =	ssub.s32 $0x2, s4;
	s2 =	simm.s32 $0x0;
	s7 =	smul.u32 $0x4F0, s6  }
0x6: {  	s8 =	sshrl.u32 s4, $0x1;
	[smem:$0x7FF] =	sst s2;
	s6 =	smul.u32 $0x500, s6  }
0x7: {  	s31 =	ssub.s32 s4, s8;
	s8 =	simm.s32 $0x0;
	_ =	strace $0x80000047  }
0x8: {  	s3 =	sadd.s32 s7, s3;
	s4 =	sadd.s32 s5, s6;
	s5 =	smax.u32 s31, $0x1  }
0x9: {  	v0 =	vimm.f32 $0.0e+00;
	v1 =	vimm.f32 $1.000000000e+00;
	s6 =	simm.s32 $0x1;
	s7 =	simm.s32 $0x2780;
	s3 =	sadd.s32 $0xD200, s3  }
.LBB2_1:
0xa: {  	s9 =	simm.s32 $0x40;
	s10 =	simm.s32 $0x0  }
.LBB2_2:
0xb: {  	p0 =	sne.s32 s9, $0x9FC0;
	[tilespmem:s10+$0x2780] =	vst v0;
	s10 =	smov.u32 s9;
	s9 =	sadd.s32 $0x40, s9  }
.Ltmp0:
0xc: {  	(pc) =	sbr.rel @p0 .LBB2_2-.Ltmp0, $2  }
0xd: {  	_ =	sdelay $0x2  }
0xe: {  	s10 =	sshra.s32 s10, $0x2  }
0xf: {  	[tilespmem:s10+$0x2780] =	vst v0;
	s9 =	simm.s32 $0x0  }
0x10: {  	[tilespmem:s9], [sflag:$0x1] =	stream.linear.gather [hbm4b:s3+s9], $0x2780, $0x38;
	[tilespmem:$0x4F80] =	vst v63  }
0x11: {  	_ =	swait.ge [sflag:s6], $0x2780  }
0x12: {  	[sflag:s6] =	ssyncset.done $0x0  }
0x13: {  	[sflag:s6] =	ssyncadd.s32 $0xFFFFD880  }
.LBB2_4:
0x14: {  	s10 =	sshra.s32 s9, $0x2  }
0x15: {  	v2 =	vld [tilespmem:s10+$0x0];
	_ =	sdelay $0x7  }
0x16: {  	[tilespmem:v2+s7+$0x0] =	vst.idx.add.f32.msk $0xffff, v1  }
0x17: {  	v2 =	vld [tilespmem:s10+$0x10];
	_ =	sdelay $0x7  }
0x18: {  	[tilespmem:v2+s7+$0x0] =	vst.idx.add.f32.msk $0xffff, v1  }
0x19: {  	v2 =	vld [tilespmem:s10+$0x20];
	_ =	sdelay $0x7  }
0x1a: {  	[tilespmem:v2+s7+$0x0] =	vst.idx.add.f32.msk $0xffff, v1  }
0x1b: {  	v2 =	vld [tilespmem:s10+$0x30];
	_ =	sdelay $0x7  }
0x1c: {  	[tilespmem:v2+s7+$0x0] =	vst.idx.add.f32.msk $0xffff, v1  }
0x1d: {  	v2 =	vld [tilespmem:s10+$0x40];
	_ =	sdelay $0x7  }
0x1e: {  	[tilespmem:v2+s7+$0x0] =	vst.idx.add.f32.msk $0xffff, v1  }
0x1f: {  	v2 =	vld [tilespmem:s10+$0x50];
	_ =	sdelay $0x7  }
0x20: {  	[tilespmem:v2+s7+$0x0] =	vst.idx.add.f32.msk $0xffff, v1  }
0x21: {  	v2 =	vld [tilespmem:s10+$0x60];
	_ =	sdelay $0x7  }
0x22: {  	[tilespmem:v2+s7+$0x0] =	vst.idx.add.f32.msk $0xffff, v1  }
0x23: {  	v2 =	vld [tilespmem:s10+$0x70];
	_ =	sdelay $0x2  }
0x24: {  	p0 =	sne.s32 s9, $0x9C00  }
.Ltmp1:
0x25: {  	_ = 	snop;
	(pc) =	sbr.rel @p0 .LBB2_4-.Ltmp1, $2  }
0x26: {  	_ =	sdelay $0x2  }
0x27: {  	s9 =	sadd.s32 $0x200, s9;
	[tilespmem:v2+s7+$0x0] =	vst.idx.add.f32.msk $0xffff, v1  }
0x28: {  	s8 =	sadd.s32 $0x1, s8  }
0x29: {  	p0 =	sne.s32 s8, s5  }
.Ltmp2:
0x2a: {  	_ = 	snop;
	(pc) =	sbr.rel @p0 .LBB2_1-.Ltmp2, $4  }
0x2b: {  	[hbm4b:s4+s2] =	stream.linear.scatter [tilespmem:s7], [sflag:$0x1], $0x2800, $0x38;
	[tilespmem:$0x4F80] =	vst v63  }
0x2c: {  	_ =	swait.ge [sflag:s6], $0x2800  }
0x2d: {  	[sflag:s6] =	ssyncset.done $0x0  }
0x2e: {  	[sflag:s6] =	ssyncadd.s32 $0xFFFFD800  }
0x2f: {  	_ =	sfence.sel $0x180000  }
0x30: {  	[bflag:$0x0] =	sbarrier.arrive $0xFFFF  }
0x31: {  	p0 =	sne.s32 s1, $0x0;
	_ =	strace $0x90000047  }
0x32: {  	s0 =	sadd.s32 @!p0 $0x100000, s0;
	[bflag:$0x2] =	sbarrier.arrive $0xFFFF  }
0x33: {  	[sflag:s0] =	ssyncadd.tile.s32 @!p0 $0x1;
	_ =	shalt  }
.Lfunc_end2:
_tile_overlayer_lowered:
.L_overlay_start_2:
0x34: {  	(tag) =	ssettag $0x2  }
0x35: {  	s0 =	rddreg [dreg:$0x0];
	s2 =	stileid.u32  }
0x36: {  	s1 =	rddreg [dreg:$0x1];
	p0 =	sne.s32 s2, $0x0  }
0x37: {  	s3 =	rddreg [dreg:$0x2];
	[bflag:$0x3] =	sbarrier.arrive $0xFFFF;
	s2 =	simm.s32 @!p0 $0x1C01  }
0x38: {  	[timem:s3], [sflag:s2] =	dma.local @!p0 [hbm:s0], s1  }
0x39: {  	s0 =	simm.s32 @!p0 $0x1  }
0x3a: {  	_ =	swait.ge @!p0 [sflag:s0], s1  }
0x3b: {  	s1 =	ssub.s32 @!p0 $0x0, s1;
	[sflag:s0] =	ssyncset.done @!p0 $0x0  }
0x3c: {  	[sflag:s0] =	ssyncadd.s32 @!p0 s1  }
0x3d: {  	[bflag:$0x3] =	sbarrier.arrive $0xFFFF  }
0x3e: {  	_ =	shalt  }

</sc_bundles>
